<compile_context>
chip_gen: v7x
topology: tpu7x:2x2x1
jax: 0.10.2.dev20260603
libtpu: 0.0.44.dev20260713+nightly
codegen_flags: <defaults>
</compile_context>

<pallas_src>
import functools

import jax
import jax.numpy as jnp
from jax import lax
from jax.experimental import pallas as pl
from jax.experimental.pallas import tpu as pltpu
from jax.experimental.pallas import tpu_sc as plsc

N = 10000
D = 128
E = 320000
ALPHA = 0.1

NC = 2
NS = 16
NT = NC * NS
K = 64
NCHUNK = 160
EPT = NCHUNK * K
EP = NT * EPT
NP = 10240
RPT = NP // NS
WPT = NP // NS

_MESH = plsc.VectorSubcoreMesh(core_axis_name="c", subcore_axis_name="s")


DFIRE = 8
DGRP = NCHUNK // DFIRE


@functools.partial(
    pl.kernel,
    mesh=_MESH,
    out_type=jax.ShapeDtypeStruct((NC, NP), jnp.float32),
    scratch_types=[
        pltpu.VMEM((NCHUNK, K), jnp.int32),
        pltpu.VMEM((K,), jnp.float32),
        pltpu.VMEM((WPT,), jnp.float32),
        pltpu.VMEM_SHARED((NP,), jnp.float32),
        pltpu.SemaphoreType.DMA,
    ],
)
def _deg(col_hbm, out_hbm, cidx_v, ones_v, buf_v, acc_sh, sem):
    cid = lax.axis_index("c")
    sid = lax.axis_index("s")
    tid = cid * NS + sid

    for i in range(K // 16):
        ones_v[pl.ds(i * 16, 16)] = jnp.ones((16,), jnp.float32)

    def _zero(i, c):
        buf_v[pl.ds(i * 16, 16)] = jnp.zeros((16,), jnp.float32)
        return c

    lax.fori_loop(0, WPT // 16, _zero, 0)
    pltpu.sync_copy(buf_v, acc_sh.at[pl.ds(sid * WPT, WPT)])
    pltpu.sync_copy(col_hbm.at[tid], cidx_v)
    plsc.subcore_barrier()

    def _group(j, c):
        for b in range(DFIRE):
            pltpu.async_copy(ones_v, acc_sh.at[cidx_v.at[j * DFIRE + b]], sem,
                             add=True)
        for b in range(DFIRE):
            pltpu.make_async_copy(ones_v,
                                  acc_sh.at[cidx_v.at[j * DFIRE + b]],
                                  sem).wait()
        return c

    lax.fori_loop(0, DGRP, _group, 0)
    plsc.subcore_barrier()

    pltpu.sync_copy(acc_sh.at[pl.ds(sid * WPT, WPT)], buf_v)
    pltpu.sync_copy(buf_v, out_hbm.at[cid, pl.ds(sid * WPT, WPT)])


NBUF = 2
HALF = NCHUNK // 2
HGRP = HALF // NBUF
NRC = RPT // K


@functools.partial(
    pl.kernel,
    mesh=_MESH,
    out_type=jax.ShapeDtypeStruct((NC, NP, D), jnp.float32),
    scratch_types=[
        pltpu.VMEM((HALF, K), jnp.int32),
        pltpu.VMEM((HALF, K), jnp.int32),
        pltpu.VMEM((NBUF, K, D), jnp.float32),
        pltpu.VMEM_SHARED((NP, D), jnp.float32),
    ]
    + [pltpu.SemaphoreType.DMA] * (2 * NBUF),
)
def _scatter(xs_hbm, row_hbm, col_hbm, out_hbm, ridx_v, cidx_v, rows_v,
             acc_sh, *sems):
    gsem = sems[:NBUF]
    ssem = sems[NBUF:]
    cid = lax.axis_index("c")
    sid = lax.axis_index("s")
    tid = cid * NS + sid
    r0 = sid * RPT

    def _zero(i, c):
        r = i // (D // 16)
        q = lax.rem(i, D // 16)
        rows_v[0, r, pl.ds(q * 16, 16)] = jnp.zeros((16,), jnp.float32)
        return c

    lax.fori_loop(0, K * (D // 16), _zero, 0)
    for k in range(NRC):
        pltpu.sync_copy(rows_v.at[0], acc_sh.at[pl.ds(r0 + k * K, K)])
    plsc.subcore_barrier()

    def _fire_g(l, b, sem):
        return pltpu.async_copy(xs_hbm.at[ridx_v.at[l]], rows_v.at[b], sem)

    def _wait_g(l, b, sem):
        pltpu.make_async_copy(xs_hbm.at[ridx_v.at[l]], rows_v.at[b],
                              sem).wait()

    def _fire_s(l, b, sem):
        return pltpu.async_copy(rows_v.at[b], acc_sh.at[cidx_v.at[l]], sem,
                                add=True)

    def _wait_s(l, b, sem):
        pltpu.make_async_copy(rows_v.at[b], acc_sh.at[cidx_v.at[l]],
                              sem).wait()

    def _steady(k, c):
        l1, l2, l3 = 2 * k + 1, 2 * k + 2, 2 * k + 3
        _wait_g(l1, 1, gsem[1])
        _wait_s(l2 - 2, 0, ssem[0])
        _fire_g(l2, 0, gsem[0])
        _fire_s(l1, 1, ssem[1])
        _wait_g(l2, 0, gsem[0])
        _wait_s(l1, 1, ssem[1])
        _fire_g(l3, 1, gsem[1])
        _fire_s(l2, 0, ssem[0])
        return c

    for h in range(2):
        pltpu.sync_copy(row_hbm.at[tid, pl.ds(h * HALF, HALF)], ridx_v)
        pltpu.sync_copy(col_hbm.at[tid, pl.ds(h * HALF, HALF)], cidx_v)
        _fire_g(0, 0, gsem[0]).wait()
        _fire_s(0, 0, ssem[0])
        _fire_g(1, 1, gsem[1])
        lax.fori_loop(0, (HALF - 2) // 2, _steady, 0)
        _wait_g(HALF - 1, 1, gsem[1])
        _wait_s(HALF - 2, 0, ssem[0])
        _fire_s(HALF - 1, 1, ssem[1])
        _wait_s(HALF - 1, 1, ssem[1])
    plsc.subcore_barrier()

    for k in range(NRC):
        pltpu.sync_copy(acc_sh.at[pl.ds(r0 + k * K, K)], rows_v.at[0])
        pltpu.sync_copy(rows_v.at[0], out_hbm.at[cid, pl.ds(r0 + k * K, K)])


BN = 1000


def _row_spec(w):
    return pl.BlockSpec((BN, w), lambda i: (i, 0))


def _full_spec(h, w):
    return pl.BlockSpec((h, w), lambda i: (0, 0))


def _b0_body(d0_ref, d1_ref, x_ref, xs_ref):
    dinv = lax.rsqrt(d0_ref[...] + d1_ref[...] + 1.0)
    xs_ref[...] = x_ref[...] * dinv


def _scale_x(d0, d1, x):
    return pl.pallas_call(
        _b0_body,
        grid=(N // BN,),
        in_specs=[_row_spec(1), _row_spec(1), _row_spec(D)],
        out_specs=_row_spec(D),
        out_shape=jax.ShapeDtypeStruct((N, D), jnp.float32),
    )(d0, d1, x)


def _leaky(h):
    return jnp.where(h >= 0.0, h, 0.01 * h)


def _t1_body(p0_ref, p1_ref, xs_ref, x_ref, d0_ref, d1_ref, w_ref, out_ref):
    dinv = lax.rsqrt(d0_ref[...] + d1_ref[...] + 1.0)
    prop = dinv * (p0_ref[...] + p1_ref[...] + xs_ref[...])
    pre = (1.0 - ALPHA) * prop + ALPHA * x_ref[...]
    h = jnp.dot(pre, w_ref[...], preferred_element_type=jnp.float32,
                precision=lax.Precision.HIGHEST)
    out_ref[...] = _leaky(h) * dinv


def _layer1(p0, p1, xs, x, d0, d1, W):
    return pl.pallas_call(
        _t1_body,
        grid=(N // BN,),
        in_specs=[_row_spec(D), _row_spec(D), _row_spec(D), _row_spec(D),
                  _row_spec(1), _row_spec(1), _full_spec(D, D)],
        out_specs=_row_spec(D),
        out_shape=jax.ShapeDtypeStruct((N, D), jnp.float32),
    )(p0, p1, xs, x, d0, d1, W)


def _t2_body(p0_ref, p1_ref, xs_ref, x_ref, d0_ref, d1_ref, w2_ref,
             wd_ref, bd_ref, wo_ref, bo_ref, out_ref):
    dinv = lax.rsqrt(d0_ref[...] + d1_ref[...] + 1.0)
    prop = dinv * (p0_ref[...] + p1_ref[...] + xs_ref[...])
    pre = (1.0 - ALPHA) * prop + ALPHA * x_ref[...]
    h = _leaky(jnp.dot(pre, w2_ref[...], preferred_element_type=jnp.float32,
                       precision=lax.Precision.HIGHEST))
    t = jnp.dot(h, wd_ref[...], preferred_element_type=jnp.float32,
                precision=lax.Precision.HIGHEST) + bd_ref[...]
    out_ref[...] = jnp.dot(t, wo_ref[...], preferred_element_type=jnp.float32,
                           precision=lax.Precision.HIGHEST) + bo_ref[...]


def _layer2_dense(p0, p1, xs, x, d0, d1, W2, Wd, bd, Wo, bo):
    dd = Wd.shape[1]
    do = Wo.shape[1]
    return pl.pallas_call(
        _t2_body,
        grid=(N // BN,),
        in_specs=[_row_spec(D), _row_spec(D), _row_spec(D), _row_spec(D),
                  _row_spec(1), _row_spec(1), _full_spec(D, D),
                  _full_spec(D, dd), _full_spec(1, dd),
                  _full_spec(dd, do), _full_spec(1, do)],
        out_specs=_row_spec(do),
        out_shape=jax.ShapeDtypeStruct((N, do), jnp.float32),
    )(p0, p1, xs, x, d0, d1, W2, Wd, bd, Wo, bo)


def kernel(x, edge_index, W1, W2, Wd, bd, Wo, bo):
    pad = EP - E
    pidx = jnp.arange(pad, dtype=jnp.int32)
    row = jnp.concatenate(
        [edge_index[0], pidx % N]).reshape(NT, NCHUNK, K)
    col = jnp.concatenate(
        [edge_index[1], pidx % (NP - N) + N]).reshape(NT, NCHUNK, K)

    degp = _deg(col)
    d0 = degp[0, :N].reshape(N, 1)
    d1 = degp[1, :N].reshape(N, 1)

    xs0 = _scale_x(d0, d1, x)
    p = _scatter(xs0, row, col)
    xs1 = _layer1(p[0, :N], p[1, :N], xs0, x, d0, d1, W1)
    q = _scatter(xs1, row, col)
    return _layer2_dense(q[0, :N], q[1, :N], xs1, x, d0, d1, W2, Wd,
                         bd.reshape(1, -1), Wo, bo.reshape(1, -1))

# --- scband reference (transcript-rebuilt; emitter-appended) ---
"""Pipeline reference for scband-gnn-dsse-65085934403701 (READ-ONLY COPY).

The authoritative reference and input builder live on the scoring server;
editing this copy changes nothing except your own understanding.
"""

import jax, jax.numpy as jnp
import numpy as np

N = 10000
E = 320000
D = 128
DIM_DENSE = 128
DIM_OUT = 64
ALPHA = 0.1


def setup_inputs(seed: int = 0) -> dict:
    key = jax.random.key(seed)
    ks = jax.random.split(key, 8)
    x = jax.random.normal(ks[0], (N, D), dtype=jnp.float32)
    edge_index = jax.random.randint(ks[1], (2, E), 0, N, dtype=jnp.int32)
    # GCN2Conv weight1 for each of the 2 conv layers (shared_weights=True, theta=None -> beta=1.0, no weight2)
    sc = 1.0 / np.sqrt(D)
    W1 = jax.random.uniform(ks[2], (D, D), jnp.float32, -sc, sc)
    W2 = jax.random.uniform(ks[3], (D, D), jnp.float32, -sc, sc)
    # Linear(dim_feat -> dim_dense), stored as [in, out]
    Wd = jax.random.uniform(ks[4], (D, DIM_DENSE), jnp.float32, -sc, sc)
    bd = jnp.zeros((DIM_DENSE,), jnp.float32)
    sco = 1.0 / np.sqrt(DIM_DENSE)
    Wo = jax.random.uniform(ks[5], (DIM_DENSE, DIM_OUT), jnp.float32, -sco, sco)
    bo = jnp.zeros((DIM_OUT,), jnp.float32)
    return {"x": x, "edge_index": edge_index, "W1": W1, "W2": W2, "Wd": Wd, "bd": bd, "Wo": Wo, "bo": bo}


def _gcn_norm(edge_index, num_nodes):
    # PyG gcn_norm with add_self_loops=True, edge_weight=1
    row, col = edge_index[0], edge_index[1]
    loop = jnp.arange(num_nodes, dtype=row.dtype)
    row = jnp.concatenate([row, loop])
    col = jnp.concatenate([col, loop])
    ew = jnp.ones(row.shape[0], dtype=jnp.float32)
    deg = jnp.zeros((num_nodes,), jnp.float32).at[col].add(ew)
    dinv = jnp.where(deg > 0.0, 1.0 / jnp.sqrt(deg), 0.0)
    norm = dinv[row] * ew * dinv[col]
    return row, col, norm


def _gcn2_layer(x, x0, row, col, norm, W, alpha):
    # propagate: gather at source, scale by norm, scatter-add at target
    msg = x[row] * norm[:, None]
    agg = jnp.zeros_like(x).at[col].add(msg)
    # shared_weights=True, beta=1.0 (theta=None): out = ((1-alpha)*agg + alpha*x0) @ W1
    h = agg * (1.0 - alpha) + alpha * x0
    return h @ W


def _leaky_relu(x):
    return jnp.where(x >= 0, x, 0.01 * x)


def reference(x, edge_index, W1, W2, Wd, bd, Wo, bo):
    x0 = x
    row, col, norm = _gcn_norm(edge_index, x.shape[0])
    h = _leaky_relu(_gcn2_layer(x, x0, row, col, norm, W1, ALPHA))
    h = _leaky_relu(_gcn2_layer(h, x0, row, col, norm, W2, ALPHA))
    h = h @ Wd + bd
    h = h @ Wo + bo
    return h

if __name__ == "__main__":
    import jax
    _d = setup_inputs()
    print(jax.jit(kernel)(*tuple(_d.values())))

</pallas_src>

<mosaic_0001>
#map = affine_map<(d0, d1) -> (0, 0)>
#map1 = affine_map<(d0, d1) -> (0, 0, 0)>
module attributes {stable_mosaic.version = 14 : i64} {
  func.func @_scatter(%arg0: i32, %arg1: i32, %arg2: memref<10000x128xf32, #tpu.memory_space<hbm>>, %arg3: memref<32x160x64xi32, #tpu.memory_space<hbm>>, %arg4: memref<32x160x64xi32, #tpu.memory_space<hbm>>, %arg5: memref<2x10240x128xf32, #tpu.memory_space<hbm>>, %arg6: memref<80x64xi32, #tpu.memory_space<vmem>>, %arg7: memref<80x64xi32, #tpu.memory_space<vmem>>, %arg8: memref<2x64x128xf32, #tpu.memory_space<vmem>>, %arg9: memref<10240x128xf32, #tpu.memory_space<vmem_shared>>, %arg10: memref<!tpu.dma_semaphore, #tpu.memory_space<semaphore_mem>>, %arg11: memref<!tpu.dma_semaphore, #tpu.memory_space<semaphore_mem>>, %arg12: memref<!tpu.dma_semaphore, #tpu.memory_space<semaphore_mem>>, %arg13: memref<!tpu.dma_semaphore, #tpu.memory_space<semaphore_mem>>) attributes {dimension_semantics = [#tpu.dimension_semantics<core_parallel>, #tpu.dimension_semantics<subcore_parallel>], iteration_bounds = array<i64: 2, 16>, scalar_prefetch = 0 : i64, scratch_operands = 8 : i64, tpu.core_type = #tpu.core_type<sc_vector_subcore>, window_params = [{transform_indices = #map}, {transform_indices = #map1}, {transform_indices = #map1}, {transform_indices = #map1}]} {
    %mul3A = arith.constant 16 : i32
    %mul3A_0 = arith.muli %arg0, %mul3A : i32
    %add3A = arith.addi %mul3A_0, %arg1 : i32
    %mul3A_1 = arith.constant 640 : i32
    %mul3A_2 = arith.muli %arg1, %mul3A_1 : i32
    %scan3A = arith.constant 0 : i32
    %scan3A_3 = arith.constant 0 : i32
    %scan3A_4 = arith.constant 512 : i32
    %scan3A_5 = arith.addi %scan3A_3, %scan3A_4 : i32
    %scan3A_6 = arith.constant 1 : i32
    scf.for %scan3A_300 = %scan3A_3 to %scan3A_5 step %scan3A_6  : i32 {
      %jit3A = arith.constant 8 : i32
      %div3A = arith.divsi %scan3A_300, %jit3A : i32
      %sign3A = arith.constant 0 : i32
      %sign3A_301 = arith.cmpi sgt, %scan3A_300, %sign3A : i32
      %sign3A_302 = arith.extui %sign3A_301 : i1 to i32
      %sign3A_303 = arith.constant 0 : i32
      %sign3A_304 = arith.cmpi slt, %scan3A_300, %sign3A_303 : i32
      %sign3A_305 = arith.extui %sign3A_304 : i1 to i32
      %sign3A_306 = arith.subi %sign3A_302, %sign3A_305 : i32
      %sign3A_307 = arith.constant 0 : i32
      %sign3A_308 = arith.cmpi sgt, %jit3A, %sign3A_307 : i32
      %sign3A_309 = arith.extui %sign3A_308 : i1 to i32
      %sign3A_310 = arith.constant 0 : i32
      %sign3A_311 = arith.cmpi slt, %jit3A, %sign3A_310 : i32
      %sign3A_312 = arith.extui %sign3A_311 : i1 to i32
      %sign3A_313 = arith.subi %sign3A_309, %sign3A_312 : i32
      %ne3A = arith.cmpi ne, %sign3A_306, %sign3A_313 : i32
      %rem3A = arith.remsi %scan3A_300, %jit3A : i32
      %ne3A_314 = arith.constant 0 : i32
      %ne3A_315 = arith.cmpi ne, %rem3A, %ne3A_314 : i32
      %and3A = arith.andi %ne3A, %ne3A_315 : i1
      %sub3A = arith.constant 1 : i32
      %sub3A_316 = arith.subi %div3A, %sub3A : i32
      %select_n3A = arith.select %and3A, %sub3A_316, %div3A : i32
      %rem3A_317 = arith.constant 8 : i32
      %rem3A_318 = arith.remsi %scan3A_300, %rem3A_317 : i32
      %broadcast_in_dim3A = arith.constant 0.000000e+00 : f32
      %broadcast_in_dim3A_319 = vector.broadcast %broadcast_in_dim3A : f32 to vector<16xf32>
      %mul3A_320 = arith.constant 16 : i32
      %mul3A_321 = arith.muli %rem3A_318, %mul3A_320 : i32
      %swap3A = arith.constant 0 : i32
      %swap3A_322 = arith.index_cast %swap3A : i32 to index
      %swap3A_323 = arith.index_cast %select_n3A : i32 to index
      %swap3A_324 = arith.index_cast %mul3A_321 : i32 to index
      %swap3A_325 = tpu.vector_load %arg8[%swap3A_322, %swap3A_323, %swap3A_324] {strides = array<i32>} : memref<2x64x128xf32, #tpu.memory_space<vmem>>, vector<1x1x16xf32>,
      %swap3A_326 = vector.shape_cast %swap3A_325 : vector<1x1x16xf32> to vector<16xf32>
      %swap3A_327 = vector.shape_cast %broadcast_in_dim3A_319 : vector<16xf32> to vector<1x1x16xf32>
      tpu.vector_store %arg8[%swap3A_322, %swap3A_323, %swap3A_324], %swap3A_327 {strides = array<i32>} : memref<2x64x128xf32, #tpu.memory_space<vmem>>, vector<1x1x16xf32>,
    }
    %scan3A_7 = arith.constant 512 : i32
    %add3A_8 = arith.constant 0 : i32
    %add3A_9 = arith.addi %mul3A_2, %add3A_8 : i32
    %run_scoped3A = arith.constant 0 : i32
    "tpu.region"() ({
      %run_scoped3A_300 = tpu.sem_alloc : memref<!tpu.dma_semaphore, #tpu.memory_space<semaphore_mem>>
      %dma_start3A_301 = arith.constant 0 : i32
      %dma_start3A_302 = arith.constant 0 : i32
      %dma_start3A_303 = tpu.memref_slice %arg8[%run_scoped3A, %dma_start3A_301, %dma_start3A_302] : memref<2x64x128xf32, #tpu.memory_space<vmem>> -> memref<1x64x128xf32, #tpu.memory_space<vmem>>
      %dma_start3A_304 = tpu.memref_squeeze %dma_start3A_303 : memref<1x64x128xf32, #tpu.memory_space<vmem>> -> memref<64x128xf32, #tpu.memory_space<vmem>>
      %dma_start3A_305 = arith.constant 0 : i32
      %dma_start3A_306 = tpu.memref_slice %arg9[%add3A_9, %dma_start3A_305] : memref<10240x128xf32, #tpu.memory_space<vmem_shared>> -> memref<64x128xf32, #tpu.memory_space<vmem_shared>>
      %dma_start3A_307 = arith.constant 0 : i32
      %dma_start3A_308 = tpu.memref_slice %arg9[%add3A_9, %dma_start3A_307] : memref<10240x128xf32, #tpu.memory_space<vmem_shared>> -> memref<64x128xf32, #tpu.memory_space<vmem_shared>>
      %dma_start3A_309 = arith.constant 0 : i32
      %dma_start3A_310 = arith.constant 0 : i32
      %dma_start3A_311 = tpu.memref_slice %arg8[%run_scoped3A, %dma_start3A_309, %dma_start3A_310] : memref<2x64x128xf32, #tpu.memory_space<vmem>> -> memref<1x64x128xf32, #tpu.memory_space<vmem>>
      %dma_start3A_312 = tpu.memref_squeeze %dma_start3A_311 : memref<1x64x128xf32, #tpu.memory_space<vmem>> -> memref<64x128xf32, #tpu.memory_space<vmem>>
      tpu.enqueue_dma source(%dma_start3A_312 : memref<64x128xf32, #tpu.memory_space<vmem>>) target(%dma_start3A_308 : memref<64x128xf32, #tpu.memory_space<vmem_shared>>) target_semaphore(%run_scoped3A_300 : memref<!tpu.dma_semaphore, #tpu.memory_space<semaphore_mem>>)
      %dma_wait3A_313 = arith.constant 0 : i32
      %dma_wait3A_314 = arith.constant 0 : i32
      %dma_wait3A_315 = tpu.memref_slice %arg8[%run_scoped3A, %dma_wait3A_313, %dma_wait3A_314] : memref<2x64x128xf32, #tpu.memory_space<vmem>> -> memref<1x64x128xf32, #tpu.memory_space<vmem>>
      %dma_wait3A_316 = tpu.memref_squeeze %dma_wait3A_315 : memref<1x64x128xf32, #tpu.memory_space<vmem>> -> memref<64x128xf32, #tpu.memory_space<vmem>>
      %dma_wait3A_317 = arith.constant 0 : i32
      %dma_wait3A_318 = tpu.memref_slice %arg9[%add3A_9, %dma_wait3A_317] : memref<10240x128xf32, #tpu.memory_space<vmem_shared>> -> memref<64x128xf32, #tpu.memory_space<vmem_shared>>
      %dma_wait3A_319 = arith.constant 0 : i32
      %dma_wait3A_320 = tpu.memref_slice %arg9[%add3A_9, %dma_wait3A_319] : memref<10240x128xf32, #tpu.memory_space<vmem_shared>> -> memref<64x128xf32, #tpu.memory_space<vmem_shared>>
      %dma_wait3A_321 = arith.constant 0 : i32
      %dma_wait3A_322 = arith.constant 0 : i32
      %dma_wait3A_323 = tpu.memref_slice %arg8[%run_scoped3A, %dma_wait3A_321, %dma_wait3A_322] : memref<2x64x128xf32, #tpu.memory_space<vmem>> -> memref<1x64x128xf32, #tpu.memory_space<vmem>>
      %dma_wait3A_324 = tpu.memref_squeeze %dma_wait3A_323 : memref<1x64x128xf32, #tpu.memory_space<vmem>> -> memref<64x128xf32, #tpu.memory_space<vmem>>
      tpu.wait_dma2 semaphore(%run_scoped3A_300 : memref<!tpu.dma_semaphore, #tpu.memory_space<semaphore_mem>>) src(%dma_wait3A_324 : memref<64x128xf32, #tpu.memory_space<vmem>>) dst(%dma_wait3A_320 : memref<64x128xf32, #tpu.memory_space<vmem_shared>>)
      tpu.yield
    }) : () -> ()
    %add3A_10 = arith.constant 64 : i32
    %add3A_11 = arith.addi %mul3A_2, %add3A_10 : i32
    %run_scoped3A_12 = arith.constant 0 : i32
    "tpu.region"() ({
      %run_scoped3A_300 = tpu.sem_alloc : memref<!tpu.dma_semaphore, #tpu.memory_space<semaphore_mem>>
      %dma_start3A_301 = arith.constant 0 : i32
      %dma_start3A_302 = arith.constant 0 : i32
      %dma_start3A_303 = tpu.memref_slice %arg8[%run_scoped3A_12, %dma_start3A_301, %dma_start3A_302] : memref<2x64x128xf32, #tpu.memory_space<vmem>> -> memref<1x64x128xf32, #tpu.memory_space<vmem>>
      %dma_start3A_304 = tpu.memref_squeeze %dma_start3A_303 : memref<1x64x128xf32, #tpu.memory_space<vmem>> -> memref<64x128xf32, #tpu.memory_space<vmem>>
      %dma_start3A_305 = arith.constant 0 : i32
      %dma_start3A_306 = tpu.memref_slice %arg9[%add3A_11, %dma_start3A_305] : memref<10240x128xf32, #tpu.memory_space<vmem_shared>> -> memref<64x128xf32, #tpu.memory_space<vmem_shared>>
      %dma_start3A_307 = arith.constant 0 : i32
      %dma_start3A_308 = tpu.memref_slice %arg9[%add3A_11, %dma_start3A_307] : memref<10240x128xf32, #tpu.memory_space<vmem_shared>> -> memref<64x128xf32, #tpu.memory_space<vmem_shared>>
      %dma_start3A_309 = arith.constant 0 : i32
      %dma_start3A_310 = arith.constant 0 : i32
      %dma_start3A_311 = tpu.memref_slice %arg8[%run_scoped3A_12, %dma_start3A_309, %dma_start3A_310] : memref<2x64x128xf32, #tpu.memory_space<vmem>> -> memref<1x64x128xf32, #tpu.memory_space<vmem>>
      %dma_start3A_312 = tpu.memref_squeeze %dma_start3A_311 : memref<1x64x128xf32, #tpu.memory_space<vmem>> -> memref<64x128xf32, #tpu.memory_space<vmem>>
      tpu.enqueue_dma source(%dma_start3A_312 : memref<64x128xf32, #tpu.memory_space<vmem>>) target(%dma_start3A_308 : memref<64x128xf32, #tpu.memory_space<vmem_shared>>) target_semaphore(%run_scoped3A_300 : memref<!tpu.dma_semaphore, #tpu.memory_space<semaphore_mem>>)
      %dma_wait3A_313 = arith.constant 0 : i32
      %dma_wait3A_314 = arith.constant 0 : i32
      %dma_wait3A_315 = tpu.memref_slice %arg8[%run_scoped3A_12, %dma_wait3A_313, %dma_wait3A_314] : memref<2x64x128xf32, #tpu.memory_space<vmem>> -> memref<1x64x128xf32, #tpu.memory_space<vmem>>
      %dma_wait3A_316 = tpu.memref_squeeze %dma_wait3A_315 : memref<1x64x128xf32, #tpu.memory_space<vmem>> -> memref<64x128xf32, #tpu.memory_space<vmem>>
      %dma_wait3A_317 = arith.constant 0 : i32
      %dma_wait3A_318 = tpu.memref_slice %arg9[%add3A_11, %dma_wait3A_317] : memref<10240x128xf32, #tpu.memory_space<vmem_shared>> -> memref<64x128xf32, #tpu.memory_space<vmem_shared>>
      %dma_wait3A_319 = arith.constant 0 : i32
      %dma_wait3A_320 = tpu.memref_slice %arg9[%add3A_11, %dma_wait3A_319] : memref<10240x128xf32, #tpu.memory_space<vmem_shared>> -> memref<64x128xf32, #tpu.memory_space<vmem_shared>>
      %dma_wait3A_321 = arith.constant 0 : i32
      %dma_wait3A_322 = arith.constant 0 : i32
      %dma_wait3A_323 = tpu.memref_slice %arg8[%run_scoped3A_12, %dma_wait3A_321, %dma_wait3A_322] : memref<2x64x128xf32, #tpu.memory_space<vmem>> -> memref<1x64x128xf32, #tpu.memory_space<vmem>>
      %dma_wait3A_324 = tpu.memref_squeeze %dma_wait3A_323 : memref<1x64x128xf32, #tpu.memory_space<vmem>> -> memref<64x128xf32, #tpu.memory_space<vmem>>
      tpu.wait_dma2 semaphore(%run_scoped3A_300 : memref<!tpu.dma_semaphore, #tpu.memory_space<semaphore_mem>>) src(%dma_wait3A_324 : memref<64x128xf32, #tpu.memory_space<vmem>>) dst(%dma_wait3A_320 : memref<64x128xf32, #tpu.memory_space<vmem_shared>>)
      tpu.yield
    }) : () -> ()
    %add3A_13 = arith.constant 128 : i32
    %add3A_14 = arith.addi %mul3A_2, %add3A_13 : i32
    %run_scoped3A_15 = arith.constant 0 : i32
    "tpu.region"() ({
      %run_scoped3A_300 = tpu.sem_alloc : memref<!tpu.dma_semaphore, #tpu.memory_space<semaphore_mem>>
      %dma_start3A_301 = arith.constant 0 : i32
      %dma_start3A_302 = arith.constant 0 : i32
      %dma_start3A_303 = tpu.memref_slice %arg8[%run_scoped3A_15, %dma_start3A_301, %dma_start3A_302] : memref<2x64x128xf32, #tpu.memory_space<vmem>> -> memref<1x64x128xf32, #tpu.memory_space<vmem>>
      %dma_start3A_304 = tpu.memref_squeeze %dma_start3A_303 : memref<1x64x128xf32, #tpu.memory_space<vmem>> -> memref<64x128xf32, #tpu.memory_space<vmem>>
      %dma_start3A_305 = arith.constant 0 : i32
      %dma_start3A_306 = tpu.memref_slice %arg9[%add3A_14, %dma_start3A_305] : memref<10240x128xf32, #tpu.memory_space<vmem_shared>> -> memref<64x128xf32, #tpu.memory_space<vmem_shared>>
      %dma_start3A_307 = arith.constant 0 : i32
      %dma_start3A_308 = tpu.memref_slice %arg9[%add3A_14, %dma_start3A_307] : memref<10240x128xf32, #tpu.memory_space<vmem_shared>> -> memref<64x128xf32, #tpu.memory_space<vmem_shared>>
      %dma_start3A_309 = arith.constant 0 : i32
      %dma_start3A_310 = arith.constant 0 : i32
      %dma_start3A_311 = tpu.memref_slice %arg8[%run_scoped3A_15, %dma_start3A_309, %dma_start3A_310] : memref<2x64x128xf32, #tpu.memory_space<vmem>> -> memref<1x64x128xf32, #tpu.memory_space<vmem>>
      %dma_start3A_312 = tpu.memref_squeeze %dma_start3A_311 : memref<1x64x128xf32, #tpu.memory_space<vmem>> -> memref<64x128xf32, #tpu.memory_space<vmem>>
      tpu.enqueue_dma source(%dma_start3A_312 : memref<64x128xf32, #tpu.memory_space<vmem>>) target(%dma_start3A_308 : memref<64x128xf32, #tpu.memory_space<vmem_shared>>) target_semaphore(%run_scoped3A_300 : memref<!tpu.dma_semaphore, #tpu.memory_space<semaphore_mem>>)
      %dma_wait3A_313 = arith.constant 0 : i32
      %dma_wait3A_314 = arith.constant 0 : i32
      %dma_wait3A_315 = tpu.memref_slice %arg8[%run_scoped3A_15, %dma_wait3A_313, %dma_wait3A_314] : memref<2x64x128xf32, #tpu.memory_space<vmem>> -> memref<1x64x128xf32, #tpu.memory_space<vmem>>
      %dma_wait3A_316 = tpu.memref_squeeze %dma_wait3A_315 : memref<1x64x128xf32, #tpu.memory_space<vmem>> -> memref<64x128xf32, #tpu.memory_space<vmem>>
      %dma_wait3A_317 = arith.constant 0 : i32
      %dma_wait3A_318 = tpu.memref_slice %arg9[%add3A_14, %dma_wait3A_317] : memref<10240x128xf32, #tpu.memory_space<vmem_shared>> -> memref<64x128xf32, #tpu.memory_space<vmem_shared>>
      %dma_wait3A_319 = arith.constant 0 : i32
      %dma_wait3A_320 = tpu.memref_slice %arg9[%add3A_14, %dma_wait3A_319] : memref<10240x128xf32, #tpu.memory_space<vmem_shared>> -> memref<64x128xf32, #tpu.memory_space<vmem_shared>>
      %dma_wait3A_321 = arith.constant 0 : i32
      %dma_wait3A_322 = arith.constant 0 : i32
      %dma_wait3A_323 = tpu.memref_slice %arg8[%run_scoped3A_15, %dma_wait3A_321, %dma_wait3A_322] : memref<2x64x128xf32, #tpu.memory_space<vmem>> -> memref<1x64x128xf32, #tpu.memory_space<vmem>>
      %dma_wait3A_324 = tpu.memref_squeeze %dma_wait3A_323 : memref<1x64x128xf32, #tpu.memory_space<vmem>> -> memref<64x128xf32, #tpu.memory_space<vmem>>
      tpu.wait_dma2 semaphore(%run_scoped3A_300 : memref<!tpu.dma_semaphore, #tpu.memory_space<semaphore_mem>>) src(%dma_wait3A_324 : memref<64x128xf32, #tpu.memory_space<vmem>>) dst(%dma_wait3A_320 : memref<64x128xf32, #tpu.memory_space<vmem_shared>>)
      tpu.yield
    }) : () -> ()
    %add3A_16 = arith.constant 192 : i32
    %add3A_17 = arith.addi %mul3A_2, %add3A_16 : i32
    %run_scoped3A_18 = arith.constant 0 : i32
    "tpu.region"() ({
      %run_scoped3A_300 = tpu.sem_alloc : memref<!tpu.dma_semaphore, #tpu.memory_space<semaphore_mem>>
      %dma_start3A_301 = arith.constant 0 : i32
      %dma_start3A_302 = arith.constant 0 : i32
      %dma_start3A_303 = tpu.memref_slice %arg8[%run_scoped3A_18, %dma_start3A_301, %dma_start3A_302] : memref<2x64x128xf32, #tpu.memory_space<vmem>> -> memref<1x64x128xf32, #tpu.memory_space<vmem>>
      %dma_start3A_304 = tpu.memref_squeeze %dma_start3A_303 : memref<1x64x128xf32, #tpu.memory_space<vmem>> -> memref<64x128xf32, #tpu.memory_space<vmem>>
      %dma_start3A_305 = arith.constant 0 : i32
      %dma_start3A_306 = tpu.memref_slice %arg9[%add3A_17, %dma_start3A_305] : memref<10240x128xf32, #tpu.memory_space<vmem_shared>> -> memref<64x128xf32, #tpu.memory_space<vmem_shared>>
      %dma_start3A_307 = arith.constant 0 : i32
      %dma_start3A_308 = tpu.memref_slice %arg9[%add3A_17, %dma_start3A_307] : memref<10240x128xf32, #tpu.memory_space<vmem_shared>> -> memref<64x128xf32, #tpu.memory_space<vmem_shared>>
      %dma_start3A_309 = arith.constant 0 : i32
      %dma_start3A_310 = arith.constant 0 : i32
      %dma_start3A_311 = tpu.memref_slice %arg8[%run_scoped3A_18, %dma_start3A_309, %dma_start3A_310] : memref<2x64x128xf32, #tpu.memory_space<vmem>> -> memref<1x64x128xf32, #tpu.memory_space<vmem>>
      %dma_start3A_312 = tpu.memref_squeeze %dma_start3A_311 : memref<1x64x128xf32, #tpu.memory_space<vmem>> -> memref<64x128xf32, #tpu.memory_space<vmem>>
      tpu.enqueue_dma source(%dma_start3A_312 : memref<64x128xf32, #tpu.memory_space<vmem>>) target(%dma_start3A_308 : memref<64x128xf32, #tpu.memory_space<vmem_shared>>) target_semaphore(%run_scoped3A_300 : memref<!tpu.dma_semaphore, #tpu.memory_space<semaphore_mem>>)
      %dma_wait3A_313 = arith.constant 0 : i32
      %dma_wait3A_314 = arith.constant 0 : i32
      %dma_wait3A_315 = tpu.memref_slice %arg8[%run_scoped3A_18, %dma_wait3A_313, %dma_wait3A_314] : memref<2x64x128xf32, #tpu.memory_space<vmem>> -> memref<1x64x128xf32, #tpu.memory_space<vmem>>
      %dma_wait3A_316 = tpu.memref_squeeze %dma_wait3A_315 : memref<1x64x128xf32, #tpu.memory_space<vmem>> -> memref<64x128xf32, #tpu.memory_space<vmem>>
      %dma_wait3A_317 = arith.constant 0 : i32
      %dma_wait3A_318 = tpu.memref_slice %arg9[%add3A_17, %dma_wait3A_317] : memref<10240x128xf32, #tpu.memory_space<vmem_shared>> -> memref<64x128xf32, #tpu.memory_space<vmem_shared>>
      %dma_wait3A_319 = arith.constant 0 : i32
      %dma_wait3A_320 = tpu.memref_slice %arg9[%add3A_17, %dma_wait3A_319] : memref<10240x128xf32, #tpu.memory_space<vmem_shared>> -> memref<64x128xf32, #tpu.memory_space<vmem_shared>>
      %dma_wait3A_321 = arith.constant 0 : i32
      %dma_wait3A_322 = arith.constant 0 : i32
      %dma_wait3A_323 = tpu.memref_slice %arg8[%run_scoped3A_18, %dma_wait3A_321, %dma_wait3A_322] : memref<2x64x128xf32, #tpu.memory_space<vmem>> -> memref<1x64x128xf32, #tpu.memory_space<vmem>>
      %dma_wait3A_324 = tpu.memref_squeeze %dma_wait3A_323 : memref<1x64x128xf32, #tpu.memory_space<vmem>> -> memref<64x128xf32, #tpu.memory_space<vmem>>
      tpu.wait_dma2 semaphore(%run_scoped3A_300 : memref<!tpu.dma_semaphore, #tpu.memory_space<semaphore_mem>>) src(%dma_wait3A_324 : memref<64x128xf32, #tpu.memory_space<vmem>>) dst(%dma_wait3A_320 : memref<64x128xf32, #tpu.memory_space<vmem_shared>>)
      tpu.yield
    }) : () -> ()
    %add3A_19 = arith.constant 256 : i32
    %add3A_20 = arith.addi %mul3A_2, %add3A_19 : i32
    %run_scoped3A_21 = arith.constant 0 : i32
    "tpu.region"() ({
      %run_scoped3A_300 = tpu.sem_alloc : memref<!tpu.dma_semaphore, #tpu.memory_space<semaphore_mem>>
      %dma_start3A_301 = arith.constant 0 : i32
      %dma_start3A_302 = arith.constant 0 : i32
      %dma_start3A_303 = tpu.memref_slice %arg8[%run_scoped3A_21, %dma_start3A_301, %dma_start3A_302] : memref<2x64x128xf32, #tpu.memory_space<vmem>> -> memref<1x64x128xf32, #tpu.memory_space<vmem>>
      %dma_start3A_304 = tpu.memref_squeeze %dma_start3A_303 : memref<1x64x128xf32, #tpu.memory_space<vmem>> -> memref<64x128xf32, #tpu.memory_space<vmem>>
      %dma_start3A_305 = arith.constant 0 : i32
      %dma_start3A_306 = tpu.memref_slice %arg9[%add3A_20, %dma_start3A_305] : memref<10240x128xf32, #tpu.memory_space<vmem_shared>> -> memref<64x128xf32, #tpu.memory_space<vmem_shared>>
      %dma_start3A_307 = arith.constant 0 : i32
      %dma_start3A_308 = tpu.memref_slice %arg9[%add3A_20, %dma_start3A_307] : memref<10240x128xf32, #tpu.memory_space<vmem_shared>> -> memref<64x128xf32, #tpu.memory_space<vmem_shared>>
      %dma_start3A_309 = arith.constant 0 : i32
      %dma_start3A_310 = arith.constant 0 : i32
      %dma_start3A_311 = tpu.memref_slice %arg8[%run_scoped3A_21, %dma_start3A_309, %dma_start3A_310] : memref<2x64x128xf32, #tpu.memory_space<vmem>> -> memref<1x64x128xf32, #tpu.memory_space<vmem>>
      %dma_start3A_312 = tpu.memref_squeeze %dma_start3A_311 : memref<1x64x128xf32, #tpu.memory_space<vmem>> -> memref<64x128xf32, #tpu.memory_space<vmem>>
      tpu.enqueue_dma source(%dma_start3A_312 : memref<64x128xf32, #tpu.memory_space<vmem>>) target(%dma_start3A_308 : memref<64x128xf32, #tpu.memory_space<vmem_shared>>) target_semaphore(%run_scoped3A_300 : memref<!tpu.dma_semaphore, #tpu.memory_space<semaphore_mem>>)
      %dma_wait3A_313 = arith.constant 0 : i32
      %dma_wait3A_314 = arith.constant 0 : i32
      %dma_wait3A_315 = tpu.memref_slice %arg8[%run_scoped3A_21, %dma_wait3A_313, %dma_wait3A_314] : memref<2x64x128xf32, #tpu.memory_space<vmem>> -> memref<1x64x128xf32, #tpu.memory_space<vmem>>
      %dma_wait3A_316 = tpu.memref_squeeze %dma_wait3A_315 : memref<1x64x128xf32, #tpu.memory_space<vmem>> -> memref<64x128xf32, #tpu.memory_space<vmem>>
      %dma_wait3A_317 = arith.constant 0 : i32
      %dma_wait3A_318 = tpu.memref_slice %arg9[%add3A_20, %dma_wait3A_317] : memref<10240x128xf32, #tpu.memory_space<vmem_shared>> -> memref<64x128xf32, #tpu.memory_space<vmem_shared>>
      %dma_wait3A_319 = arith.constant 0 : i32
      %dma_wait3A_320 = tpu.memref_slice %arg9[%add3A_20, %dma_wait3A_319] : memref<10240x128xf32, #tpu.memory_space<vmem_shared>> -> memref<64x128xf32, #tpu.memory_space<vmem_shared>>
      %dma_wait3A_321 = arith.constant 0 : i32
      %dma_wait3A_322 = arith.constant 0 : i32
      %dma_wait3A_323 = tpu.memref_slice %arg8[%run_scoped3A_21, %dma_wait3A_321, %dma_wait3A_322] : memref<2x64x128xf32, #tpu.memory_space<vmem>> -> memref<1x64x128xf32, #tpu.memory_space<vmem>>
      %dma_wait3A_324 = tpu.memref_squeeze %dma_wait3A_323 : memref<1x64x128xf32, #tpu.memory_space<vmem>> -> memref<64x128xf32, #tpu.memory_space<vmem>>
      tpu.wait_dma2 semaphore(%run_scoped3A_300 : memref<!tpu.dma_semaphore, #tpu.memory_space<semaphore_mem>>) src(%dma_wait3A_324 : memref<64x128xf32, #tpu.memory_space<vmem>>) dst(%dma_wait3A_320 : memref<64x128xf32, #tpu.memory_space<vmem_shared>>)
      tpu.yield
    }) : () -> ()
    %add3A_22 = arith.constant 320 : i32
    %add3A_23 = arith.addi %mul3A_2, %add3A_22 : i32
    %run_scoped3A_24 = arith.constant 0 : i32
    "tpu.region"() ({
      %run_scoped3A_300 = tpu.sem_alloc : memref<!tpu.dma_semaphore, #tpu.memory_space<semaphore_mem>>
      %dma_start3A_301 = arith.constant 0 : i32
      %dma_start3A_302 = arith.constant 0 : i32
      %dma_start3A_303 = tpu.memref_slice %arg8[%run_scoped3A_24, %dma_start3A_301, %dma_start3A_302] : memref<2x64x128xf32, #tpu.memory_space<vmem>> -> memref<1x64x128xf32, #tpu.memory_space<vmem>>
      %dma_start3A_304 = tpu.memref_squeeze %dma_start3A_303 : memref<1x64x128xf32, #tpu.memory_space<vmem>> -> memref<64x128xf32, #tpu.memory_space<vmem>>
      %dma_start3A_305 = arith.constant 0 : i32
      %dma_start3A_306 = tpu.memref_slice %arg9[%add3A_23, %dma_start3A_305] : memref<10240x128xf32, #tpu.memory_space<vmem_shared>> -> memref<64x128xf32, #tpu.memory_space<vmem_shared>>
      %dma_start3A_307 = arith.constant 0 : i32
      %dma_start3A_308 = tpu.memref_slice %arg9[%add3A_23, %dma_start3A_307] : memref<10240x128xf32, #tpu.memory_space<vmem_shared>> -> memref<64x128xf32, #tpu.memory_space<vmem_shared>>
      %dma_start3A_309 = arith.constant 0 : i32
      %dma_start3A_310 = arith.constant 0 : i32
      %dma_start3A_311 = tpu.memref_slice %arg8[%run_scoped3A_24, %dma_start3A_309, %dma_start3A_310] : memref<2x64x128xf32, #tpu.memory_space<vmem>> -> memref<1x64x128xf32, #tpu.memory_space<vmem>>
      %dma_start3A_312 = tpu.memref_squeeze %dma_start3A_311 : memref<1x64x128xf32, #tpu.memory_space<vmem>> -> memref<64x128xf32, #tpu.memory_space<vmem>>
      tpu.enqueue_dma source(%dma_start3A_312 : memref<64x128xf32, #tpu.memory_space<vmem>>) target(%dma_start3A_308 : memref<64x128xf32, #tpu.memory_space<vmem_shared>>) target_semaphore(%run_scoped3A_300 : memref<!tpu.dma_semaphore, #tpu.memory_space<semaphore_mem>>)
      %dma_wait3A_313 = arith.constant 0 : i32
      %dma_wait3A_314 = arith.constant 0 : i32
      %dma_wait3A_315 = tpu.memref_slice %arg8[%run_scoped3A_24, %dma_wait3A_313, %dma_wait3A_314] : memref<2x64x128xf32, #tpu.memory_space<vmem>> -> memref<1x64x128xf32, #tpu.memory_space<vmem>>
      %dma_wait3A_316 = tpu.memref_squeeze %dma_wait3A_315 : memref<1x64x128xf32, #tpu.memory_space<vmem>> -> memref<64x128xf32, #tpu.memory_space<vmem>>
      %dma_wait3A_317 = arith.constant 0 : i32
      %dma_wait3A_318 = tpu.memref_slice %arg9[%add3A_23, %dma_wait3A_317] : memref<10240x128xf32, #tpu.memory_space<vmem_shared>> -> memref<64x128xf32, #tpu.memory_space<vmem_shared>>
      %dma_wait3A_319 = arith.constant 0 : i32
      %dma_wait3A_320 = tpu.memref_slice %arg9[%add3A_23, %dma_wait3A_319] : memref<10240x128xf32, #tpu.memory_space<vmem_shared>> -> memref<64x128xf32, #tpu.memory_space<vmem_shared>>
      %dma_wait3A_321 = arith.constant 0 : i32
      %dma_wait3A_322 = arith.constant 0 : i32
      %dma_wait3A_323 = tpu.memref_slice %arg8[%run_scoped3A_24, %dma_wait3A_321, %dma_wait3A_322] : memref<2x64x128xf32, #tpu.memory_space<vmem>> -> memref<1x64x128xf32, #tpu.memory_space<vmem>>
      %dma_wait3A_324 = tpu.memref_squeeze %dma_wait3A_323 : memref<1x64x128xf32, #tpu.memory_space<vmem>> -> memref<64x128xf32, #tpu.memory_space<vmem>>
      tpu.wait_dma2 semaphore(%run_scoped3A_300 : memref<!tpu.dma_semaphore, #tpu.memory_space<semaphore_mem>>) src(%dma_wait3A_324 : memref<64x128xf32, #tpu.memory_space<vmem>>) dst(%dma_wait3A_320 : memref<64x128xf32, #tpu.memory_space<vmem_shared>>)
      tpu.yield
    }) : () -> ()
    %add3A_25 = arith.constant 384 : i32
    %add3A_26 = arith.addi %mul3A_2, %add3A_25 : i32
    %run_scoped3A_27 = arith.constant 0 : i32
    "tpu.region"() ({
      %run_scoped3A_300 = tpu.sem_alloc : memref<!tpu.dma_semaphore, #tpu.memory_space<semaphore_mem>>
      %dma_start3A_301 = arith.constant 0 : i32
      %dma_start3A_302 = arith.constant 0 : i32
      %dma_start3A_303 = tpu.memref_slice %arg8[%run_scoped3A_27, %dma_start3A_301, %dma_start3A_302] : memref<2x64x128xf32, #tpu.memory_space<vmem>> -> memref<1x64x128xf32, #tpu.memory_space<vmem>>
      %dma_start3A_304 = tpu.memref_squeeze %dma_start3A_303 : memref<1x64x128xf32, #tpu.memory_space<vmem>> -> memref<64x128xf32, #tpu.memory_space<vmem>>
      %dma_start3A_305 = arith.constant 0 : i32
      %dma_start3A_306 = tpu.memref_slice %arg9[%add3A_26, %dma_start3A_305] : memref<10240x128xf32, #tpu.memory_space<vmem_shared>> -> memref<64x128xf32, #tpu.memory_space<vmem_shared>>
      %dma_start3A_307 = arith.constant 0 : i32
      %dma_start3A_308 = tpu.memref_slice %arg9[%add3A_26, %dma_start3A_307] : memref<10240x128xf32, #tpu.memory_space<vmem_shared>> -> memref<64x128xf32, #tpu.memory_space<vmem_shared>>
      %dma_start3A_309 = arith.constant 0 : i32
      %dma_start3A_310 = arith.constant 0 : i32
      %dma_start3A_311 = tpu.memref_slice %arg8[%run_scoped3A_27, %dma_start3A_309, %dma_start3A_310] : memref<2x64x128xf32, #tpu.memory_space<vmem>> -> memref<1x64x128xf32, #tpu.memory_space<vmem>>
      %dma_start3A_312 = tpu.memref_squeeze %dma_start3A_311 : memref<1x64x128xf32, #tpu.memory_space<vmem>> -> memref<64x128xf32, #tpu.memory_space<vmem>>
      tpu.enqueue_dma source(%dma_start3A_312 : memref<64x128xf32, #tpu.memory_space<vmem>>) target(%dma_start3A_308 : memref<64x128xf32, #tpu.memory_space<vmem_shared>>) target_semaphore(%run_scoped3A_300 : memref<!tpu.dma_semaphore, #tpu.memory_space<semaphore_mem>>)
      %dma_wait3A_313 = arith.constant 0 : i32
      %dma_wait3A_314 = arith.constant 0 : i32
      %dma_wait3A_315 = tpu.memref_slice %arg8[%run_scoped3A_27, %dma_wait3A_313, %dma_wait3A_314] : memref<2x64x128xf32, #tpu.memory_space<vmem>> -> memref<1x64x128xf32, #tpu.memory_space<vmem>>
      %dma_wait3A_316 = tpu.memref_squeeze %dma_wait3A_315 : memref<1x64x128xf32, #tpu.memory_space<vmem>> -> memref<64x128xf32, #tpu.memory_space<vmem>>
      %dma_wait3A_317 = arith.constant 0 : i32
      %dma_wait3A_318 = tpu.memref_slice %arg9[%add3A_26, %dma_wait3A_317] : memref<10240x128xf32, #tpu.memory_space<vmem_shared>> -> memref<64x128xf32, #tpu.memory_space<vmem_shared>>
      %dma_wait3A_319 = arith.constant 0 : i32
      %dma_wait3A_320 = tpu.memref_slice %arg9[%add3A_26, %dma_wait3A_319] : memref<10240x128xf32, #tpu.memory_space<vmem_shared>> -> memref<64x128xf32, #tpu.memory_space<vmem_shared>>
      %dma_wait3A_321 = arith.constant 0 : i32
      %dma_wait3A_322 = arith.constant 0 : i32
      %dma_wait3A_323 = tpu.memref_slice %arg8[%run_scoped3A_27, %dma_wait3A_321, %dma_wait3A_322] : memref<2x64x128xf32, #tpu.memory_space<vmem>> -> memref<1x64x128xf32, #tpu.memory_space<vmem>>
      %dma_wait3A_324 = tpu.memref_squeeze %dma_wait3A_323 : memref<1x64x128xf32, #tpu.memory_space<vmem>> -> memref<64x128xf32, #tpu.memory_space<vmem>>
      tpu.wait_dma2 semaphore(%run_scoped3A_300 : memref<!tpu.dma_semaphore, #tpu.memory_space<semaphore_mem>>) src(%dma_wait3A_324 : memref<64x128xf32, #tpu.memory_space<vmem>>) dst(%dma_wait3A_320 : memref<64x128xf32, #tpu.memory_space<vmem_shared>>)
      tpu.yield
    }) : () -> ()
    %add3A_28 = arith.constant 448 : i32
    %add3A_29 = arith.addi %mul3A_2, %add3A_28 : i32
    %run_scoped3A_30 = arith.constant 0 : i32
    "tpu.region"() ({
      %run_scoped3A_300 = tpu.sem_alloc : memref<!tpu.dma_semaphore, #tpu.memory_space<semaphore_mem>>
      %dma_start3A_301 = arith.constant 0 : i32
      %dma_start3A_302 = arith.constant 0 : i32
      %dma_start3A_303 = tpu.memref_slice %arg8[%run_scoped3A_30, %dma_start3A_301, %dma_start3A_302] : memref<2x64x128xf32, #tpu.memory_space<vmem>> -> memref<1x64x128xf32, #tpu.memory_space<vmem>>
      %dma_start3A_304 = tpu.memref_squeeze %dma_start3A_303 : memref<1x64x128xf32, #tpu.memory_space<vmem>> -> memref<64x128xf32, #tpu.memory_space<vmem>>
      %dma_start3A_305 = arith.constant 0 : i32
      %dma_start3A_306 = tpu.memref_slice %arg9[%add3A_29, %dma_start3A_305] : memref<10240x128xf32, #tpu.memory_space<vmem_shared>> -> memref<64x128xf32, #tpu.memory_space<vmem_shared>>
      %dma_start3A_307 = arith.constant 0 : i32
      %dma_start3A_308 = tpu.memref_slice %arg9[%add3A_29, %dma_start3A_307] : memref<10240x128xf32, #tpu.memory_space<vmem_shared>> -> memref<64x128xf32, #tpu.memory_space<vmem_shared>>
      %dma_start3A_309 = arith.constant 0 : i32
      %dma_start3A_310 = arith.constant 0 : i32
      %dma_start3A_311 = tpu.memref_slice %arg8[%run_scoped3A_30, %dma_start3A_309, %dma_start3A_310] : memref<2x64x128xf32, #tpu.memory_space<vmem>> -> memref<1x64x128xf32, #tpu.memory_space<vmem>>
      %dma_start3A_312 = tpu.memref_squeeze %dma_start3A_311 : memref<1x64x128xf32, #tpu.memory_space<vmem>> -> memref<64x128xf32, #tpu.memory_space<vmem>>
      tpu.enqueue_dma source(%dma_start3A_312 : memref<64x128xf32, #tpu.memory_space<vmem>>) target(%dma_start3A_308 : memref<64x128xf32, #tpu.memory_space<vmem_shared>>) target_semaphore(%run_scoped3A_300 : memref<!tpu.dma_semaphore, #tpu.memory_space<semaphore_mem>>)
      %dma_wait3A_313 = arith.constant 0 : i32
      %dma_wait3A_314 = arith.constant 0 : i32
      %dma_wait3A_315 = tpu.memref_slice %arg8[%run_scoped3A_30, %dma_wait3A_313, %dma_wait3A_314] : memref<2x64x128xf32, #tpu.memory_space<vmem>> -> memref<1x64x128xf32, #tpu.memory_space<vmem>>
      %dma_wait3A_316 = tpu.memref_squeeze %dma_wait3A_315 : memref<1x64x128xf32, #tpu.memory_space<vmem>> -> memref<64x128xf32, #tpu.memory_space<vmem>>
      %dma_wait3A_317 = arith.constant 0 : i32
      %dma_wait3A_318 = tpu.memref_slice %arg9[%add3A_29, %dma_wait3A_317] : memref<10240x128xf32, #tpu.memory_space<vmem_shared>> -> memref<64x128xf32, #tpu.memory_space<vmem_shared>>
      %dma_wait3A_319 = arith.constant 0 : i32
      %dma_wait3A_320 = tpu.memref_slice %arg9[%add3A_29, %dma_wait3A_319] : memref<10240x128xf32, #tpu.memory_space<vmem_shared>> -> memref<64x128xf32, #tpu.memory_space<vmem_shared>>
      %dma_wait3A_321 = arith.constant 0 : i32
      %dma_wait3A_322 = arith.constant 0 : i32
      %dma_wait3A_323 = tpu.memref_slice %arg8[%run_scoped3A_30, %dma_wait3A_321, %dma_wait3A_322] : memref<2x64x128xf32, #tpu.memory_space<vmem>> -> memref<1x64x128xf32, #tpu.memory_space<vmem>>
      %dma_wait3A_324 = tpu.memref_squeeze %dma_wait3A_323 : memref<1x64x128xf32, #tpu.memory_space<vmem>> -> memref<64x128xf32, #tpu.memory_space<vmem>>
      tpu.wait_dma2 semaphore(%run_scoped3A_300 : memref<!tpu.dma_semaphore, #tpu.memory_space<semaphore_mem>>) src(%dma_wait3A_324 : memref<64x128xf32, #tpu.memory_space<vmem>>) dst(%dma_wait3A_320 : memref<64x128xf32, #tpu.memory_space<vmem_shared>>)
      tpu.yield
    }) : () -> ()
    %add3A_31 = arith.constant 512 : i32
    %add3A_32 = arith.addi %mul3A_2, %add3A_31 : i32
    %run_scoped3A_33 = arith.constant 0 : i32
    "tpu.region"() ({
      %run_scoped3A_300 = tpu.sem_alloc : memref<!tpu.dma_semaphore, #tpu.memory_space<semaphore_mem>>
      %dma_start3A_301 = arith.constant 0 : i32
      %dma_start3A_302 = arith.constant 0 : i32
      %dma_start3A_303 = tpu.memref_slice %arg8[%run_scoped3A_33, %dma_start3A_301, %dma_start3A_302] : memref<2x64x128xf32, #tpu.memory_space<vmem>> -> memref<1x64x128xf32, #tpu.memory_space<vmem>>
      %dma_start3A_304 = tpu.memref_squeeze %dma_start3A_303 : memref<1x64x128xf32, #tpu.memory_space<vmem>> -> memref<64x128xf32, #tpu.memory_space<vmem>>
      %dma_start3A_305 = arith.constant 0 : i32
      %dma_start3A_306 = tpu.memref_slice %arg9[%add3A_32, %dma_start3A_305] : memref<10240x128xf32, #tpu.memory_space<vmem_shared>> -> memref<64x128xf32, #tpu.memory_space<vmem_shared>>
      %dma_start3A_307 = arith.constant 0 : i32
      %dma_start3A_308 = tpu.memref_slice %arg9[%add3A_32, %dma_start3A_307] : memref<10240x128xf32, #tpu.memory_space<vmem_shared>> -> memref<64x128xf32, #tpu.memory_space<vmem_shared>>
      %dma_start3A_309 = arith.constant 0 : i32
      %dma_start3A_310 = arith.constant 0 : i32
      %dma_start3A_311 = tpu.memref_slice %arg8[%run_scoped3A_33, %dma_start3A_309, %dma_start3A_310] : memref<2x64x128xf32, #tpu.memory_space<vmem>> -> memref<1x64x128xf32, #tpu.memory_space<vmem>>
      %dma_start3A_312 = tpu.memref_squeeze %dma_start3A_311 : memref<1x64x128xf32, #tpu.memory_space<vmem>> -> memref<64x128xf32, #tpu.memory_space<vmem>>
      tpu.enqueue_dma source(%dma_start3A_312 : memref<64x128xf32, #tpu.memory_space<vmem>>) target(%dma_start3A_308 : memref<64x128xf32, #tpu.memory_space<vmem_shared>>) target_semaphore(%run_scoped3A_300 : memref<!tpu.dma_semaphore, #tpu.memory_space<semaphore_mem>>)
      %dma_wait3A_313 = arith.constant 0 : i32
      %dma_wait3A_314 = arith.constant 0 : i32
      %dma_wait3A_315 = tpu.memref_slice %arg8[%run_scoped3A_33, %dma_wait3A_313, %dma_wait3A_314] : memref<2x64x128xf32, #tpu.memory_space<vmem>> -> memref<1x64x128xf32, #tpu.memory_space<vmem>>
      %dma_wait3A_316 = tpu.memref_squeeze %dma_wait3A_315 : memref<1x64x128xf32, #tpu.memory_space<vmem>> -> memref<64x128xf32, #tpu.memory_space<vmem>>
      %dma_wait3A_317 = arith.constant 0 : i32
      %dma_wait3A_318 = tpu.memref_slice %arg9[%add3A_32, %dma_wait3A_317] : memref<10240x128xf32, #tpu.memory_space<vmem_shared>> -> memref<64x128xf32, #tpu.memory_space<vmem_shared>>
      %dma_wait3A_319 = arith.constant 0 : i32
      %dma_wait3A_320 = tpu.memref_slice %arg9[%add3A_32, %dma_wait3A_319] : memref<10240x128xf32, #tpu.memory_space<vmem_shared>> -> memref<64x128xf32, #tpu.memory_space<vmem_shared>>
      %dma_wait3A_321 = arith.constant 0 : i32
      %dma_wait3A_322 = arith.constant 0 : i32
      %dma_wait3A_323 = tpu.memref_slice %arg8[%run_scoped3A_33, %dma_wait3A_321, %dma_wait3A_322] : memref<2x64x128xf32, #tpu.memory_space<vmem>> -> memref<1x64x128xf32, #tpu.memory_space<vmem>>
      %dma_wait3A_324 = tpu.memref_squeeze %dma_wait3A_323 : memref<1x64x128xf32, #tpu.memory_space<vmem>> -> memref<64x128xf32, #tpu.memory_space<vmem>>
      tpu.wait_dma2 semaphore(%run_scoped3A_300 : memref<!tpu.dma_semaphore, #tpu.memory_space<semaphore_mem>>) src(%dma_wait3A_324 : memref<64x128xf32, #tpu.memory_space<vmem>>) dst(%dma_wait3A_320 : memref<64x128xf32, #tpu.memory_space<vmem_shared>>)
      tpu.yield
    }) : () -> ()
    %add3A_34 = arith.constant 576 : i32
    %add3A_35 = arith.addi %mul3A_2, %add3A_34 : i32
    %run_scoped3A_36 = arith.constant 0 : i32
    "tpu.region"() ({
      %run_scoped3A_300 = tpu.sem_alloc : memref<!tpu.dma_semaphore, #tpu.memory_space<semaphore_mem>>
      %dma_start3A_301 = arith.constant 0 : i32
      %dma_start3A_302 = arith.constant 0 : i32
      %dma_start3A_303 = tpu.memref_slice %arg8[%run_scoped3A_36, %dma_start3A_301, %dma_start3A_302] : memref<2x64x128xf32, #tpu.memory_space<vmem>> -> memref<1x64x128xf32, #tpu.memory_space<vmem>>
      %dma_start3A_304 = tpu.memref_squeeze %dma_start3A_303 : memref<1x64x128xf32, #tpu.memory_space<vmem>> -> memref<64x128xf32, #tpu.memory_space<vmem>>
      %dma_start3A_305 = arith.constant 0 : i32
      %dma_start3A_306 = tpu.memref_slice %arg9[%add3A_35, %dma_start3A_305] : memref<10240x128xf32, #tpu.memory_space<vmem_shared>> -> memref<64x128xf32, #tpu.memory_space<vmem_shared>>
      %dma_start3A_307 = arith.constant 0 : i32
      %dma_start3A_308 = tpu.memref_slice %arg9[%add3A_35, %dma_start3A_307] : memref<10240x128xf32, #tpu.memory_space<vmem_shared>> -> memref<64x128xf32, #tpu.memory_space<vmem_shared>>
      %dma_start3A_309 = arith.constant 0 : i32
      %dma_start3A_310 = arith.constant 0 : i32
      %dma_start3A_311 = tpu.memref_slice %arg8[%run_scoped3A_36, %dma_start3A_309, %dma_start3A_310] : memref<2x64x128xf32, #tpu.memory_space<vmem>> -> memref<1x64x128xf32, #tpu.memory_space<vmem>>
      %dma_start3A_312 = tpu.memref_squeeze %dma_start3A_311 : memref<1x64x128xf32, #tpu.memory_space<vmem>> -> memref<64x128xf32, #tpu.memory_space<vmem>>
      tpu.enqueue_dma source(%dma_start3A_312 : memref<64x128xf32, #tpu.memory_space<vmem>>) target(%dma_start3A_308 : memref<64x128xf32, #tpu.memory_space<vmem_shared>>) target_semaphore(%run_scoped3A_300 : memref<!tpu.dma_semaphore, #tpu.memory_space<semaphore_mem>>)
      %dma_wait3A_313 = arith.constant 0 : i32
      %dma_wait3A_314 = arith.constant 0 : i32
      %dma_wait3A_315 = tpu.memref_slice %arg8[%run_scoped3A_36, %dma_wait3A_313, %dma_wait3A_314] : memref<2x64x128xf32, #tpu.memory_space<vmem>> -> memref<1x64x128xf32, #tpu.memory_space<vmem>>
      %dma_wait3A_316 = tpu.memref_squeeze %dma_wait3A_315 : memref<1x64x128xf32, #tpu.memory_space<vmem>> -> memref<64x128xf32, #tpu.memory_space<vmem>>
      %dma_wait3A_317 = arith.constant 0 : i32
      %dma_wait3A_318 = tpu.memref_slice %arg9[%add3A_35, %dma_wait3A_317] : memref<10240x128xf32, #tpu.memory_space<vmem_shared>> -> memref<64x128xf32, #tpu.memory_space<vmem_shared>>
      %dma_wait3A_319 = arith.constant 0 : i32
      %dma_wait3A_320 = tpu.memref_slice %arg9[%add3A_35, %dma_wait3A_319] : memref<10240x128xf32, #tpu.memory_space<vmem_shared>> -> memref<64x128xf32, #tpu.memory_space<vmem_shared>>
      %dma_wait3A_321 = arith.constant 0 : i32
      %dma_wait3A_322 = arith.constant 0 : i32
      %dma_wait3A_323 = tpu.memref_slice %arg8[%run_scoped3A_36, %dma_wait3A_321, %dma_wait3A_322] : memref<2x64x128xf32, #tpu.memory_space<vmem>> -> memref<1x64x128xf32, #tpu.memory_space<vmem>>
      %dma_wait3A_324 = tpu.memref_squeeze %dma_wait3A_323 : memref<1x64x128xf32, #tpu.memory_space<vmem>> -> memref<64x128xf32, #tpu.memory_space<vmem>>
      tpu.wait_dma2 semaphore(%run_scoped3A_300 : memref<!tpu.dma_semaphore, #tpu.memory_space<semaphore_mem>>) src(%dma_wait3A_324 : memref<64x128xf32, #tpu.memory_space<vmem>>) dst(%dma_wait3A_320 : memref<64x128xf32, #tpu.memory_space<vmem_shared>>)
      tpu.yield
    }) : () -> ()
    %barrier3A = arith.constant 0 : index
    tpu.barrier barrier_id(%barrier3A)
    "tpu.region"() ({
      %run_scoped3A_300 = tpu.sem_alloc : memref<!tpu.dma_semaphore, #tpu.memory_space<semaphore_mem>>
      %dma_start3A_301 = arith.constant 0 : i32
      %dma_start3A_302 = arith.constant 0 : i32
      %dma_start3A_303 = tpu.memref_slice %arg3[%add3A, %dma_start3A_301, %dma_start3A_302] : memref<32x160x64xi32, #tpu.memory_space<hbm>> -> memref<1x80x64xi32, #tpu.memory_space<hbm>>
      %dma_start3A_304 = tpu.memref_squeeze %dma_start3A_303 : memref<1x80x64xi32, #tpu.memory_space<hbm>> -> memref<80x64xi32, #tpu.memory_space<hbm>>
      %dma_start3A_305 = arith.constant 0 : i32
      %dma_start3A_306 = arith.constant 0 : i32
      %dma_start3A_307 = tpu.memref_slice %arg3[%add3A, %dma_start3A_305, %dma_start3A_306] : memref<32x160x64xi32, #tpu.memory_space<hbm>> -> memref<1x80x64xi32, #tpu.memory_space<hbm>>
      %dma_start3A_308 = tpu.memref_squeeze %dma_start3A_307 : memref<1x80x64xi32, #tpu.memory_space<hbm>> -> memref<80x64xi32, #tpu.memory_space<hbm>>
      tpu.enqueue_dma source(%dma_start3A_308 : memref<80x64xi32, #tpu.memory_space<hbm>>) target(%arg6 : memref<80x64xi32, #tpu.memory_space<vmem>>) target_semaphore(%run_scoped3A_300 : memref<!tpu.dma_semaphore, #tpu.memory_space<semaphore_mem>>)
      %dma_wait3A_309 = arith.constant 0 : i32
      %dma_wait3A_310 = arith.constant 0 : i32
      %dma_wait3A_311 = tpu.memref_slice %arg3[%add3A, %dma_wait3A_309, %dma_wait3A_310] : memref<32x160x64xi32, #tpu.memory_space<hbm>> -> memref<1x80x64xi32, #tpu.memory_space<hbm>>
      %dma_wait3A_312 = tpu.memref_squeeze %dma_wait3A_311 : memref<1x80x64xi32, #tpu.memory_space<hbm>> -> memref<80x64xi32, #tpu.memory_space<hbm>>
      %dma_wait3A_313 = arith.constant 0 : i32
      %dma_wait3A_314 = arith.constant 0 : i32
      %dma_wait3A_315 = tpu.memref_slice %arg3[%add3A, %dma_wait3A_313, %dma_wait3A_314] : memref<32x160x64xi32, #tpu.memory_space<hbm>> -> memref<1x80x64xi32, #tpu.memory_space<hbm>>
      %dma_wait3A_316 = tpu.memref_squeeze %dma_wait3A_315 : memref<1x80x64xi32, #tpu.memory_space<hbm>> -> memref<80x64xi32, #tpu.memory_space<hbm>>
      tpu.wait_dma2 semaphore(%run_scoped3A_300 : memref<!tpu.dma_semaphore, #tpu.memory_space<semaphore_mem>>) src(%dma_wait3A_316 : memref<80x64xi32, #tpu.memory_space<hbm>>) dst(%arg6 : memref<80x64xi32, #tpu.memory_space<vmem>>)
      tpu.yield
    }) : () -> ()
    "tpu.region"() ({
      %run_scoped3A_300 = tpu.sem_alloc : memref<!tpu.dma_semaphore, #tpu.memory_space<semaphore_mem>>
      %dma_start3A_301 = arith.constant 0 : i32
      %dma_start3A_302 = arith.constant 0 : i32
      %dma_start3A_303 = tpu.memref_slice %arg4[%add3A, %dma_start3A_301, %dma_start3A_302] : memref<32x160x64xi32, #tpu.memory_space<hbm>> -> memref<1x80x64xi32, #tpu.memory_space<hbm>>
      %dma_start3A_304 = tpu.memref_squeeze %dma_start3A_303 : memref<1x80x64xi32, #tpu.memory_space<hbm>> -> memref<80x64xi32, #tpu.memory_space<hbm>>
      %dma_start3A_305 = arith.constant 0 : i32
      %dma_start3A_306 = arith.constant 0 : i32
      %dma_start3A_307 = tpu.memref_slice %arg4[%add3A, %dma_start3A_305, %dma_start3A_306] : memref<32x160x64xi32, #tpu.memory_space<hbm>> -> memref<1x80x64xi32, #tpu.memory_space<hbm>>
      %dma_start3A_308 = tpu.memref_squeeze %dma_start3A_307 : memref<1x80x64xi32, #tpu.memory_space<hbm>> -> memref<80x64xi32, #tpu.memory_space<hbm>>
      tpu.enqueue_dma source(%dma_start3A_308 : memref<80x64xi32, #tpu.memory_space<hbm>>) target(%arg7 : memref<80x64xi32, #tpu.memory_space<vmem>>) target_semaphore(%run_scoped3A_300 : memref<!tpu.dma_semaphore, #tpu.memory_space<semaphore_mem>>)
      %dma_wait3A_309 = arith.constant 0 : i32
      %dma_wait3A_310 = arith.constant 0 : i32
      %dma_wait3A_311 = tpu.memref_slice %arg4[%add3A, %dma_wait3A_309, %dma_wait3A_310] : memref<32x160x64xi32, #tpu.memory_space<hbm>> -> memref<1x80x64xi32, #tpu.memory_space<hbm>>
      %dma_wait3A_312 = tpu.memref_squeeze %dma_wait3A_311 : memref<1x80x64xi32, #tpu.memory_space<hbm>> -> memref<80x64xi32, #tpu.memory_space<hbm>>
      %dma_wait3A_313 = arith.constant 0 : i32
      %dma_wait3A_314 = arith.constant 0 : i32
      %dma_wait3A_315 = tpu.memref_slice %arg4[%add3A, %dma_wait3A_313, %dma_wait3A_314] : memref<32x160x64xi32, #tpu.memory_space<hbm>> -> memref<1x80x64xi32, #tpu.memory_space<hbm>>
      %dma_wait3A_316 = tpu.memref_squeeze %dma_wait3A_315 : memref<1x80x64xi32, #tpu.memory_space<hbm>> -> memref<80x64xi32, #tpu.memory_space<hbm>>
      tpu.wait_dma2 semaphore(%run_scoped3A_300 : memref<!tpu.dma_semaphore, #tpu.memory_space<semaphore_mem>>) src(%dma_wait3A_316 : memref<80x64xi32, #tpu.memory_space<hbm>>) dst(%arg7 : memref<80x64xi32, #tpu.memory_space<vmem>>)
      tpu.yield
    }) : () -> ()
    %dma_start3A = arith.constant 0 : i32
    %dma_start3A_37 = arith.constant 0 : i32
    %dma_start3A_38 = arith.constant 0 : i32
    %dma_start3A_39 = arith.constant 0 : i32
    %dma_start3A_40 = tpu.memref_slice %arg8[%dma_start3A_37, %dma_start3A_38, %dma_start3A_39] : memref<2x64x128xf32, #tpu.memory_space<vmem>> -> memref<1x64x128xf32, #tpu.memory_space<vmem>>
    %dma_start3A_41 = tpu.memref_squeeze %dma_start3A_40 : memref<1x64x128xf32, #tpu.memory_space<vmem>> -> memref<64x128xf32, #tpu.memory_space<vmem>>
    %dma_start3A_42 = arith.constant 0 : i32
    %dma_start3A_43 = tpu.memref_slice %arg6[%dma_start3A, %dma_start3A_42] : memref<80x64xi32, #tpu.memory_space<vmem>> -> memref<1x64xi32, #tpu.memory_space<vmem>>
    %dma_start3A_44 = tpu.memref_squeeze %dma_start3A_43 : memref<1x64xi32, #tpu.memory_space<vmem>> -> memref<64xi32, #tpu.memory_space<vmem>>
    %dma_start3A_45 = arith.constant 0 : i32
    %dma_start3A_46 = arith.constant 0 : i32
    %dma_start3A_47 = tpu.memref_slice %arg2[%dma_start3A_45, %dma_start3A_46] : memref<10000x128xf32, #tpu.memory_space<hbm>> -> memref<10000x128xf32, #tpu.memory_space<hbm>>
    tpu.enqueue_indirect_dma source(%dma_start3A_47 : memref<10000x128xf32, #tpu.memory_space<hbm>>) target(%dma_start3A_41 : memref<64x128xf32, #tpu.memory_space<vmem>>) offsets(%dma_start3A_44 : memref<64xi32, #tpu.memory_space<vmem>>) semaphore(%arg10 : memref<!tpu.dma_semaphore, #tpu.memory_space<semaphore_mem>>)
    %dma_wait3A = arith.constant 0 : i32
    %dma_wait3A_48 = arith.constant 0 : i32
    %dma_wait3A_49 = arith.constant 0 : i32
    %dma_wait3A_50 = arith.constant 0 : i32
    %dma_wait3A_51 = tpu.memref_slice %arg8[%dma_wait3A_48, %dma_wait3A_49, %dma_wait3A_50] : memref<2x64x128xf32, #tpu.memory_space<vmem>> -> memref<1x64x128xf32, #tpu.memory_space<vmem>>
    %dma_wait3A_52 = tpu.memref_squeeze %dma_wait3A_51 : memref<1x64x128xf32, #tpu.memory_space<vmem>> -> memref<64x128xf32, #tpu.memory_space<vmem>>
    %dma_wait3A_53 = arith.constant 0 : i32
    %dma_wait3A_54 = tpu.memref_slice %arg6[%dma_wait3A, %dma_wait3A_53] : memref<80x64xi32, #tpu.memory_space<vmem>> -> memref<1x64xi32, #tpu.memory_space<vmem>>
    %dma_wait3A_55 = tpu.memref_squeeze %dma_wait3A_54 : memref<1x64xi32, #tpu.memory_space<vmem>> -> memref<64xi32, #tpu.memory_space<vmem>>
    %dma_wait3A_56 = arith.constant 0 : i32
    %dma_wait3A_57 = arith.constant 0 : i32
    %dma_wait3A_58 = tpu.memref_slice %arg2[%dma_wait3A_56, %dma_wait3A_57] : memref<10000x128xf32, #tpu.memory_space<hbm>> -> memref<10000x128xf32, #tpu.memory_space<hbm>>
    tpu.wait_indirect_dma semaphore(%arg10 : memref<!tpu.dma_semaphore, #tpu.memory_space<semaphore_mem>>) src(%dma_wait3A_58 : memref<10000x128xf32, #tpu.memory_space<hbm>>) dst(%dma_wait3A_52 : memref<64x128xf32, #tpu.memory_space<vmem>>)
    %dma_start3A_59 = arith.constant 0 : i32
    %dma_start3A_60 = arith.constant 0 : i32
    %dma_start3A_61 = arith.constant 0 : i32
    %dma_start3A_62 = arith.constant 0 : i32
    %dma_start3A_63 = tpu.memref_slice %arg8[%dma_start3A_59, %dma_start3A_61, %dma_start3A_62] : memref<2x64x128xf32, #tpu.memory_space<vmem>> -> memref<1x64x128xf32, #tpu.memory_space<vmem>>
    %dma_start3A_64 = tpu.memref_squeeze %dma_start3A_63 : memref<1x64x128xf32, #tpu.memory_space<vmem>> -> memref<64x128xf32, #tpu.memory_space<vmem>>
    %dma_start3A_65 = arith.constant 0 : i32
    %dma_start3A_66 = tpu.memref_slice %arg7[%dma_start3A_60, %dma_start3A_65] : memref<80x64xi32, #tpu.memory_space<vmem>> -> memref<1x64xi32, #tpu.memory_space<vmem>>
    %dma_start3A_67 = tpu.memref_squeeze %dma_start3A_66 : memref<1x64xi32, #tpu.memory_space<vmem>> -> memref<64xi32, #tpu.memory_space<vmem>>
    %dma_start3A_68 = arith.constant 0 : i32
    %dma_start3A_69 = arith.constant 0 : i32
    %dma_start3A_70 = tpu.memref_slice %arg9[%dma_start3A_68, %dma_start3A_69] : memref<10240x128xf32, #tpu.memory_space<vmem_shared>> -> memref<10240x128xf32, #tpu.memory_space<vmem_shared>>
    tpu.enqueue_indirect_dma source(%dma_start3A_64 : memref<64x128xf32, #tpu.memory_space<vmem>>) target(%dma_start3A_70 : memref<10240x128xf32, #tpu.memory_space<vmem_shared>>) offsets(%dma_start3A_67 : memref<64xi32, #tpu.memory_space<vmem>>) semaphore(%arg12 : memref<!tpu.dma_semaphore, #tpu.memory_space<semaphore_mem>>) {add = true}
    %dma_start3A_71 = arith.constant 1 : i32
    %dma_start3A_72 = arith.constant 1 : i32
    %dma_start3A_73 = arith.constant 0 : i32
    %dma_start3A_74 = arith.constant 0 : i32
    %dma_start3A_75 = tpu.memref_slice %arg8[%dma_start3A_72, %dma_start3A_73, %dma_start3A_74] : memref<2x64x128xf32, #tpu.memory_space<vmem>> -> memref<1x64x128xf32, #tpu.memory_space<vmem>>
    %dma_start3A_76 = tpu.memref_squeeze %dma_start3A_75 : memref<1x64x128xf32, #tpu.memory_space<vmem>> -> memref<64x128xf32, #tpu.memory_space<vmem>>
    %dma_start3A_77 = arith.constant 0 : i32
    %dma_start3A_78 = tpu.memref_slice %arg6[%dma_start3A_71, %dma_start3A_77] : memref<80x64xi32, #tpu.memory_space<vmem>> -> memref<1x64xi32, #tpu.memory_space<vmem>>
    %dma_start3A_79 = tpu.memref_squeeze %dma_start3A_78 : memref<1x64xi32, #tpu.memory_space<vmem>> -> memref<64xi32, #tpu.memory_space<vmem>>
    %dma_start3A_80 = arith.constant 0 : i32
    %dma_start3A_81 = arith.constant 0 : i32
    %dma_start3A_82 = tpu.memref_slice %arg2[%dma_start3A_80, %dma_start3A_81] : memref<10000x128xf32, #tpu.memory_space<hbm>> -> memref<10000x128xf32, #tpu.memory_space<hbm>>
    tpu.enqueue_indirect_dma source(%dma_start3A_82 : memref<10000x128xf32, #tpu.memory_space<hbm>>) target(%dma_start3A_76 : memref<64x128xf32, #tpu.memory_space<vmem>>) offsets(%dma_start3A_79 : memref<64xi32, #tpu.memory_space<vmem>>) semaphore(%arg11 : memref<!tpu.dma_semaphore, #tpu.memory_space<semaphore_mem>>)
    %scan3A_83 = arith.constant 0 : i32
    %scan3A_84 = arith.constant 0 : i32
    %scan3A_85 = arith.constant 39 : i32
    %scan3A_86 = arith.addi %scan3A_84, %scan3A_85 : i32
    %scan3A_87 = arith.constant 1 : i32
    scf.for %scan3A_300 = %scan3A_84 to %scan3A_86 step %scan3A_87  : i32 {
      %mul3A_301 = arith.constant 2 : i32
      %mul3A_302 = arith.muli %mul3A_301, %scan3A_300 : i32
      %add3A_303 = arith.constant 1 : i32
      %add3A_304 = arith.addi %mul3A_302, %add3A_303 : i32
      %mul3A_305 = arith.constant 2 : i32
      %mul3A_306 = arith.muli %mul3A_305, %scan3A_300 : i32
      %add3A_307 = arith.constant 2 : i32
      %add3A_308 = arith.addi %mul3A_306, %add3A_307 : i32
      %mul3A_309 = arith.constant 2 : i32
      %mul3A_310 = arith.muli %mul3A_309, %scan3A_300 : i32
      %add3A_311 = arith.constant 3 : i32
      %add3A_312 = arith.addi %mul3A_310, %add3A_311 : i32
      %dma_wait3A_313 = arith.constant 1 : i32
      %dma_wait3A_314 = arith.constant 0 : i32
      %dma_wait3A_315 = arith.constant 0 : i32
      %dma_wait3A_316 = tpu.memref_slice %arg8[%dma_wait3A_313, %dma_wait3A_314, %dma_wait3A_315] : memref<2x64x128xf32, #tpu.memory_space<vmem>> -> memref<1x64x128xf32, #tpu.memory_space<vmem>>
      %dma_wait3A_317 = tpu.memref_squeeze %dma_wait3A_316 : memref<1x64x128xf32, #tpu.memory_space<vmem>> -> memref<64x128xf32, #tpu.memory_space<vmem>>
      %dma_wait3A_318 = arith.constant 0 : i32
      %dma_wait3A_319 = tpu.memref_slice %arg6[%add3A_304, %dma_wait3A_318] : memref<80x64xi32, #tpu.memory_space<vmem>> -> memref<1x64xi32, #tpu.memory_space<vmem>>
      %dma_wait3A_320 = tpu.memref_squeeze %dma_wait3A_319 : memref<1x64xi32, #tpu.memory_space<vmem>> -> memref<64xi32, #tpu.memory_space<vmem>>
      %dma_wait3A_321 = arith.constant 0 : i32
      %dma_wait3A_322 = arith.constant 0 : i32
      %dma_wait3A_323 = tpu.memref_slice %arg2[%dma_wait3A_321, %dma_wait3A_322] : memref<10000x128xf32, #tpu.memory_space<hbm>> -> memref<10000x128xf32, #tpu.memory_space<hbm>>
      tpu.wait_indirect_dma semaphore(%arg11 : memref<!tpu.dma_semaphore, #tpu.memory_space<semaphore_mem>>) src(%dma_wait3A_323 : memref<10000x128xf32, #tpu.memory_space<hbm>>) dst(%dma_wait3A_317 : memref<64x128xf32, #tpu.memory_space<vmem>>)
      %sub3A = arith.constant 2 : i32
      %sub3A_324 = arith.subi %add3A_308, %sub3A : i32
      %dma_wait3A_325 = arith.constant 0 : i32
      %dma_wait3A_326 = arith.constant 0 : i32
      %dma_wait3A_327 = arith.constant 0 : i32
      %dma_wait3A_328 = tpu.memref_slice %arg8[%dma_wait3A_325, %dma_wait3A_326, %dma_wait3A_327] : memref<2x64x128xf32, #tpu.memory_space<vmem>> -> memref<1x64x128xf32, #tpu.memory_space<vmem>>
      %dma_wait3A_329 = tpu.memref_squeeze %dma_wait3A_328 : memref<1x64x128xf32, #tpu.memory_space<vmem>> -> memref<64x128xf32, #tpu.memory_space<vmem>>
      %dma_wait3A_330 = arith.constant 0 : i32
      %dma_wait3A_331 = tpu.memref_slice %arg7[%sub3A_324, %dma_wait3A_330] : memref<80x64xi32, #tpu.memory_space<vmem>> -> memref<1x64xi32, #tpu.memory_space<vmem>>
      %dma_wait3A_332 = tpu.memref_squeeze %dma_wait3A_331 : memref<1x64xi32, #tpu.memory_space<vmem>> -> memref<64xi32, #tpu.memory_space<vmem>>
      %dma_wait3A_333 = arith.constant 0 : i32
      %dma_wait3A_334 = arith.constant 0 : i32
      %dma_wait3A_335 = tpu.memref_slice %arg9[%dma_wait3A_333, %dma_wait3A_334] : memref<10240x128xf32, #tpu.memory_space<vmem_shared>> -> memref<10240x128xf32, #tpu.memory_space<vmem_shared>>
      tpu.wait_indirect_dma semaphore(%arg12 : memref<!tpu.dma_semaphore, #tpu.memory_space<semaphore_mem>>) src(%dma_wait3A_329 : memref<64x128xf32, #tpu.memory_space<vmem>>) dst(%dma_wait3A_335 : memref<10240x128xf32, #tpu.memory_space<vmem_shared>>)
      %dma_start3A_336 = arith.constant 0 : i32
      %dma_start3A_337 = arith.constant 0 : i32
      %dma_start3A_338 = arith.constant 0 : i32
      %dma_start3A_339 = tpu.memref_slice %arg8[%dma_start3A_336, %dma_start3A_337, %dma_start3A_338] : memref<2x64x128xf32, #tpu.memory_space<vmem>> -> memref<1x64x128xf32, #tpu.memory_space<vmem>>
      %dma_start3A_340 = tpu.memref_squeeze %dma_start3A_339 : memref<1x64x128xf32, #tpu.memory_space<vmem>> -> memref<64x128xf32, #tpu.memory_space<vmem>>
      %dma_start3A_341 = arith.constant 0 : i32
      %dma_start3A_342 = tpu.memref_slice %arg6[%add3A_308, %dma_start3A_341] : memref<80x64xi32, #tpu.memory_space<vmem>> -> memref<1x64xi32, #tpu.memory_space<vmem>>
      %dma_start3A_343 = tpu.memref_squeeze %dma_start3A_342 : memref<1x64xi32, #tpu.memory_space<vmem>> -> memref<64xi32, #tpu.memory_space<vmem>>
      %dma_start3A_344 = arith.constant 0 : i32
      %dma_start3A_345 = arith.constant 0 : i32
      %dma_start3A_346 = tpu.memref_slice %arg2[%dma_start3A_344, %dma_start3A_345] : memref<10000x128xf32, #tpu.memory_space<hbm>> -> memref<10000x128xf32, #tpu.memory_space<hbm>>
      tpu.enqueue_indirect_dma source(%dma_start3A_346 : memref<10000x128xf32, #tpu.memory_space<hbm>>) target(%dma_start3A_340 : memref<64x128xf32, #tpu.memory_space<vmem>>) offsets(%dma_start3A_343 : memref<64xi32, #tpu.memory_space<vmem>>) semaphore(%arg10 : memref<!tpu.dma_semaphore, #tpu.memory_space<semaphore_mem>>)
      %dma_start3A_347 = arith.constant 1 : i32
      %dma_start3A_348 = arith.constant 0 : i32
      %dma_start3A_349 = arith.constant 0 : i32
      %dma_start3A_350 = tpu.memref_slice %arg8[%dma_start3A_347, %dma_start3A_348, %dma_start3A_349] : memref<2x64x128xf32, #tpu.memory_space<vmem>> -> memref<1x64x128xf32, #tpu.memory_space<vmem>>
      %dma_start3A_351 = tpu.memref_squeeze %dma_start3A_350 : memref<1x64x128xf32, #tpu.memory_space<vmem>> -> memref<64x128xf32, #tpu.memory_space<vmem>>
      %dma_start3A_352 = arith.constant 0 : i32
      %dma_start3A_353 = tpu.memref_slice %arg7[%add3A_304, %dma_start3A_352] : memref<80x64xi32, #tpu.memory_space<vmem>> -> memref<1x64xi32, #tpu.memory_space<vmem>>
      %dma_start3A_354 = tpu.memref_squeeze %dma_start3A_353 : memref<1x64xi32, #tpu.memory_space<vmem>> -> memref<64xi32, #tpu.memory_space<vmem>>
      %dma_start3A_355 = arith.constant 0 : i32
      %dma_start3A_356 = arith.constant 0 : i32
      %dma_start3A_357 = tpu.memref_slice %arg9[%dma_start3A_355, %dma_start3A_356] : memref<10240x128xf32, #tpu.memory_space<vmem_shared>> -> memref<10240x128xf32, #tpu.memory_space<vmem_shared>>
      tpu.enqueue_indirect_dma source(%dma_start3A_351 : memref<64x128xf32, #tpu.memory_space<vmem>>) target(%dma_start3A_357 : memref<10240x128xf32, #tpu.memory_space<vmem_shared>>) offsets(%dma_start3A_354 : memref<64xi32, #tpu.memory_space<vmem>>) semaphore(%arg13 : memref<!tpu.dma_semaphore, #tpu.memory_space<semaphore_mem>>) {add = true}
      %dma_wait3A_358 = arith.constant 0 : i32
      %dma_wait3A_359 = arith.constant 0 : i32
      %dma_wait3A_360 = arith.constant 0 : i32
      %dma_wait3A_361 = tpu.memref_slice %arg8[%dma_wait3A_358, %dma_wait3A_359, %dma_wait3A_360] : memref<2x64x128xf32, #tpu.memory_space<vmem>> -> memref<1x64x128xf32, #tpu.memory_space<vmem>>
      %dma_wait3A_362 = tpu.memref_squeeze %dma_wait3A_361 : memref<1x64x128xf32, #tpu.memory_space<vmem>> -> memref<64x128xf32, #tpu.memory_space<vmem>>
      %dma_wait3A_363 = arith.constant 0 : i32
      %dma_wait3A_364 = tpu.memref_slice %arg6[%add3A_308, %dma_wait3A_363] : memref<80x64xi32, #tpu.memory_space<vmem>> -> memref<1x64xi32, #tpu.memory_space<vmem>>
      %dma_wait3A_365 = tpu.memref_squeeze %dma_wait3A_364 : memref<1x64xi32, #tpu.memory_space<vmem>> -> memref<64xi32, #tpu.memory_space<vmem>>
      %dma_wait3A_366 = arith.constant 0 : i32
      %dma_wait3A_367 = arith.constant 0 : i32
      %dma_wait3A_368 = tpu.memref_slice %arg2[%dma_wait3A_366, %dma_wait3A_367] : memref<10000x128xf32, #tpu.memory_space<hbm>> -> memref<10000x128xf32, #tpu.memory_space<hbm>>
      tpu.wait_indirect_dma semaphore(%arg10 : memref<!tpu.dma_semaphore, #tpu.memory_space<semaphore_mem>>) src(%dma_wait3A_368 : memref<10000x128xf32, #tpu.memory_space<hbm>>) dst(%dma_wait3A_362 : memref<64x128xf32, #tpu.memory_space<vmem>>)
      %dma_wait3A_369 = arith.constant 1 : i32
      %dma_wait3A_370 = arith.constant 0 : i32
      %dma_wait3A_371 = arith.constant 0 : i32
      %dma_wait3A_372 = tpu.memref_slice %arg8[%dma_wait3A_369, %dma_wait3A_370, %dma_wait3A_371] : memref<2x64x128xf32, #tpu.memory_space<vmem>> -> memref<1x64x128xf32, #tpu.memory_space<vmem>>
      %dma_wait3A_373 = tpu.memref_squeeze %dma_wait3A_372 : memref<1x64x128xf32, #tpu.memory_space<vmem>> -> memref<64x128xf32, #tpu.memory_space<vmem>>
      %dma_wait3A_374 = arith.constant 0 : i32
      %dma_wait3A_375 = tpu.memref_slice %arg7[%add3A_304, %dma_wait3A_374] : memref<80x64xi32, #tpu.memory_space<vmem>> -> memref<1x64xi32, #tpu.memory_space<vmem>>
      %dma_wait3A_376 = tpu.memref_squeeze %dma_wait3A_375 : memref<1x64xi32, #tpu.memory_space<vmem>> -> memref<64xi32, #tpu.memory_space<vmem>>
      %dma_wait3A_377 = arith.constant 0 : i32
      %dma_wait3A_378 = arith.constant 0 : i32
      %dma_wait3A_379 = tpu.memref_slice %arg9[%dma_wait3A_377, %dma_wait3A_378] : memref<10240x128xf32, #tpu.memory_space<vmem_shared>> -> memref<10240x128xf32, #tpu.memory_space<vmem_shared>>
      tpu.wait_indirect_dma semaphore(%arg13 : memref<!tpu.dma_semaphore, #tpu.memory_space<semaphore_mem>>) src(%dma_wait3A_373 : memref<64x128xf32, #tpu.memory_space<vmem>>) dst(%dma_wait3A_379 : memref<10240x128xf32, #tpu.memory_space<vmem_shared>>)
      %dma_start3A_380 = arith.constant 1 : i32
      %dma_start3A_381 = arith.constant 0 : i32
      %dma_start3A_382 = arith.constant 0 : i32
      %dma_start3A_383 = tpu.memref_slice %arg8[%dma_start3A_380, %dma_start3A_381, %dma_start3A_382] : memref<2x64x128xf32, #tpu.memory_space<vmem>> -> memref<1x64x128xf32, #tpu.memory_space<vmem>>
      %dma_start3A_384 = tpu.memref_squeeze %dma_start3A_383 : memref<1x64x128xf32, #tpu.memory_space<vmem>> -> memref<64x128xf32, #tpu.memory_space<vmem>>
      %dma_start3A_385 = arith.constant 0 : i32
      %dma_start3A_386 = tpu.memref_slice %arg6[%add3A_312, %dma_start3A_385] : memref<80x64xi32, #tpu.memory_space<vmem>> -> memref<1x64xi32, #tpu.memory_space<vmem>>
      %dma_start3A_387 = tpu.memref_squeeze %dma_start3A_386 : memref<1x64xi32, #tpu.memory_space<vmem>> -> memref<64xi32, #tpu.memory_space<vmem>>
      %dma_start3A_388 = arith.constant 0 : i32
      %dma_start3A_389 = arith.constant 0 : i32
      %dma_start3A_390 = tpu.memref_slice %arg2[%dma_start3A_388, %dma_start3A_389] : memref<10000x128xf32, #tpu.memory_space<hbm>> -> memref<10000x128xf32, #tpu.memory_space<hbm>>
      tpu.enqueue_indirect_dma source(%dma_start3A_390 : memref<10000x128xf32, #tpu.memory_space<hbm>>) target(%dma_start3A_384 : memref<64x128xf32, #tpu.memory_space<vmem>>) offsets(%dma_start3A_387 : memref<64xi32, #tpu.memory_space<vmem>>) semaphore(%arg11 : memref<!tpu.dma_semaphore, #tpu.memory_space<semaphore_mem>>)
      %dma_start3A_391 = arith.constant 0 : i32
      %dma_start3A_392 = arith.constant 0 : i32
      %dma_start3A_393 = arith.constant 0 : i32
      %dma_start3A_394 = tpu.memref_slice %arg8[%dma_start3A_391, %dma_start3A_392, %dma_start3A_393] : memref<2x64x128xf32, #tpu.memory_space<vmem>> -> memref<1x64x128xf32, #tpu.memory_space<vmem>>
      %dma_start3A_395 = tpu.memref_squeeze %dma_start3A_394 : memref<1x64x128xf32, #tpu.memory_space<vmem>> -> memref<64x128xf32, #tpu.memory_space<vmem>>
      %dma_start3A_396 = arith.constant 0 : i32
      %dma_start3A_397 = tpu.memref_slice %arg7[%add3A_308, %dma_start3A_396] : memref<80x64xi32, #tpu.memory_space<vmem>> -> memref<1x64xi32, #tpu.memory_space<vmem>>
      %dma_start3A_398 = tpu.memref_squeeze %dma_start3A_397 : memref<1x64xi32, #tpu.memory_space<vmem>> -> memref<64xi32, #tpu.memory_space<vmem>>
      %dma_start3A_399 = arith.constant 0 : i32
      %dma_start3A_400 = arith.constant 0 : i32
      %dma_start3A_401 = tpu.memref_slice %arg9[%dma_start3A_399, %dma_start3A_400] : memref<10240x128xf32, #tpu.memory_space<vmem_shared>> -> memref<10240x128xf32, #tpu.memory_space<vmem_shared>>
      tpu.enqueue_indirect_dma source(%dma_start3A_395 : memref<64x128xf32, #tpu.memory_space<vmem>>) target(%dma_start3A_401 : memref<10240x128xf32, #tpu.memory_space<vmem_shared>>) offsets(%dma_start3A_398 : memref<64xi32, #tpu.memory_space<vmem>>) semaphore(%arg12 : memref<!tpu.dma_semaphore, #tpu.memory_space<semaphore_mem>>) {add = true}
    }
    %scan3A_88 = arith.constant 39 : i32
    %dma_wait3A_89 = arith.constant 79 : i32
    %dma_wait3A_90 = arith.constant 1 : i32
    %dma_wait3A_91 = arith.constant 0 : i32
    %dma_wait3A_92 = arith.constant 0 : i32
    %dma_wait3A_93 = tpu.memref_slice %arg8[%dma_wait3A_90, %dma_wait3A_91, %dma_wait3A_92] : memref<2x64x128xf32, #tpu.memory_space<vmem>> -> memref<1x64x128xf32, #tpu.memory_space<vmem>>
    %dma_wait3A_94 = tpu.memref_squeeze %dma_wait3A_93 : memref<1x64x128xf32, #tpu.memory_space<vmem>> -> memref<64x128xf32, #tpu.memory_space<vmem>>
    %dma_wait3A_95 = arith.constant 0 : i32
    %dma_wait3A_96 = tpu.memref_slice %arg6[%dma_wait3A_89, %dma_wait3A_95] : memref<80x64xi32, #tpu.memory_space<vmem>> -> memref<1x64xi32, #tpu.memory_space<vmem>>
    %dma_wait3A_97 = tpu.memref_squeeze %dma_wait3A_96 : memref<1x64xi32, #tpu.memory_space<vmem>> -> memref<64xi32, #tpu.memory_space<vmem>>
    %dma_wait3A_98 = arith.constant 0 : i32
    %dma_wait3A_99 = arith.constant 0 : i32
    %dma_wait3A_100 = tpu.memref_slice %arg2[%dma_wait3A_98, %dma_wait3A_99] : memref<10000x128xf32, #tpu.memory_space<hbm>> -> memref<10000x128xf32, #tpu.memory_space<hbm>>
    tpu.wait_indirect_dma semaphore(%arg11 : memref<!tpu.dma_semaphore, #tpu.memory_space<semaphore_mem>>) src(%dma_wait3A_100 : memref<10000x128xf32, #tpu.memory_space<hbm>>) dst(%dma_wait3A_94 : memref<64x128xf32, #tpu.memory_space<vmem>>)
    %dma_wait3A_101 = arith.constant 0 : i32
    %dma_wait3A_102 = arith.constant 78 : i32
    %dma_wait3A_103 = arith.constant 0 : i32
    %dma_wait3A_104 = arith.constant 0 : i32
    %dma_wait3A_105 = tpu.memref_slice %arg8[%dma_wait3A_101, %dma_wait3A_103, %dma_wait3A_104] : memref<2x64x128xf32, #tpu.memory_space<vmem>> -> memref<1x64x128xf32, #tpu.memory_space<vmem>>
    %dma_wait3A_106 = tpu.memref_squeeze %dma_wait3A_105 : memref<1x64x128xf32, #tpu.memory_space<vmem>> -> memref<64x128xf32, #tpu.memory_space<vmem>>
    %dma_wait3A_107 = arith.constant 0 : i32
    %dma_wait3A_108 = tpu.memref_slice %arg7[%dma_wait3A_102, %dma_wait3A_107] : memref<80x64xi32, #tpu.memory_space<vmem>> -> memref<1x64xi32, #tpu.memory_space<vmem>>
    %dma_wait3A_109 = tpu.memref_squeeze %dma_wait3A_108 : memref<1x64xi32, #tpu.memory_space<vmem>> -> memref<64xi32, #tpu.memory_space<vmem>>
    %dma_wait3A_110 = arith.constant 0 : i32
    %dma_wait3A_111 = arith.constant 0 : i32
    %dma_wait3A_112 = tpu.memref_slice %arg9[%dma_wait3A_110, %dma_wait3A_111] : memref<10240x128xf32, #tpu.memory_space<vmem_shared>> -> memref<10240x128xf32, #tpu.memory_space<vmem_shared>>
    tpu.wait_indirect_dma semaphore(%arg12 : memref<!tpu.dma_semaphore, #tpu.memory_space<semaphore_mem>>) src(%dma_wait3A_106 : memref<64x128xf32, #tpu.memory_space<vmem>>) dst(%dma_wait3A_112 : memref<10240x128xf32, #tpu.memory_space<vmem_shared>>)
    %dma_start3A_113 = arith.constant 1 : i32
    %dma_start3A_114 = arith.constant 79 : i32
    %dma_start3A_115 = arith.constant 0 : i32
    %dma_start3A_116 = arith.constant 0 : i32
    %dma_start3A_117 = tpu.memref_slice %arg8[%dma_start3A_113, %dma_start3A_115, %dma_start3A_116] : memref<2x64x128xf32, #tpu.memory_space<vmem>> -> memref<1x64x128xf32, #tpu.memory_space<vmem>>
    %dma_start3A_118 = tpu.memref_squeeze %dma_start3A_117 : memref<1x64x128xf32, #tpu.memory_space<vmem>> -> memref<64x128xf32, #tpu.memory_space<vmem>>
    %dma_start3A_119 = arith.constant 0 : i32
    %dma_start3A_120 = tpu.memref_slice %arg7[%dma_start3A_114, %dma_start3A_119] : memref<80x64xi32, #tpu.memory_space<vmem>> -> memref<1x64xi32, #tpu.memory_space<vmem>>
    %dma_start3A_121 = tpu.memref_squeeze %dma_start3A_120 : memref<1x64xi32, #tpu.memory_space<vmem>> -> memref<64xi32, #tpu.memory_space<vmem>>
    %dma_start3A_122 = arith.constant 0 : i32
    %dma_start3A_123 = arith.constant 0 : i32
    %dma_start3A_124 = tpu.memref_slice %arg9[%dma_start3A_122, %dma_start3A_123] : memref<10240x128xf32, #tpu.memory_space<vmem_shared>> -> memref<10240x128xf32, #tpu.memory_space<vmem_shared>>
    tpu.enqueue_indirect_dma source(%dma_start3A_118 : memref<64x128xf32, #tpu.memory_space<vmem>>) target(%dma_start3A_124 : memref<10240x128xf32, #tpu.memory_space<vmem_shared>>) offsets(%dma_start3A_121 : memref<64xi32, #tpu.memory_space<vmem>>) semaphore(%arg13 : memref<!tpu.dma_semaphore, #tpu.memory_space<semaphore_mem>>) {add = true}
    %dma_wait3A_125 = arith.constant 1 : i32
    %dma_wait3A_126 = arith.constant 79 : i32
    %dma_wait3A_127 = arith.constant 0 : i32
    %dma_wait3A_128 = arith.constant 0 : i32
    %dma_wait3A_129 = tpu.memref_slice %arg8[%dma_wait3A_125, %dma_wait3A_127, %dma_wait3A_128] : memref<2x64x128xf32, #tpu.memory_space<vmem>> -> memref<1x64x128xf32, #tpu.memory_space<vmem>>
    %dma_wait3A_130 = tpu.memref_squeeze %dma_wait3A_129 : memref<1x64x128xf32, #tpu.memory_space<vmem>> -> memref<64x128xf32, #tpu.memory_space<vmem>>
    %dma_wait3A_131 = arith.constant 0 : i32
    %dma_wait3A_132 = tpu.memref_slice %arg7[%dma_wait3A_126, %dma_wait3A_131] : memref<80x64xi32, #tpu.memory_space<vmem>> -> memref<1x64xi32, #tpu.memory_space<vmem>>
    %dma_wait3A_133 = tpu.memref_squeeze %dma_wait3A_132 : memref<1x64xi32, #tpu.memory_space<vmem>> -> memref<64xi32, #tpu.memory_space<vmem>>
    %dma_wait3A_134 = arith.constant 0 : i32
    %dma_wait3A_135 = arith.constant 0 : i32
    %dma_wait3A_136 = tpu.memref_slice %arg9[%dma_wait3A_134, %dma_wait3A_135] : memref<10240x128xf32, #tpu.memory_space<vmem_shared>> -> memref<10240x128xf32, #tpu.memory_space<vmem_shared>>
    tpu.wait_indirect_dma semaphore(%arg13 : memref<!tpu.dma_semaphore, #tpu.memory_space<semaphore_mem>>) src(%dma_wait3A_130 : memref<64x128xf32, #tpu.memory_space<vmem>>) dst(%dma_wait3A_136 : memref<10240x128xf32, #tpu.memory_space<vmem_shared>>)
    "tpu.region"() ({
      %run_scoped3A_300 = tpu.sem_alloc : memref<!tpu.dma_semaphore, #tpu.memory_space<semaphore_mem>>
      %dma_start3A_301 = arith.constant 80 : i32
      %dma_start3A_302 = arith.constant 0 : i32
      %dma_start3A_303 = tpu.memref_slice %arg3[%add3A, %dma_start3A_301, %dma_start3A_302] : memref<32x160x64xi32, #tpu.memory_space<hbm>> -> memref<1x80x64xi32, #tpu.memory_space<hbm>>
      %dma_start3A_304 = tpu.memref_squeeze %dma_start3A_303 : memref<1x80x64xi32, #tpu.memory_space<hbm>> -> memref<80x64xi32, #tpu.memory_space<hbm>>
      %dma_start3A_305 = arith.constant 80 : i32
      %dma_start3A_306 = arith.constant 0 : i32
      %dma_start3A_307 = tpu.memref_slice %arg3[%add3A, %dma_start3A_305, %dma_start3A_306] : memref<32x160x64xi32, #tpu.memory_space<hbm>> -> memref<1x80x64xi32, #tpu.memory_space<hbm>>
      %dma_start3A_308 = tpu.memref_squeeze %dma_start3A_307 : memref<1x80x64xi32, #tpu.memory_space<hbm>> -> memref<80x64xi32, #tpu.memory_space<hbm>>
      tpu.enqueue_dma source(%dma_start3A_308 : memref<80x64xi32, #tpu.memory_space<hbm>>) target(%arg6 : memref<80x64xi32, #tpu.memory_space<vmem>>) target_semaphore(%run_scoped3A_300 : memref<!tpu.dma_semaphore, #tpu.memory_space<semaphore_mem>>)
      %dma_wait3A_309 = arith.constant 80 : i32
      %dma_wait3A_310 = arith.constant 0 : i32
      %dma_wait3A_311 = tpu.memref_slice %arg3[%add3A, %dma_wait3A_309, %dma_wait3A_310] : memref<32x160x64xi32, #tpu.memory_space<hbm>> -> memref<1x80x64xi32, #tpu.memory_space<hbm>>
      %dma_wait3A_312 = tpu.memref_squeeze %dma_wait3A_311 : memref<1x80x64xi32, #tpu.memory_space<hbm>> -> memref<80x64xi32, #tpu.memory_space<hbm>>
      %dma_wait3A_313 = arith.constant 80 : i32
      %dma_wait3A_314 = arith.constant 0 : i32
      %dma_wait3A_315 = tpu.memref_slice %arg3[%add3A, %dma_wait3A_313, %dma_wait3A_314] : memref<32x160x64xi32, #tpu.memory_space<hbm>> -> memref<1x80x64xi32, #tpu.memory_space<hbm>>
      %dma_wait3A_316 = tpu.memref_squeeze %dma_wait3A_315 : memref<1x80x64xi32, #tpu.memory_space<hbm>> -> memref<80x64xi32, #tpu.memory_space<hbm>>
      tpu.wait_dma2 semaphore(%run_scoped3A_300 : memref<!tpu.dma_semaphore, #tpu.memory_space<semaphore_mem>>) src(%dma_wait3A_316 : memref<80x64xi32, #tpu.memory_space<hbm>>) dst(%arg6 : memref<80x64xi32, #tpu.memory_space<vmem>>)
      tpu.yield
    }) : () -> ()
    "tpu.region"() ({
      %run_scoped3A_300 = tpu.sem_alloc : memref<!tpu.dma_semaphore, #tpu.memory_space<semaphore_mem>>
      %dma_start3A_301 = arith.constant 80 : i32
      %dma_start3A_302 = arith.constant 0 : i32
      %dma_start3A_303 = tpu.memref_slice %arg4[%add3A, %dma_start3A_301, %dma_start3A_302] : memref<32x160x64xi32, #tpu.memory_space<hbm>> -> memref<1x80x64xi32, #tpu.memory_space<hbm>>
      %dma_start3A_304 = tpu.memref_squeeze %dma_start3A_303 : memref<1x80x64xi32, #tpu.memory_space<hbm>> -> memref<80x64xi32, #tpu.memory_space<hbm>>
      %dma_start3A_305 = arith.constant 80 : i32
      %dma_start3A_306 = arith.constant 0 : i32
      %dma_start3A_307 = tpu.memref_slice %arg4[%add3A, %dma_start3A_305, %dma_start3A_306] : memref<32x160x64xi32, #tpu.memory_space<hbm>> -> memref<1x80x64xi32, #tpu.memory_space<hbm>>
      %dma_start3A_308 = tpu.memref_squeeze %dma_start3A_307 : memref<1x80x64xi32, #tpu.memory_space<hbm>> -> memref<80x64xi32, #tpu.memory_space<hbm>>
      tpu.enqueue_dma source(%dma_start3A_308 : memref<80x64xi32, #tpu.memory_space<hbm>>) target(%arg7 : memref<80x64xi32, #tpu.memory_space<vmem>>) target_semaphore(%run_scoped3A_300 : memref<!tpu.dma_semaphore, #tpu.memory_space<semaphore_mem>>)
      %dma_wait3A_309 = arith.constant 80 : i32
      %dma_wait3A_310 = arith.constant 0 : i32
      %dma_wait3A_311 = tpu.memref_slice %arg4[%add3A, %dma_wait3A_309, %dma_wait3A_310] : memref<32x160x64xi32, #tpu.memory_space<hbm>> -> memref<1x80x64xi32, #tpu.memory_space<hbm>>
      %dma_wait3A_312 = tpu.memref_squeeze %dma_wait3A_311 : memref<1x80x64xi32, #tpu.memory_space<hbm>> -> memref<80x64xi32, #tpu.memory_space<hbm>>
      %dma_wait3A_313 = arith.constant 80 : i32
      %dma_wait3A_314 = arith.constant 0 : i32
      %dma_wait3A_315 = tpu.memref_slice %arg4[%add3A, %dma_wait3A_313, %dma_wait3A_314] : memref<32x160x64xi32, #tpu.memory_space<hbm>> -> memref<1x80x64xi32, #tpu.memory_space<hbm>>
      %dma_wait3A_316 = tpu.memref_squeeze %dma_wait3A_315 : memref<1x80x64xi32, #tpu.memory_space<hbm>> -> memref<80x64xi32, #tpu.memory_space<hbm>>
      tpu.wait_dma2 semaphore(%run_scoped3A_300 : memref<!tpu.dma_semaphore, #tpu.memory_space<semaphore_mem>>) src(%dma_wait3A_316 : memref<80x64xi32, #tpu.memory_space<hbm>>) dst(%arg7 : memref<80x64xi32, #tpu.memory_space<vmem>>)
      tpu.yield
    }) : () -> ()
    %dma_start3A_137 = arith.constant 0 : i32
    %dma_start3A_138 = arith.constant 0 : i32
    %dma_start3A_139 = arith.constant 0 : i32
    %dma_start3A_140 = arith.constant 0 : i32
    %dma_start3A_141 = tpu.memref_slice %arg8[%dma_start3A_138, %dma_start3A_139, %dma_start3A_140] : memref<2x64x128xf32, #tpu.memory_space<vmem>> -> memref<1x64x128xf32, #tpu.memory_space<vmem>>
    %dma_start3A_142 = tpu.memref_squeeze %dma_start3A_141 : memref<1x64x128xf32, #tpu.memory_space<vmem>> -> memref<64x128xf32, #tpu.memory_space<vmem>>
    %dma_start3A_143 = arith.constant 0 : i32
    %dma_start3A_144 = tpu.memref_slice %arg6[%dma_start3A_137, %dma_start3A_143] : memref<80x64xi32, #tpu.memory_space<vmem>> -> memref<1x64xi32, #tpu.memory_space<vmem>>
    %dma_start3A_145 = tpu.memref_squeeze %dma_start3A_144 : memref<1x64xi32, #tpu.memory_space<vmem>> -> memref<64xi32, #tpu.memory_space<vmem>>
    %dma_start3A_146 = arith.constant 0 : i32
    %dma_start3A_147 = arith.constant 0 : i32
    %dma_start3A_148 = tpu.memref_slice %arg2[%dma_start3A_146, %dma_start3A_147] : memref<10000x128xf32, #tpu.memory_space<hbm>> -> memref<10000x128xf32, #tpu.memory_space<hbm>>
    tpu.enqueue_indirect_dma source(%dma_start3A_148 : memref<10000x128xf32, #tpu.memory_space<hbm>>) target(%dma_start3A_142 : memref<64x128xf32, #tpu.memory_space<vmem>>) offsets(%dma_start3A_145 : memref<64xi32, #tpu.memory_space<vmem>>) semaphore(%arg10 : memref<!tpu.dma_semaphore, #tpu.memory_space<semaphore_mem>>)
    %dma_wait3A_149 = arith.constant 0 : i32
    %dma_wait3A_150 = arith.constant 0 : i32
    %dma_wait3A_151 = arith.constant 0 : i32
    %dma_wait3A_152 = arith.constant 0 : i32
    %dma_wait3A_153 = tpu.memref_slice %arg8[%dma_wait3A_150, %dma_wait3A_151, %dma_wait3A_152] : memref<2x64x128xf32, #tpu.memory_space<vmem>> -> memref<1x64x128xf32, #tpu.memory_space<vmem>>
    %dma_wait3A_154 = tpu.memref_squeeze %dma_wait3A_153 : memref<1x64x128xf32, #tpu.memory_space<vmem>> -> memref<64x128xf32, #tpu.memory_space<vmem>>
    %dma_wait3A_155 = arith.constant 0 : i32
    %dma_wait3A_156 = tpu.memref_slice %arg6[%dma_wait3A_149, %dma_wait3A_155] : memref<80x64xi32, #tpu.memory_space<vmem>> -> memref<1x64xi32, #tpu.memory_space<vmem>>
    %dma_wait3A_157 = tpu.memref_squeeze %dma_wait3A_156 : memref<1x64xi32, #tpu.memory_space<vmem>> -> memref<64xi32, #tpu.memory_space<vmem>>
    %dma_wait3A_158 = arith.constant 0 : i32
    %dma_wait3A_159 = arith.constant 0 : i32
    %dma_wait3A_160 = tpu.memref_slice %arg2[%dma_wait3A_158, %dma_wait3A_159] : memref<10000x128xf32, #tpu.memory_space<hbm>> -> memref<10000x128xf32, #tpu.memory_space<hbm>>
    tpu.wait_indirect_dma semaphore(%arg10 : memref<!tpu.dma_semaphore, #tpu.memory_space<semaphore_mem>>) src(%dma_wait3A_160 : memref<10000x128xf32, #tpu.memory_space<hbm>>) dst(%dma_wait3A_154 : memref<64x128xf32, #tpu.memory_space<vmem>>)
    %dma_start3A_161 = arith.constant 0 : i32
    %dma_start3A_162 = arith.constant 0 : i32
    %dma_start3A_163 = arith.constant 0 : i32
    %dma_start3A_164 = arith.constant 0 : i32
    %dma_start3A_165 = tpu.memref_slice %arg8[%dma_start3A_161, %dma_start3A_163, %dma_start3A_164] : memref<2x64x128xf32, #tpu.memory_space<vmem>> -> memref<1x64x128xf32, #tpu.memory_space<vmem>>
    %dma_start3A_166 = tpu.memref_squeeze %dma_start3A_165 : memref<1x64x128xf32, #tpu.memory_space<vmem>> -> memref<64x128xf32, #tpu.memory_space<vmem>>
    %dma_start3A_167 = arith.constant 0 : i32
    %dma_start3A_168 = tpu.memref_slice %arg7[%dma_start3A_162, %dma_start3A_167] : memref<80x64xi32, #tpu.memory_space<vmem>> -> memref<1x64xi32, #tpu.memory_space<vmem>>
    %dma_start3A_169 = tpu.memref_squeeze %dma_start3A_168 : memref<1x64xi32, #tpu.memory_space<vmem>> -> memref<64xi32, #tpu.memory_space<vmem>>
    %dma_start3A_170 = arith.constant 0 : i32
    %dma_start3A_171 = arith.constant 0 : i32
    %dma_start3A_172 = tpu.memref_slice %arg9[%dma_start3A_170, %dma_start3A_171] : memref<10240x128xf32, #tpu.memory_space<vmem_shared>> -> memref<10240x128xf32, #tpu.memory_space<vmem_shared>>
    tpu.enqueue_indirect_dma source(%dma_start3A_166 : memref<64x128xf32, #tpu.memory_space<vmem>>) target(%dma_start3A_172 : memref<10240x128xf32, #tpu.memory_space<vmem_shared>>) offsets(%dma_start3A_169 : memref<64xi32, #tpu.memory_space<vmem>>) semaphore(%arg12 : memref<!tpu.dma_semaphore, #tpu.memory_space<semaphore_mem>>) {add = true}
    %dma_start3A_173 = arith.constant 1 : i32
    %dma_start3A_174 = arith.constant 1 : i32
    %dma_start3A_175 = arith.constant 0 : i32
    %dma_start3A_176 = arith.constant 0 : i32
    %dma_start3A_177 = tpu.memref_slice %arg8[%dma_start3A_174, %dma_start3A_175, %dma_start3A_176] : memref<2x64x128xf32, #tpu.memory_space<vmem>> -> memref<1x64x128xf32, #tpu.memory_space<vmem>>
    %dma_start3A_178 = tpu.memref_squeeze %dma_start3A_177 : memref<1x64x128xf32, #tpu.memory_space<vmem>> -> memref<64x128xf32, #tpu.memory_space<vmem>>
    %dma_start3A_179 = arith.constant 0 : i32
    %dma_start3A_180 = tpu.memref_slice %arg6[%dma_start3A_173, %dma_start3A_179] : memref<80x64xi32, #tpu.memory_space<vmem>> -> memref<1x64xi32, #tpu.memory_space<vmem>>
    %dma_start3A_181 = tpu.memref_squeeze %dma_start3A_180 : memref<1x64xi32, #tpu.memory_space<vmem>> -> memref<64xi32, #tpu.memory_space<vmem>>
    %dma_start3A_182 = arith.constant 0 : i32
    %dma_start3A_183 = arith.constant 0 : i32
    %dma_start3A_184 = tpu.memref_slice %arg2[%dma_start3A_182, %dma_start3A_183] : memref<10000x128xf32, #tpu.memory_space<hbm>> -> memref<10000x128xf32, #tpu.memory_space<hbm>>
    tpu.enqueue_indirect_dma source(%dma_start3A_184 : memref<10000x128xf32, #tpu.memory_space<hbm>>) target(%dma_start3A_178 : memref<64x128xf32, #tpu.memory_space<vmem>>) offsets(%dma_start3A_181 : memref<64xi32, #tpu.memory_space<vmem>>) semaphore(%arg11 : memref<!tpu.dma_semaphore, #tpu.memory_space<semaphore_mem>>)
    %scan3A_185 = arith.constant 0 : i32
    %scan3A_186 = arith.constant 0 : i32
    %scan3A_187 = arith.constant 39 : i32
    %scan3A_188 = arith.addi %scan3A_186, %scan3A_187 : i32
    %scan3A_189 = arith.constant 1 : i32
    scf.for %scan3A_300 = %scan3A_186 to %scan3A_188 step %scan3A_189  : i32 {
      %mul3A_301 = arith.constant 2 : i32
      %mul3A_302 = arith.muli %mul3A_301, %scan3A_300 : i32
      %add3A_303 = arith.constant 1 : i32
      %add3A_304 = arith.addi %mul3A_302, %add3A_303 : i32
      %mul3A_305 = arith.constant 2 : i32
      %mul3A_306 = arith.muli %mul3A_305, %scan3A_300 : i32
      %add3A_307 = arith.constant 2 : i32
      %add3A_308 = arith.addi %mul3A_306, %add3A_307 : i32
      %mul3A_309 = arith.constant 2 : i32
      %mul3A_310 = arith.muli %mul3A_309, %scan3A_300 : i32
      %add3A_311 = arith.constant 3 : i32
      %add3A_312 = arith.addi %mul3A_310, %add3A_311 : i32
      %dma_wait3A_313 = arith.constant 1 : i32
      %dma_wait3A_314 = arith.constant 0 : i32
      %dma_wait3A_315 = arith.constant 0 : i32
      %dma_wait3A_316 = tpu.memref_slice %arg8[%dma_wait3A_313, %dma_wait3A_314, %dma_wait3A_315] : memref<2x64x128xf32, #tpu.memory_space<vmem>> -> memref<1x64x128xf32, #tpu.memory_space<vmem>>
      %dma_wait3A_317 = tpu.memref_squeeze %dma_wait3A_316 : memref<1x64x128xf32, #tpu.memory_space<vmem>> -> memref<64x128xf32, #tpu.memory_space<vmem>>
      %dma_wait3A_318 = arith.constant 0 : i32
      %dma_wait3A_319 = tpu.memref_slice %arg6[%add3A_304, %dma_wait3A_318] : memref<80x64xi32, #tpu.memory_space<vmem>> -> memref<1x64xi32, #tpu.memory_space<vmem>>
      %dma_wait3A_320 = tpu.memref_squeeze %dma_wait3A_319 : memref<1x64xi32, #tpu.memory_space<vmem>> -> memref<64xi32, #tpu.memory_space<vmem>>
      %dma_wait3A_321 = arith.constant 0 : i32
      %dma_wait3A_322 = arith.constant 0 : i32
      %dma_wait3A_323 = tpu.memref_slice %arg2[%dma_wait3A_321, %dma_wait3A_322] : memref<10000x128xf32, #tpu.memory_space<hbm>> -> memref<10000x128xf32, #tpu.memory_space<hbm>>
      tpu.wait_indirect_dma semaphore(%arg11 : memref<!tpu.dma_semaphore, #tpu.memory_space<semaphore_mem>>) src(%dma_wait3A_323 : memref<10000x128xf32, #tpu.memory_space<hbm>>) dst(%dma_wait3A_317 : memref<64x128xf32, #tpu.memory_space<vmem>>)
      %sub3A = arith.constant 2 : i32
      %sub3A_324 = arith.subi %add3A_308, %sub3A : i32
      %dma_wait3A_325 = arith.constant 0 : i32
      %dma_wait3A_326 = arith.constant 0 : i32
      %dma_wait3A_327 = arith.constant 0 : i32
      %dma_wait3A_328 = tpu.memref_slice %arg8[%dma_wait3A_325, %dma_wait3A_326, %dma_wait3A_327] : memref<2x64x128xf32, #tpu.memory_space<vmem>> -> memref<1x64x128xf32, #tpu.memory_space<vmem>>
      %dma_wait3A_329 = tpu.memref_squeeze %dma_wait3A_328 : memref<1x64x128xf32, #tpu.memory_space<vmem>> -> memref<64x128xf32, #tpu.memory_space<vmem>>
      %dma_wait3A_330 = arith.constant 0 : i32
      %dma_wait3A_331 = tpu.memref_slice %arg7[%sub3A_324, %dma_wait3A_330] : memref<80x64xi32, #tpu.memory_space<vmem>> -> memref<1x64xi32, #tpu.memory_space<vmem>>
      %dma_wait3A_332 = tpu.memref_squeeze %dma_wait3A_331 : memref<1x64xi32, #tpu.memory_space<vmem>> -> memref<64xi32, #tpu.memory_space<vmem>>
      %dma_wait3A_333 = arith.constant 0 : i32
      %dma_wait3A_334 = arith.constant 0 : i32
      %dma_wait3A_335 = tpu.memref_slice %arg9[%dma_wait3A_333, %dma_wait3A_334] : memref<10240x128xf32, #tpu.memory_space<vmem_shared>> -> memref<10240x128xf32, #tpu.memory_space<vmem_shared>>
      tpu.wait_indirect_dma semaphore(%arg12 : memref<!tpu.dma_semaphore, #tpu.memory_space<semaphore_mem>>) src(%dma_wait3A_329 : memref<64x128xf32, #tpu.memory_space<vmem>>) dst(%dma_wait3A_335 : memref<10240x128xf32, #tpu.memory_space<vmem_shared>>)
      %dma_start3A_336 = arith.constant 0 : i32
      %dma_start3A_337 = arith.constant 0 : i32
      %dma_start3A_338 = arith.constant 0 : i32
      %dma_start3A_339 = tpu.memref_slice %arg8[%dma_start3A_336, %dma_start3A_337, %dma_start3A_338] : memref<2x64x128xf32, #tpu.memory_space<vmem>> -> memref<1x64x128xf32, #tpu.memory_space<vmem>>
      %dma_start3A_340 = tpu.memref_squeeze %dma_start3A_339 : memref<1x64x128xf32, #tpu.memory_space<vmem>> -> memref<64x128xf32, #tpu.memory_space<vmem>>
      %dma_start3A_341 = arith.constant 0 : i32
      %dma_start3A_342 = tpu.memref_slice %arg6[%add3A_308, %dma_start3A_341] : memref<80x64xi32, #tpu.memory_space<vmem>> -> memref<1x64xi32, #tpu.memory_space<vmem>>
      %dma_start3A_343 = tpu.memref_squeeze %dma_start3A_342 : memref<1x64xi32, #tpu.memory_space<vmem>> -> memref<64xi32, #tpu.memory_space<vmem>>
      %dma_start3A_344 = arith.constant 0 : i32
      %dma_start3A_345 = arith.constant 0 : i32
      %dma_start3A_346 = tpu.memref_slice %arg2[%dma_start3A_344, %dma_start3A_345] : memref<10000x128xf32, #tpu.memory_space<hbm>> -> memref<10000x128xf32, #tpu.memory_space<hbm>>
      tpu.enqueue_indirect_dma source(%dma_start3A_346 : memref<10000x128xf32, #tpu.memory_space<hbm>>) target(%dma_start3A_340 : memref<64x128xf32, #tpu.memory_space<vmem>>) offsets(%dma_start3A_343 : memref<64xi32, #tpu.memory_space<vmem>>) semaphore(%arg10 : memref<!tpu.dma_semaphore, #tpu.memory_space<semaphore_mem>>)
      %dma_start3A_347 = arith.constant 1 : i32
      %dma_start3A_348 = arith.constant 0 : i32
      %dma_start3A_349 = arith.constant 0 : i32
      %dma_start3A_350 = tpu.memref_slice %arg8[%dma_start3A_347, %dma_start3A_348, %dma_start3A_349] : memref<2x64x128xf32, #tpu.memory_space<vmem>> -> memref<1x64x128xf32, #tpu.memory_space<vmem>>
      %dma_start3A_351 = tpu.memref_squeeze %dma_start3A_350 : memref<1x64x128xf32, #tpu.memory_space<vmem>> -> memref<64x128xf32, #tpu.memory_space<vmem>>
      %dma_start3A_352 = arith.constant 0 : i32
      %dma_start3A_353 = tpu.memref_slice %arg7[%add3A_304, %dma_start3A_352] : memref<80x64xi32, #tpu.memory_space<vmem>> -> memref<1x64xi32, #tpu.memory_space<vmem>>
      %dma_start3A_354 = tpu.memref_squeeze %dma_start3A_353 : memref<1x64xi32, #tpu.memory_space<vmem>> -> memref<64xi32, #tpu.memory_space<vmem>>
      %dma_start3A_355 = arith.constant 0 : i32
      %dma_start3A_356 = arith.constant 0 : i32
      %dma_start3A_357 = tpu.memref_slice %arg9[%dma_start3A_355, %dma_start3A_356] : memref<10240x128xf32, #tpu.memory_space<vmem_shared>> -> memref<10240x128xf32, #tpu.memory_space<vmem_shared>>
      tpu.enqueue_indirect_dma source(%dma_start3A_351 : memref<64x128xf32, #tpu.memory_space<vmem>>) target(%dma_start3A_357 : memref<10240x128xf32, #tpu.memory_space<vmem_shared>>) offsets(%dma_start3A_354 : memref<64xi32, #tpu.memory_space<vmem>>) semaphore(%arg13 : memref<!tpu.dma_semaphore, #tpu.memory_space<semaphore_mem>>) {add = true}
      %dma_wait3A_358 = arith.constant 0 : i32
      %dma_wait3A_359 = arith.constant 0 : i32
      %dma_wait3A_360 = arith.constant 0 : i32
      %dma_wait3A_361 = tpu.memref_slice %arg8[%dma_wait3A_358, %dma_wait3A_359, %dma_wait3A_360] : memref<2x64x128xf32, #tpu.memory_space<vmem>> -> memref<1x64x128xf32, #tpu.memory_space<vmem>>
      %dma_wait3A_362 = tpu.memref_squeeze %dma_wait3A_361 : memref<1x64x128xf32, #tpu.memory_space<vmem>> -> memref<64x128xf32, #tpu.memory_space<vmem>>
      %dma_wait3A_363 = arith.constant 0 : i32
      %dma_wait3A_364 = tpu.memref_slice %arg6[%add3A_308, %dma_wait3A_363] : memref<80x64xi32, #tpu.memory_space<vmem>> -> memref<1x64xi32, #tpu.memory_space<vmem>>
      %dma_wait3A_365 = tpu.memref_squeeze %dma_wait3A_364 : memref<1x64xi32, #tpu.memory_space<vmem>> -> memref<64xi32, #tpu.memory_space<vmem>>
      %dma_wait3A_366 = arith.constant 0 : i32
      %dma_wait3A_367 = arith.constant 0 : i32
      %dma_wait3A_368 = tpu.memref_slice %arg2[%dma_wait3A_366, %dma_wait3A_367] : memref<10000x128xf32, #tpu.memory_space<hbm>> -> memref<10000x128xf32, #tpu.memory_space<hbm>>
      tpu.wait_indirect_dma semaphore(%arg10 : memref<!tpu.dma_semaphore, #tpu.memory_space<semaphore_mem>>) src(%dma_wait3A_368 : memref<10000x128xf32, #tpu.memory_space<hbm>>) dst(%dma_wait3A_362 : memref<64x128xf32, #tpu.memory_space<vmem>>)
      %dma_wait3A_369 = arith.constant 1 : i32
      %dma_wait3A_370 = arith.constant 0 : i32
      %dma_wait3A_371 = arith.constant 0 : i32
      %dma_wait3A_372 = tpu.memref_slice %arg8[%dma_wait3A_369, %dma_wait3A_370, %dma_wait3A_371] : memref<2x64x128xf32, #tpu.memory_space<vmem>> -> memref<1x64x128xf32, #tpu.memory_space<vmem>>
      %dma_wait3A_373 = tpu.memref_squeeze %dma_wait3A_372 : memref<1x64x128xf32, #tpu.memory_space<vmem>> -> memref<64x128xf32, #tpu.memory_space<vmem>>
      %dma_wait3A_374 = arith.constant 0 : i32
      %dma_wait3A_375 = tpu.memref_slice %arg7[%add3A_304, %dma_wait3A_374] : memref<80x64xi32, #tpu.memory_space<vmem>> -> memref<1x64xi32, #tpu.memory_space<vmem>>
      %dma_wait3A_376 = tpu.memref_squeeze %dma_wait3A_375 : memref<1x64xi32, #tpu.memory_space<vmem>> -> memref<64xi32, #tpu.memory_space<vmem>>
      %dma_wait3A_377 = arith.constant 0 : i32
      %dma_wait3A_378 = arith.constant 0 : i32
      %dma_wait3A_379 = tpu.memref_slice %arg9[%dma_wait3A_377, %dma_wait3A_378] : memref<10240x128xf32, #tpu.memory_space<vmem_shared>> -> memref<10240x128xf32, #tpu.memory_space<vmem_shared>>
      tpu.wait_indirect_dma semaphore(%arg13 : memref<!tpu.dma_semaphore, #tpu.memory_space<semaphore_mem>>) src(%dma_wait3A_373 : memref<64x128xf32, #tpu.memory_space<vmem>>) dst(%dma_wait3A_379 : memref<10240x128xf32, #tpu.memory_space<vmem_shared>>)
      %dma_start3A_380 = arith.constant 1 : i32
      %dma_start3A_381 = arith.constant 0 : i32
      %dma_start3A_382 = arith.constant 0 : i32
      %dma_start3A_383 = tpu.memref_slice %arg8[%dma_start3A_380, %dma_start3A_381, %dma_start3A_382] : memref<2x64x128xf32, #tpu.memory_space<vmem>> -> memref<1x64x128xf32, #tpu.memory_space<vmem>>
      %dma_start3A_384 = tpu.memref_squeeze %dma_start3A_383 : memref<1x64x128xf32, #tpu.memory_space<vmem>> -> memref<64x128xf32, #tpu.memory_space<vmem>>
      %dma_start3A_385 = arith.constant 0 : i32
      %dma_start3A_386 = tpu.memref_slice %arg6[%add3A_312, %dma_start3A_385] : memref<80x64xi32, #tpu.memory_space<vmem>> -> memref<1x64xi32, #tpu.memory_space<vmem>>
      %dma_start3A_387 = tpu.memref_squeeze %dma_start3A_386 : memref<1x64xi32, #tpu.memory_space<vmem>> -> memref<64xi32, #tpu.memory_space<vmem>>
      %dma_start3A_388 = arith.constant 0 : i32
      %dma_start3A_389 = arith.constant 0 : i32
      %dma_start3A_390 = tpu.memref_slice %arg2[%dma_start3A_388, %dma_start3A_389] : memref<10000x128xf32, #tpu.memory_space<hbm>> -> memref<10000x128xf32, #tpu.memory_space<hbm>>
      tpu.enqueue_indirect_dma source(%dma_start3A_390 : memref<10000x128xf32, #tpu.memory_space<hbm>>) target(%dma_start3A_384 : memref<64x128xf32, #tpu.memory_space<vmem>>) offsets(%dma_start3A_387 : memref<64xi32, #tpu.memory_space<vmem>>) semaphore(%arg11 : memref<!tpu.dma_semaphore, #tpu.memory_space<semaphore_mem>>)
      %dma_start3A_391 = arith.constant 0 : i32
      %dma_start3A_392 = arith.constant 0 : i32
      %dma_start3A_393 = arith.constant 0 : i32
      %dma_start3A_394 = tpu.memref_slice %arg8[%dma_start3A_391, %dma_start3A_392, %dma_start3A_393] : memref<2x64x128xf32, #tpu.memory_space<vmem>> -> memref<1x64x128xf32, #tpu.memory_space<vmem>>
      %dma_start3A_395 = tpu.memref_squeeze %dma_start3A_394 : memref<1x64x128xf32, #tpu.memory_space<vmem>> -> memref<64x128xf32, #tpu.memory_space<vmem>>
      %dma_start3A_396 = arith.constant 0 : i32
      %dma_start3A_397 = tpu.memref_slice %arg7[%add3A_308, %dma_start3A_396] : memref<80x64xi32, #tpu.memory_space<vmem>> -> memref<1x64xi32, #tpu.memory_space<vmem>>
      %dma_start3A_398 = tpu.memref_squeeze %dma_start3A_397 : memref<1x64xi32, #tpu.memory_space<vmem>> -> memref<64xi32, #tpu.memory_space<vmem>>
      %dma_start3A_399 = arith.constant 0 : i32
      %dma_start3A_400 = arith.constant 0 : i32
      %dma_start3A_401 = tpu.memref_slice %arg9[%dma_start3A_399, %dma_start3A_400] : memref<10240x128xf32, #tpu.memory_space<vmem_shared>> -> memref<10240x128xf32, #tpu.memory_space<vmem_shared>>
      tpu.enqueue_indirect_dma source(%dma_start3A_395 : memref<64x128xf32, #tpu.memory_space<vmem>>) target(%dma_start3A_401 : memref<10240x128xf32, #tpu.memory_space<vmem_shared>>) offsets(%dma_start3A_398 : memref<64xi32, #tpu.memory_space<vmem>>) semaphore(%arg12 : memref<!tpu.dma_semaphore, #tpu.memory_space<semaphore_mem>>) {add = true}
    }
    %scan3A_190 = arith.constant 39 : i32
    %dma_wait3A_191 = arith.constant 79 : i32
    %dma_wait3A_192 = arith.constant 1 : i32
    %dma_wait3A_193 = arith.constant 0 : i32
    %dma_wait3A_194 = arith.constant 0 : i32
    %dma_wait3A_195 = tpu.memref_slice %arg8[%dma_wait3A_192, %dma_wait3A_193, %dma_wait3A_194] : memref<2x64x128xf32, #tpu.memory_space<vmem>> -> memref<1x64x128xf32, #tpu.memory_space<vmem>>
    %dma_wait3A_196 = tpu.memref_squeeze %dma_wait3A_195 : memref<1x64x128xf32, #tpu.memory_space<vmem>> -> memref<64x128xf32, #tpu.memory_space<vmem>>
    %dma_wait3A_197 = arith.constant 0 : i32
    %dma_wait3A_198 = tpu.memref_slice %arg6[%dma_wait3A_191, %dma_wait3A_197] : memref<80x64xi32, #tpu.memory_space<vmem>> -> memref<1x64xi32, #tpu.memory_space<vmem>>
    %dma_wait3A_199 = tpu.memref_squeeze %dma_wait3A_198 : memref<1x64xi32, #tpu.memory_space<vmem>> -> memref<64xi32, #tpu.memory_space<vmem>>
    %dma_wait3A_200 = arith.constant 0 : i32
    %dma_wait3A_201 = arith.constant 0 : i32
    %dma_wait3A_202 = tpu.memref_slice %arg2[%dma_wait3A_200, %dma_wait3A_201] : memref<10000x128xf32, #tpu.memory_space<hbm>> -> memref<10000x128xf32, #tpu.memory_space<hbm>>
    tpu.wait_indirect_dma semaphore(%arg11 : memref<!tpu.dma_semaphore, #tpu.memory_space<semaphore_mem>>) src(%dma_wait3A_202 : memref<10000x128xf32, #tpu.memory_space<hbm>>) dst(%dma_wait3A_196 : memref<64x128xf32, #tpu.memory_space<vmem>>)
    %dma_wait3A_203 = arith.constant 0 : i32
    %dma_wait3A_204 = arith.constant 78 : i32
    %dma_wait3A_205 = arith.constant 0 : i32
    %dma_wait3A_206 = arith.constant 0 : i32
    %dma_wait3A_207 = tpu.memref_slice %arg8[%dma_wait3A_203, %dma_wait3A_205, %dma_wait3A_206] : memref<2x64x128xf32, #tpu.memory_space<vmem>> -> memref<1x64x128xf32, #tpu.memory_space<vmem>>
    %dma_wait3A_208 = tpu.memref_squeeze %dma_wait3A_207 : memref<1x64x128xf32, #tpu.memory_space<vmem>> -> memref<64x128xf32, #tpu.memory_space<vmem>>
    %dma_wait3A_209 = arith.constant 0 : i32
    %dma_wait3A_210 = tpu.memref_slice %arg7[%dma_wait3A_204, %dma_wait3A_209] : memref<80x64xi32, #tpu.memory_space<vmem>> -> memref<1x64xi32, #tpu.memory_space<vmem>>
    %dma_wait3A_211 = tpu.memref_squeeze %dma_wait3A_210 : memref<1x64xi32, #tpu.memory_space<vmem>> -> memref<64xi32, #tpu.memory_space<vmem>>
    %dma_wait3A_212 = arith.constant 0 : i32
    %dma_wait3A_213 = arith.constant 0 : i32
    %dma_wait3A_214 = tpu.memref_slice %arg9[%dma_wait3A_212, %dma_wait3A_213] : memref<10240x128xf32, #tpu.memory_space<vmem_shared>> -> memref<10240x128xf32, #tpu.memory_space<vmem_shared>>
    tpu.wait_indirect_dma semaphore(%arg12 : memref<!tpu.dma_semaphore, #tpu.memory_space<semaphore_mem>>) src(%dma_wait3A_208 : memref<64x128xf32, #tpu.memory_space<vmem>>) dst(%dma_wait3A_214 : memref<10240x128xf32, #tpu.memory_space<vmem_shared>>)
    %dma_start3A_215 = arith.constant 1 : i32
    %dma_start3A_216 = arith.constant 79 : i32
    %dma_start3A_217 = arith.constant 0 : i32
    %dma_start3A_218 = arith.constant 0 : i32
    %dma_start3A_219 = tpu.memref_slice %arg8[%dma_start3A_215, %dma_start3A_217, %dma_start3A_218] : memref<2x64x128xf32, #tpu.memory_space<vmem>> -> memref<1x64x128xf32, #tpu.memory_space<vmem>>
    %dma_start3A_220 = tpu.memref_squeeze %dma_start3A_219 : memref<1x64x128xf32, #tpu.memory_space<vmem>> -> memref<64x128xf32, #tpu.memory_space<vmem>>
    %dma_start3A_221 = arith.constant 0 : i32
    %dma_start3A_222 = tpu.memref_slice %arg7[%dma_start3A_216, %dma_start3A_221] : memref<80x64xi32, #tpu.memory_space<vmem>> -> memref<1x64xi32, #tpu.memory_space<vmem>>
    %dma_start3A_223 = tpu.memref_squeeze %dma_start3A_222 : memref<1x64xi32, #tpu.memory_space<vmem>> -> memref<64xi32, #tpu.memory_space<vmem>>
    %dma_start3A_224 = arith.constant 0 : i32
    %dma_start3A_225 = arith.constant 0 : i32
    %dma_start3A_226 = tpu.memref_slice %arg9[%dma_start3A_224, %dma_start3A_225] : memref<10240x128xf32, #tpu.memory_space<vmem_shared>> -> memref<10240x128xf32, #tpu.memory_space<vmem_shared>>
    tpu.enqueue_indirect_dma source(%dma_start3A_220 : memref<64x128xf32, #tpu.memory_space<vmem>>) target(%dma_start3A_226 : memref<10240x128xf32, #tpu.memory_space<vmem_shared>>) offsets(%dma_start3A_223 : memref<64xi32, #tpu.memory_space<vmem>>) semaphore(%arg13 : memref<!tpu.dma_semaphore, #tpu.memory_space<semaphore_mem>>) {add = true}
    %dma_wait3A_227 = arith.constant 1 : i32
    %dma_wait3A_228 = arith.constant 79 : i32
    %dma_wait3A_229 = arith.constant 0 : i32
    %dma_wait3A_230 = arith.constant 0 : i32
    %dma_wait3A_231 = tpu.memref_slice %arg8[%dma_wait3A_227, %dma_wait3A_229, %dma_wait3A_230] : memref<2x64x128xf32, #tpu.memory_space<vmem>> -> memref<1x64x128xf32, #tpu.memory_space<vmem>>
    %dma_wait3A_232 = tpu.memref_squeeze %dma_wait3A_231 : memref<1x64x128xf32, #tpu.memory_space<vmem>> -> memref<64x128xf32, #tpu.memory_space<vmem>>
    %dma_wait3A_233 = arith.constant 0 : i32
    %dma_wait3A_234 = tpu.memref_slice %arg7[%dma_wait3A_228, %dma_wait3A_233] : memref<80x64xi32, #tpu.memory_space<vmem>> -> memref<1x64xi32, #tpu.memory_space<vmem>>
    %dma_wait3A_235 = tpu.memref_squeeze %dma_wait3A_234 : memref<1x64xi32, #tpu.memory_space<vmem>> -> memref<64xi32, #tpu.memory_space<vmem>>
    %dma_wait3A_236 = arith.constant 0 : i32
    %dma_wait3A_237 = arith.constant 0 : i32
    %dma_wait3A_238 = tpu.memref_slice %arg9[%dma_wait3A_236, %dma_wait3A_237] : memref<10240x128xf32, #tpu.memory_space<vmem_shared>> -> memref<10240x128xf32, #tpu.memory_space<vmem_shared>>
    tpu.wait_indirect_dma semaphore(%arg13 : memref<!tpu.dma_semaphore, #tpu.memory_space<semaphore_mem>>) src(%dma_wait3A_232 : memref<64x128xf32, #tpu.memory_space<vmem>>) dst(%dma_wait3A_238 : memref<10240x128xf32, #tpu.memory_space<vmem_shared>>)
    %barrier3A_239 = arith.constant 0 : index
    tpu.barrier barrier_id(%barrier3A_239)
    %add3A_240 = arith.constant 0 : i32
    %add3A_241 = arith.addi %mul3A_2, %add3A_240 : i32
    %run_scoped3A_242 = arith.constant 0 : i32
    "tpu.region"() ({
      %run_scoped3A_300 = tpu.sem_alloc : memref<!tpu.dma_semaphore, #tpu.memory_space<semaphore_mem>>
      %dma_start3A_301 = arith.constant 0 : i32
      %dma_start3A_302 = arith.constant 0 : i32
      %dma_start3A_303 = tpu.memref_slice %arg8[%run_scoped3A_242, %dma_start3A_301, %dma_start3A_302] : memref<2x64x128xf32, #tpu.memory_space<vmem>> -> memref<1x64x128xf32, #tpu.memory_space<vmem>>
      %dma_start3A_304 = tpu.memref_squeeze %dma_start3A_303 : memref<1x64x128xf32, #tpu.memory_space<vmem>> -> memref<64x128xf32, #tpu.memory_space<vmem>>
      %dma_start3A_305 = arith.constant 0 : i32
      %dma_start3A_306 = tpu.memref_slice %arg9[%add3A_241, %dma_start3A_305] : memref<10240x128xf32, #tpu.memory_space<vmem_shared>> -> memref<64x128xf32, #tpu.memory_space<vmem_shared>>
      %dma_start3A_307 = arith.constant 0 : i32
      %dma_start3A_308 = arith.constant 0 : i32
      %dma_start3A_309 = tpu.memref_slice %arg8[%run_scoped3A_242, %dma_start3A_307, %dma_start3A_308] : memref<2x64x128xf32, #tpu.memory_space<vmem>> -> memref<1x64x128xf32, #tpu.memory_space<vmem>>
      %dma_start3A_310 = tpu.memref_squeeze %dma_start3A_309 : memref<1x64x128xf32, #tpu.memory_space<vmem>> -> memref<64x128xf32, #tpu.memory_space<vmem>>
      %dma_start3A_311 = arith.constant 0 : i32
      %dma_start3A_312 = tpu.memref_slice %arg9[%add3A_241, %dma_start3A_311] : memref<10240x128xf32, #tpu.memory_space<vmem_shared>> -> memref<64x128xf32, #tpu.memory_space<vmem_shared>>
      tpu.enqueue_dma source(%dma_start3A_312 : memref<64x128xf32, #tpu.memory_space<vmem_shared>>) target(%dma_start3A_310 : memref<64x128xf32, #tpu.memory_space<vmem>>) target_semaphore(%run_scoped3A_300 : memref<!tpu.dma_semaphore, #tpu.memory_space<semaphore_mem>>)
      %dma_wait3A_313 = arith.constant 0 : i32
      %dma_wait3A_314 = arith.constant 0 : i32
      %dma_wait3A_315 = tpu.memref_slice %arg8[%run_scoped3A_242, %dma_wait3A_313, %dma_wait3A_314] : memref<2x64x128xf32, #tpu.memory_space<vmem>> -> memref<1x64x128xf32, #tpu.memory_space<vmem>>
      %dma_wait3A_316 = tpu.memref_squeeze %dma_wait3A_315 : memref<1x64x128xf32, #tpu.memory_space<vmem>> -> memref<64x128xf32, #tpu.memory_space<vmem>>
      %dma_wait3A_317 = arith.constant 0 : i32
      %dma_wait3A_318 = tpu.memref_slice %arg9[%add3A_241, %dma_wait3A_317] : memref<10240x128xf32, #tpu.memory_space<vmem_shared>> -> memref<64x128xf32, #tpu.memory_space<vmem_shared>>
      %dma_wait3A_319 = arith.constant 0 : i32
      %dma_wait3A_320 = arith.constant 0 : i32
      %dma_wait3A_321 = tpu.memref_slice %arg8[%run_scoped3A_242, %dma_wait3A_319, %dma_wait3A_320] : memref<2x64x128xf32, #tpu.memory_space<vmem>> -> memref<1x64x128xf32, #tpu.memory_space<vmem>>
      %dma_wait3A_322 = tpu.memref_squeeze %dma_wait3A_321 : memref<1x64x128xf32, #tpu.memory_space<vmem>> -> memref<64x128xf32, #tpu.memory_space<vmem>>
      %dma_wait3A_323 = arith.constant 0 : i32
      %dma_wait3A_324 = tpu.memref_slice %arg9[%add3A_241, %dma_wait3A_323] : memref<10240x128xf32, #tpu.memory_space<vmem_shared>> -> memref<64x128xf32, #tpu.memory_space<vmem_shared>>
      tpu.wait_dma2 semaphore(%run_scoped3A_300 : memref<!tpu.dma_semaphore, #tpu.memory_space<semaphore_mem>>) src(%dma_wait3A_324 : memref<64x128xf32, #tpu.memory_space<vmem_shared>>) dst(%dma_wait3A_322 : memref<64x128xf32, #tpu.memory_space<vmem>>)
      tpu.yield
    }) : () -> ()
    %add3A_243 = arith.constant 0 : i32
    %add3A_244 = arith.addi %mul3A_2, %add3A_243 : i32
    %run_scoped3A_245 = arith.constant 0 : i32
    "tpu.region"() ({
      %run_scoped3A_300 = tpu.sem_alloc : memref<!tpu.dma_semaphore, #tpu.memory_space<semaphore_mem>>
      %dma_start3A_301 = arith.constant 0 : i32
      %dma_start3A_302 = arith.constant 0 : i32
      %dma_start3A_303 = tpu.memref_slice %arg8[%run_scoped3A_245, %dma_start3A_301, %dma_start3A_302] : memref<2x64x128xf32, #tpu.memory_space<vmem>> -> memref<1x64x128xf32, #tpu.memory_space<vmem>>
      %dma_start3A_304 = tpu.memref_squeeze %dma_start3A_303 : memref<1x64x128xf32, #tpu.memory_space<vmem>> -> memref<64x128xf32, #tpu.memory_space<vmem>>
      %dma_start3A_305 = arith.constant 0 : i32
      %dma_start3A_306 = tpu.memref_slice %arg5[%arg0, %add3A_244, %dma_start3A_305] : memref<2x10240x128xf32, #tpu.memory_space<hbm>> -> memref<1x64x128xf32, #tpu.memory_space<hbm>>
      %dma_start3A_307 = tpu.memref_squeeze %dma_start3A_306 : memref<1x64x128xf32, #tpu.memory_space<hbm>> -> memref<64x128xf32, #tpu.memory_space<hbm>>
      %dma_start3A_308 = arith.constant 0 : i32
      %dma_start3A_309 = tpu.memref_slice %arg5[%arg0, %add3A_244, %dma_start3A_308] : memref<2x10240x128xf32, #tpu.memory_space<hbm>> -> memref<1x64x128xf32, #tpu.memory_space<hbm>>
      %dma_start3A_310 = tpu.memref_squeeze %dma_start3A_309 : memref<1x64x128xf32, #tpu.memory_space<hbm>> -> memref<64x128xf32, #tpu.memory_space<hbm>>
      %dma_start3A_311 = arith.constant 0 : i32
      %dma_start3A_312 = arith.constant 0 : i32
      %dma_start3A_313 = tpu.memref_slice %arg8[%run_scoped3A_245, %dma_start3A_311, %dma_start3A_312] : memref<2x64x128xf32, #tpu.memory_space<vmem>> -> memref<1x64x128xf32, #tpu.memory_space<vmem>>
      %dma_start3A_314 = tpu.memref_squeeze %dma_start3A_313 : memref<1x64x128xf32, #tpu.memory_space<vmem>> -> memref<64x128xf32, #tpu.memory_space<vmem>>
      tpu.enqueue_dma source(%dma_start3A_314 : memref<64x128xf32, #tpu.memory_space<vmem>>) target(%dma_start3A_310 : memref<64x128xf32, #tpu.memory_space<hbm>>) target_semaphore(%run_scoped3A_300 : memref<!tpu.dma_semaphore, #tpu.memory_space<semaphore_mem>>)
      %dma_wait3A_315 = arith.constant 0 : i32
      %dma_wait3A_316 = arith.constant 0 : i32
      %dma_wait3A_317 = tpu.memref_slice %arg8[%run_scoped3A_245, %dma_wait3A_315, %dma_wait3A_316] : memref<2x64x128xf32, #tpu.memory_space<vmem>> -> memref<1x64x128xf32, #tpu.memory_space<vmem>>
      %dma_wait3A_318 = tpu.memref_squeeze %dma_wait3A_317 : memref<1x64x128xf32, #tpu.memory_space<vmem>> -> memref<64x128xf32, #tpu.memory_space<vmem>>
      %dma_wait3A_319 = arith.constant 0 : i32
      %dma_wait3A_320 = tpu.memref_slice %arg5[%arg0, %add3A_244, %dma_wait3A_319] : memref<2x10240x128xf32, #tpu.memory_space<hbm>> -> memref<1x64x128xf32, #tpu.memory_space<hbm>>
      %dma_wait3A_321 = tpu.memref_squeeze %dma_wait3A_320 : memref<1x64x128xf32, #tpu.memory_space<hbm>> -> memref<64x128xf32, #tpu.memory_space<hbm>>
      %dma_wait3A_322 = arith.constant 0 : i32
      %dma_wait3A_323 = tpu.memref_slice %arg5[%arg0, %add3A_244, %dma_wait3A_322] : memref<2x10240x128xf32, #tpu.memory_space<hbm>> -> memref<1x64x128xf32, #tpu.memory_space<hbm>>
      %dma_wait3A_324 = tpu.memref_squeeze %dma_wait3A_323 : memref<1x64x128xf32, #tpu.memory_space<hbm>> -> memref<64x128xf32, #tpu.memory_space<hbm>>
      %dma_wait3A_325 = arith.constant 0 : i32
      %dma_wait3A_326 = arith.constant 0 : i32
      %dma_wait3A_327 = tpu.memref_slice %arg8[%run_scoped3A_245, %dma_wait3A_325, %dma_wait3A_326] : memref<2x64x128xf32, #tpu.memory_space<vmem>> -> memref<1x64x128xf32, #tpu.memory_space<vmem>>
      %dma_wait3A_328 = tpu.memref_squeeze %dma_wait3A_327 : memref<1x64x128xf32, #tpu.memory_space<vmem>> -> memref<64x128xf32, #tpu.memory_space<vmem>>
      tpu.wait_dma2 semaphore(%run_scoped3A_300 : memref<!tpu.dma_semaphore, #tpu.memory_space<semaphore_mem>>) src(%dma_wait3A_328 : memref<64x128xf32, #tpu.memory_space<vmem>>) dst(%dma_wait3A_324 : memref<64x128xf32, #tpu.memory_space<hbm>>)
      tpu.yield
    }) : () -> ()
    %add3A_246 = arith.constant 64 : i32
    %add3A_247 = arith.addi %mul3A_2, %add3A_246 : i32
    %run_scoped3A_248 = arith.constant 0 : i32
    "tpu.region"() ({
      %run_scoped3A_300 = tpu.sem_alloc : memref<!tpu.dma_semaphore, #tpu.memory_space<semaphore_mem>>
      %dma_start3A_301 = arith.constant 0 : i32
      %dma_start3A_302 = arith.constant 0 : i32
      %dma_start3A_303 = tpu.memref_slice %arg8[%run_scoped3A_248, %dma_start3A_301, %dma_start3A_302] : memref<2x64x128xf32, #tpu.memory_space<vmem>> -> memref<1x64x128xf32, #tpu.memory_space<vmem>>
      %dma_start3A_304 = tpu.memref_squeeze %dma_start3A_303 : memref<1x64x128xf32, #tpu.memory_space<vmem>> -> memref<64x128xf32, #tpu.memory_space<vmem>>
      %dma_start3A_305 = arith.constant 0 : i32
      %dma_start3A_306 = tpu.memref_slice %arg9[%add3A_247, %dma_start3A_305] : memref<10240x128xf32, #tpu.memory_space<vmem_shared>> -> memref<64x128xf32, #tpu.memory_space<vmem_shared>>
      %dma_start3A_307 = arith.constant 0 : i32
      %dma_start3A_308 = arith.constant 0 : i32
      %dma_start3A_309 = tpu.memref_slice %arg8[%run_scoped3A_248, %dma_start3A_307, %dma_start3A_308] : memref<2x64x128xf32, #tpu.memory_space<vmem>> -> memref<1x64x128xf32, #tpu.memory_space<vmem>>
      %dma_start3A_310 = tpu.memref_squeeze %dma_start3A_309 : memref<1x64x128xf32, #tpu.memory_space<vmem>> -> memref<64x128xf32, #tpu.memory_space<vmem>>
      %dma_start3A_311 = arith.constant 0 : i32
      %dma_start3A_312 = tpu.memref_slice %arg9[%add3A_247, %dma_start3A_311] : memref<10240x128xf32, #tpu.memory_space<vmem_shared>> -> memref<64x128xf32, #tpu.memory_space<vmem_shared>>
      tpu.enqueue_dma source(%dma_start3A_312 : memref<64x128xf32, #tpu.memory_space<vmem_shared>>) target(%dma_start3A_310 : memref<64x128xf32, #tpu.memory_space<vmem>>) target_semaphore(%run_scoped3A_300 : memref<!tpu.dma_semaphore, #tpu.memory_space<semaphore_mem>>)
      %dma_wait3A_313 = arith.constant 0 : i32
      %dma_wait3A_314 = arith.constant 0 : i32
      %dma_wait3A_315 = tpu.memref_slice %arg8[%run_scoped3A_248, %dma_wait3A_313, %dma_wait3A_314] : memref<2x64x128xf32, #tpu.memory_space<vmem>> -> memref<1x64x128xf32, #tpu.memory_space<vmem>>
      %dma_wait3A_316 = tpu.memref_squeeze %dma_wait3A_315 : memref<1x64x128xf32, #tpu.memory_space<vmem>> -> memref<64x128xf32, #tpu.memory_space<vmem>>
      %dma_wait3A_317 = arith.constant 0 : i32
      %dma_wait3A_318 = tpu.memref_slice %arg9[%add3A_247, %dma_wait3A_317] : memref<10240x128xf32, #tpu.memory_space<vmem_shared>> -> memref<64x128xf32, #tpu.memory_space<vmem_shared>>
      %dma_wait3A_319 = arith.constant 0 : i32
      %dma_wait3A_320 = arith.constant 0 : i32
      %dma_wait3A_321 = tpu.memref_slice %arg8[%run_scoped3A_248, %dma_wait3A_319, %dma_wait3A_320] : memref<2x64x128xf32, #tpu.memory_space<vmem>> -> memref<1x64x128xf32, #tpu.memory_space<vmem>>
      %dma_wait3A_322 = tpu.memref_squeeze %dma_wait3A_321 : memref<1x64x128xf32, #tpu.memory_space<vmem>> -> memref<64x128xf32, #tpu.memory_space<vmem>>
      %dma_wait3A_323 = arith.constant 0 : i32
      %dma_wait3A_324 = tpu.memref_slice %arg9[%add3A_247, %dma_wait3A_323] : memref<10240x128xf32, #tpu.memory_space<vmem_shared>> -> memref<64x128xf32, #tpu.memory_space<vmem_shared>>
      tpu.wait_dma2 semaphore(%run_scoped3A_300 : memref<!tpu.dma_semaphore, #tpu.memory_space<semaphore_mem>>) src(%dma_wait3A_324 : memref<64x128xf32, #tpu.memory_space<vmem_shared>>) dst(%dma_wait3A_322 : memref<64x128xf32, #tpu.memory_space<vmem>>)
      tpu.yield
    }) : () -> ()
    %add3A_249 = arith.constant 64 : i32
    %add3A_250 = arith.addi %mul3A_2, %add3A_249 : i32
    %run_scoped3A_251 = arith.constant 0 : i32
    "tpu.region"() ({
      %run_scoped3A_300 = tpu.sem_alloc : memref<!tpu.dma_semaphore, #tpu.memory_space<semaphore_mem>>
      %dma_start3A_301 = arith.constant 0 : i32
      %dma_start3A_302 = arith.constant 0 : i32
      %dma_start3A_303 = tpu.memref_slice %arg8[%run_scoped3A_251, %dma_start3A_301, %dma_start3A_302] : memref<2x64x128xf32, #tpu.memory_space<vmem>> -> memref<1x64x128xf32, #tpu.memory_space<vmem>>
      %dma_start3A_304 = tpu.memref_squeeze %dma_start3A_303 : memref<1x64x128xf32, #tpu.memory_space<vmem>> -> memref<64x128xf32, #tpu.memory_space<vmem>>
      %dma_start3A_305 = arith.constant 0 : i32
      %dma_start3A_306 = tpu.memref_slice %arg5[%arg0, %add3A_250, %dma_start3A_305] : memref<2x10240x128xf32, #tpu.memory_space<hbm>> -> memref<1x64x128xf32, #tpu.memory_space<hbm>>
      %dma_start3A_307 = tpu.memref_squeeze %dma_start3A_306 : memref<1x64x128xf32, #tpu.memory_space<hbm>> -> memref<64x128xf32, #tpu.memory_space<hbm>>
      %dma_start3A_308 = arith.constant 0 : i32
      %dma_start3A_309 = tpu.memref_slice %arg5[%arg0, %add3A_250, %dma_start3A_308] : memref<2x10240x128xf32, #tpu.memory_space<hbm>> -> memref<1x64x128xf32, #tpu.memory_space<hbm>>
      %dma_start3A_310 = tpu.memref_squeeze %dma_start3A_309 : memref<1x64x128xf32, #tpu.memory_space<hbm>> -> memref<64x128xf32, #tpu.memory_space<hbm>>
      %dma_start3A_311 = arith.constant 0 : i32
      %dma_start3A_312 = arith.constant 0 : i32
      %dma_start3A_313 = tpu.memref_slice %arg8[%run_scoped3A_251, %dma_start3A_311, %dma_start3A_312] : memref<2x64x128xf32, #tpu.memory_space<vmem>> -> memref<1x64x128xf32, #tpu.memory_space<vmem>>
      %dma_start3A_314 = tpu.memref_squeeze %dma_start3A_313 : memref<1x64x128xf32, #tpu.memory_space<vmem>> -> memref<64x128xf32, #tpu.memory_space<vmem>>
      tpu.enqueue_dma source(%dma_start3A_314 : memref<64x128xf32, #tpu.memory_space<vmem>>) target(%dma_start3A_310 : memref<64x128xf32, #tpu.memory_space<hbm>>) target_semaphore(%run_scoped3A_300 : memref<!tpu.dma_semaphore, #tpu.memory_space<semaphore_mem>>)
      %dma_wait3A_315 = arith.constant 0 : i32
      %dma_wait3A_316 = arith.constant 0 : i32
      %dma_wait3A_317 = tpu.memref_slice %arg8[%run_scoped3A_251, %dma_wait3A_315, %dma_wait3A_316] : memref<2x64x128xf32, #tpu.memory_space<vmem>> -> memref<1x64x128xf32, #tpu.memory_space<vmem>>
      %dma_wait3A_318 = tpu.memref_squeeze %dma_wait3A_317 : memref<1x64x128xf32, #tpu.memory_space<vmem>> -> memref<64x128xf32, #tpu.memory_space<vmem>>
      %dma_wait3A_319 = arith.constant 0 : i32
      %dma_wait3A_320 = tpu.memref_slice %arg5[%arg0, %add3A_250, %dma_wait3A_319] : memref<2x10240x128xf32, #tpu.memory_space<hbm>> -> memref<1x64x128xf32, #tpu.memory_space<hbm>>
      %dma_wait3A_321 = tpu.memref_squeeze %dma_wait3A_320 : memref<1x64x128xf32, #tpu.memory_space<hbm>> -> memref<64x128xf32, #tpu.memory_space<hbm>>
      %dma_wait3A_322 = arith.constant 0 : i32
      %dma_wait3A_323 = tpu.memref_slice %arg5[%arg0, %add3A_250, %dma_wait3A_322] : memref<2x10240x128xf32, #tpu.memory_space<hbm>> -> memref<1x64x128xf32, #tpu.memory_space<hbm>>
      %dma_wait3A_324 = tpu.memref_squeeze %dma_wait3A_323 : memref<1x64x128xf32, #tpu.memory_space<hbm>> -> memref<64x128xf32, #tpu.memory_space<hbm>>
      %dma_wait3A_325 = arith.constant 0 : i32
      %dma_wait3A_326 = arith.constant 0 : i32
      %dma_wait3A_327 = tpu.memref_slice %arg8[%run_scoped3A_251, %dma_wait3A_325, %dma_wait3A_326] : memref<2x64x128xf32, #tpu.memory_space<vmem>> -> memref<1x64x128xf32, #tpu.memory_space<vmem>>
      %dma_wait3A_328 = tpu.memref_squeeze %dma_wait3A_327 : memref<1x64x128xf32, #tpu.memory_space<vmem>> -> memref<64x128xf32, #tpu.memory_space<vmem>>
      tpu.wait_dma2 semaphore(%run_scoped3A_300 : memref<!tpu.dma_semaphore, #tpu.memory_space<semaphore_mem>>) src(%dma_wait3A_328 : memref<64x128xf32, #tpu.memory_space<vmem>>) dst(%dma_wait3A_324 : memref<64x128xf32, #tpu.memory_space<hbm>>)
      tpu.yield
    }) : () -> ()
    %add3A_252 = arith.constant 128 : i32
    %add3A_253 = arith.addi %mul3A_2, %add3A_252 : i32
    %run_scoped3A_254 = arith.constant 0 : i32
    "tpu.region"() ({
      %run_scoped3A_300 = tpu.sem_alloc : memref<!tpu.dma_semaphore, #tpu.memory_space<semaphore_mem>>
      %dma_start3A_301 = arith.constant 0 : i32
      %dma_start3A_302 = arith.constant 0 : i32
      %dma_start3A_303 = tpu.memref_slice %arg8[%run_scoped3A_254, %dma_start3A_301, %dma_start3A_302] : memref<2x64x128xf32, #tpu.memory_space<vmem>> -> memref<1x64x128xf32, #tpu.memory_space<vmem>>
      %dma_start3A_304 = tpu.memref_squeeze %dma_start3A_303 : memref<1x64x128xf32, #tpu.memory_space<vmem>> -> memref<64x128xf32, #tpu.memory_space<vmem>>
      %dma_start3A_305 = arith.constant 0 : i32
      %dma_start3A_306 = tpu.memref_slice %arg9[%add3A_253, %dma_start3A_305] : memref<10240x128xf32, #tpu.memory_space<vmem_shared>> -> memref<64x128xf32, #tpu.memory_space<vmem_shared>>
      %dma_start3A_307 = arith.constant 0 : i32
      %dma_start3A_308 = arith.constant 0 : i32
      %dma_start3A_309 = tpu.memref_slice %arg8[%run_scoped3A_254, %dma_start3A_307, %dma_start3A_308] : memref<2x64x128xf32, #tpu.memory_space<vmem>> -> memref<1x64x128xf32, #tpu.memory_space<vmem>>
      %dma_start3A_310 = tpu.memref_squeeze %dma_start3A_309 : memref<1x64x128xf32, #tpu.memory_space<vmem>> -> memref<64x128xf32, #tpu.memory_space<vmem>>
      %dma_start3A_311 = arith.constant 0 : i32
      %dma_start3A_312 = tpu.memref_slice %arg9[%add3A_253, %dma_start3A_311] : memref<10240x128xf32, #tpu.memory_space<vmem_shared>> -> memref<64x128xf32, #tpu.memory_space<vmem_shared>>
      tpu.enqueue_dma source(%dma_start3A_312 : memref<64x128xf32, #tpu.memory_space<vmem_shared>>) target(%dma_start3A_310 : memref<64x128xf32, #tpu.memory_space<vmem>>) target_semaphore(%run_scoped3A_300 : memref<!tpu.dma_semaphore, #tpu.memory_space<semaphore_mem>>)
      %dma_wait3A_313 = arith.constant 0 : i32
      %dma_wait3A_314 = arith.constant 0 : i32
      %dma_wait3A_315 = tpu.memref_slice %arg8[%run_scoped3A_254, %dma_wait3A_313, %dma_wait3A_314] : memref<2x64x128xf32, #tpu.memory_space<vmem>> -> memref<1x64x128xf32, #tpu.memory_space<vmem>>
      %dma_wait3A_316 = tpu.memref_squeeze %dma_wait3A_315 : memref<1x64x128xf32, #tpu.memory_space<vmem>> -> memref<64x128xf32, #tpu.memory_space<vmem>>
      %dma_wait3A_317 = arith.constant 0 : i32
      %dma_wait3A_318 = tpu.memref_slice %arg9[%add3A_253, %dma_wait3A_317] : memref<10240x128xf32, #tpu.memory_space<vmem_shared>> -> memref<64x128xf32, #tpu.memory_space<vmem_shared>>
      %dma_wait3A_319 = arith.constant 0 : i32
      %dma_wait3A_320 = arith.constant 0 : i32
      %dma_wait3A_321 = tpu.memref_slice %arg8[%run_scoped3A_254, %dma_wait3A_319, %dma_wait3A_320] : memref<2x64x128xf32, #tpu.memory_space<vmem>> -> memref<1x64x128xf32, #tpu.memory_space<vmem>>
      %dma_wait3A_322 = tpu.memref_squeeze %dma_wait3A_321 : memref<1x64x128xf32, #tpu.memory_space<vmem>> -> memref<64x128xf32, #tpu.memory_space<vmem>>
      %dma_wait3A_323 = arith.constant 0 : i32
      %dma_wait3A_324 = tpu.memref_slice %arg9[%add3A_253, %dma_wait3A_323] : memref<10240x128xf32, #tpu.memory_space<vmem_shared>> -> memref<64x128xf32, #tpu.memory_space<vmem_shared>>
      tpu.wait_dma2 semaphore(%run_scoped3A_300 : memref<!tpu.dma_semaphore, #tpu.memory_space<semaphore_mem>>) src(%dma_wait3A_324 : memref<64x128xf32, #tpu.memory_space<vmem_shared>>) dst(%dma_wait3A_322 : memref<64x128xf32, #tpu.memory_space<vmem>>)
      tpu.yield
    }) : () -> ()
    %add3A_255 = arith.constant 128 : i32
    %add3A_256 = arith.addi %mul3A_2, %add3A_255 : i32
    %run_scoped3A_257 = arith.constant 0 : i32
    "tpu.region"() ({
      %run_scoped3A_300 = tpu.sem_alloc : memref<!tpu.dma_semaphore, #tpu.memory_space<semaphore_mem>>
      %dma_start3A_301 = arith.constant 0 : i32
      %dma_start3A_302 = arith.constant 0 : i32
      %dma_start3A_303 = tpu.memref_slice %arg8[%run_scoped3A_257, %dma_start3A_301, %dma_start3A_302] : memref<2x64x128xf32, #tpu.memory_space<vmem>> -> memref<1x64x128xf32, #tpu.memory_space<vmem>>
      %dma_start3A_304 = tpu.memref_squeeze %dma_start3A_303 : memref<1x64x128xf32, #tpu.memory_space<vmem>> -> memref<64x128xf32, #tpu.memory_space<vmem>>
      %dma_start3A_305 = arith.constant 0 : i32
      %dma_start3A_306 = tpu.memref_slice %arg5[%arg0, %add3A_256, %dma_start3A_305] : memref<2x10240x128xf32, #tpu.memory_space<hbm>> -> memref<1x64x128xf32, #tpu.memory_space<hbm>>
      %dma_start3A_307 = tpu.memref_squeeze %dma_start3A_306 : memref<1x64x128xf32, #tpu.memory_space<hbm>> -> memref<64x128xf32, #tpu.memory_space<hbm>>
      %dma_start3A_308 = arith.constant 0 : i32
      %dma_start3A_309 = tpu.memref_slice %arg5[%arg0, %add3A_256, %dma_start3A_308] : memref<2x10240x128xf32, #tpu.memory_space<hbm>> -> memref<1x64x128xf32, #tpu.memory_space<hbm>>
      %dma_start3A_310 = tpu.memref_squeeze %dma_start3A_309 : memref<1x64x128xf32, #tpu.memory_space<hbm>> -> memref<64x128xf32, #tpu.memory_space<hbm>>
      %dma_start3A_311 = arith.constant 0 : i32
      %dma_start3A_312 = arith.constant 0 : i32
      %dma_start3A_313 = tpu.memref_slice %arg8[%run_scoped3A_257, %dma_start3A_311, %dma_start3A_312] : memref<2x64x128xf32, #tpu.memory_space<vmem>> -> memref<1x64x128xf32, #tpu.memory_space<vmem>>
      %dma_start3A_314 = tpu.memref_squeeze %dma_start3A_313 : memref<1x64x128xf32, #tpu.memory_space<vmem>> -> memref<64x128xf32, #tpu.memory_space<vmem>>
      tpu.enqueue_dma source(%dma_start3A_314 : memref<64x128xf32, #tpu.memory_space<vmem>>) target(%dma_start3A_310 : memref<64x128xf32, #tpu.memory_space<hbm>>) target_semaphore(%run_scoped3A_300 : memref<!tpu.dma_semaphore, #tpu.memory_space<semaphore_mem>>)
      %dma_wait3A_315 = arith.constant 0 : i32
      %dma_wait3A_316 = arith.constant 0 : i32
      %dma_wait3A_317 = tpu.memref_slice %arg8[%run_scoped3A_257, %dma_wait3A_315, %dma_wait3A_316] : memref<2x64x128xf32, #tpu.memory_space<vmem>> -> memref<1x64x128xf32, #tpu.memory_space<vmem>>
      %dma_wait3A_318 = tpu.memref_squeeze %dma_wait3A_317 : memref<1x64x128xf32, #tpu.memory_space<vmem>> -> memref<64x128xf32, #tpu.memory_space<vmem>>
      %dma_wait3A_319 = arith.constant 0 : i32
      %dma_wait3A_320 = tpu.memref_slice %arg5[%arg0, %add3A_256, %dma_wait3A_319] : memref<2x10240x128xf32, #tpu.memory_space<hbm>> -> memref<1x64x128xf32, #tpu.memory_space<hbm>>
      %dma_wait3A_321 = tpu.memref_squeeze %dma_wait3A_320 : memref<1x64x128xf32, #tpu.memory_space<hbm>> -> memref<64x128xf32, #tpu.memory_space<hbm>>
      %dma_wait3A_322 = arith.constant 0 : i32
      %dma_wait3A_323 = tpu.memref_slice %arg5[%arg0, %add3A_256, %dma_wait3A_322] : memref<2x10240x128xf32, #tpu.memory_space<hbm>> -> memref<1x64x128xf32, #tpu.memory_space<hbm>>
      %dma_wait3A_324 = tpu.memref_squeeze %dma_wait3A_323 : memref<1x64x128xf32, #tpu.memory_space<hbm>> -> memref<64x128xf32, #tpu.memory_space<hbm>>
      %dma_wait3A_325 = arith.constant 0 : i32
      %dma_wait3A_326 = arith.constant 0 : i32
      %dma_wait3A_327 = tpu.memref_slice %arg8[%run_scoped3A_257, %dma_wait3A_325, %dma_wait3A_326] : memref<2x64x128xf32, #tpu.memory_space<vmem>> -> memref<1x64x128xf32, #tpu.memory_space<vmem>>
      %dma_wait3A_328 = tpu.memref_squeeze %dma_wait3A_327 : memref<1x64x128xf32, #tpu.memory_space<vmem>> -> memref<64x128xf32, #tpu.memory_space<vmem>>
      tpu.wait_dma2 semaphore(%run_scoped3A_300 : memref<!tpu.dma_semaphore, #tpu.memory_space<semaphore_mem>>) src(%dma_wait3A_328 : memref<64x128xf32, #tpu.memory_space<vmem>>) dst(%dma_wait3A_324 : memref<64x128xf32, #tpu.memory_space<hbm>>)
      tpu.yield
    }) : () -> ()
    %add3A_258 = arith.constant 192 : i32
    %add3A_259 = arith.addi %mul3A_2, %add3A_258 : i32
    %run_scoped3A_260 = arith.constant 0 : i32
    "tpu.region"() ({
      %run_scoped3A_300 = tpu.sem_alloc : memref<!tpu.dma_semaphore, #tpu.memory_space<semaphore_mem>>
      %dma_start3A_301 = arith.constant 0 : i32
      %dma_start3A_302 = arith.constant 0 : i32
      %dma_start3A_303 = tpu.memref_slice %arg8[%run_scoped3A_260, %dma_start3A_301, %dma_start3A_302] : memref<2x64x128xf32, #tpu.memory_space<vmem>> -> memref<1x64x128xf32, #tpu.memory_space<vmem>>
      %dma_start3A_304 = tpu.memref_squeeze %dma_start3A_303 : memref<1x64x128xf32, #tpu.memory_space<vmem>> -> memref<64x128xf32, #tpu.memory_space<vmem>>
      %dma_start3A_305 = arith.constant 0 : i32
      %dma_start3A_306 = tpu.memref_slice %arg9[%add3A_259, %dma_start3A_305] : memref<10240x128xf32, #tpu.memory_space<vmem_shared>> -> memref<64x128xf32, #tpu.memory_space<vmem_shared>>
      %dma_start3A_307 = arith.constant 0 : i32
      %dma_start3A_308 = arith.constant 0 : i32
      %dma_start3A_309 = tpu.memref_slice %arg8[%run_scoped3A_260, %dma_start3A_307, %dma_start3A_308] : memref<2x64x128xf32, #tpu.memory_space<vmem>> -> memref<1x64x128xf32, #tpu.memory_space<vmem>>
      %dma_start3A_310 = tpu.memref_squeeze %dma_start3A_309 : memref<1x64x128xf32, #tpu.memory_space<vmem>> -> memref<64x128xf32, #tpu.memory_space<vmem>>
      %dma_start3A_311 = arith.constant 0 : i32
      %dma_start3A_312 = tpu.memref_slice %arg9[%add3A_259, %dma_start3A_311] : memref<10240x128xf32, #tpu.memory_space<vmem_shared>> -> memref<64x128xf32, #tpu.memory_space<vmem_shared>>
      tpu.enqueue_dma source(%dma_start3A_312 : memref<64x128xf32, #tpu.memory_space<vmem_shared>>) target(%dma_start3A_310 : memref<64x128xf32, #tpu.memory_space<vmem>>) target_semaphore(%run_scoped3A_300 : memref<!tpu.dma_semaphore, #tpu.memory_space<semaphore_mem>>)
      %dma_wait3A_313 = arith.constant 0 : i32
      %dma_wait3A_314 = arith.constant 0 : i32
      %dma_wait3A_315 = tpu.memref_slice %arg8[%run_scoped3A_260, %dma_wait3A_313, %dma_wait3A_314] : memref<2x64x128xf32, #tpu.memory_space<vmem>> -> memref<1x64x128xf32, #tpu.memory_space<vmem>>
      %dma_wait3A_316 = tpu.memref_squeeze %dma_wait3A_315 : memref<1x64x128xf32, #tpu.memory_space<vmem>> -> memref<64x128xf32, #tpu.memory_space<vmem>>
      %dma_wait3A_317 = arith.constant 0 : i32
      %dma_wait3A_318 = tpu.memref_slice %arg9[%add3A_259, %dma_wait3A_317] : memref<10240x128xf32, #tpu.memory_space<vmem_shared>> -> memref<64x128xf32, #tpu.memory_space<vmem_shared>>
      %dma_wait3A_319 = arith.constant 0 : i32
      %dma_wait3A_320 = arith.constant 0 : i32
      %dma_wait3A_321 = tpu.memref_slice %arg8[%run_scoped3A_260, %dma_wait3A_319, %dma_wait3A_320] : memref<2x64x128xf32, #tpu.memory_space<vmem>> -> memref<1x64x128xf32, #tpu.memory_space<vmem>>
      %dma_wait3A_322 = tpu.memref_squeeze %dma_wait3A_321 : memref<1x64x128xf32, #tpu.memory_space<vmem>> -> memref<64x128xf32, #tpu.memory_space<vmem>>
      %dma_wait3A_323 = arith.constant 0 : i32
      %dma_wait3A_324 = tpu.memref_slice %arg9[%add3A_259, %dma_wait3A_323] : memref<10240x128xf32, #tpu.memory_space<vmem_shared>> -> memref<64x128xf32, #tpu.memory_space<vmem_shared>>
      tpu.wait_dma2 semaphore(%run_scoped3A_300 : memref<!tpu.dma_semaphore, #tpu.memory_space<semaphore_mem>>) src(%dma_wait3A_324 : memref<64x128xf32, #tpu.memory_space<vmem_shared>>) dst(%dma_wait3A_322 : memref<64x128xf32, #tpu.memory_space<vmem>>)
      tpu.yield
    }) : () -> ()
    %add3A_261 = arith.constant 192 : i32
    %add3A_262 = arith.addi %mul3A_2, %add3A_261 : i32
    %run_scoped3A_263 = arith.constant 0 : i32
    "tpu.region"() ({
      %run_scoped3A_300 = tpu.sem_alloc : memref<!tpu.dma_semaphore, #tpu.memory_space<semaphore_mem>>
      %dma_start3A_301 = arith.constant 0 : i32
      %dma_start3A_302 = arith.constant 0 : i32
      %dma_start3A_303 = tpu.memref_slice %arg8[%run_scoped3A_263, %dma_start3A_301, %dma_start3A_302] : memref<2x64x128xf32, #tpu.memory_space<vmem>> -> memref<1x64x128xf32, #tpu.memory_space<vmem>>
      %dma_start3A_304 = tpu.memref_squeeze %dma_start3A_303 : memref<1x64x128xf32, #tpu.memory_space<vmem>> -> memref<64x128xf32, #tpu.memory_space<vmem>>
      %dma_start3A_305 = arith.constant 0 : i32
      %dma_start3A_306 = tpu.memref_slice %arg5[%arg0, %add3A_262, %dma_start3A_305] : memref<2x10240x128xf32, #tpu.memory_space<hbm>> -> memref<1x64x128xf32, #tpu.memory_space<hbm>>
      %dma_start3A_307 = tpu.memref_squeeze %dma_start3A_306 : memref<1x64x128xf32, #tpu.memory_space<hbm>> -> memref<64x128xf32, #tpu.memory_space<hbm>>
      %dma_start3A_308 = arith.constant 0 : i32
      %dma_start3A_309 = tpu.memref_slice %arg5[%arg0, %add3A_262, %dma_start3A_308] : memref<2x10240x128xf32, #tpu.memory_space<hbm>> -> memref<1x64x128xf32, #tpu.memory_space<hbm>>
      %dma_start3A_310 = tpu.memref_squeeze %dma_start3A_309 : memref<1x64x128xf32, #tpu.memory_space<hbm>> -> memref<64x128xf32, #tpu.memory_space<hbm>>
      %dma_start3A_311 = arith.constant 0 : i32
      %dma_start3A_312 = arith.constant 0 : i32
      %dma_start3A_313 = tpu.memref_slice %arg8[%run_scoped3A_263, %dma_start3A_311, %dma_start3A_312] : memref<2x64x128xf32, #tpu.memory_space<vmem>> -> memref<1x64x128xf32, #tpu.memory_space<vmem>>
      %dma_start3A_314 = tpu.memref_squeeze %dma_start3A_313 : memref<1x64x128xf32, #tpu.memory_space<vmem>> -> memref<64x128xf32, #tpu.memory_space<vmem>>
      tpu.enqueue_dma source(%dma_start3A_314 : memref<64x128xf32, #tpu.memory_space<vmem>>) target(%dma_start3A_310 : memref<64x128xf32, #tpu.memory_space<hbm>>) target_semaphore(%run_scoped3A_300 : memref<!tpu.dma_semaphore, #tpu.memory_space<semaphore_mem>>)
      %dma_wait3A_315 = arith.constant 0 : i32
      %dma_wait3A_316 = arith.constant 0 : i32
      %dma_wait3A_317 = tpu.memref_slice %arg8[%run_scoped3A_263, %dma_wait3A_315, %dma_wait3A_316] : memref<2x64x128xf32, #tpu.memory_space<vmem>> -> memref<1x64x128xf32, #tpu.memory_space<vmem>>
      %dma_wait3A_318 = tpu.memref_squeeze %dma_wait3A_317 : memref<1x64x128xf32, #tpu.memory_space<vmem>> -> memref<64x128xf32, #tpu.memory_space<vmem>>
      %dma_wait3A_319 = arith.constant 0 : i32
      %dma_wait3A_320 = tpu.memref_slice %arg5[%arg0, %add3A_262, %dma_wait3A_319] : memref<2x10240x128xf32, #tpu.memory_space<hbm>> -> memref<1x64x128xf32, #tpu.memory_space<hbm>>
      %dma_wait3A_321 = tpu.memref_squeeze %dma_wait3A_320 : memref<1x64x128xf32, #tpu.memory_space<hbm>> -> memref<64x128xf32, #tpu.memory_space<hbm>>
      %dma_wait3A_322 = arith.constant 0 : i32
      %dma_wait3A_323 = tpu.memref_slice %arg5[%arg0, %add3A_262, %dma_wait3A_322] : memref<2x10240x128xf32, #tpu.memory_space<hbm>> -> memref<1x64x128xf32, #tpu.memory_space<hbm>>
      %dma_wait3A_324 = tpu.memref_squeeze %dma_wait3A_323 : memref<1x64x128xf32, #tpu.memory_space<hbm>> -> memref<64x128xf32, #tpu.memory_space<hbm>>
      %dma_wait3A_325 = arith.constant 0 : i32
      %dma_wait3A_326 = arith.constant 0 : i32
      %dma_wait3A_327 = tpu.memref_slice %arg8[%run_scoped3A_263, %dma_wait3A_325, %dma_wait3A_326] : memref<2x64x128xf32, #tpu.memory_space<vmem>> -> memref<1x64x128xf32, #tpu.memory_space<vmem>>
      %dma_wait3A_328 = tpu.memref_squeeze %dma_wait3A_327 : memref<1x64x128xf32, #tpu.memory_space<vmem>> -> memref<64x128xf32, #tpu.memory_space<vmem>>
      tpu.wait_dma2 semaphore(%run_scoped3A_300 : memref<!tpu.dma_semaphore, #tpu.memory_space<semaphore_mem>>) src(%dma_wait3A_328 : memref<64x128xf32, #tpu.memory_space<vmem>>) dst(%dma_wait3A_324 : memref<64x128xf32, #tpu.memory_space<hbm>>)
      tpu.yield
    }) : () -> ()
    %add3A_264 = arith.constant 256 : i32
    %add3A_265 = arith.addi %mul3A_2, %add3A_264 : i32
    %run_scoped3A_266 = arith.constant 0 : i32
    "tpu.region"() ({
      %run_scoped3A_300 = tpu.sem_alloc : memref<!tpu.dma_semaphore, #tpu.memory_space<semaphore_mem>>
      %dma_start3A_301 = arith.constant 0 : i32
      %dma_start3A_302 = arith.constant 0 : i32
      %dma_start3A_303 = tpu.memref_slice %arg8[%run_scoped3A_266, %dma_start3A_301, %dma_start3A_302] : memref<2x64x128xf32, #tpu.memory_space<vmem>> -> memref<1x64x128xf32, #tpu.memory_space<vmem>>
      %dma_start3A_304 = tpu.memref_squeeze %dma_start3A_303 : memref<1x64x128xf32, #tpu.memory_space<vmem>> -> memref<64x128xf32, #tpu.memory_space<vmem>>
      %dma_start3A_305 = arith.constant 0 : i32
      %dma_start3A_306 = tpu.memref_slice %arg9[%add3A_265, %dma_start3A_305] : memref<10240x128xf32, #tpu.memory_space<vmem_shared>> -> memref<64x128xf32, #tpu.memory_space<vmem_shared>>
      %dma_start3A_307 = arith.constant 0 : i32
      %dma_start3A_308 = arith.constant 0 : i32
      %dma_start3A_309 = tpu.memref_slice %arg8[%run_scoped3A_266, %dma_start3A_307, %dma_start3A_308] : memref<2x64x128xf32, #tpu.memory_space<vmem>> -> memref<1x64x128xf32, #tpu.memory_space<vmem>>
      %dma_start3A_310 = tpu.memref_squeeze %dma_start3A_309 : memref<1x64x128xf32, #tpu.memory_space<vmem>> -> memref<64x128xf32, #tpu.memory_space<vmem>>
      %dma_start3A_311 = arith.constant 0 : i32
      %dma_start3A_312 = tpu.memref_slice %arg9[%add3A_265, %dma_start3A_311] : memref<10240x128xf32, #tpu.memory_space<vmem_shared>> -> memref<64x128xf32, #tpu.memory_space<vmem_shared>>
      tpu.enqueue_dma source(%dma_start3A_312 : memref<64x128xf32, #tpu.memory_space<vmem_shared>>) target(%dma_start3A_310 : memref<64x128xf32, #tpu.memory_space<vmem>>) target_semaphore(%run_scoped3A_300 : memref<!tpu.dma_semaphore, #tpu.memory_space<semaphore_mem>>)
      %dma_wait3A_313 = arith.constant 0 : i32
      %dma_wait3A_314 = arith.constant 0 : i32
      %dma_wait3A_315 = tpu.memref_slice %arg8[%run_scoped3A_266, %dma_wait3A_313, %dma_wait3A_314] : memref<2x64x128xf32, #tpu.memory_space<vmem>> -> memref<1x64x128xf32, #tpu.memory_space<vmem>>
      %dma_wait3A_316 = tpu.memref_squeeze %dma_wait3A_315 : memref<1x64x128xf32, #tpu.memory_space<vmem>> -> memref<64x128xf32, #tpu.memory_space<vmem>>
      %dma_wait3A_317 = arith.constant 0 : i32
      %dma_wait3A_318 = tpu.memref_slice %arg9[%add3A_265, %dma_wait3A_317] : memref<10240x128xf32, #tpu.memory_space<vmem_shared>> -> memref<64x128xf32, #tpu.memory_space<vmem_shared>>
      %dma_wait3A_319 = arith.constant 0 : i32
      %dma_wait3A_320 = arith.constant 0 : i32
      %dma_wait3A_321 = tpu.memref_slice %arg8[%run_scoped3A_266, %dma_wait3A_319, %dma_wait3A_320] : memref<2x64x128xf32, #tpu.memory_space<vmem>> -> memref<1x64x128xf32, #tpu.memory_space<vmem>>
      %dma_wait3A_322 = tpu.memref_squeeze %dma_wait3A_321 : memref<1x64x128xf32, #tpu.memory_space<vmem>> -> memref<64x128xf32, #tpu.memory_space<vmem>>
      %dma_wait3A_323 = arith.constant 0 : i32
      %dma_wait3A_324 = tpu.memref_slice %arg9[%add3A_265, %dma_wait3A_323] : memref<10240x128xf32, #tpu.memory_space<vmem_shared>> -> memref<64x128xf32, #tpu.memory_space<vmem_shared>>
      tpu.wait_dma2 semaphore(%run_scoped3A_300 : memref<!tpu.dma_semaphore, #tpu.memory_space<semaphore_mem>>) src(%dma_wait3A_324 : memref<64x128xf32, #tpu.memory_space<vmem_shared>>) dst(%dma_wait3A_322 : memref<64x128xf32, #tpu.memory_space<vmem>>)
      tpu.yield
    }) : () -> ()
    %add3A_267 = arith.constant 256 : i32
    %add3A_268 = arith.addi %mul3A_2, %add3A_267 : i32
    %run_scoped3A_269 = arith.constant 0 : i32
    "tpu.region"() ({
      %run_scoped3A_300 = tpu.sem_alloc : memref<!tpu.dma_semaphore, #tpu.memory_space<semaphore_mem>>
      %dma_start3A_301 = arith.constant 0 : i32
      %dma_start3A_302 = arith.constant 0 : i32
      %dma_start3A_303 = tpu.memref_slice %arg8[%run_scoped3A_269, %dma_start3A_301, %dma_start3A_302] : memref<2x64x128xf32, #tpu.memory_space<vmem>> -> memref<1x64x128xf32, #tpu.memory_space<vmem>>
      %dma_start3A_304 = tpu.memref_squeeze %dma_start3A_303 : memref<1x64x128xf32, #tpu.memory_space<vmem>> -> memref<64x128xf32, #tpu.memory_space<vmem>>
      %dma_start3A_305 = arith.constant 0 : i32
      %dma_start3A_306 = tpu.memref_slice %arg5[%arg0, %add3A_268, %dma_start3A_305] : memref<2x10240x128xf32, #tpu.memory_space<hbm>> -> memref<1x64x128xf32, #tpu.memory_space<hbm>>
      %dma_start3A_307 = tpu.memref_squeeze %dma_start3A_306 : memref<1x64x128xf32, #tpu.memory_space<hbm>> -> memref<64x128xf32, #tpu.memory_space<hbm>>
      %dma_start3A_308 = arith.constant 0 : i32
      %dma_start3A_309 = tpu.memref_slice %arg5[%arg0, %add3A_268, %dma_start3A_308] : memref<2x10240x128xf32, #tpu.memory_space<hbm>> -> memref<1x64x128xf32, #tpu.memory_space<hbm>>
      %dma_start3A_310 = tpu.memref_squeeze %dma_start3A_309 : memref<1x64x128xf32, #tpu.memory_space<hbm>> -> memref<64x128xf32, #tpu.memory_space<hbm>>
      %dma_start3A_311 = arith.constant 0 : i32
      %dma_start3A_312 = arith.constant 0 : i32
      %dma_start3A_313 = tpu.memref_slice %arg8[%run_scoped3A_269, %dma_start3A_311, %dma_start3A_312] : memref<2x64x128xf32, #tpu.memory_space<vmem>> -> memref<1x64x128xf32, #tpu.memory_space<vmem>>
      %dma_start3A_314 = tpu.memref_squeeze %dma_start3A_313 : memref<1x64x128xf32, #tpu.memory_space<vmem>> -> memref<64x128xf32, #tpu.memory_space<vmem>>
      tpu.enqueue_dma source(%dma_start3A_314 : memref<64x128xf32, #tpu.memory_space<vmem>>) target(%dma_start3A_310 : memref<64x128xf32, #tpu.memory_space<hbm>>) target_semaphore(%run_scoped3A_300 : memref<!tpu.dma_semaphore, #tpu.memory_space<semaphore_mem>>)
      %dma_wait3A_315 = arith.constant 0 : i32
      %dma_wait3A_316 = arith.constant 0 : i32
      %dma_wait3A_317 = tpu.memref_slice %arg8[%run_scoped3A_269, %dma_wait3A_315, %dma_wait3A_316] : memref<2x64x128xf32, #tpu.memory_space<vmem>> -> memref<1x64x128xf32, #tpu.memory_space<vmem>>
      %dma_wait3A_318 = tpu.memref_squeeze %dma_wait3A_317 : memref<1x64x128xf32, #tpu.memory_space<vmem>> -> memref<64x128xf32, #tpu.memory_space<vmem>>
      %dma_wait3A_319 = arith.constant 0 : i32
      %dma_wait3A_320 = tpu.memref_slice %arg5[%arg0, %add3A_268, %dma_wait3A_319] : memref<2x10240x128xf32, #tpu.memory_space<hbm>> -> memref<1x64x128xf32, #tpu.memory_space<hbm>>
      %dma_wait3A_321 = tpu.memref_squeeze %dma_wait3A_320 : memref<1x64x128xf32, #tpu.memory_space<hbm>> -> memref<64x128xf32, #tpu.memory_space<hbm>>
      %dma_wait3A_322 = arith.constant 0 : i32
      %dma_wait3A_323 = tpu.memref_slice %arg5[%arg0, %add3A_268, %dma_wait3A_322] : memref<2x10240x128xf32, #tpu.memory_space<hbm>> -> memref<1x64x128xf32, #tpu.memory_space<hbm>>
      %dma_wait3A_324 = tpu.memref_squeeze %dma_wait3A_323 : memref<1x64x128xf32, #tpu.memory_space<hbm>> -> memref<64x128xf32, #tpu.memory_space<hbm>>
      %dma_wait3A_325 = arith.constant 0 : i32
      %dma_wait3A_326 = arith.constant 0 : i32
      %dma_wait3A_327 = tpu.memref_slice %arg8[%run_scoped3A_269, %dma_wait3A_325, %dma_wait3A_326] : memref<2x64x128xf32, #tpu.memory_space<vmem>> -> memref<1x64x128xf32, #tpu.memory_space<vmem>>
      %dma_wait3A_328 = tpu.memref_squeeze %dma_wait3A_327 : memref<1x64x128xf32, #tpu.memory_space<vmem>> -> memref<64x128xf32, #tpu.memory_space<vmem>>
      tpu.wait_dma2 semaphore(%run_scoped3A_300 : memref<!tpu.dma_semaphore, #tpu.memory_space<semaphore_mem>>) src(%dma_wait3A_328 : memref<64x128xf32, #tpu.memory_space<vmem>>) dst(%dma_wait3A_324 : memref<64x128xf32, #tpu.memory_space<hbm>>)
      tpu.yield
    }) : () -> ()
    %add3A_270 = arith.constant 320 : i32
    %add3A_271 = arith.addi %mul3A_2, %add3A_270 : i32
    %run_scoped3A_272 = arith.constant 0 : i32
    "tpu.region"() ({
      %run_scoped3A_300 = tpu.sem_alloc : memref<!tpu.dma_semaphore, #tpu.memory_space<semaphore_mem>>
      %dma_start3A_301 = arith.constant 0 : i32
      %dma_start3A_302 = arith.constant 0 : i32
      %dma_start3A_303 = tpu.memref_slice %arg8[%run_scoped3A_272, %dma_start3A_301, %dma_start3A_302] : memref<2x64x128xf32, #tpu.memory_space<vmem>> -> memref<1x64x128xf32, #tpu.memory_space<vmem>>
      %dma_start3A_304 = tpu.memref_squeeze %dma_start3A_303 : memref<1x64x128xf32, #tpu.memory_space<vmem>> -> memref<64x128xf32, #tpu.memory_space<vmem>>
      %dma_start3A_305 = arith.constant 0 : i32
      %dma_start3A_306 = tpu.memref_slice %arg9[%add3A_271, %dma_start3A_305] : memref<10240x128xf32, #tpu.memory_space<vmem_shared>> -> memref<64x128xf32, #tpu.memory_space<vmem_shared>>
      %dma_start3A_307 = arith.constant 0 : i32
      %dma_start3A_308 = arith.constant 0 : i32
      %dma_start3A_309 = tpu.memref_slice %arg8[%run_scoped3A_272, %dma_start3A_307, %dma_start3A_308] : memref<2x64x128xf32, #tpu.memory_space<vmem>> -> memref<1x64x128xf32, #tpu.memory_space<vmem>>
      %dma_start3A_310 = tpu.memref_squeeze %dma_start3A_309 : memref<1x64x128xf32, #tpu.memory_space<vmem>> -> memref<64x128xf32, #tpu.memory_space<vmem>>
      %dma_start3A_311 = arith.constant 0 : i32
      %dma_start3A_312 = tpu.memref_slice %arg9[%add3A_271, %dma_start3A_311] : memref<10240x128xf32, #tpu.memory_space<vmem_shared>> -> memref<64x128xf32, #tpu.memory_space<vmem_shared>>
      tpu.enqueue_dma source(%dma_start3A_312 : memref<64x128xf32, #tpu.memory_space<vmem_shared>>) target(%dma_start3A_310 : memref<64x128xf32, #tpu.memory_space<vmem>>) target_semaphore(%run_scoped3A_300 : memref<!tpu.dma_semaphore, #tpu.memory_space<semaphore_mem>>)
      %dma_wait3A_313 = arith.constant 0 : i32
      %dma_wait3A_314 = arith.constant 0 : i32
      %dma_wait3A_315 = tpu.memref_slice %arg8[%run_scoped3A_272, %dma_wait3A_313, %dma_wait3A_314] : memref<2x64x128xf32, #tpu.memory_space<vmem>> -> memref<1x64x128xf32, #tpu.memory_space<vmem>>
      %dma_wait3A_316 = tpu.memref_squeeze %dma_wait3A_315 : memref<1x64x128xf32, #tpu.memory_space<vmem>> -> memref<64x128xf32, #tpu.memory_space<vmem>>
      %dma_wait3A_317 = arith.constant 0 : i32
      %dma_wait3A_318 = tpu.memref_slice %arg9[%add3A_271, %dma_wait3A_317] : memref<10240x128xf32, #tpu.memory_space<vmem_shared>> -> memref<64x128xf32, #tpu.memory_space<vmem_shared>>
      %dma_wait3A_319 = arith.constant 0 : i32
      %dma_wait3A_320 = arith.constant 0 : i32
      %dma_wait3A_321 = tpu.memref_slice %arg8[%run_scoped3A_272, %dma_wait3A_319, %dma_wait3A_320] : memref<2x64x128xf32, #tpu.memory_space<vmem>> -> memref<1x64x128xf32, #tpu.memory_space<vmem>>
      %dma_wait3A_322 = tpu.memref_squeeze %dma_wait3A_321 : memref<1x64x128xf32, #tpu.memory_space<vmem>> -> memref<64x128xf32, #tpu.memory_space<vmem>>
      %dma_wait3A_323 = arith.constant 0 : i32
      %dma_wait3A_324 = tpu.memref_slice %arg9[%add3A_271, %dma_wait3A_323] : memref<10240x128xf32, #tpu.memory_space<vmem_shared>> -> memref<64x128xf32, #tpu.memory_space<vmem_shared>>
      tpu.wait_dma2 semaphore(%run_scoped3A_300 : memref<!tpu.dma_semaphore, #tpu.memory_space<semaphore_mem>>) src(%dma_wait3A_324 : memref<64x128xf32, #tpu.memory_space<vmem_shared>>) dst(%dma_wait3A_322 : memref<64x128xf32, #tpu.memory_space<vmem>>)
      tpu.yield
    }) : () -> ()
    %add3A_273 = arith.constant 320 : i32
    %add3A_274 = arith.addi %mul3A_2, %add3A_273 : i32
    %run_scoped3A_275 = arith.constant 0 : i32
    "tpu.region"() ({
      %run_scoped3A_300 = tpu.sem_alloc : memref<!tpu.dma_semaphore, #tpu.memory_space<semaphore_mem>>
      %dma_start3A_301 = arith.constant 0 : i32
      %dma_start3A_302 = arith.constant 0 : i32
      %dma_start3A_303 = tpu.memref_slice %arg8[%run_scoped3A_275, %dma_start3A_301, %dma_start3A_302] : memref<2x64x128xf32, #tpu.memory_space<vmem>> -> memref<1x64x128xf32, #tpu.memory_space<vmem>>
      %dma_start3A_304 = tpu.memref_squeeze %dma_start3A_303 : memref<1x64x128xf32, #tpu.memory_space<vmem>> -> memref<64x128xf32, #tpu.memory_space<vmem>>
      %dma_start3A_305 = arith.constant 0 : i32
      %dma_start3A_306 = tpu.memref_slice %arg5[%arg0, %add3A_274, %dma_start3A_305] : memref<2x10240x128xf32, #tpu.memory_space<hbm>> -> memref<1x64x128xf32, #tpu.memory_space<hbm>>
      %dma_start3A_307 = tpu.memref_squeeze %dma_start3A_306 : memref<1x64x128xf32, #tpu.memory_space<hbm>> -> memref<64x128xf32, #tpu.memory_space<hbm>>
      %dma_start3A_308 = arith.constant 0 : i32
      %dma_start3A_309 = tpu.memref_slice %arg5[%arg0, %add3A_274, %dma_start3A_308] : memref<2x10240x128xf32, #tpu.memory_space<hbm>> -> memref<1x64x128xf32, #tpu.memory_space<hbm>>
      %dma_start3A_310 = tpu.memref_squeeze %dma_start3A_309 : memref<1x64x128xf32, #tpu.memory_space<hbm>> -> memref<64x128xf32, #tpu.memory_space<hbm>>
      %dma_start3A_311 = arith.constant 0 : i32
      %dma_start3A_312 = arith.constant 0 : i32
      %dma_start3A_313 = tpu.memref_slice %arg8[%run_scoped3A_275, %dma_start3A_311, %dma_start3A_312] : memref<2x64x128xf32, #tpu.memory_space<vmem>> -> memref<1x64x128xf32, #tpu.memory_space<vmem>>
      %dma_start3A_314 = tpu.memref_squeeze %dma_start3A_313 : memref<1x64x128xf32, #tpu.memory_space<vmem>> -> memref<64x128xf32, #tpu.memory_space<vmem>>
      tpu.enqueue_dma source(%dma_start3A_314 : memref<64x128xf32, #tpu.memory_space<vmem>>) target(%dma_start3A_310 : memref<64x128xf32, #tpu.memory_space<hbm>>) target_semaphore(%run_scoped3A_300 : memref<!tpu.dma_semaphore, #tpu.memory_space<semaphore_mem>>)
      %dma_wait3A_315 = arith.constant 0 : i32
      %dma_wait3A_316 = arith.constant 0 : i32
      %dma_wait3A_317 = tpu.memref_slice %arg8[%run_scoped3A_275, %dma_wait3A_315, %dma_wait3A_316] : memref<2x64x128xf32, #tpu.memory_space<vmem>> -> memref<1x64x128xf32, #tpu.memory_space<vmem>>
      %dma_wait3A_318 = tpu.memref_squeeze %dma_wait3A_317 : memref<1x64x128xf32, #tpu.memory_space<vmem>> -> memref<64x128xf32, #tpu.memory_space<vmem>>
      %dma_wait3A_319 = arith.constant 0 : i32
      %dma_wait3A_320 = tpu.memref_slice %arg5[%arg0, %add3A_274, %dma_wait3A_319] : memref<2x10240x128xf32, #tpu.memory_space<hbm>> -> memref<1x64x128xf32, #tpu.memory_space<hbm>>
      %dma_wait3A_321 = tpu.memref_squeeze %dma_wait3A_320 : memref<1x64x128xf32, #tpu.memory_space<hbm>> -> memref<64x128xf32, #tpu.memory_space<hbm>>
      %dma_wait3A_322 = arith.constant 0 : i32
      %dma_wait3A_323 = tpu.memref_slice %arg5[%arg0, %add3A_274, %dma_wait3A_322] : memref<2x10240x128xf32, #tpu.memory_space<hbm>> -> memref<1x64x128xf32, #tpu.memory_space<hbm>>
      %dma_wait3A_324 = tpu.memref_squeeze %dma_wait3A_323 : memref<1x64x128xf32, #tpu.memory_space<hbm>> -> memref<64x128xf32, #tpu.memory_space<hbm>>
      %dma_wait3A_325 = arith.constant 0 : i32
      %dma_wait3A_326 = arith.constant 0 : i32
      %dma_wait3A_327 = tpu.memref_slice %arg8[%run_scoped3A_275, %dma_wait3A_325, %dma_wait3A_326] : memref<2x64x128xf32, #tpu.memory_space<vmem>> -> memref<1x64x128xf32, #tpu.memory_space<vmem>>
      %dma_wait3A_328 = tpu.memref_squeeze %dma_wait3A_327 : memref<1x64x128xf32, #tpu.memory_space<vmem>> -> memref<64x128xf32, #tpu.memory_space<vmem>>
      tpu.wait_dma2 semaphore(%run_scoped3A_300 : memref<!tpu.dma_semaphore, #tpu.memory_space<semaphore_mem>>) src(%dma_wait3A_328 : memref<64x128xf32, #tpu.memory_space<vmem>>) dst(%dma_wait3A_324 : memref<64x128xf32, #tpu.memory_space<hbm>>)
      tpu.yield
    }) : () -> ()
    %add3A_276 = arith.constant 384 : i32
    %add3A_277 = arith.addi %mul3A_2, %add3A_276 : i32
    %run_scoped3A_278 = arith.constant 0 : i32
    "tpu.region"() ({
      %run_scoped3A_300 = tpu.sem_alloc : memref<!tpu.dma_semaphore, #tpu.memory_space<semaphore_mem>>
      %dma_start3A_301 = arith.constant 0 : i32
      %dma_start3A_302 = arith.constant 0 : i32
      %dma_start3A_303 = tpu.memref_slice %arg8[%run_scoped3A_278, %dma_start3A_301, %dma_start3A_302] : memref<2x64x128xf32, #tpu.memory_space<vmem>> -> memref<1x64x128xf32, #tpu.memory_space<vmem>>
      %dma_start3A_304 = tpu.memref_squeeze %dma_start3A_303 : memref<1x64x128xf32, #tpu.memory_space<vmem>> -> memref<64x128xf32, #tpu.memory_space<vmem>>
      %dma_start3A_305 = arith.constant 0 : i32
      %dma_start3A_306 = tpu.memref_slice %arg9[%add3A_277, %dma_start3A_305] : memref<10240x128xf32, #tpu.memory_space<vmem_shared>> -> memref<64x128xf32, #tpu.memory_space<vmem_shared>>
      %dma_start3A_307 = arith.constant 0 : i32
      %dma_start3A_308 = arith.constant 0 : i32
      %dma_start3A_309 = tpu.memref_slice %arg8[%run_scoped3A_278, %dma_start3A_307, %dma_start3A_308] : memref<2x64x128xf32, #tpu.memory_space<vmem>> -> memref<1x64x128xf32, #tpu.memory_space<vmem>>
      %dma_start3A_310 = tpu.memref_squeeze %dma_start3A_309 : memref<1x64x128xf32, #tpu.memory_space<vmem>> -> memref<64x128xf32, #tpu.memory_space<vmem>>
      %dma_start3A_311 = arith.constant 0 : i32
      %dma_start3A_312 = tpu.memref_slice %arg9[%add3A_277, %dma_start3A_311] : memref<10240x128xf32, #tpu.memory_space<vmem_shared>> -> memref<64x128xf32, #tpu.memory_space<vmem_shared>>
      tpu.enqueue_dma source(%dma_start3A_312 : memref<64x128xf32, #tpu.memory_space<vmem_shared>>) target(%dma_start3A_310 : memref<64x128xf32, #tpu.memory_space<vmem>>) target_semaphore(%run_scoped3A_300 : memref<!tpu.dma_semaphore, #tpu.memory_space<semaphore_mem>>)
      %dma_wait3A_313 = arith.constant 0 : i32
      %dma_wait3A_314 = arith.constant 0 : i32
      %dma_wait3A_315 = tpu.memref_slice %arg8[%run_scoped3A_278, %dma_wait3A_313, %dma_wait3A_314] : memref<2x64x128xf32, #tpu.memory_space<vmem>> -> memref<1x64x128xf32, #tpu.memory_space<vmem>>
      %dma_wait3A_316 = tpu.memref_squeeze %dma_wait3A_315 : memref<1x64x128xf32, #tpu.memory_space<vmem>> -> memref<64x128xf32, #tpu.memory_space<vmem>>
      %dma_wait3A_317 = arith.constant 0 : i32
      %dma_wait3A_318 = tpu.memref_slice %arg9[%add3A_277, %dma_wait3A_317] : memref<10240x128xf32, #tpu.memory_space<vmem_shared>> -> memref<64x128xf32, #tpu.memory_space<vmem_shared>>
      %dma_wait3A_319 = arith.constant 0 : i32
      %dma_wait3A_320 = arith.constant 0 : i32
      %dma_wait3A_321 = tpu.memref_slice %arg8[%run_scoped3A_278, %dma_wait3A_319, %dma_wait3A_320] : memref<2x64x128xf32, #tpu.memory_space<vmem>> -> memref<1x64x128xf32, #tpu.memory_space<vmem>>
      %dma_wait3A_322 = tpu.memref_squeeze %dma_wait3A_321 : memref<1x64x128xf32, #tpu.memory_space<vmem>> -> memref<64x128xf32, #tpu.memory_space<vmem>>
      %dma_wait3A_323 = arith.constant 0 : i32
      %dma_wait3A_324 = tpu.memref_slice %arg9[%add3A_277, %dma_wait3A_323] : memref<10240x128xf32, #tpu.memory_space<vmem_shared>> -> memref<64x128xf32, #tpu.memory_space<vmem_shared>>
      tpu.wait_dma2 semaphore(%run_scoped3A_300 : memref<!tpu.dma_semaphore, #tpu.memory_space<semaphore_mem>>) src(%dma_wait3A_324 : memref<64x128xf32, #tpu.memory_space<vmem_shared>>) dst(%dma_wait3A_322 : memref<64x128xf32, #tpu.memory_space<vmem>>)
      tpu.yield
    }) : () -> ()
    %add3A_279 = arith.constant 384 : i32
    %add3A_280 = arith.addi %mul3A_2, %add3A_279 : i32
    %run_scoped3A_281 = arith.constant 0 : i32
    "tpu.region"() ({
      %run_scoped3A_300 = tpu.sem_alloc : memref<!tpu.dma_semaphore, #tpu.memory_space<semaphore_mem>>
      %dma_start3A_301 = arith.constant 0 : i32
      %dma_start3A_302 = arith.constant 0 : i32
      %dma_start3A_303 = tpu.memref_slice %arg8[%run_scoped3A_281, %dma_start3A_301, %dma_start3A_302] : memref<2x64x128xf32, #tpu.memory_space<vmem>> -> memref<1x64x128xf32, #tpu.memory_space<vmem>>
      %dma_start3A_304 = tpu.memref_squeeze %dma_start3A_303 : memref<1x64x128xf32, #tpu.memory_space<vmem>> -> memref<64x128xf32, #tpu.memory_space<vmem>>
      %dma_start3A_305 = arith.constant 0 : i32
      %dma_start3A_306 = tpu.memref_slice %arg5[%arg0, %add3A_280, %dma_start3A_305] : memref<2x10240x128xf32, #tpu.memory_space<hbm>> -> memref<1x64x128xf32, #tpu.memory_space<hbm>>
      %dma_start3A_307 = tpu.memref_squeeze %dma_start3A_306 : memref<1x64x128xf32, #tpu.memory_space<hbm>> -> memref<64x128xf32, #tpu.memory_space<hbm>>
      %dma_start3A_308 = arith.constant 0 : i32
      %dma_start3A_309 = tpu.memref_slice %arg5[%arg0, %add3A_280, %dma_start3A_308] : memref<2x10240x128xf32, #tpu.memory_space<hbm>> -> memref<1x64x128xf32, #tpu.memory_space<hbm>>
      %dma_start3A_310 = tpu.memref_squeeze %dma_start3A_309 : memref<1x64x128xf32, #tpu.memory_space<hbm>> -> memref<64x128xf32, #tpu.memory_space<hbm>>
      %dma_start3A_311 = arith.constant 0 : i32
      %dma_start3A_312 = arith.constant 0 : i32
      %dma_start3A_313 = tpu.memref_slice %arg8[%run_scoped3A_281, %dma_start3A_311, %dma_start3A_312] : memref<2x64x128xf32, #tpu.memory_space<vmem>> -> memref<1x64x128xf32, #tpu.memory_space<vmem>>
      %dma_start3A_314 = tpu.memref_squeeze %dma_start3A_313 : memref<1x64x128xf32, #tpu.memory_space<vmem>> -> memref<64x128xf32, #tpu.memory_space<vmem>>
      tpu.enqueue_dma source(%dma_start3A_314 : memref<64x128xf32, #tpu.memory_space<vmem>>) target(%dma_start3A_310 : memref<64x128xf32, #tpu.memory_space<hbm>>) target_semaphore(%run_scoped3A_300 : memref<!tpu.dma_semaphore, #tpu.memory_space<semaphore_mem>>)
      %dma_wait3A_315 = arith.constant 0 : i32
      %dma_wait3A_316 = arith.constant 0 : i32
      %dma_wait3A_317 = tpu.memref_slice %arg8[%run_scoped3A_281, %dma_wait3A_315, %dma_wait3A_316] : memref<2x64x128xf32, #tpu.memory_space<vmem>> -> memref<1x64x128xf32, #tpu.memory_space<vmem>>
      %dma_wait3A_318 = tpu.memref_squeeze %dma_wait3A_317 : memref<1x64x128xf32, #tpu.memory_space<vmem>> -> memref<64x128xf32, #tpu.memory_space<vmem>>
      %dma_wait3A_319 = arith.constant 0 : i32
      %dma_wait3A_320 = tpu.memref_slice %arg5[%arg0, %add3A_280, %dma_wait3A_319] : memref<2x10240x128xf32, #tpu.memory_space<hbm>> -> memref<1x64x128xf32, #tpu.memory_space<hbm>>
      %dma_wait3A_321 = tpu.memref_squeeze %dma_wait3A_320 : memref<1x64x128xf32, #tpu.memory_space<hbm>> -> memref<64x128xf32, #tpu.memory_space<hbm>>
      %dma_wait3A_322 = arith.constant 0 : i32
      %dma_wait3A_323 = tpu.memref_slice %arg5[%arg0, %add3A_280, %dma_wait3A_322] : memref<2x10240x128xf32, #tpu.memory_space<hbm>> -> memref<1x64x128xf32, #tpu.memory_space<hbm>>
      %dma_wait3A_324 = tpu.memref_squeeze %dma_wait3A_323 : memref<1x64x128xf32, #tpu.memory_space<hbm>> -> memref<64x128xf32, #tpu.memory_space<hbm>>
      %dma_wait3A_325 = arith.constant 0 : i32
      %dma_wait3A_326 = arith.constant 0 : i32
      %dma_wait3A_327 = tpu.memref_slice %arg8[%run_scoped3A_281, %dma_wait3A_325, %dma_wait3A_326] : memref<2x64x128xf32, #tpu.memory_space<vmem>> -> memref<1x64x128xf32, #tpu.memory_space<vmem>>
      %dma_wait3A_328 = tpu.memref_squeeze %dma_wait3A_327 : memref<1x64x128xf32, #tpu.memory_space<vmem>> -> memref<64x128xf32, #tpu.memory_space<vmem>>
      tpu.wait_dma2 semaphore(%run_scoped3A_300 : memref<!tpu.dma_semaphore, #tpu.memory_space<semaphore_mem>>) src(%dma_wait3A_328 : memref<64x128xf32, #tpu.memory_space<vmem>>) dst(%dma_wait3A_324 : memref<64x128xf32, #tpu.memory_space<hbm>>)
      tpu.yield
    }) : () -> ()
    %add3A_282 = arith.constant 448 : i32
    %add3A_283 = arith.addi %mul3A_2, %add3A_282 : i32
    %run_scoped3A_284 = arith.constant 0 : i32
    "tpu.region"() ({
      %run_scoped3A_300 = tpu.sem_alloc : memref<!tpu.dma_semaphore, #tpu.memory_space<semaphore_mem>>
      %dma_start3A_301 = arith.constant 0 : i32
      %dma_start3A_302 = arith.constant 0 : i32
      %dma_start3A_303 = tpu.memref_slice %arg8[%run_scoped3A_284, %dma_start3A_301, %dma_start3A_302] : memref<2x64x128xf32, #tpu.memory_space<vmem>> -> memref<1x64x128xf32, #tpu.memory_space<vmem>>
      %dma_start3A_304 = tpu.memref_squeeze %dma_start3A_303 : memref<1x64x128xf32, #tpu.memory_space<vmem>> -> memref<64x128xf32, #tpu.memory_space<vmem>>
      %dma_start3A_305 = arith.constant 0 : i32
      %dma_start3A_306 = tpu.memref_slice %arg9[%add3A_283, %dma_start3A_305] : memref<10240x128xf32, #tpu.memory_space<vmem_shared>> -> memref<64x128xf32, #tpu.memory_space<vmem_shared>>
      %dma_start3A_307 = arith.constant 0 : i32
      %dma_start3A_308 = arith.constant 0 : i32
      %dma_start3A_309 = tpu.memref_slice %arg8[%run_scoped3A_284, %dma_start3A_307, %dma_start3A_308] : memref<2x64x128xf32, #tpu.memory_space<vmem>> -> memref<1x64x128xf32, #tpu.memory_space<vmem>>
      %dma_start3A_310 = tpu.memref_squeeze %dma_start3A_309 : memref<1x64x128xf32, #tpu.memory_space<vmem>> -> memref<64x128xf32, #tpu.memory_space<vmem>>
      %dma_start3A_311 = arith.constant 0 : i32
      %dma_start3A_312 = tpu.memref_slice %arg9[%add3A_283, %dma_start3A_311] : memref<10240x128xf32, #tpu.memory_space<vmem_shared>> -> memref<64x128xf32, #tpu.memory_space<vmem_shared>>
      tpu.enqueue_dma source(%dma_start3A_312 : memref<64x128xf32, #tpu.memory_space<vmem_shared>>) target(%dma_start3A_310 : memref<64x128xf32, #tpu.memory_space<vmem>>) target_semaphore(%run_scoped3A_300 : memref<!tpu.dma_semaphore, #tpu.memory_space<semaphore_mem>>)
      %dma_wait3A_313 = arith.constant 0 : i32
      %dma_wait3A_314 = arith.constant 0 : i32
      %dma_wait3A_315 = tpu.memref_slice %arg8[%run_scoped3A_284, %dma_wait3A_313, %dma_wait3A_314] : memref<2x64x128xf32, #tpu.memory_space<vmem>> -> memref<1x64x128xf32, #tpu.memory_space<vmem>>
      %dma_wait3A_316 = tpu.memref_squeeze %dma_wait3A_315 : memref<1x64x128xf32, #tpu.memory_space<vmem>> -> memref<64x128xf32, #tpu.memory_space<vmem>>
      %dma_wait3A_317 = arith.constant 0 : i32
      %dma_wait3A_318 = tpu.memref_slice %arg9[%add3A_283, %dma_wait3A_317] : memref<10240x128xf32, #tpu.memory_space<vmem_shared>> -> memref<64x128xf32, #tpu.memory_space<vmem_shared>>
      %dma_wait3A_319 = arith.constant 0 : i32
      %dma_wait3A_320 = arith.constant 0 : i32
      %dma_wait3A_321 = tpu.memref_slice %arg8[%run_scoped3A_284, %dma_wait3A_319, %dma_wait3A_320] : memref<2x64x128xf32, #tpu.memory_space<vmem>> -> memref<1x64x128xf32, #tpu.memory_space<vmem>>
      %dma_wait3A_322 = tpu.memref_squeeze %dma_wait3A_321 : memref<1x64x128xf32, #tpu.memory_space<vmem>> -> memref<64x128xf32, #tpu.memory_space<vmem>>
      %dma_wait3A_323 = arith.constant 0 : i32
      %dma_wait3A_324 = tpu.memref_slice %arg9[%add3A_283, %dma_wait3A_323] : memref<10240x128xf32, #tpu.memory_space<vmem_shared>> -> memref<64x128xf32, #tpu.memory_space<vmem_shared>>
      tpu.wait_dma2 semaphore(%run_scoped3A_300 : memref<!tpu.dma_semaphore, #tpu.memory_space<semaphore_mem>>) src(%dma_wait3A_324 : memref<64x128xf32, #tpu.memory_space<vmem_shared>>) dst(%dma_wait3A_322 : memref<64x128xf32, #tpu.memory_space<vmem>>)
      tpu.yield
    }) : () -> ()
    %add3A_285 = arith.constant 448 : i32
    %add3A_286 = arith.addi %mul3A_2, %add3A_285 : i32
    %run_scoped3A_287 = arith.constant 0 : i32
    "tpu.region"() ({
      %run_scoped3A_300 = tpu.sem_alloc : memref<!tpu.dma_semaphore, #tpu.memory_space<semaphore_mem>>
      %dma_start3A_301 = arith.constant 0 : i32
      %dma_start3A_302 = arith.constant 0 : i32
      %dma_start3A_303 = tpu.memref_slice %arg8[%run_scoped3A_287, %dma_start3A_301, %dma_start3A_302] : memref<2x64x128xf32, #tpu.memory_space<vmem>> -> memref<1x64x128xf32, #tpu.memory_space<vmem>>
      %dma_start3A_304 = tpu.memref_squeeze %dma_start3A_303 : memref<1x64x128xf32, #tpu.memory_space<vmem>> -> memref<64x128xf32, #tpu.memory_space<vmem>>
      %dma_start3A_305 = arith.constant 0 : i32
      %dma_start3A_306 = tpu.memref_slice %arg5[%arg0, %add3A_286, %dma_start3A_305] : memref<2x10240x128xf32, #tpu.memory_space<hbm>> -> memref<1x64x128xf32, #tpu.memory_space<hbm>>
      %dma_start3A_307 = tpu.memref_squeeze %dma_start3A_306 : memref<1x64x128xf32, #tpu.memory_space<hbm>> -> memref<64x128xf32, #tpu.memory_space<hbm>>
      %dma_start3A_308 = arith.constant 0 : i32
      %dma_start3A_309 = tpu.memref_slice %arg5[%arg0, %add3A_286, %dma_start3A_308] : memref<2x10240x128xf32, #tpu.memory_space<hbm>> -> memref<1x64x128xf32, #tpu.memory_space<hbm>>
      %dma_start3A_310 = tpu.memref_squeeze %dma_start3A_309 : memref<1x64x128xf32, #tpu.memory_space<hbm>> -> memref<64x128xf32, #tpu.memory_space<hbm>>
      %dma_start3A_311 = arith.constant 0 : i32
      %dma_start3A_312 = arith.constant 0 : i32
      %dma_start3A_313 = tpu.memref_slice %arg8[%run_scoped3A_287, %dma_start3A_311, %dma_start3A_312] : memref<2x64x128xf32, #tpu.memory_space<vmem>> -> memref<1x64x128xf32, #tpu.memory_space<vmem>>
      %dma_start3A_314 = tpu.memref_squeeze %dma_start3A_313 : memref<1x64x128xf32, #tpu.memory_space<vmem>> -> memref<64x128xf32, #tpu.memory_space<vmem>>
      tpu.enqueue_dma source(%dma_start3A_314 : memref<64x128xf32, #tpu.memory_space<vmem>>) target(%dma_start3A_310 : memref<64x128xf32, #tpu.memory_space<hbm>>) target_semaphore(%run_scoped3A_300 : memref<!tpu.dma_semaphore, #tpu.memory_space<semaphore_mem>>)
      %dma_wait3A_315 = arith.constant 0 : i32
      %dma_wait3A_316 = arith.constant 0 : i32
      %dma_wait3A_317 = tpu.memref_slice %arg8[%run_scoped3A_287, %dma_wait3A_315, %dma_wait3A_316] : memref<2x64x128xf32, #tpu.memory_space<vmem>> -> memref<1x64x128xf32, #tpu.memory_space<vmem>>
      %dma_wait3A_318 = tpu.memref_squeeze %dma_wait3A_317 : memref<1x64x128xf32, #tpu.memory_space<vmem>> -> memref<64x128xf32, #tpu.memory_space<vmem>>
      %dma_wait3A_319 = arith.constant 0 : i32
      %dma_wait3A_320 = tpu.memref_slice %arg5[%arg0, %add3A_286, %dma_wait3A_319] : memref<2x10240x128xf32, #tpu.memory_space<hbm>> -> memref<1x64x128xf32, #tpu.memory_space<hbm>>
      %dma_wait3A_321 = tpu.memref_squeeze %dma_wait3A_320 : memref<1x64x128xf32, #tpu.memory_space<hbm>> -> memref<64x128xf32, #tpu.memory_space<hbm>>
      %dma_wait3A_322 = arith.constant 0 : i32
      %dma_wait3A_323 = tpu.memref_slice %arg5[%arg0, %add3A_286, %dma_wait3A_322] : memref<2x10240x128xf32, #tpu.memory_space<hbm>> -> memref<1x64x128xf32, #tpu.memory_space<hbm>>
      %dma_wait3A_324 = tpu.memref_squeeze %dma_wait3A_323 : memref<1x64x128xf32, #tpu.memory_space<hbm>> -> memref<64x128xf32, #tpu.memory_space<hbm>>
      %dma_wait3A_325 = arith.constant 0 : i32
      %dma_wait3A_326 = arith.constant 0 : i32
      %dma_wait3A_327 = tpu.memref_slice %arg8[%run_scoped3A_287, %dma_wait3A_325, %dma_wait3A_326] : memref<2x64x128xf32, #tpu.memory_space<vmem>> -> memref<1x64x128xf32, #tpu.memory_space<vmem>>
      %dma_wait3A_328 = tpu.memref_squeeze %dma_wait3A_327 : memref<1x64x128xf32, #tpu.memory_space<vmem>> -> memref<64x128xf32, #tpu.memory_space<vmem>>
      tpu.wait_dma2 semaphore(%run_scoped3A_300 : memref<!tpu.dma_semaphore, #tpu.memory_space<semaphore_mem>>) src(%dma_wait3A_328 : memref<64x128xf32, #tpu.memory_space<vmem>>) dst(%dma_wait3A_324 : memref<64x128xf32, #tpu.memory_space<hbm>>)
      tpu.yield
    }) : () -> ()
    %add3A_288 = arith.constant 512 : i32
    %add3A_289 = arith.addi %mul3A_2, %add3A_288 : i32
    %run_scoped3A_290 = arith.constant 0 : i32
    "tpu.region"() ({
      %run_scoped3A_300 = tpu.sem_alloc : memref<!tpu.dma_semaphore, #tpu.memory_space<semaphore_mem>>
      %dma_start3A_301 = arith.constant 0 : i32
      %dma_start3A_302 = arith.constant 0 : i32
      %dma_start3A_303 = tpu.memref_slice %arg8[%run_scoped3A_290, %dma_start3A_301, %dma_start3A_302] : memref<2x64x128xf32, #tpu.memory_space<vmem>> -> memref<1x64x128xf32, #tpu.memory_space<vmem>>
      %dma_start3A_304 = tpu.memref_squeeze %dma_start3A_303 : memref<1x64x128xf32, #tpu.memory_space<vmem>> -> memref<64x128xf32, #tpu.memory_space<vmem>>
      %dma_start3A_305 = arith.constant 0 : i32
      %dma_start3A_306 = tpu.memref_slice %arg9[%add3A_289, %dma_start3A_305] : memref<10240x128xf32, #tpu.memory_space<vmem_shared>> -> memref<64x128xf32, #tpu.memory_space<vmem_shared>>
      %dma_start3A_307 = arith.constant 0 : i32
      %dma_start3A_308 = arith.constant 0 : i32
      %dma_start3A_309 = tpu.memref_slice %arg8[%run_scoped3A_290, %dma_start3A_307, %dma_start3A_308] : memref<2x64x128xf32, #tpu.memory_space<vmem>> -> memref<1x64x128xf32, #tpu.memory_space<vmem>>
      %dma_start3A_310 = tpu.memref_squeeze %dma_start3A_309 : memref<1x64x128xf32, #tpu.memory_space<vmem>> -> memref<64x128xf32, #tpu.memory_space<vmem>>
      %dma_start3A_311 = arith.constant 0 : i32
      %dma_start3A_312 = tpu.memref_slice %arg9[%add3A_289, %dma_start3A_311] : memref<10240x128xf32, #tpu.memory_space<vmem_shared>> -> memref<64x128xf32, #tpu.memory_space<vmem_shared>>
      tpu.enqueue_dma source(%dma_start3A_312 : memref<64x128xf32, #tpu.memory_space<vmem_shared>>) target(%dma_start3A_310 : memref<64x128xf32, #tpu.memory_space<vmem>>) target_semaphore(%run_scoped3A_300 : memref<!tpu.dma_semaphore, #tpu.memory_space<semaphore_mem>>)
      %dma_wait3A_313 = arith.constant 0 : i32
      %dma_wait3A_314 = arith.constant 0 : i32
      %dma_wait3A_315 = tpu.memref_slice %arg8[%run_scoped3A_290, %dma_wait3A_313, %dma_wait3A_314] : memref<2x64x128xf32, #tpu.memory_space<vmem>> -> memref<1x64x128xf32, #tpu.memory_space<vmem>>
      %dma_wait3A_316 = tpu.memref_squeeze %dma_wait3A_315 : memref<1x64x128xf32, #tpu.memory_space<vmem>> -> memref<64x128xf32, #tpu.memory_space<vmem>>
      %dma_wait3A_317 = arith.constant 0 : i32
      %dma_wait3A_318 = tpu.memref_slice %arg9[%add3A_289, %dma_wait3A_317] : memref<10240x128xf32, #tpu.memory_space<vmem_shared>> -> memref<64x128xf32, #tpu.memory_space<vmem_shared>>
      %dma_wait3A_319 = arith.constant 0 : i32
      %dma_wait3A_320 = arith.constant 0 : i32
      %dma_wait3A_321 = tpu.memref_slice %arg8[%run_scoped3A_290, %dma_wait3A_319, %dma_wait3A_320] : memref<2x64x128xf32, #tpu.memory_space<vmem>> -> memref<1x64x128xf32, #tpu.memory_space<vmem>>
      %dma_wait3A_322 = tpu.memref_squeeze %dma_wait3A_321 : memref<1x64x128xf32, #tpu.memory_space<vmem>> -> memref<64x128xf32, #tpu.memory_space<vmem>>
      %dma_wait3A_323 = arith.constant 0 : i32
      %dma_wait3A_324 = tpu.memref_slice %arg9[%add3A_289, %dma_wait3A_323] : memref<10240x128xf32, #tpu.memory_space<vmem_shared>> -> memref<64x128xf32, #tpu.memory_space<vmem_shared>>
      tpu.wait_dma2 semaphore(%run_scoped3A_300 : memref<!tpu.dma_semaphore, #tpu.memory_space<semaphore_mem>>) src(%dma_wait3A_324 : memref<64x128xf32, #tpu.memory_space<vmem_shared>>) dst(%dma_wait3A_322 : memref<64x128xf32, #tpu.memory_space<vmem>>)
      tpu.yield
    }) : () -> ()
    %add3A_291 = arith.constant 512 : i32
    %add3A_292 = arith.addi %mul3A_2, %add3A_291 : i32
    %run_scoped3A_293 = arith.constant 0 : i32
    "tpu.region"() ({
      %run_scoped3A_300 = tpu.sem_alloc : memref<!tpu.dma_semaphore, #tpu.memory_space<semaphore_mem>>
      %dma_start3A_301 = arith.constant 0 : i32
      %dma_start3A_302 = arith.constant 0 : i32
      %dma_start3A_303 = tpu.memref_slice %arg8[%run_scoped3A_293, %dma_start3A_301, %dma_start3A_302] : memref<2x64x128xf32, #tpu.memory_space<vmem>> -> memref<1x64x128xf32, #tpu.memory_space<vmem>>
      %dma_start3A_304 = tpu.memref_squeeze %dma_start3A_303 : memref<1x64x128xf32, #tpu.memory_space<vmem>> -> memref<64x128xf32, #tpu.memory_space<vmem>>
      %dma_start3A_305 = arith.constant 0 : i32
      %dma_start3A_306 = tpu.memref_slice %arg5[%arg0, %add3A_292, %dma_start3A_305] : memref<2x10240x128xf32, #tpu.memory_space<hbm>> -> memref<1x64x128xf32, #tpu.memory_space<hbm>>
      %dma_start3A_307 = tpu.memref_squeeze %dma_start3A_306 : memref<1x64x128xf32, #tpu.memory_space<hbm>> -> memref<64x128xf32, #tpu.memory_space<hbm>>
      %dma_start3A_308 = arith.constant 0 : i32
      %dma_start3A_309 = tpu.memref_slice %arg5[%arg0, %add3A_292, %dma_start3A_308] : memref<2x10240x128xf32, #tpu.memory_space<hbm>> -> memref<1x64x128xf32, #tpu.memory_space<hbm>>
      %dma_start3A_310 = tpu.memref_squeeze %dma_start3A_309 : memref<1x64x128xf32, #tpu.memory_space<hbm>> -> memref<64x128xf32, #tpu.memory_space<hbm>>
      %dma_start3A_311 = arith.constant 0 : i32
      %dma_start3A_312 = arith.constant 0 : i32
      %dma_start3A_313 = tpu.memref_slice %arg8[%run_scoped3A_293, %dma_start3A_311, %dma_start3A_312] : memref<2x64x128xf32, #tpu.memory_space<vmem>> -> memref<1x64x128xf32, #tpu.memory_space<vmem>>
      %dma_start3A_314 = tpu.memref_squeeze %dma_start3A_313 : memref<1x64x128xf32, #tpu.memory_space<vmem>> -> memref<64x128xf32, #tpu.memory_space<vmem>>
      tpu.enqueue_dma source(%dma_start3A_314 : memref<64x128xf32, #tpu.memory_space<vmem>>) target(%dma_start3A_310 : memref<64x128xf32, #tpu.memory_space<hbm>>) target_semaphore(%run_scoped3A_300 : memref<!tpu.dma_semaphore, #tpu.memory_space<semaphore_mem>>)
      %dma_wait3A_315 = arith.constant 0 : i32
      %dma_wait3A_316 = arith.constant 0 : i32
      %dma_wait3A_317 = tpu.memref_slice %arg8[%run_scoped3A_293, %dma_wait3A_315, %dma_wait3A_316] : memref<2x64x128xf32, #tpu.memory_space<vmem>> -> memref<1x64x128xf32, #tpu.memory_space<vmem>>
      %dma_wait3A_318 = tpu.memref_squeeze %dma_wait3A_317 : memref<1x64x128xf32, #tpu.memory_space<vmem>> -> memref<64x128xf32, #tpu.memory_space<vmem>>
      %dma_wait3A_319 = arith.constant 0 : i32
      %dma_wait3A_320 = tpu.memref_slice %arg5[%arg0, %add3A_292, %dma_wait3A_319] : memref<2x10240x128xf32, #tpu.memory_space<hbm>> -> memref<1x64x128xf32, #tpu.memory_space<hbm>>
      %dma_wait3A_321 = tpu.memref_squeeze %dma_wait3A_320 : memref<1x64x128xf32, #tpu.memory_space<hbm>> -> memref<64x128xf32, #tpu.memory_space<hbm>>
      %dma_wait3A_322 = arith.constant 0 : i32
      %dma_wait3A_323 = tpu.memref_slice %arg5[%arg0, %add3A_292, %dma_wait3A_322] : memref<2x10240x128xf32, #tpu.memory_space<hbm>> -> memref<1x64x128xf32, #tpu.memory_space<hbm>>
      %dma_wait3A_324 = tpu.memref_squeeze %dma_wait3A_323 : memref<1x64x128xf32, #tpu.memory_space<hbm>> -> memref<64x128xf32, #tpu.memory_space<hbm>>
      %dma_wait3A_325 = arith.constant 0 : i32
      %dma_wait3A_326 = arith.constant 0 : i32
      %dma_wait3A_327 = tpu.memref_slice %arg8[%run_scoped3A_293, %dma_wait3A_325, %dma_wait3A_326] : memref<2x64x128xf32, #tpu.memory_space<vmem>> -> memref<1x64x128xf32, #tpu.memory_space<vmem>>
      %dma_wait3A_328 = tpu.memref_squeeze %dma_wait3A_327 : memref<1x64x128xf32, #tpu.memory_space<vmem>> -> memref<64x128xf32, #tpu.memory_space<vmem>>
      tpu.wait_dma2 semaphore(%run_scoped3A_300 : memref<!tpu.dma_semaphore, #tpu.memory_space<semaphore_mem>>) src(%dma_wait3A_328 : memref<64x128xf32, #tpu.memory_space<vmem>>) dst(%dma_wait3A_324 : memref<64x128xf32, #tpu.memory_space<hbm>>)
      tpu.yield
    }) : () -> ()
    %add3A_294 = arith.constant 576 : i32
    %add3A_295 = arith.addi %mul3A_2, %add3A_294 : i32
    %run_scoped3A_296 = arith.constant 0 : i32
    "tpu.region"() ({
      %run_scoped3A_300 = tpu.sem_alloc : memref<!tpu.dma_semaphore, #tpu.memory_space<semaphore_mem>>
      %dma_start3A_301 = arith.constant 0 : i32
      %dma_start3A_302 = arith.constant 0 : i32
      %dma_start3A_303 = tpu.memref_slice %arg8[%run_scoped3A_296, %dma_start3A_301, %dma_start3A_302] : memref<2x64x128xf32, #tpu.memory_space<vmem>> -> memref<1x64x128xf32, #tpu.memory_space<vmem>>
      %dma_start3A_304 = tpu.memref_squeeze %dma_start3A_303 : memref<1x64x128xf32, #tpu.memory_space<vmem>> -> memref<64x128xf32, #tpu.memory_space<vmem>>
      %dma_start3A_305 = arith.constant 0 : i32
      %dma_start3A_306 = tpu.memref_slice %arg9[%add3A_295, %dma_start3A_305] : memref<10240x128xf32, #tpu.memory_space<vmem_shared>> -> memref<64x128xf32, #tpu.memory_space<vmem_shared>>
      %dma_start3A_307 = arith.constant 0 : i32
      %dma_start3A_308 = arith.constant 0 : i32
      %dma_start3A_309 = tpu.memref_slice %arg8[%run_scoped3A_296, %dma_start3A_307, %dma_start3A_308] : memref<2x64x128xf32, #tpu.memory_space<vmem>> -> memref<1x64x128xf32, #tpu.memory_space<vmem>>
      %dma_start3A_310 = tpu.memref_squeeze %dma_start3A_309 : memref<1x64x128xf32, #tpu.memory_space<vmem>> -> memref<64x128xf32, #tpu.memory_space<vmem>>
      %dma_start3A_311 = arith.constant 0 : i32
      %dma_start3A_312 = tpu.memref_slice %arg9[%add3A_295, %dma_start3A_311] : memref<10240x128xf32, #tpu.memory_space<vmem_shared>> -> memref<64x128xf32, #tpu.memory_space<vmem_shared>>
      tpu.enqueue_dma source(%dma_start3A_312 : memref<64x128xf32, #tpu.memory_space<vmem_shared>>) target(%dma_start3A_310 : memref<64x128xf32, #tpu.memory_space<vmem>>) target_semaphore(%run_scoped3A_300 : memref<!tpu.dma_semaphore, #tpu.memory_space<semaphore_mem>>)
      %dma_wait3A_313 = arith.constant 0 : i32
      %dma_wait3A_314 = arith.constant 0 : i32
      %dma_wait3A_315 = tpu.memref_slice %arg8[%run_scoped3A_296, %dma_wait3A_313, %dma_wait3A_314] : memref<2x64x128xf32, #tpu.memory_space<vmem>> -> memref<1x64x128xf32, #tpu.memory_space<vmem>>
      %dma_wait3A_316 = tpu.memref_squeeze %dma_wait3A_315 : memref<1x64x128xf32, #tpu.memory_space<vmem>> -> memref<64x128xf32, #tpu.memory_space<vmem>>
      %dma_wait3A_317 = arith.constant 0 : i32
      %dma_wait3A_318 = tpu.memref_slice %arg9[%add3A_295, %dma_wait3A_317] : memref<10240x128xf32, #tpu.memory_space<vmem_shared>> -> memref<64x128xf32, #tpu.memory_space<vmem_shared>>
      %dma_wait3A_319 = arith.constant 0 : i32
      %dma_wait3A_320 = arith.constant 0 : i32
      %dma_wait3A_321 = tpu.memref_slice %arg8[%run_scoped3A_296, %dma_wait3A_319, %dma_wait3A_320] : memref<2x64x128xf32, #tpu.memory_space<vmem>> -> memref<1x64x128xf32, #tpu.memory_space<vmem>>
      %dma_wait3A_322 = tpu.memref_squeeze %dma_wait3A_321 : memref<1x64x128xf32, #tpu.memory_space<vmem>> -> memref<64x128xf32, #tpu.memory_space<vmem>>
      %dma_wait3A_323 = arith.constant 0 : i32
      %dma_wait3A_324 = tpu.memref_slice %arg9[%add3A_295, %dma_wait3A_323] : memref<10240x128xf32, #tpu.memory_space<vmem_shared>> -> memref<64x128xf32, #tpu.memory_space<vmem_shared>>
      tpu.wait_dma2 semaphore(%run_scoped3A_300 : memref<!tpu.dma_semaphore, #tpu.memory_space<semaphore_mem>>) src(%dma_wait3A_324 : memref<64x128xf32, #tpu.memory_space<vmem_shared>>) dst(%dma_wait3A_322 : memref<64x128xf32, #tpu.memory_space<vmem>>)
      tpu.yield
    }) : () -> ()
    %add3A_297 = arith.constant 576 : i32
    %add3A_298 = arith.addi %mul3A_2, %add3A_297 : i32
    %run_scoped3A_299 = arith.constant 0 : i32
    "tpu.region"() ({
      %run_scoped3A_300 = tpu.sem_alloc : memref<!tpu.dma_semaphore, #tpu.memory_space<semaphore_mem>>
      %dma_start3A_301 = arith.constant 0 : i32
      %dma_start3A_302 = arith.constant 0 : i32
      %dma_start3A_303 = tpu.memref_slice %arg8[%run_scoped3A_299, %dma_start3A_301, %dma_start3A_302] : memref<2x64x128xf32, #tpu.memory_space<vmem>> -> memref<1x64x128xf32, #tpu.memory_space<vmem>>
      %dma_start3A_304 = tpu.memref_squeeze %dma_start3A_303 : memref<1x64x128xf32, #tpu.memory_space<vmem>> -> memref<64x128xf32, #tpu.memory_space<vmem>>
      %dma_start3A_305 = arith.constant 0 : i32
      %dma_start3A_306 = tpu.memref_slice %arg5[%arg0, %add3A_298, %dma_start3A_305] : memref<2x10240x128xf32, #tpu.memory_space<hbm>> -> memref<1x64x128xf32, #tpu.memory_space<hbm>>
      %dma_start3A_307 = tpu.memref_squeeze %dma_start3A_306 : memref<1x64x128xf32, #tpu.memory_space<hbm>> -> memref<64x128xf32, #tpu.memory_space<hbm>>
      %dma_start3A_308 = arith.constant 0 : i32
      %dma_start3A_309 = tpu.memref_slice %arg5[%arg0, %add3A_298, %dma_start3A_308] : memref<2x10240x128xf32, #tpu.memory_space<hbm>> -> memref<1x64x128xf32, #tpu.memory_space<hbm>>
      %dma_start3A_310 = tpu.memref_squeeze %dma_start3A_309 : memref<1x64x128xf32, #tpu.memory_space<hbm>> -> memref<64x128xf32, #tpu.memory_space<hbm>>
      %dma_start3A_311 = arith.constant 0 : i32
      %dma_start3A_312 = arith.constant 0 : i32
      %dma_start3A_313 = tpu.memref_slice %arg8[%run_scoped3A_299, %dma_start3A_311, %dma_start3A_312] : memref<2x64x128xf32, #tpu.memory_space<vmem>> -> memref<1x64x128xf32, #tpu.memory_space<vmem>>
      %dma_start3A_314 = tpu.memref_squeeze %dma_start3A_313 : memref<1x64x128xf32, #tpu.memory_space<vmem>> -> memref<64x128xf32, #tpu.memory_space<vmem>>
      tpu.enqueue_dma source(%dma_start3A_314 : memref<64x128xf32, #tpu.memory_space<vmem>>) target(%dma_start3A_310 : memref<64x128xf32, #tpu.memory_space<hbm>>) target_semaphore(%run_scoped3A_300 : memref<!tpu.dma_semaphore, #tpu.memory_space<semaphore_mem>>)
      %dma_wait3A_315 = arith.constant 0 : i32
      %dma_wait3A_316 = arith.constant 0 : i32
      %dma_wait3A_317 = tpu.memref_slice %arg8[%run_scoped3A_299, %dma_wait3A_315, %dma_wait3A_316] : memref<2x64x128xf32, #tpu.memory_space<vmem>> -> memref<1x64x128xf32, #tpu.memory_space<vmem>>
      %dma_wait3A_318 = tpu.memref_squeeze %dma_wait3A_317 : memref<1x64x128xf32, #tpu.memory_space<vmem>> -> memref<64x128xf32, #tpu.memory_space<vmem>>
      %dma_wait3A_319 = arith.constant 0 : i32
      %dma_wait3A_320 = tpu.memref_slice %arg5[%arg0, %add3A_298, %dma_wait3A_319] : memref<2x10240x128xf32, #tpu.memory_space<hbm>> -> memref<1x64x128xf32, #tpu.memory_space<hbm>>
      %dma_wait3A_321 = tpu.memref_squeeze %dma_wait3A_320 : memref<1x64x128xf32, #tpu.memory_space<hbm>> -> memref<64x128xf32, #tpu.memory_space<hbm>>
      %dma_wait3A_322 = arith.constant 0 : i32
      %dma_wait3A_323 = tpu.memref_slice %arg5[%arg0, %add3A_298, %dma_wait3A_322] : memref<2x10240x128xf32, #tpu.memory_space<hbm>> -> memref<1x64x128xf32, #tpu.memory_space<hbm>>
      %dma_wait3A_324 = tpu.memref_squeeze %dma_wait3A_323 : memref<1x64x128xf32, #tpu.memory_space<hbm>> -> memref<64x128xf32, #tpu.memory_space<hbm>>
      %dma_wait3A_325 = arith.constant 0 : i32
      %dma_wait3A_326 = arith.constant 0 : i32
      %dma_wait3A_327 = tpu.memref_slice %arg8[%run_scoped3A_299, %dma_wait3A_325, %dma_wait3A_326] : memref<2x64x128xf32, #tpu.memory_space<vmem>> -> memref<1x64x128xf32, #tpu.memory_space<vmem>>
      %dma_wait3A_328 = tpu.memref_squeeze %dma_wait3A_327 : memref<1x64x128xf32, #tpu.memory_space<vmem>> -> memref<64x128xf32, #tpu.memory_space<vmem>>
      tpu.wait_dma2 semaphore(%run_scoped3A_300 : memref<!tpu.dma_semaphore, #tpu.memory_space<semaphore_mem>>) src(%dma_wait3A_328 : memref<64x128xf32, #tpu.memory_space<vmem>>) dst(%dma_wait3A_324 : memref<64x128xf32, #tpu.memory_space<hbm>>)
      tpu.yield
    }) : () -> ()
    return
  }
}

#map = affine_map<(d0, d1) -> (0, 0, 0)>
#map1 = affine_map<(d0, d1) -> (0, 0)>
module attributes {stable_mosaic.version = 14 : i64} {
  func.func @_deg(%arg0: i32, %arg1: i32, %arg2: memref<32x160x64xi32, #tpu.memory_space<hbm>>, %arg3: memref<2x10240xf32, #tpu.memory_space<hbm>>, %arg4: memref<160x64xi32, #tpu.memory_space<vmem>>, %arg5: memref<64xf32, #tpu.memory_space<vmem>>, %arg6: memref<640xf32, #tpu.memory_space<vmem>>, %arg7: memref<10240xf32, #tpu.memory_space<vmem_shared>>, %arg8: memref<!tpu.dma_semaphore, #tpu.memory_space<semaphore_mem>>) attributes {dimension_semantics = [#tpu.dimension_semantics<core_parallel>, #tpu.dimension_semantics<subcore_parallel>], iteration_bounds = array<i64: 2, 16>, scalar_prefetch = 0 : i64, scratch_operands = 5 : i64, tpu.core_type = #tpu.core_type<sc_vector_subcore>, window_params = [{transform_indices = #map}, {transform_indices = #map1}]} {
    %mul3A = arith.constant 16 : i32
    %mul3A_0 = arith.muli %arg0, %mul3A : i32
    %add3A = arith.addi %mul3A_0, %arg1 : i32
    %broadcast_in_dim3A = arith.constant 1.000000e+00 : f32
    %broadcast_in_dim3A_1 = vector.broadcast %broadcast_in_dim3A : f32 to vector<16xf32>
    %swap3A = arith.constant 0 : index
    %swap3A_2 = tpu.vector_load %arg5[%swap3A] {strides = array<i32>} : memref<64xf32, #tpu.memory_space<vmem>>, vector<16xf32>,
    %swap3A_3 = vector.shape_cast %swap3A_2 : vector<16xf32> to vector<16xf32>
    %swap3A_4 = vector.shape_cast %broadcast_in_dim3A_1 : vector<16xf32> to vector<16xf32>
    tpu.vector_store %arg5[%swap3A], %swap3A_4 {strides = array<i32>} : memref<64xf32, #tpu.memory_space<vmem>>, vector<16xf32>,
    %broadcast_in_dim3A_5 = arith.constant 1.000000e+00 : f32
    %broadcast_in_dim3A_6 = vector.broadcast %broadcast_in_dim3A_5 : f32 to vector<16xf32>
    %swap3A_7 = arith.constant 16 : index
    %swap3A_8 = tpu.vector_load %arg5[%swap3A_7] {strides = array<i32>} : memref<64xf32, #tpu.memory_space<vmem>>, vector<16xf32>,
    %swap3A_9 = vector.shape_cast %swap3A_8 : vector<16xf32> to vector<16xf32>
    %swap3A_10 = vector.shape_cast %broadcast_in_dim3A_6 : vector<16xf32> to vector<16xf32>
    tpu.vector_store %arg5[%swap3A_7], %swap3A_10 {strides = array<i32>} : memref<64xf32, #tpu.memory_space<vmem>>, vector<16xf32>,
    %broadcast_in_dim3A_11 = arith.constant 1.000000e+00 : f32
    %broadcast_in_dim3A_12 = vector.broadcast %broadcast_in_dim3A_11 : f32 to vector<16xf32>
    %swap3A_13 = arith.constant 32 : index
    %swap3A_14 = tpu.vector_load %arg5[%swap3A_13] {strides = array<i32>} : memref<64xf32, #tpu.memory_space<vmem>>, vector<16xf32>,
    %swap3A_15 = vector.shape_cast %swap3A_14 : vector<16xf32> to vector<16xf32>
    %swap3A_16 = vector.shape_cast %broadcast_in_dim3A_12 : vector<16xf32> to vector<16xf32>
    tpu.vector_store %arg5[%swap3A_13], %swap3A_16 {strides = array<i32>} : memref<64xf32, #tpu.memory_space<vmem>>, vector<16xf32>,
    %broadcast_in_dim3A_17 = arith.constant 1.000000e+00 : f32
    %broadcast_in_dim3A_18 = vector.broadcast %broadcast_in_dim3A_17 : f32 to vector<16xf32>
    %swap3A_19 = arith.constant 48 : index
    %swap3A_20 = tpu.vector_load %arg5[%swap3A_19] {strides = array<i32>} : memref<64xf32, #tpu.memory_space<vmem>>, vector<16xf32>,
    %swap3A_21 = vector.shape_cast %swap3A_20 : vector<16xf32> to vector<16xf32>
    %swap3A_22 = vector.shape_cast %broadcast_in_dim3A_18 : vector<16xf32> to vector<16xf32>
    tpu.vector_store %arg5[%swap3A_19], %swap3A_22 {strides = array<i32>} : memref<64xf32, #tpu.memory_space<vmem>>, vector<16xf32>,
    %scan3A = arith.constant 0 : i32
    %scan3A_23 = arith.constant 0 : i32
    %scan3A_24 = arith.constant 40 : i32
    %scan3A_25 = arith.addi %scan3A_23, %scan3A_24 : i32
    %scan3A_26 = arith.constant 1 : i32
    scf.for %scan3A_41 = %scan3A_23 to %scan3A_25 step %scan3A_26  : i32 {
      %broadcast_in_dim3A_42 = arith.constant 0.000000e+00 : f32
      %broadcast_in_dim3A_43 = vector.broadcast %broadcast_in_dim3A_42 : f32 to vector<16xf32>
      %mul3A_44 = arith.constant 16 : i32
      %mul3A_45 = arith.muli %scan3A_41, %mul3A_44 : i32
      %swap3A_46 = arith.index_cast %mul3A_45 : i32 to index
      %swap3A_47 = tpu.vector_load %arg6[%swap3A_46] {strides = array<i32>} : memref<640xf32, #tpu.memory_space<vmem>>, vector<16xf32>,
      %swap3A_48 = vector.shape_cast %swap3A_47 : vector<16xf32> to vector<16xf32>
      %swap3A_49 = vector.shape_cast %broadcast_in_dim3A_43 : vector<16xf32> to vector<16xf32>
      tpu.vector_store %arg6[%swap3A_46], %swap3A_49 {strides = array<i32>} : memref<640xf32, #tpu.memory_space<vmem>>, vector<16xf32>,
    }
    %scan3A_27 = arith.constant 40 : i32
    %mul3A_28 = arith.constant 640 : i32
    %mul3A_29 = arith.muli %arg1, %mul3A_28 : i32
    "tpu.region"() ({
      %run_scoped3A = tpu.sem_alloc : memref<!tpu.dma_semaphore, #tpu.memory_space<semaphore_mem>>
      %dma_start3A = tpu.memref_slice %arg7[%mul3A_29] : memref<10240xf32, #tpu.memory_space<vmem_shared>> -> memref<640xf32, #tpu.memory_space<vmem_shared>>
      %dma_start3A_41 = tpu.memref_slice %arg7[%mul3A_29] : memref<10240xf32, #tpu.memory_space<vmem_shared>> -> memref<640xf32, #tpu.memory_space<vmem_shared>>
      tpu.enqueue_dma source(%arg6 : memref<640xf32, #tpu.memory_space<vmem>>) target(%dma_start3A_41 : memref<640xf32, #tpu.memory_space<vmem_shared>>) target_semaphore(%run_scoped3A : memref<!tpu.dma_semaphore, #tpu.memory_space<semaphore_mem>>)
      %dma_wait3A = tpu.memref_slice %arg7[%mul3A_29] : memref<10240xf32, #tpu.memory_space<vmem_shared>> -> memref<640xf32, #tpu.memory_space<vmem_shared>>
      %dma_wait3A_42 = tpu.memref_slice %arg7[%mul3A_29] : memref<10240xf32, #tpu.memory_space<vmem_shared>> -> memref<640xf32, #tpu.memory_space<vmem_shared>>
      tpu.wait_dma2 semaphore(%run_scoped3A : memref<!tpu.dma_semaphore, #tpu.memory_space<semaphore_mem>>) src(%arg6 : memref<640xf32, #tpu.memory_space<vmem>>) dst(%dma_wait3A_42 : memref<640xf32, #tpu.memory_space<vmem_shared>>)
      tpu.yield
    }) : () -> ()
    "tpu.region"() ({
      %run_scoped3A = tpu.sem_alloc : memref<!tpu.dma_semaphore, #tpu.memory_space<semaphore_mem>>
      %dma_start3A = arith.constant 0 : i32
      %dma_start3A_41 = arith.constant 0 : i32
      %dma_start3A_42 = tpu.memref_slice %arg2[%add3A, %dma_start3A, %dma_start3A_41] : memref<32x160x64xi32, #tpu.memory_space<hbm>> -> memref<1x160x64xi32, #tpu.memory_space<hbm>>
      %dma_start3A_43 = tpu.memref_squeeze %dma_start3A_42 : memref<1x160x64xi32, #tpu.memory_space<hbm>> -> memref<160x64xi32, #tpu.memory_space<hbm>>
      %dma_start3A_44 = arith.constant 0 : i32
      %dma_start3A_45 = arith.constant 0 : i32
      %dma_start3A_46 = tpu.memref_slice %arg2[%add3A, %dma_start3A_44, %dma_start3A_45] : memref<32x160x64xi32, #tpu.memory_space<hbm>> -> memref<1x160x64xi32, #tpu.memory_space<hbm>>
      %dma_start3A_47 = tpu.memref_squeeze %dma_start3A_46 : memref<1x160x64xi32, #tpu.memory_space<hbm>> -> memref<160x64xi32, #tpu.memory_space<hbm>>
      tpu.enqueue_dma source(%dma_start3A_47 : memref<160x64xi32, #tpu.memory_space<hbm>>) target(%arg4 : memref<160x64xi32, #tpu.memory_space<vmem>>) target_semaphore(%run_scoped3A : memref<!tpu.dma_semaphore, #tpu.memory_space<semaphore_mem>>)
      %dma_wait3A = arith.constant 0 : i32
      %dma_wait3A_48 = arith.constant 0 : i32
      %dma_wait3A_49 = tpu.memref_slice %arg2[%add3A, %dma_wait3A, %dma_wait3A_48] : memref<32x160x64xi32, #tpu.memory_space<hbm>> -> memref<1x160x64xi32, #tpu.memory_space<hbm>>
      %dma_wait3A_50 = tpu.memref_squeeze %dma_wait3A_49 : memref<1x160x64xi32, #tpu.memory_space<hbm>> -> memref<160x64xi32, #tpu.memory_space<hbm>>
      %dma_wait3A_51 = arith.constant 0 : i32
      %dma_wait3A_52 = arith.constant 0 : i32
      %dma_wait3A_53 = tpu.memref_slice %arg2[%add3A, %dma_wait3A_51, %dma_wait3A_52] : memref<32x160x64xi32, #tpu.memory_space<hbm>> -> memref<1x160x64xi32, #tpu.memory_space<hbm>>
      %dma_wait3A_54 = tpu.memref_squeeze %dma_wait3A_53 : memref<1x160x64xi32, #tpu.memory_space<hbm>> -> memref<160x64xi32, #tpu.memory_space<hbm>>
      tpu.wait_dma2 semaphore(%run_scoped3A : memref<!tpu.dma_semaphore, #tpu.memory_space<semaphore_mem>>) src(%dma_wait3A_54 : memref<160x64xi32, #tpu.memory_space<hbm>>) dst(%arg4 : memref<160x64xi32, #tpu.memory_space<vmem>>)
      tpu.yield
    }) : () -> ()
    %barrier3A = arith.constant 0 : index
    tpu.barrier barrier_id(%barrier3A)
    %scan3A_30 = arith.constant 0 : i32
    %scan3A_31 = arith.constant 0 : i32
    %scan3A_32 = arith.constant 20 : i32
    %scan3A_33 = arith.addi %scan3A_31, %scan3A_32 : i32
    %scan3A_34 = arith.constant 1 : i32
    scf.for %scan3A_41 = %scan3A_31 to %scan3A_33 step %scan3A_34  : i32 {
      %mul3A_42 = arith.constant 8 : i32
      %mul3A_43 = arith.muli %scan3A_41, %mul3A_42 : i32
      %add3A_44 = arith.constant 0 : i32
      %add3A_45 = arith.addi %mul3A_43, %add3A_44 : i32
      %dma_start3A = arith.constant 0 : i32
      %dma_start3A_46 = tpu.memref_slice %arg4[%add3A_45, %dma_start3A] : memref<160x64xi32, #tpu.memory_space<vmem>> -> memref<1x64xi32, #tpu.memory_space<vmem>>
      %dma_start3A_47 = tpu.memref_squeeze %dma_start3A_46 : memref<1x64xi32, #tpu.memory_space<vmem>> -> memref<64xi32, #tpu.memory_space<vmem>>
      %dma_start3A_48 = arith.constant 0 : i32
      %dma_start3A_49 = tpu.memref_slice %arg7[%dma_start3A_48] : memref<10240xf32, #tpu.memory_space<vmem_shared>> -> memref<10240xf32, #tpu.memory_space<vmem_shared>>
      tpu.enqueue_indirect_dma source(%arg5 : memref<64xf32, #tpu.memory_space<vmem>>) target(%dma_start3A_49 : memref<10240xf32, #tpu.memory_space<vmem_shared>>) offsets(%dma_start3A_47 : memref<64xi32, #tpu.memory_space<vmem>>) semaphore(%arg8 : memref<!tpu.dma_semaphore, #tpu.memory_space<semaphore_mem>>) {add = true}
      %mul3A_50 = arith.constant 8 : i32
      %mul3A_51 = arith.muli %scan3A_41, %mul3A_50 : i32
      %add3A_52 = arith.constant 1 : i32
      %add3A_53 = arith.addi %mul3A_51, %add3A_52 : i32
      %dma_start3A_54 = arith.constant 0 : i32
      %dma_start3A_55 = tpu.memref_slice %arg4[%add3A_53, %dma_start3A_54] : memref<160x64xi32, #tpu.memory_space<vmem>> -> memref<1x64xi32, #tpu.memory_space<vmem>>
      %dma_start3A_56 = tpu.memref_squeeze %dma_start3A_55 : memref<1x64xi32, #tpu.memory_space<vmem>> -> memref<64xi32, #tpu.memory_space<vmem>>
      %dma_start3A_57 = arith.constant 0 : i32
      %dma_start3A_58 = tpu.memref_slice %arg7[%dma_start3A_57] : memref<10240xf32, #tpu.memory_space<vmem_shared>> -> memref<10240xf32, #tpu.memory_space<vmem_shared>>
      tpu.enqueue_indirect_dma source(%arg5 : memref<64xf32, #tpu.memory_space<vmem>>) target(%dma_start3A_58 : memref<10240xf32, #tpu.memory_space<vmem_shared>>) offsets(%dma_start3A_56 : memref<64xi32, #tpu.memory_space<vmem>>) semaphore(%arg8 : memref<!tpu.dma_semaphore, #tpu.memory_space<semaphore_mem>>) {add = true}
      %mul3A_59 = arith.constant 8 : i32
      %mul3A_60 = arith.muli %scan3A_41, %mul3A_59 : i32
      %add3A_61 = arith.constant 2 : i32
      %add3A_62 = arith.addi %mul3A_60, %add3A_61 : i32
      %dma_start3A_63 = arith.constant 0 : i32
      %dma_start3A_64 = tpu.memref_slice %arg4[%add3A_62, %dma_start3A_63] : memref<160x64xi32, #tpu.memory_space<vmem>> -> memref<1x64xi32, #tpu.memory_space<vmem>>
      %dma_start3A_65 = tpu.memref_squeeze %dma_start3A_64 : memref<1x64xi32, #tpu.memory_space<vmem>> -> memref<64xi32, #tpu.memory_space<vmem>>
      %dma_start3A_66 = arith.constant 0 : i32
      %dma_start3A_67 = tpu.memref_slice %arg7[%dma_start3A_66] : memref<10240xf32, #tpu.memory_space<vmem_shared>> -> memref<10240xf32, #tpu.memory_space<vmem_shared>>
      tpu.enqueue_indirect_dma source(%arg5 : memref<64xf32, #tpu.memory_space<vmem>>) target(%dma_start3A_67 : memref<10240xf32, #tpu.memory_space<vmem_shared>>) offsets(%dma_start3A_65 : memref<64xi32, #tpu.memory_space<vmem>>) semaphore(%arg8 : memref<!tpu.dma_semaphore, #tpu.memory_space<semaphore_mem>>) {add = true}
      %mul3A_68 = arith.constant 8 : i32
      %mul3A_69 = arith.muli %scan3A_41, %mul3A_68 : i32
      %add3A_70 = arith.constant 3 : i32
      %add3A_71 = arith.addi %mul3A_69, %add3A_70 : i32
      %dma_start3A_72 = arith.constant 0 : i32
      %dma_start3A_73 = tpu.memref_slice %arg4[%add3A_71, %dma_start3A_72] : memref<160x64xi32, #tpu.memory_space<vmem>> -> memref<1x64xi32, #tpu.memory_space<vmem>>
      %dma_start3A_74 = tpu.memref_squeeze %dma_start3A_73 : memref<1x64xi32, #tpu.memory_space<vmem>> -> memref<64xi32, #tpu.memory_space<vmem>>
      %dma_start3A_75 = arith.constant 0 : i32
      %dma_start3A_76 = tpu.memref_slice %arg7[%dma_start3A_75] : memref<10240xf32, #tpu.memory_space<vmem_shared>> -> memref<10240xf32, #tpu.memory_space<vmem_shared>>
      tpu.enqueue_indirect_dma source(%arg5 : memref<64xf32, #tpu.memory_space<vmem>>) target(%dma_start3A_76 : memref<10240xf32, #tpu.memory_space<vmem_shared>>) offsets(%dma_start3A_74 : memref<64xi32, #tpu.memory_space<vmem>>) semaphore(%arg8 : memref<!tpu.dma_semaphore, #tpu.memory_space<semaphore_mem>>) {add = true}
      %mul3A_77 = arith.constant 8 : i32
      %mul3A_78 = arith.muli %scan3A_41, %mul3A_77 : i32
      %add3A_79 = arith.constant 4 : i32
      %add3A_80 = arith.addi %mul3A_78, %add3A_79 : i32
      %dma_start3A_81 = arith.constant 0 : i32
      %dma_start3A_82 = tpu.memref_slice %arg4[%add3A_80, %dma_start3A_81] : memref<160x64xi32, #tpu.memory_space<vmem>> -> memref<1x64xi32, #tpu.memory_space<vmem>>
      %dma_start3A_83 = tpu.memref_squeeze %dma_start3A_82 : memref<1x64xi32, #tpu.memory_space<vmem>> -> memref<64xi32, #tpu.memory_space<vmem>>
      %dma_start3A_84 = arith.constant 0 : i32
      %dma_start3A_85 = tpu.memref_slice %arg7[%dma_start3A_84] : memref<10240xf32, #tpu.memory_space<vmem_shared>> -> memref<10240xf32, #tpu.memory_space<vmem_shared>>
      tpu.enqueue_indirect_dma source(%arg5 : memref<64xf32, #tpu.memory_space<vmem>>) target(%dma_start3A_85 : memref<10240xf32, #tpu.memory_space<vmem_shared>>) offsets(%dma_start3A_83 : memref<64xi32, #tpu.memory_space<vmem>>) semaphore(%arg8 : memref<!tpu.dma_semaphore, #tpu.memory_space<semaphore_mem>>) {add = true}
      %mul3A_86 = arith.constant 8 : i32
      %mul3A_87 = arith.muli %scan3A_41, %mul3A_86 : i32
      %add3A_88 = arith.constant 5 : i32
      %add3A_89 = arith.addi %mul3A_87, %add3A_88 : i32
      %dma_start3A_90 = arith.constant 0 : i32
      %dma_start3A_91 = tpu.memref_slice %arg4[%add3A_89, %dma_start3A_90] : memref<160x64xi32, #tpu.memory_space<vmem>> -> memref<1x64xi32, #tpu.memory_space<vmem>>
      %dma_start3A_92 = tpu.memref_squeeze %dma_start3A_91 : memref<1x64xi32, #tpu.memory_space<vmem>> -> memref<64xi32, #tpu.memory_space<vmem>>
      %dma_start3A_93 = arith.constant 0 : i32
      %dma_start3A_94 = tpu.memref_slice %arg7[%dma_start3A_93] : memref<10240xf32, #tpu.memory_space<vmem_shared>> -> memref<10240xf32, #tpu.memory_space<vmem_shared>>
      tpu.enqueue_indirect_dma source(%arg5 : memref<64xf32, #tpu.memory_space<vmem>>) target(%dma_start3A_94 : memref<10240xf32, #tpu.memory_space<vmem_shared>>) offsets(%dma_start3A_92 : memref<64xi32, #tpu.memory_space<vmem>>) semaphore(%arg8 : memref<!tpu.dma_semaphore, #tpu.memory_space<semaphore_mem>>) {add = true}
      %mul3A_95 = arith.constant 8 : i32
      %mul3A_96 = arith.muli %scan3A_41, %mul3A_95 : i32
      %add3A_97 = arith.constant 6 : i32
      %add3A_98 = arith.addi %mul3A_96, %add3A_97 : i32
      %dma_start3A_99 = arith.constant 0 : i32
      %dma_start3A_100 = tpu.memref_slice %arg4[%add3A_98, %dma_start3A_99] : memref<160x64xi32, #tpu.memory_space<vmem>> -> memref<1x64xi32, #tpu.memory_space<vmem>>
      %dma_start3A_101 = tpu.memref_squeeze %dma_start3A_100 : memref<1x64xi32, #tpu.memory_space<vmem>> -> memref<64xi32, #tpu.memory_space<vmem>>
      %dma_start3A_102 = arith.constant 0 : i32
      %dma_start3A_103 = tpu.memref_slice %arg7[%dma_start3A_102] : memref<10240xf32, #tpu.memory_space<vmem_shared>> -> memref<10240xf32, #tpu.memory_space<vmem_shared>>
      tpu.enqueue_indirect_dma source(%arg5 : memref<64xf32, #tpu.memory_space<vmem>>) target(%dma_start3A_103 : memref<10240xf32, #tpu.memory_space<vmem_shared>>) offsets(%dma_start3A_101 : memref<64xi32, #tpu.memory_space<vmem>>) semaphore(%arg8 : memref<!tpu.dma_semaphore, #tpu.memory_space<semaphore_mem>>) {add = true}
      %mul3A_104 = arith.constant 8 : i32
      %mul3A_105 = arith.muli %scan3A_41, %mul3A_104 : i32
      %add3A_106 = arith.constant 7 : i32
      %add3A_107 = arith.addi %mul3A_105, %add3A_106 : i32
      %dma_start3A_108 = arith.constant 0 : i32
      %dma_start3A_109 = tpu.memref_slice %arg4[%add3A_107, %dma_start3A_108] : memref<160x64xi32, #tpu.memory_space<vmem>> -> memref<1x64xi32, #tpu.memory_space<vmem>>
      %dma_start3A_110 = tpu.memref_squeeze %dma_start3A_109 : memref<1x64xi32, #tpu.memory_space<vmem>> -> memref<64xi32, #tpu.memory_space<vmem>>
      %dma_start3A_111 = arith.constant 0 : i32
      %dma_start3A_112 = tpu.memref_slice %arg7[%dma_start3A_111] : memref<10240xf32, #tpu.memory_space<vmem_shared>> -> memref<10240xf32, #tpu.memory_space<vmem_shared>>
      tpu.enqueue_indirect_dma source(%arg5 : memref<64xf32, #tpu.memory_space<vmem>>) target(%dma_start3A_112 : memref<10240xf32, #tpu.memory_space<vmem_shared>>) offsets(%dma_start3A_110 : memref<64xi32, #tpu.memory_space<vmem>>) semaphore(%arg8 : memref<!tpu.dma_semaphore, #tpu.memory_space<semaphore_mem>>) {add = true}
      %mul3A_113 = arith.constant 8 : i32
      %mul3A_114 = arith.muli %scan3A_41, %mul3A_113 : i32
      %add3A_115 = arith.constant 0 : i32
      %add3A_116 = arith.addi %mul3A_114, %add3A_115 : i32
      %dma_wait3A = arith.constant 0 : i32
      %dma_wait3A_117 = tpu.memref_slice %arg4[%add3A_116, %dma_wait3A] : memref<160x64xi32, #tpu.memory_space<vmem>> -> memref<1x64xi32, #tpu.memory_space<vmem>>
      %dma_wait3A_118 = tpu.memref_squeeze %dma_wait3A_117 : memref<1x64xi32, #tpu.memory_space<vmem>> -> memref<64xi32, #tpu.memory_space<vmem>>
      %dma_wait3A_119 = arith.constant 0 : i32
      %dma_wait3A_120 = tpu.memref_slice %arg7[%dma_wait3A_119] : memref<10240xf32, #tpu.memory_space<vmem_shared>> -> memref<10240xf32, #tpu.memory_space<vmem_shared>>
      tpu.wait_indirect_dma semaphore(%arg8 : memref<!tpu.dma_semaphore, #tpu.memory_space<semaphore_mem>>) src(%arg5 : memref<64xf32, #tpu.memory_space<vmem>>) dst(%dma_wait3A_120 : memref<10240xf32, #tpu.memory_space<vmem_shared>>)
      %mul3A_121 = arith.constant 8 : i32
      %mul3A_122 = arith.muli %scan3A_41, %mul3A_121 : i32
      %add3A_123 = arith.constant 1 : i32
      %add3A_124 = arith.addi %mul3A_122, %add3A_123 : i32
      %dma_wait3A_125 = arith.constant 0 : i32
      %dma_wait3A_126 = tpu.memref_slice %arg4[%add3A_124, %dma_wait3A_125] : memref<160x64xi32, #tpu.memory_space<vmem>> -> memref<1x64xi32, #tpu.memory_space<vmem>>
      %dma_wait3A_127 = tpu.memref_squeeze %dma_wait3A_126 : memref<1x64xi32, #tpu.memory_space<vmem>> -> memref<64xi32, #tpu.memory_space<vmem>>
      %dma_wait3A_128 = arith.constant 0 : i32
      %dma_wait3A_129 = tpu.memref_slice %arg7[%dma_wait3A_128] : memref<10240xf32, #tpu.memory_space<vmem_shared>> -> memref<10240xf32, #tpu.memory_space<vmem_shared>>
      tpu.wait_indirect_dma semaphore(%arg8 : memref<!tpu.dma_semaphore, #tpu.memory_space<semaphore_mem>>) src(%arg5 : memref<64xf32, #tpu.memory_space<vmem>>) dst(%dma_wait3A_129 : memref<10240xf32, #tpu.memory_space<vmem_shared>>)
      %mul3A_130 = arith.constant 8 : i32
      %mul3A_131 = arith.muli %scan3A_41, %mul3A_130 : i32
      %add3A_132 = arith.constant 2 : i32
      %add3A_133 = arith.addi %mul3A_131, %add3A_132 : i32
      %dma_wait3A_134 = arith.constant 0 : i32
      %dma_wait3A_135 = tpu.memref_slice %arg4[%add3A_133, %dma_wait3A_134] : memref<160x64xi32, #tpu.memory_space<vmem>> -> memref<1x64xi32, #tpu.memory_space<vmem>>
      %dma_wait3A_136 = tpu.memref_squeeze %dma_wait3A_135 : memref<1x64xi32, #tpu.memory_space<vmem>> -> memref<64xi32, #tpu.memory_space<vmem>>
      %dma_wait3A_137 = arith.constant 0 : i32
      %dma_wait3A_138 = tpu.memref_slice %arg7[%dma_wait3A_137] : memref<10240xf32, #tpu.memory_space<vmem_shared>> -> memref<10240xf32, #tpu.memory_space<vmem_shared>>
      tpu.wait_indirect_dma semaphore(%arg8 : memref<!tpu.dma_semaphore, #tpu.memory_space<semaphore_mem>>) src(%arg5 : memref<64xf32, #tpu.memory_space<vmem>>) dst(%dma_wait3A_138 : memref<10240xf32, #tpu.memory_space<vmem_shared>>)
      %mul3A_139 = arith.constant 8 : i32
      %mul3A_140 = arith.muli %scan3A_41, %mul3A_139 : i32
      %add3A_141 = arith.constant 3 : i32
      %add3A_142 = arith.addi %mul3A_140, %add3A_141 : i32
      %dma_wait3A_143 = arith.constant 0 : i32
      %dma_wait3A_144 = tpu.memref_slice %arg4[%add3A_142, %dma_wait3A_143] : memref<160x64xi32, #tpu.memory_space<vmem>> -> memref<1x64xi32, #tpu.memory_space<vmem>>
      %dma_wait3A_145 = tpu.memref_squeeze %dma_wait3A_144 : memref<1x64xi32, #tpu.memory_space<vmem>> -> memref<64xi32, #tpu.memory_space<vmem>>
      %dma_wait3A_146 = arith.constant 0 : i32
      %dma_wait3A_147 = tpu.memref_slice %arg7[%dma_wait3A_146] : memref<10240xf32, #tpu.memory_space<vmem_shared>> -> memref<10240xf32, #tpu.memory_space<vmem_shared>>
      tpu.wait_indirect_dma semaphore(%arg8 : memref<!tpu.dma_semaphore, #tpu.memory_space<semaphore_mem>>) src(%arg5 : memref<64xf32, #tpu.memory_space<vmem>>) dst(%dma_wait3A_147 : memref<10240xf32, #tpu.memory_space<vmem_shared>>)
      %mul3A_148 = arith.constant 8 : i32
      %mul3A_149 = arith.muli %scan3A_41, %mul3A_148 : i32
      %add3A_150 = arith.constant 4 : i32
      %add3A_151 = arith.addi %mul3A_149, %add3A_150 : i32
      %dma_wait3A_152 = arith.constant 0 : i32
      %dma_wait3A_153 = tpu.memref_slice %arg4[%add3A_151, %dma_wait3A_152] : memref<160x64xi32, #tpu.memory_space<vmem>> -> memref<1x64xi32, #tpu.memory_space<vmem>>
      %dma_wait3A_154 = tpu.memref_squeeze %dma_wait3A_153 : memref<1x64xi32, #tpu.memory_space<vmem>> -> memref<64xi32, #tpu.memory_space<vmem>>
      %dma_wait3A_155 = arith.constant 0 : i32
      %dma_wait3A_156 = tpu.memref_slice %arg7[%dma_wait3A_155] : memref<10240xf32, #tpu.memory_space<vmem_shared>> -> memref<10240xf32, #tpu.memory_space<vmem_shared>>
      tpu.wait_indirect_dma semaphore(%arg8 : memref<!tpu.dma_semaphore, #tpu.memory_space<semaphore_mem>>) src(%arg5 : memref<64xf32, #tpu.memory_space<vmem>>) dst(%dma_wait3A_156 : memref<10240xf32, #tpu.memory_space<vmem_shared>>)
      %mul3A_157 = arith.constant 8 : i32
      %mul3A_158 = arith.muli %scan3A_41, %mul3A_157 : i32
      %add3A_159 = arith.constant 5 : i32
      %add3A_160 = arith.addi %mul3A_158, %add3A_159 : i32
      %dma_wait3A_161 = arith.constant 0 : i32
      %dma_wait3A_162 = tpu.memref_slice %arg4[%add3A_160, %dma_wait3A_161] : memref<160x64xi32, #tpu.memory_space<vmem>> -> memref<1x64xi32, #tpu.memory_space<vmem>>
      %dma_wait3A_163 = tpu.memref_squeeze %dma_wait3A_162 : memref<1x64xi32, #tpu.memory_space<vmem>> -> memref<64xi32, #tpu.memory_space<vmem>>
      %dma_wait3A_164 = arith.constant 0 : i32
      %dma_wait3A_165 = tpu.memref_slice %arg7[%dma_wait3A_164] : memref<10240xf32, #tpu.memory_space<vmem_shared>> -> memref<10240xf32, #tpu.memory_space<vmem_shared>>
      tpu.wait_indirect_dma semaphore(%arg8 : memref<!tpu.dma_semaphore, #tpu.memory_space<semaphore_mem>>) src(%arg5 : memref<64xf32, #tpu.memory_space<vmem>>) dst(%dma_wait3A_165 : memref<10240xf32, #tpu.memory_space<vmem_shared>>)
      %mul3A_166 = arith.constant 8 : i32
      %mul3A_167 = arith.muli %scan3A_41, %mul3A_166 : i32
      %add3A_168 = arith.constant 6 : i32
      %add3A_169 = arith.addi %mul3A_167, %add3A_168 : i32
      %dma_wait3A_170 = arith.constant 0 : i32
      %dma_wait3A_171 = tpu.memref_slice %arg4[%add3A_169, %dma_wait3A_170] : memref<160x64xi32, #tpu.memory_space<vmem>> -> memref<1x64xi32, #tpu.memory_space<vmem>>
      %dma_wait3A_172 = tpu.memref_squeeze %dma_wait3A_171 : memref<1x64xi32, #tpu.memory_space<vmem>> -> memref<64xi32, #tpu.memory_space<vmem>>
      %dma_wait3A_173 = arith.constant 0 : i32
      %dma_wait3A_174 = tpu.memref_slice %arg7[%dma_wait3A_173] : memref<10240xf32, #tpu.memory_space<vmem_shared>> -> memref<10240xf32, #tpu.memory_space<vmem_shared>>
      tpu.wait_indirect_dma semaphore(%arg8 : memref<!tpu.dma_semaphore, #tpu.memory_space<semaphore_mem>>) src(%arg5 : memref<64xf32, #tpu.memory_space<vmem>>) dst(%dma_wait3A_174 : memref<10240xf32, #tpu.memory_space<vmem_shared>>)
      %mul3A_175 = arith.constant 8 : i32
      %mul3A_176 = arith.muli %scan3A_41, %mul3A_175 : i32
      %add3A_177 = arith.constant 7 : i32
      %add3A_178 = arith.addi %mul3A_176, %add3A_177 : i32
      %dma_wait3A_179 = arith.constant 0 : i32
      %dma_wait3A_180 = tpu.memref_slice %arg4[%add3A_178, %dma_wait3A_179] : memref<160x64xi32, #tpu.memory_space<vmem>> -> memref<1x64xi32, #tpu.memory_space<vmem>>
      %dma_wait3A_181 = tpu.memref_squeeze %dma_wait3A_180 : memref<1x64xi32, #tpu.memory_space<vmem>> -> memref<64xi32, #tpu.memory_space<vmem>>
      %dma_wait3A_182 = arith.constant 0 : i32
      %dma_wait3A_183 = tpu.memref_slice %arg7[%dma_wait3A_182] : memref<10240xf32, #tpu.memory_space<vmem_shared>> -> memref<10240xf32, #tpu.memory_space<vmem_shared>>
      tpu.wait_indirect_dma semaphore(%arg8 : memref<!tpu.dma_semaphore, #tpu.memory_space<semaphore_mem>>) src(%arg5 : memref<64xf32, #tpu.memory_space<vmem>>) dst(%dma_wait3A_183 : memref<10240xf32, #tpu.memory_space<vmem_shared>>)
    }
    %scan3A_35 = arith.constant 20 : i32
    %barrier3A_36 = arith.constant 0 : index
    tpu.barrier barrier_id(%barrier3A_36)
    %mul3A_37 = arith.constant 640 : i32
    %mul3A_38 = arith.muli %arg1, %mul3A_37 : i32
    "tpu.region"() ({
      %run_scoped3A = tpu.sem_alloc : memref<!tpu.dma_semaphore, #tpu.memory_space<semaphore_mem>>
      %dma_start3A = tpu.memref_slice %arg7[%mul3A_38] : memref<10240xf32, #tpu.memory_space<vmem_shared>> -> memref<640xf32, #tpu.memory_space<vmem_shared>>
      %dma_start3A_41 = tpu.memref_slice %arg7[%mul3A_38] : memref<10240xf32, #tpu.memory_space<vmem_shared>> -> memref<640xf32, #tpu.memory_space<vmem_shared>>
      tpu.enqueue_dma source(%dma_start3A_41 : memref<640xf32, #tpu.memory_space<vmem_shared>>) target(%arg6 : memref<640xf32, #tpu.memory_space<vmem>>) target_semaphore(%run_scoped3A : memref<!tpu.dma_semaphore, #tpu.memory_space<semaphore_mem>>)
      %dma_wait3A = tpu.memref_slice %arg7[%mul3A_38] : memref<10240xf32, #tpu.memory_space<vmem_shared>> -> memref<640xf32, #tpu.memory_space<vmem_shared>>
      %dma_wait3A_42 = tpu.memref_slice %arg7[%mul3A_38] : memref<10240xf32, #tpu.memory_space<vmem_shared>> -> memref<640xf32, #tpu.memory_space<vmem_shared>>
      tpu.wait_dma2 semaphore(%run_scoped3A : memref<!tpu.dma_semaphore, #tpu.memory_space<semaphore_mem>>) src(%dma_wait3A_42 : memref<640xf32, #tpu.memory_space<vmem_shared>>) dst(%arg6 : memref<640xf32, #tpu.memory_space<vmem>>)
      tpu.yield
    }) : () -> ()
    %mul3A_39 = arith.constant 640 : i32
    %mul3A_40 = arith.muli %arg1, %mul3A_39 : i32
    "tpu.region"() ({
      %run_scoped3A = tpu.sem_alloc : memref<!tpu.dma_semaphore, #tpu.memory_space<semaphore_mem>>
      %dma_start3A = tpu.memref_slice %arg3[%arg0, %mul3A_40] : memref<2x10240xf32, #tpu.memory_space<hbm>> -> memref<1x640xf32, #tpu.memory_space<hbm>>
      %dma_start3A_41 = tpu.memref_squeeze %dma_start3A : memref<1x640xf32, #tpu.memory_space<hbm>> -> memref<640xf32, #tpu.memory_space<hbm>>
      %dma_start3A_42 = tpu.memref_slice %arg3[%arg0, %mul3A_40] : memref<2x10240xf32, #tpu.memory_space<hbm>> -> memref<1x640xf32, #tpu.memory_space<hbm>>
      %dma_start3A_43 = tpu.memref_squeeze %dma_start3A_42 : memref<1x640xf32, #tpu.memory_space<hbm>> -> memref<640xf32, #tpu.memory_space<hbm>>
      tpu.enqueue_dma source(%arg6 : memref<640xf32, #tpu.memory_space<vmem>>) target(%dma_start3A_43 : memref<640xf32, #tpu.memory_space<hbm>>) target_semaphore(%run_scoped3A : memref<!tpu.dma_semaphore, #tpu.memory_space<semaphore_mem>>)
      %dma_wait3A = tpu.memref_slice %arg3[%arg0, %mul3A_40] : memref<2x10240xf32, #tpu.memory_space<hbm>> -> memref<1x640xf32, #tpu.memory_space<hbm>>
      %dma_wait3A_44 = tpu.memref_squeeze %dma_wait3A : memref<1x640xf32, #tpu.memory_space<hbm>> -> memref<640xf32, #tpu.memory_space<hbm>>
      %dma_wait3A_45 = tpu.memref_slice %arg3[%arg0, %mul3A_40] : memref<2x10240xf32, #tpu.memory_space<hbm>> -> memref<1x640xf32, #tpu.memory_space<hbm>>
      %dma_wait3A_46 = tpu.memref_squeeze %dma_wait3A_45 : memref<1x640xf32, #tpu.memory_space<hbm>> -> memref<640xf32, #tpu.memory_space<hbm>>
      tpu.wait_dma2 semaphore(%run_scoped3A : memref<!tpu.dma_semaphore, #tpu.memory_space<semaphore_mem>>) src(%arg6 : memref<640xf32, #tpu.memory_space<vmem>>) dst(%dma_wait3A_46 : memref<640xf32, #tpu.memory_space<hbm>>)
      tpu.yield
    }) : () -> ()
    return
  }
}

#map = affine_map<(d0, d1) -> (0, 0)>
#map1 = affine_map<(d0, d1) -> (0, 0, 0)>
module attributes {stable_mosaic.version = 14 : i64} {
  func.func @_scatter(%arg0: i32, %arg1: i32, %arg2: memref<10000x128xf32, #tpu.memory_space<hbm>>, %arg3: memref<32x160x64xi32, #tpu.memory_space<hbm>>, %arg4: memref<32x160x64xi32, #tpu.memory_space<hbm>>, %arg5: memref<2x10240x128xf32, #tpu.memory_space<hbm>>, %arg6: memref<80x64xi32, #tpu.memory_space<vmem>>, %arg7: memref<80x64xi32, #tpu.memory_space<vmem>>, %arg8: memref<2x64x128xf32, #tpu.memory_space<vmem>>, %arg9: memref<10240x128xf32, #tpu.memory_space<vmem_shared>>, %arg10: memref<!tpu.dma_semaphore, #tpu.memory_space<semaphore_mem>>, %arg11: memref<!tpu.dma_semaphore, #tpu.memory_space<semaphore_mem>>, %arg12: memref<!tpu.dma_semaphore, #tpu.memory_space<semaphore_mem>>, %arg13: memref<!tpu.dma_semaphore, #tpu.memory_space<semaphore_mem>>) attributes {dimension_semantics = [#tpu.dimension_semantics<core_parallel>, #tpu.dimension_semantics<subcore_parallel>], iteration_bounds = array<i64: 2, 16>, scalar_prefetch = 0 : i64, scratch_operands = 8 : i64, tpu.core_type = #tpu.core_type<sc_vector_subcore>, window_params = [{transform_indices = #map}, {transform_indices = #map1}, {transform_indices = #map1}, {transform_indices = #map1}]} {
    %mul3A = arith.constant 16 : i32
    %mul3A_0 = arith.muli %arg0, %mul3A : i32
    %add3A = arith.addi %mul3A_0, %arg1 : i32
    %mul3A_1 = arith.constant 640 : i32
    %mul3A_2 = arith.muli %arg1, %mul3A_1 : i32
    %scan3A = arith.constant 0 : i32
    %scan3A_3 = arith.constant 0 : i32
    %scan3A_4 = arith.constant 512 : i32
    %scan3A_5 = arith.addi %scan3A_3, %scan3A_4 : i32
    %scan3A_6 = arith.constant 1 : i32
    scf.for %scan3A_300 = %scan3A_3 to %scan3A_5 step %scan3A_6  : i32 {
      %jit3A = arith.constant 8 : i32
      %div3A = arith.divsi %scan3A_300, %jit3A : i32
      %sign3A = arith.constant 0 : i32
      %sign3A_301 = arith.cmpi sgt, %scan3A_300, %sign3A : i32
      %sign3A_302 = arith.extui %sign3A_301 : i1 to i32
      %sign3A_303 = arith.constant 0 : i32
      %sign3A_304 = arith.cmpi slt, %scan3A_300, %sign3A_303 : i32
      %sign3A_305 = arith.extui %sign3A_304 : i1 to i32
      %sign3A_306 = arith.subi %sign3A_302, %sign3A_305 : i32
      %sign3A_307 = arith.constant 0 : i32
      %sign3A_308 = arith.cmpi sgt, %jit3A, %sign3A_307 : i32
      %sign3A_309 = arith.extui %sign3A_308 : i1 to i32
      %sign3A_310 = arith.constant 0 : i32
      %sign3A_311 = arith.cmpi slt, %jit3A, %sign3A_310 : i32
      %sign3A_312 = arith.extui %sign3A_311 : i1 to i32
      %sign3A_313 = arith.subi %sign3A_309, %sign3A_312 : i32
      %ne3A = arith.cmpi ne, %sign3A_306, %sign3A_313 : i32
      %rem3A = arith.remsi %scan3A_300, %jit3A : i32
      %ne3A_314 = arith.constant 0 : i32
      %ne3A_315 = arith.cmpi ne, %rem3A, %ne3A_314 : i32
      %and3A = arith.andi %ne3A, %ne3A_315 : i1
      %sub3A = arith.constant 1 : i32
      %sub3A_316 = arith.subi %div3A, %sub3A : i32
      %select_n3A = arith.select %and3A, %sub3A_316, %div3A : i32
      %rem3A_317 = arith.constant 8 : i32
      %rem3A_318 = arith.remsi %scan3A_300, %rem3A_317 : i32
      %broadcast_in_dim3A = arith.constant 0.000000e+00 : f32
      %broadcast_in_dim3A_319 = vector.broadcast %broadcast_in_dim3A : f32 to vector<16xf32>
      %mul3A_320 = arith.constant 16 : i32
      %mul3A_321 = arith.muli %rem3A_318, %mul3A_320 : i32
      %swap3A = arith.constant 0 : i32
      %swap3A_322 = arith.index_cast %swap3A : i32 to index
      %swap3A_323 = arith.index_cast %select_n3A : i32 to index
      %swap3A_324 = arith.index_cast %mul3A_321 : i32 to index
      %swap3A_325 = tpu.vector_load %arg8[%swap3A_322, %swap3A_323, %swap3A_324] {strides = array<i32>} : memref<2x64x128xf32, #tpu.memory_space<vmem>>, vector<1x1x16xf32>,
      %swap3A_326 = vector.shape_cast %swap3A_325 : vector<1x1x16xf32> to vector<16xf32>
      %swap3A_327 = vector.shape_cast %broadcast_in_dim3A_319 : vector<16xf32> to vector<1x1x16xf32>
      tpu.vector_store %arg8[%swap3A_322, %swap3A_323, %swap3A_324], %swap3A_327 {strides = array<i32>} : memref<2x64x128xf32, #tpu.memory_space<vmem>>, vector<1x1x16xf32>,
    }
    %scan3A_7 = arith.constant 512 : i32
    %add3A_8 = arith.constant 0 : i32
    %add3A_9 = arith.addi %mul3A_2, %add3A_8 : i32
    %run_scoped3A = arith.constant 0 : i32
    "tpu.region"() ({
      %run_scoped3A_300 = tpu.sem_alloc : memref<!tpu.dma_semaphore, #tpu.memory_space<semaphore_mem>>
      %dma_start3A_301 = arith.constant 0 : i32
      %dma_start3A_302 = arith.constant 0 : i32
      %dma_start3A_303 = tpu.memref_slice %arg8[%run_scoped3A, %dma_start3A_301, %dma_start3A_302] : memref<2x64x128xf32, #tpu.memory_space<vmem>> -> memref<1x64x128xf32, #tpu.memory_space<vmem>>
      %dma_start3A_304 = tpu.memref_squeeze %dma_start3A_303 : memref<1x64x128xf32, #tpu.memory_space<vmem>> -> memref<64x128xf32, #tpu.memory_space<vmem>>
      %dma_start3A_305 = arith.constant 0 : i32
      %dma_start3A_306 = tpu.memref_slice %arg9[%add3A_9, %dma_start3A_305] : memref<10240x128xf32, #tpu.memory_space<vmem_shared>> -> memref<64x128xf32, #tpu.memory_space<vmem_shared>>
      %dma_start3A_307 = arith.constant 0 : i32
      %dma_start3A_308 = tpu.memref_slice %arg9[%add3A_9, %dma_start3A_307] : memref<10240x128xf32, #tpu.memory_space<vmem_shared>> -> memref<64x128xf32, #tpu.memory_space<vmem_shared>>
      %dma_start3A_309 = arith.constant 0 : i32
      %dma_start3A_310 = arith.constant 0 : i32
      %dma_start3A_311 = tpu.memref_slice %arg8[%run_scoped3A, %dma_start3A_309, %dma_start3A_310] : memref<2x64x128xf32, #tpu.memory_space<vmem>> -> memref<1x64x128xf32, #tpu.memory_space<vmem>>
      %dma_start3A_312 = tpu.memref_squeeze %dma_start3A_311 : memref<1x64x128xf32, #tpu.memory_space<vmem>> -> memref<64x128xf32, #tpu.memory_space<vmem>>
      tpu.enqueue_dma source(%dma_start3A_312 : memref<64x128xf32, #tpu.memory_space<vmem>>) target(%dma_start3A_308 : memref<64x128xf32, #tpu.memory_space<vmem_shared>>) target_semaphore(%run_scoped3A_300 : memref<!tpu.dma_semaphore, #tpu.memory_space<semaphore_mem>>)
      %dma_wait3A_313 = arith.constant 0 : i32
      %dma_wait3A_314 = arith.constant 0 : i32
      %dma_wait3A_315 = tpu.memref_slice %arg8[%run_scoped3A, %dma_wait3A_313, %dma_wait3A_314] : memref<2x64x128xf32, #tpu.memory_space<vmem>> -> memref<1x64x128xf32, #tpu.memory_space<vmem>>
      %dma_wait3A_316 = tpu.memref_squeeze %dma_wait3A_315 : memref<1x64x128xf32, #tpu.memory_space<vmem>> -> memref<64x128xf32, #tpu.memory_space<vmem>>
      %dma_wait3A_317 = arith.constant 0 : i32
      %dma_wait3A_318 = tpu.memref_slice %arg9[%add3A_9, %dma_wait3A_317] : memref<10240x128xf32, #tpu.memory_space<vmem_shared>> -> memref<64x128xf32, #tpu.memory_space<vmem_shared>>
      %dma_wait3A_319 = arith.constant 0 : i32
      %dma_wait3A_320 = tpu.memref_slice %arg9[%add3A_9, %dma_wait3A_319] : memref<10240x128xf32, #tpu.memory_space<vmem_shared>> -> memref<64x128xf32, #tpu.memory_space<vmem_shared>>
      %dma_wait3A_321 = arith.constant 0 : i32
      %dma_wait3A_322 = arith.constant 0 : i32
      %dma_wait3A_323 = tpu.memref_slice %arg8[%run_scoped3A, %dma_wait3A_321, %dma_wait3A_322] : memref<2x64x128xf32, #tpu.memory_space<vmem>> -> memref<1x64x128xf32, #tpu.memory_space<vmem>>
      %dma_wait3A_324 = tpu.memref_squeeze %dma_wait3A_323 : memref<1x64x128xf32, #tpu.memory_space<vmem>> -> memref<64x128xf32, #tpu.memory_space<vmem>>
      tpu.wait_dma2 semaphore(%run_scoped3A_300 : memref<!tpu.dma_semaphore, #tpu.memory_space<semaphore_mem>>) src(%dma_wait3A_324 : memref<64x128xf32, #tpu.memory_space<vmem>>) dst(%dma_wait3A_320 : memref<64x128xf32, #tpu.memory_space<vmem_shared>>)
      tpu.yield
    }) : () -> ()
    %add3A_10 = arith.constant 64 : i32
    %add3A_11 = arith.addi %mul3A_2, %add3A_10 : i32
    %run_scoped3A_12 = arith.constant 0 : i32
    "tpu.region"() ({
      %run_scoped3A_300 = tpu.sem_alloc : memref<!tpu.dma_semaphore, #tpu.memory_space<semaphore_mem>>
      %dma_start3A_301 = arith.constant 0 : i32
      %dma_start3A_302 = arith.constant 0 : i32
      %dma_start3A_303 = tpu.memref_slice %arg8[%run_scoped3A_12, %dma_start3A_301, %dma_start3A_302] : memref<2x64x128xf32, #tpu.memory_space<vmem>> -> memref<1x64x128xf32, #tpu.memory_space<vmem>>
      %dma_start3A_304 = tpu.memref_squeeze %dma_start3A_303 : memref<1x64x128xf32, #tpu.memory_space<vmem>> -> memref<64x128xf32, #tpu.memory_space<vmem>>
      %dma_start3A_305 = arith.constant 0 : i32
      %dma_start3A_306 = tpu.memref_slice %arg9[%add3A_11, %dma_start3A_305] : memref<10240x128xf32, #tpu.memory_space<vmem_shared>> -> memref<64x128xf32, #tpu.memory_space<vmem_shared>>
      %dma_start3A_307 = arith.constant 0 : i32
      %dma_start3A_308 = tpu.memref_slice %arg9[%add3A_11, %dma_start3A_307] : memref<10240x128xf32, #tpu.memory_space<vmem_shared>> -> memref<64x128xf32, #tpu.memory_space<vmem_shared>>
      %dma_start3A_309 = arith.constant 0 : i32
      %dma_start3A_310 = arith.constant 0 : i32
      %dma_start3A_311 = tpu.memref_slice %arg8[%run_scoped3A_12, %dma_start3A_309, %dma_start3A_310] : memref<2x64x128xf32, #tpu.memory_space<vmem>> -> memref<1x64x128xf32, #tpu.memory_space<vmem>>
      %dma_start3A_312 = tpu.memref_squeeze %dma_start3A_311 : memref<1x64x128xf32, #tpu.memory_space<vmem>> -> memref<64x128xf32, #tpu.memory_space<vmem>>
      tpu.enqueue_dma source(%dma_start3A_312 : memref<64x128xf32, #tpu.memory_space<vmem>>) target(%dma_start3A_308 : memref<64x128xf32, #tpu.memory_space<vmem_shared>>) target_semaphore(%run_scoped3A_300 : memref<!tpu.dma_semaphore, #tpu.memory_space<semaphore_mem>>)
      %dma_wait3A_313 = arith.constant 0 : i32
      %dma_wait3A_314 = arith.constant 0 : i32
      %dma_wait3A_315 = tpu.memref_slice %arg8[%run_scoped3A_12, %dma_wait3A_313, %dma_wait3A_314] : memref<2x64x128xf32, #tpu.memory_space<vmem>> -> memref<1x64x128xf32, #tpu.memory_space<vmem>>
      %dma_wait3A_316 = tpu.memref_squeeze %dma_wait3A_315 : memref<1x64x128xf32, #tpu.memory_space<vmem>> -> memref<64x128xf32, #tpu.memory_space<vmem>>
      %dma_wait3A_317 = arith.constant 0 : i32
      %dma_wait3A_318 = tpu.memref_slice %arg9[%add3A_11, %dma_wait3A_317] : memref<10240x128xf32, #tpu.memory_space<vmem_shared>> -> memref<64x128xf32, #tpu.memory_space<vmem_shared>>
      %dma_wait3A_319 = arith.constant 0 : i32
      %dma_wait3A_320 = tpu.memref_slice %arg9[%add3A_11, %dma_wait3A_319] : memref<10240x128xf32, #tpu.memory_space<vmem_shared>> -> memref<64x128xf32, #tpu.memory_space<vmem_shared>>
      %dma_wait3A_321 = arith.constant 0 : i32
      %dma_wait3A_322 = arith.constant 0 : i32
      %dma_wait3A_323 = tpu.memref_slice %arg8[%run_scoped3A_12, %dma_wait3A_321, %dma_wait3A_322] : memref<2x64x128xf32, #tpu.memory_space<vmem>> -> memref<1x64x128xf32, #tpu.memory_space<vmem>>
      %dma_wait3A_324 = tpu.memref_squeeze %dma_wait3A_323 : memref<1x64x128xf32, #tpu.memory_space<vmem>> -> memref<64x128xf32, #tpu.memory_space<vmem>>
      tpu.wait_dma2 semaphore(%run_scoped3A_300 : memref<!tpu.dma_semaphore, #tpu.memory_space<semaphore_mem>>) src(%dma_wait3A_324 : memref<64x128xf32, #tpu.memory_space<vmem>>) dst(%dma_wait3A_320 : memref<64x128xf32, #tpu.memory_space<vmem_shared>>)
      tpu.yield
    }) : () -> ()
    %add3A_13 = arith.constant 128 : i32
    %add3A_14 = arith.addi %mul3A_2, %add3A_13 : i32
    %run_scoped3A_15 = arith.constant 0 : i32
    "tpu.region"() ({
      %run_scoped3A_300 = tpu.sem_alloc : memref<!tpu.dma_semaphore, #tpu.memory_space<semaphore_mem>>
      %dma_start3A_301 = arith.constant 0 : i32
      %dma_start3A_302 = arith.constant 0 : i32
      %dma_start3A_303 = tpu.memref_slice %arg8[%run_scoped3A_15, %dma_start3A_301, %dma_start3A_302] : memref<2x64x128xf32, #tpu.memory_space<vmem>> -> memref<1x64x128xf32, #tpu.memory_space<vmem>>
      %dma_start3A_304 = tpu.memref_squeeze %dma_start3A_303 : memref<1x64x128xf32, #tpu.memory_space<vmem>> -> memref<64x128xf32, #tpu.memory_space<vmem>>
      %dma_start3A_305 = arith.constant 0 : i32
      %dma_start3A_306 = tpu.memref_slice %arg9[%add3A_14, %dma_start3A_305] : memref<10240x128xf32, #tpu.memory_space<vmem_shared>> -> memref<64x128xf32, #tpu.memory_space<vmem_shared>>
      %dma_start3A_307 = arith.constant 0 : i32
      %dma_start3A_308 = tpu.memref_slice %arg9[%add3A_14, %dma_start3A_307] : memref<10240x128xf32, #tpu.memory_space<vmem_shared>> -> memref<64x128xf32, #tpu.memory_space<vmem_shared>>
      %dma_start3A_309 = arith.constant 0 : i32
      %dma_start3A_310 = arith.constant 0 : i32
      %dma_start3A_311 = tpu.memref_slice %arg8[%run_scoped3A_15, %dma_start3A_309, %dma_start3A_310] : memref<2x64x128xf32, #tpu.memory_space<vmem>> -> memref<1x64x128xf32, #tpu.memory_space<vmem>>
      %dma_start3A_312 = tpu.memref_squeeze %dma_start3A_311 : memref<1x64x128xf32, #tpu.memory_space<vmem>> -> memref<64x128xf32, #tpu.memory_space<vmem>>
      tpu.enqueue_dma source(%dma_start3A_312 : memref<64x128xf32, #tpu.memory_space<vmem>>) target(%dma_start3A_308 : memref<64x128xf32, #tpu.memory_space<vmem_shared>>) target_semaphore(%run_scoped3A_300 : memref<!tpu.dma_semaphore, #tpu.memory_space<semaphore_mem>>)
      %dma_wait3A_313 = arith.constant 0 : i32
      %dma_wait3A_314 = arith.constant 0 : i32
      %dma_wait3A_315 = tpu.memref_slice %arg8[%run_scoped3A_15, %dma_wait3A_313, %dma_wait3A_314] : memref<2x64x128xf32, #tpu.memory_space<vmem>> -> memref<1x64x128xf32, #tpu.memory_space<vmem>>
      %dma_wait3A_316 = tpu.memref_squeeze %dma_wait3A_315 : memref<1x64x128xf32, #tpu.memory_space<vmem>> -> memref<64x128xf32, #tpu.memory_space<vmem>>
      %dma_wait3A_317 = arith.constant 0 : i32
      %dma_wait3A_318 = tpu.memref_slice %arg9[%add3A_14, %dma_wait3A_317] : memref<10240x128xf32, #tpu.memory_space<vmem_shared>> -> memref<64x128xf32, #tpu.memory_space<vmem_shared>>
      %dma_wait3A_319 = arith.constant 0 : i32
      %dma_wait3A_320 = tpu.memref_slice %arg9[%add3A_14, %dma_wait3A_319] : memref<10240x128xf32, #tpu.memory_space<vmem_shared>> -> memref<64x128xf32, #tpu.memory_space<vmem_shared>>
      %dma_wait3A_321 = arith.constant 0 : i32
      %dma_wait3A_322 = arith.constant 0 : i32
      %dma_wait3A_323 = tpu.memref_slice %arg8[%run_scoped3A_15, %dma_wait3A_321, %dma_wait3A_322] : memref<2x64x128xf32, #tpu.memory_space<vmem>> -> memref<1x64x128xf32, #tpu.memory_space<vmem>>
      %dma_wait3A_324 = tpu.memref_squeeze %dma_wait3A_323 : memref<1x64x128xf32, #tpu.memory_space<vmem>> -> memref<64x128xf32, #tpu.memory_space<vmem>>
      tpu.wait_dma2 semaphore(%run_scoped3A_300 : memref<!tpu.dma_semaphore, #tpu.memory_space<semaphore_mem>>) src(%dma_wait3A_324 : memref<64x128xf32, #tpu.memory_space<vmem>>) dst(%dma_wait3A_320 : memref<64x128xf32, #tpu.memory_space<vmem_shared>>)
      tpu.yield
    }) : () -> ()
    %add3A_16 = arith.constant 192 : i32
    %add3A_17 = arith.addi %mul3A_2, %add3A_16 : i32
    %run_scoped3A_18 = arith.constant 0 : i32
    "tpu.region"() ({
      %run_scoped3A_300 = tpu.sem_alloc : memref<!tpu.dma_semaphore, #tpu.memory_space<semaphore_mem>>
      %dma_start3A_301 = arith.constant 0 : i32
      %dma_start3A_302 = arith.constant 0 : i32
      %dma_start3A_303 = tpu.memref_slice %arg8[%run_scoped3A_18, %dma_start3A_301, %dma_start3A_302] : memref<2x64x128xf32, #tpu.memory_space<vmem>> -> memref<1x64x128xf32, #tpu.memory_space<vmem>>
      %dma_start3A_304 = tpu.memref_squeeze %dma_start3A_303 : memref<1x64x128xf32, #tpu.memory_space<vmem>> -> memref<64x128xf32, #tpu.memory_space<vmem>>
      %dma_start3A_305 = arith.constant 0 : i32
      %dma_start3A_306 = tpu.memref_slice %arg9[%add3A_17, %dma_start3A_305] : memref<10240x128xf32, #tpu.memory_space<vmem_shared>> -> memref<64x128xf32, #tpu.memory_space<vmem_shared>>
      %dma_start3A_307 = arith.constant 0 : i32
      %dma_start3A_308 = tpu.memref_slice %arg9[%add3A_17, %dma_start3A_307] : memref<10240x128xf32, #tpu.memory_space<vmem_shared>> -> memref<64x128xf32, #tpu.memory_space<vmem_shared>>
      %dma_start3A_309 = arith.constant 0 : i32
      %dma_start3A_310 = arith.constant 0 : i32
      %dma_start3A_311 = tpu.memref_slice %arg8[%run_scoped3A_18, %dma_start3A_309, %dma_start3A_310] : memref<2x64x128xf32, #tpu.memory_space<vmem>> -> memref<1x64x128xf32, #tpu.memory_space<vmem>>
      %dma_start3A_312 = tpu.memref_squeeze %dma_start3A_311 : memref<1x64x128xf32, #tpu.memory_space<vmem>> -> memref<64x128xf32, #tpu.memory_space<vmem>>
      tpu.enqueue_dma source(%dma_start3A_312 : memref<64x128xf32, #tpu.memory_space<vmem>>) target(%dma_start3A_308 : memref<64x128xf32, #tpu.memory_space<vmem_shared>>) target_semaphore(%run_scoped3A_300 : memref<!tpu.dma_semaphore, #tpu.memory_space<semaphore_mem>>)
      %dma_wait3A_313 = arith.constant 0 : i32
      %dma_wait3A_314 = arith.constant 0 : i32
      %dma_wait3A_315 = tpu.memref_slice %arg8[%run_scoped3A_18, %dma_wait3A_313, %dma_wait3A_314] : memref<2x64x128xf32, #tpu.memory_space<vmem>> -> memref<1x64x128xf32, #tpu.memory_space<vmem>>
      %dma_wait3A_316 = tpu.memref_squeeze %dma_wait3A_315 : memref<1x64x128xf32, #tpu.memory_space<vmem>> -> memref<64x128xf32, #tpu.memory_space<vmem>>
      %dma_wait3A_317 = arith.constant 0 : i32
      %dma_wait3A_318 = tpu.memref_slice %arg9[%add3A_17, %dma_wait3A_317] : memref<10240x128xf32, #tpu.memory_space<vmem_shared>> -> memref<64x128xf32, #tpu.memory_space<vmem_shared>>
      %dma_wait3A_319 = arith.constant 0 : i32
      %dma_wait3A_320 = tpu.memref_slice %arg9[%add3A_17, %dma_wait3A_319] : memref<10240x128xf32, #tpu.memory_space<vmem_shared>> -> memref<64x128xf32, #tpu.memory_space<vmem_shared>>
      %dma_wait3A_321 = arith.constant 0 : i32
      %dma_wait3A_322 = arith.constant 0 : i32
      %dma_wait3A_323 = tpu.memref_slice %arg8[%run_scoped3A_18, %dma_wait3A_321, %dma_wait3A_322] : memref<2x64x128xf32, #tpu.memory_space<vmem>> -> memref<1x64x128xf32, #tpu.memory_space<vmem>>
      %dma_wait3A_324 = tpu.memref_squeeze %dma_wait3A_323 : memref<1x64x128xf32, #tpu.memory_space<vmem>> -> memref<64x128xf32, #tpu.memory_space<vmem>>
      tpu.wait_dma2 semaphore(%run_scoped3A_300 : memref<!tpu.dma_semaphore, #tpu.memory_space<semaphore_mem>>) src(%dma_wait3A_324 : memref<64x128xf32, #tpu.memory_space<vmem>>) dst(%dma_wait3A_320 : memref<64x128xf32, #tpu.memory_space<vmem_shared>>)
      tpu.yield
    }) : () -> ()
    %add3A_19 = arith.constant 256 : i32
    %add3A_20 = arith.addi %mul3A_2, %add3A_19 : i32
    %run_scoped3A_21 = arith.constant 0 : i32
    "tpu.region"() ({
      %run_scoped3A_300 = tpu.sem_alloc : memref<!tpu.dma_semaphore, #tpu.memory_space<semaphore_mem>>
      %dma_start3A_301 = arith.constant 0 : i32
      %dma_start3A_302 = arith.constant 0 : i32
      %dma_start3A_303 = tpu.memref_slice %arg8[%run_scoped3A_21, %dma_start3A_301, %dma_start3A_302] : memref<2x64x128xf32, #tpu.memory_space<vmem>> -> memref<1x64x128xf32, #tpu.memory_space<vmem>>
      %dma_start3A_304 = tpu.memref_squeeze %dma_start3A_303 : memref<1x64x128xf32, #tpu.memory_space<vmem>> -> memref<64x128xf32, #tpu.memory_space<vmem>>
      %dma_start3A_305 = arith.constant 0 : i32
      %dma_start3A_306 = tpu.memref_slice %arg9[%add3A_20, %dma_start3A_305] : memref<10240x128xf32, #tpu.memory_space<vmem_shared>> -> memref<64x128xf32, #tpu.memory_space<vmem_shared>>
      %dma_start3A_307 = arith.constant 0 : i32
      %dma_start3A_308 = tpu.memref_slice %arg9[%add3A_20, %dma_start3A_307] : memref<10240x128xf32, #tpu.memory_space<vmem_shared>> -> memref<64x128xf32, #tpu.memory_space<vmem_shared>>
      %dma_start3A_309 = arith.constant 0 : i32
      %dma_start3A_310 = arith.constant 0 : i32
      %dma_start3A_311 = tpu.memref_slice %arg8[%run_scoped3A_21, %dma_start3A_309, %dma_start3A_310] : memref<2x64x128xf32, #tpu.memory_space<vmem>> -> memref<1x64x128xf32, #tpu.memory_space<vmem>>
      %dma_start3A_312 = tpu.memref_squeeze %dma_start3A_311 : memref<1x64x128xf32, #tpu.memory_space<vmem>> -> memref<64x128xf32, #tpu.memory_space<vmem>>
      tpu.enqueue_dma source(%dma_start3A_312 : memref<64x128xf32, #tpu.memory_space<vmem>>) target(%dma_start3A_308 : memref<64x128xf32, #tpu.memory_space<vmem_shared>>) target_semaphore(%run_scoped3A_300 : memref<!tpu.dma_semaphore, #tpu.memory_space<semaphore_mem>>)
      %dma_wait3A_313 = arith.constant 0 : i32
      %dma_wait3A_314 = arith.constant 0 : i32
      %dma_wait3A_315 = tpu.memref_slice %arg8[%run_scoped3A_21, %dma_wait3A_313, %dma_wait3A_314] : memref<2x64x128xf32, #tpu.memory_space<vmem>> -> memref<1x64x128xf32, #tpu.memory_space<vmem>>
      %dma_wait3A_316 = tpu.memref_squeeze %dma_wait3A_315 : memref<1x64x128xf32, #tpu.memory_space<vmem>> -> memref<64x128xf32, #tpu.memory_space<vmem>>
      %dma_wait3A_317 = arith.constant 0 : i32
      %dma_wait3A_318 = tpu.memref_slice %arg9[%add3A_20, %dma_wait3A_317] : memref<10240x128xf32, #tpu.memory_space<vmem_shared>> -> memref<64x128xf32, #tpu.memory_space<vmem_shared>>
      %dma_wait3A_319 = arith.constant 0 : i32
      %dma_wait3A_320 = tpu.memref_slice %arg9[%add3A_20, %dma_wait3A_319] : memref<10240x128xf32, #tpu.memory_space<vmem_shared>> -> memref<64x128xf32, #tpu.memory_space<vmem_shared>>
      %dma_wait3A_321 = arith.constant 0 : i32
      %dma_wait3A_322 = arith.constant 0 : i32
      %dma_wait3A_323 = tpu.memref_slice %arg8[%run_scoped3A_21, %dma_wait3A_321, %dma_wait3A_322] : memref<2x64x128xf32, #tpu.memory_space<vmem>> -> memref<1x64x128xf32, #tpu.memory_space<vmem>>
      %dma_wait3A_324 = tpu.memref_squeeze %dma_wait3A_323 : memref<1x64x128xf32, #tpu.memory_space<vmem>> -> memref<64x128xf32, #tpu.memory_space<vmem>>
      tpu.wait_dma2 semaphore(%run_scoped3A_300 : memref<!tpu.dma_semaphore, #tpu.memory_space<semaphore_mem>>) src(%dma_wait3A_324 : memref<64x128xf32, #tpu.memory_space<vmem>>) dst(%dma_wait3A_320 : memref<64x128xf32, #tpu.memory_space<vmem_shared>>)
      tpu.yield
    }) : () -> ()
    %add3A_22 = arith.constant 320 : i32
    %add3A_23 = arith.addi %mul3A_2, %add3A_22 : i32
    %run_scoped3A_24 = arith.constant 0 : i32
    "tpu.region"() ({
      %run_scoped3A_300 = tpu.sem_alloc : memref<!tpu.dma_semaphore, #tpu.memory_space<semaphore_mem>>
      %dma_start3A_301 = arith.constant 0 : i32
      %dma_start3A_302 = arith.constant 0 : i32
      %dma_start3A_303 = tpu.memref_slice %arg8[%run_scoped3A_24, %dma_start3A_301, %dma_start3A_302] : memref<2x64x128xf32, #tpu.memory_space<vmem>> -> memref<1x64x128xf32, #tpu.memory_space<vmem>>
      %dma_start3A_304 = tpu.memref_squeeze %dma_start3A_303 : memref<1x64x128xf32, #tpu.memory_space<vmem>> -> memref<64x128xf32, #tpu.memory_space<vmem>>
      %dma_start3A_305 = arith.constant 0 : i32
      %dma_start3A_306 = tpu.memref_slice %arg9[%add3A_23, %dma_start3A_305] : memref<10240x128xf32, #tpu.memory_space<vmem_shared>> -> memref<64x128xf32, #tpu.memory_space<vmem_shared>>
      %dma_start3A_307 = arith.constant 0 : i32
      %dma_start3A_308 = tpu.memref_slice %arg9[%add3A_23, %dma_start3A_307] : memref<10240x128xf32, #tpu.memory_space<vmem_shared>> -> memref<64x128xf32, #tpu.memory_space<vmem_shared>>
      %dma_start3A_309 = arith.constant 0 : i32
      %dma_start3A_310 = arith.constant 0 : i32
      %dma_start3A_311 = tpu.memref_slice %arg8[%run_scoped3A_24, %dma_start3A_309, %dma_start3A_310] : memref<2x64x128xf32, #tpu.memory_space<vmem>> -> memref<1x64x128xf32, #tpu.memory_space<vmem>>
      %dma_start3A_312 = tpu.memref_squeeze %dma_start3A_311 : memref<1x64x128xf32, #tpu.memory_space<vmem>> -> memref<64x128xf32, #tpu.memory_space<vmem>>
      tpu.enqueue_dma source(%dma_start3A_312 : memref<64x128xf32, #tpu.memory_space<vmem>>) target(%dma_start3A_308 : memref<64x128xf32, #tpu.memory_space<vmem_shared>>) target_semaphore(%run_scoped3A_300 : memref<!tpu.dma_semaphore, #tpu.memory_space<semaphore_mem>>)
      %dma_wait3A_313 = arith.constant 0 : i32
      %dma_wait3A_314 = arith.constant 0 : i32
      %dma_wait3A_315 = tpu.memref_slice %arg8[%run_scoped3A_24, %dma_wait3A_313, %dma_wait3A_314] : memref<2x64x128xf32, #tpu.memory_space<vmem>> -> memref<1x64x128xf32, #tpu.memory_space<vmem>>
      %dma_wait3A_316 = tpu.memref_squeeze %dma_wait3A_315 : memref<1x64x128xf32, #tpu.memory_space<vmem>> -> memref<64x128xf32, #tpu.memory_space<vmem>>
      %dma_wait3A_317 = arith.constant 0 : i32
      %dma_wait3A_318 = tpu.memref_slice %arg9[%add3A_23, %dma_wait3A_317] : memref<10240x128xf32, #tpu.memory_space<vmem_shared>> -> memref<64x128xf32, #tpu.memory_space<vmem_shared>>
      %dma_wait3A_319 = arith.constant 0 : i32
      %dma_wait3A_320 = tpu.memref_slice %arg9[%add3A_23, %dma_wait3A_319] : memref<10240x128xf32, #tpu.memory_space<vmem_shared>> -> memref<64x128xf32, #tpu.memory_space<vmem_shared>>
      %dma_wait3A_321 = arith.constant 0 : i32
      %dma_wait3A_322 = arith.constant 0 : i32
      %dma_wait3A_323 = tpu.memref_slice %arg8[%run_scoped3A_24, %dma_wait3A_321, %dma_wait3A_322] : memref<2x64x128xf32, #tpu.memory_space<vmem>> -> memref<1x64x128xf32, #tpu.memory_space<vmem>>
      %dma_wait3A_324 = tpu.memref_squeeze %dma_wait3A_323 : memref<1x64x128xf32, #tpu.memory_space<vmem>> -> memref<64x128xf32, #tpu.memory_space<vmem>>
      tpu.wait_dma2 semaphore(%run_scoped3A_300 : memref<!tpu.dma_semaphore, #tpu.memory_space<semaphore_mem>>) src(%dma_wait3A_324 : memref<64x128xf32, #tpu.memory_space<vmem>>) dst(%dma_wait3A_320 : memref<64x128xf32, #tpu.memory_space<vmem_shared>>)
      tpu.yield
    }) : () -> ()
    %add3A_25 = arith.constant 384 : i32
    %add3A_26 = arith.addi %mul3A_2, %add3A_25 : i32
    %run_scoped3A_27 = arith.constant 0 : i32
    "tpu.region"() ({
      %run_scoped3A_300 = tpu.sem_alloc : memref<!tpu.dma_semaphore, #tpu.memory_space<semaphore_mem>>
      %dma_start3A_301 = arith.constant 0 : i32
      %dma_start3A_302 = arith.constant 0 : i32
      %dma_start3A_303 = tpu.memref_slice %arg8[%run_scoped3A_27, %dma_start3A_301, %dma_start3A_302] : memref<2x64x128xf32, #tpu.memory_space<vmem>> -> memref<1x64x128xf32, #tpu.memory_space<vmem>>
      %dma_start3A_304 = tpu.memref_squeeze %dma_start3A_303 : memref<1x64x128xf32, #tpu.memory_space<vmem>> -> memref<64x128xf32, #tpu.memory_space<vmem>>
      %dma_start3A_305 = arith.constant 0 : i32
      %dma_start3A_306 = tpu.memref_slice %arg9[%add3A_26, %dma_start3A_305] : memref<10240x128xf32, #tpu.memory_space<vmem_shared>> -> memref<64x128xf32, #tpu.memory_space<vmem_shared>>
      %dma_start3A_307 = arith.constant 0 : i32
      %dma_start3A_308 = tpu.memref_slice %arg9[%add3A_26, %dma_start3A_307] : memref<10240x128xf32, #tpu.memory_space<vmem_shared>> -> memref<64x128xf32, #tpu.memory_space<vmem_shared>>
      %dma_start3A_309 = arith.constant 0 : i32
      %dma_start3A_310 = arith.constant 0 : i32
      %dma_start3A_311 = tpu.memref_slice %arg8[%run_scoped3A_27, %dma_start3A_309, %dma_start3A_310] : memref<2x64x128xf32, #tpu.memory_space<vmem>> -> memref<1x64x128xf32, #tpu.memory_space<vmem>>
      %dma_start3A_312 = tpu.memref_squeeze %dma_start3A_311 : memref<1x64x128xf32, #tpu.memory_space<vmem>> -> memref<64x128xf32, #tpu.memory_space<vmem>>
      tpu.enqueue_dma source(%dma_start3A_312 : memref<64x128xf32, #tpu.memory_space<vmem>>) target(%dma_start3A_308 : memref<64x128xf32, #tpu.memory_space<vmem_shared>>) target_semaphore(%run_scoped3A_300 : memref<!tpu.dma_semaphore, #tpu.memory_space<semaphore_mem>>)
      %dma_wait3A_313 = arith.constant 0 : i32
      %dma_wait3A_314 = arith.constant 0 : i32
      %dma_wait3A_315 = tpu.memref_slice %arg8[%run_scoped3A_27, %dma_wait3A_313, %dma_wait3A_314] : memref<2x64x128xf32, #tpu.memory_space<vmem>> -> memref<1x64x128xf32, #tpu.memory_space<vmem>>
      %dma_wait3A_316 = tpu.memref_squeeze %dma_wait3A_315 : memref<1x64x128xf32, #tpu.memory_space<vmem>> -> memref<64x128xf32, #tpu.memory_space<vmem>>
      %dma_wait3A_317 = arith.constant 0 : i32
      %dma_wait3A_318 = tpu.memref_slice %arg9[%add3A_26, %dma_wait3A_317] : memref<10240x128xf32, #tpu.memory_space<vmem_shared>> -> memref<64x128xf32, #tpu.memory_space<vmem_shared>>
      %dma_wait3A_319 = arith.constant 0 : i32
      %dma_wait3A_320 = tpu.memref_slice %arg9[%add3A_26, %dma_wait3A_319] : memref<10240x128xf32, #tpu.memory_space<vmem_shared>> -> memref<64x128xf32, #tpu.memory_space<vmem_shared>>
      %dma_wait3A_321 = arith.constant 0 : i32
      %dma_wait3A_322 = arith.constant 0 : i32
      %dma_wait3A_323 = tpu.memref_slice %arg8[%run_scoped3A_27, %dma_wait3A_321, %dma_wait3A_322] : memref<2x64x128xf32, #tpu.memory_space<vmem>> -> memref<1x64x128xf32, #tpu.memory_space<vmem>>
      %dma_wait3A_324 = tpu.memref_squeeze %dma_wait3A_323 : memref<1x64x128xf32, #tpu.memory_space<vmem>> -> memref<64x128xf32, #tpu.memory_space<vmem>>
      tpu.wait_dma2 semaphore(%run_scoped3A_300 : memref<!tpu.dma_semaphore, #tpu.memory_space<semaphore_mem>>) src(%dma_wait3A_324 : memref<64x128xf32, #tpu.memory_space<vmem>>) dst(%dma_wait3A_320 : memref<64x128xf32, #tpu.memory_space<vmem_shared>>)
      tpu.yield
    }) : () -> ()
    %add3A_28 = arith.constant 448 : i32
    %add3A_29 = arith.addi %mul3A_2, %add3A_28 : i32
    %run_scoped3A_30 = arith.constant 0 : i32
    "tpu.region"() ({
      %run_scoped3A_300 = tpu.sem_alloc : memref<!tpu.dma_semaphore, #tpu.memory_space<semaphore_mem>>
      %dma_start3A_301 = arith.constant 0 : i32
      %dma_start3A_302 = arith.constant 0 : i32
      %dma_start3A_303 = tpu.memref_slice %arg8[%run_scoped3A_30, %dma_start3A_301, %dma_start3A_302] : memref<2x64x128xf32, #tpu.memory_space<vmem>> -> memref<1x64x128xf32, #tpu.memory_space<vmem>>
      %dma_start3A_304 = tpu.memref_squeeze %dma_start3A_303 : memref<1x64x128xf32, #tpu.memory_space<vmem>> -> memref<64x128xf32, #tpu.memory_space<vmem>>
      %dma_start3A_305 = arith.constant 0 : i32
      %dma_start3A_306 = tpu.memref_slice %arg9[%add3A_29, %dma_start3A_305] : memref<10240x128xf32, #tpu.memory_space<vmem_shared>> -> memref<64x128xf32, #tpu.memory_space<vmem_shared>>
      %dma_start3A_307 = arith.constant 0 : i32
      %dma_start3A_308 = tpu.memref_slice %arg9[%add3A_29, %dma_start3A_307] : memref<10240x128xf32, #tpu.memory_space<vmem_shared>> -> memref<64x128xf32, #tpu.memory_space<vmem_shared>>
      %dma_start3A_309 = arith.constant 0 : i32
      %dma_start3A_310 = arith.constant 0 : i32
      %dma_start3A_311 = tpu.memref_slice %arg8[%run_scoped3A_30, %dma_start3A_309, %dma_start3A_310] : memref<2x64x128xf32, #tpu.memory_space<vmem>> -> memref<1x64x128xf32, #tpu.memory_space<vmem>>
      %dma_start3A_312 = tpu.memref_squeeze %dma_start3A_311 : memref<1x64x128xf32, #tpu.memory_space<vmem>> -> memref<64x128xf32, #tpu.memory_space<vmem>>
      tpu.enqueue_dma source(%dma_start3A_312 : memref<64x128xf32, #tpu.memory_space<vmem>>) target(%dma_start3A_308 : memref<64x128xf32, #tpu.memory_space<vmem_shared>>) target_semaphore(%run_scoped3A_300 : memref<!tpu.dma_semaphore, #tpu.memory_space<semaphore_mem>>)
      %dma_wait3A_313 = arith.constant 0 : i32
      %dma_wait3A_314 = arith.constant 0 : i32
      %dma_wait3A_315 = tpu.memref_slice %arg8[%run_scoped3A_30, %dma_wait3A_313, %dma_wait3A_314] : memref<2x64x128xf32, #tpu.memory_space<vmem>> -> memref<1x64x128xf32, #tpu.memory_space<vmem>>
      %dma_wait3A_316 = tpu.memref_squeeze %dma_wait3A_315 : memref<1x64x128xf32, #tpu.memory_space<vmem>> -> memref<64x128xf32, #tpu.memory_space<vmem>>
      %dma_wait3A_317 = arith.constant 0 : i32
      %dma_wait3A_318 = tpu.memref_slice %arg9[%add3A_29, %dma_wait3A_317] : memref<10240x128xf32, #tpu.memory_space<vmem_shared>> -> memref<64x128xf32, #tpu.memory_space<vmem_shared>>
      %dma_wait3A_319 = arith.constant 0 : i32
      %dma_wait3A_320 = tpu.memref_slice %arg9[%add3A_29, %dma_wait3A_319] : memref<10240x128xf32, #tpu.memory_space<vmem_shared>> -> memref<64x128xf32, #tpu.memory_space<vmem_shared>>
      %dma_wait3A_321 = arith.constant 0 : i32
      %dma_wait3A_322 = arith.constant 0 : i32
      %dma_wait3A_323 = tpu.memref_slice %arg8[%run_scoped3A_30, %dma_wait3A_321, %dma_wait3A_322] : memref<2x64x128xf32, #tpu.memory_space<vmem>> -> memref<1x64x128xf32, #tpu.memory_space<vmem>>
      %dma_wait3A_324 = tpu.memref_squeeze %dma_wait3A_323 : memref<1x64x128xf32, #tpu.memory_space<vmem>> -> memref<64x128xf32, #tpu.memory_space<vmem>>
      tpu.wait_dma2 semaphore(%run_scoped3A_300 : memref<!tpu.dma_semaphore, #tpu.memory_space<semaphore_mem>>) src(%dma_wait3A_324 : memref<64x128xf32, #tpu.memory_space<vmem>>) dst(%dma_wait3A_320 : memref<64x128xf32, #tpu.memory_space<vmem_shared>>)
      tpu.yield
    }) : () -> ()
    %add3A_31 = arith.constant 512 : i32
    %add3A_32 = arith.addi %mul3A_2, %add3A_31 : i32
    %run_scoped3A_33 = arith.constant 0 : i32
    "tpu.region"() ({
      %run_scoped3A_300 = tpu.sem_alloc : memref<!tpu.dma_semaphore, #tpu.memory_space<semaphore_mem>>
      %dma_start3A_301 = arith.constant 0 : i32
      %dma_start3A_302 = arith.constant 0 : i32
      %dma_start3A_303 = tpu.memref_slice %arg8[%run_scoped3A_33, %dma_start3A_301, %dma_start3A_302] : memref<2x64x128xf32, #tpu.memory_space<vmem>> -> memref<1x64x128xf32, #tpu.memory_space<vmem>>
      %dma_start3A_304 = tpu.memref_squeeze %dma_start3A_303 : memref<1x64x128xf32, #tpu.memory_space<vmem>> -> memref<64x128xf32, #tpu.memory_space<vmem>>
      %dma_start3A_305 = arith.constant 0 : i32
      %dma_start3A_306 = tpu.memref_slice %arg9[%add3A_32, %dma_start3A_305] : memref<10240x128xf32, #tpu.memory_space<vmem_shared>> -> memref<64x128xf32, #tpu.memory_space<vmem_shared>>
      %dma_start3A_307 = arith.constant 0 : i32
      %dma_start3A_308 = tpu.memref_slice %arg9[%add3A_32, %dma_start3A_307] : memref<10240x128xf32, #tpu.memory_space<vmem_shared>> -> memref<64x128xf32, #tpu.memory_space<vmem_shared>>
      %dma_start3A_309 = arith.constant 0 : i32
      %dma_start3A_310 = arith.constant 0 : i32
      %dma_start3A_311 = tpu.memref_slice %arg8[%run_scoped3A_33, %dma_start3A_309, %dma_start3A_310] : memref<2x64x128xf32, #tpu.memory_space<vmem>> -> memref<1x64x128xf32, #tpu.memory_space<vmem>>
      %dma_start3A_312 = tpu.memref_squeeze %dma_start3A_311 : memref<1x64x128xf32, #tpu.memory_space<vmem>> -> memref<64x128xf32, #tpu.memory_space<vmem>>
      tpu.enqueue_dma source(%dma_start3A_312 : memref<64x128xf32, #tpu.memory_space<vmem>>) target(%dma_start3A_308 : memref<64x128xf32, #tpu.memory_space<vmem_shared>>) target_semaphore(%run_scoped3A_300 : memref<!tpu.dma_semaphore, #tpu.memory_space<semaphore_mem>>)
      %dma_wait3A_313 = arith.constant 0 : i32
      %dma_wait3A_314 = arith.constant 0 : i32
      %dma_wait3A_315 = tpu.memref_slice %arg8[%run_scoped3A_33, %dma_wait3A_313, %dma_wait3A_314] : memref<2x64x128xf32, #tpu.memory_space<vmem>> -> memref<1x64x128xf32, #tpu.memory_space<vmem>>
      %dma_wait3A_316 = tpu.memref_squeeze %dma_wait3A_315 : memref<1x64x128xf32, #tpu.memory_space<vmem>> -> memref<64x128xf32, #tpu.memory_space<vmem>>
      %dma_wait3A_317 = arith.constant 0 : i32
      %dma_wait3A_318 = tpu.memref_slice %arg9[%add3A_32, %dma_wait3A_317] : memref<10240x128xf32, #tpu.memory_space<vmem_shared>> -> memref<64x128xf32, #tpu.memory_space<vmem_shared>>
      %dma_wait3A_319 = arith.constant 0 : i32
      %dma_wait3A_320 = tpu.memref_slice %arg9[%add3A_32, %dma_wait3A_319] : memref<10240x128xf32, #tpu.memory_space<vmem_shared>> -> memref<64x128xf32, #tpu.memory_space<vmem_shared>>
      %dma_wait3A_321 = arith.constant 0 : i32
      %dma_wait3A_322 = arith.constant 0 : i32
      %dma_wait3A_323 = tpu.memref_slice %arg8[%run_scoped3A_33, %dma_wait3A_321, %dma_wait3A_322] : memref<2x64x128xf32, #tpu.memory_space<vmem>> -> memref<1x64x128xf32, #tpu.memory_space<vmem>>
      %dma_wait3A_324 = tpu.memref_squeeze %dma_wait3A_323 : memref<1x64x128xf32, #tpu.memory_space<vmem>> -> memref<64x128xf32, #tpu.memory_space<vmem>>
      tpu.wait_dma2 semaphore(%run_scoped3A_300 : memref<!tpu.dma_semaphore, #tpu.memory_space<semaphore_mem>>) src(%dma_wait3A_324 : memref<64x128xf32, #tpu.memory_space<vmem>>) dst(%dma_wait3A_320 : memref<64x128xf32, #tpu.memory_space<vmem_shared>>)
      tpu.yield
    }) : () -> ()
    %add3A_34 = arith.constant 576 : i32
    %add3A_35 = arith.addi %mul3A_2, %add3A_34 : i32
    %run_scoped3A_36 = arith.constant 0 : i32
    "tpu.region"() ({
      %run_scoped3A_300 = tpu.sem_alloc : memref<!tpu.dma_semaphore, #tpu.memory_space<semaphore_mem>>
      %dma_start3A_301 = arith.constant 0 : i32
      %dma_start3A_302 = arith.constant 0 : i32
      %dma_start3A_303 = tpu.memref_slice %arg8[%run_scoped3A_36, %dma_start3A_301, %dma_start3A_302] : memref<2x64x128xf32, #tpu.memory_space<vmem>> -> memref<1x64x128xf32, #tpu.memory_space<vmem>>
      %dma_start3A_304 = tpu.memref_squeeze %dma_start3A_303 : memref<1x64x128xf32, #tpu.memory_space<vmem>> -> memref<64x128xf32, #tpu.memory_space<vmem>>
      %dma_start3A_305 = arith.constant 0 : i32
      %dma_start3A_306 = tpu.memref_slice %arg9[%add3A_35, %dma_start3A_305] : memref<10240x128xf32, #tpu.memory_space<vmem_shared>> -> memref<64x128xf32, #tpu.memory_space<vmem_shared>>
      %dma_start3A_307 = arith.constant 0 : i32
      %dma_start3A_308 = tpu.memref_slice %arg9[%add3A_35, %dma_start3A_307] : memref<10240x128xf32, #tpu.memory_space<vmem_shared>> -> memref<64x128xf32, #tpu.memory_space<vmem_shared>>
      %dma_start3A_309 = arith.constant 0 : i32
      %dma_start3A_310 = arith.constant 0 : i32
      %dma_start3A_311 = tpu.memref_slice %arg8[%run_scoped3A_36, %dma_start3A_309, %dma_start3A_310] : memref<2x64x128xf32, #tpu.memory_space<vmem>> -> memref<1x64x128xf32, #tpu.memory_space<vmem>>
      %dma_start3A_312 = tpu.memref_squeeze %dma_start3A_311 : memref<1x64x128xf32, #tpu.memory_space<vmem>> -> memref<64x128xf32, #tpu.memory_space<vmem>>
      tpu.enqueue_dma source(%dma_start3A_312 : memref<64x128xf32, #tpu.memory_space<vmem>>) target(%dma_start3A_308 : memref<64x128xf32, #tpu.memory_space<vmem_shared>>) target_semaphore(%run_scoped3A_300 : memref<!tpu.dma_semaphore, #tpu.memory_space<semaphore_mem>>)
      %dma_wait3A_313 = arith.constant 0 : i32
      %dma_wait3A_314 = arith.constant 0 : i32
      %dma_wait3A_315 = tpu.memref_slice %arg8[%run_scoped3A_36, %dma_wait3A_313, %dma_wait3A_314] : memref<2x64x128xf32, #tpu.memory_space<vmem>> -> memref<1x64x128xf32, #tpu.memory_space<vmem>>
      %dma_wait3A_316 = tpu.memref_squeeze %dma_wait3A_315 : memref<1x64x128xf32, #tpu.memory_space<vmem>> -> memref<64x128xf32, #tpu.memory_space<vmem>>
      %dma_wait3A_317 = arith.constant 0 : i32
      %dma_wait3A_318 = tpu.memref_slice %arg9[%add3A_35, %dma_wait3A_317] : memref<10240x128xf32, #tpu.memory_space<vmem_shared>> -> memref<64x128xf32, #tpu.memory_space<vmem_shared>>
      %dma_wait3A_319 = arith.constant 0 : i32
      %dma_wait3A_320 = tpu.memref_slice %arg9[%add3A_35, %dma_wait3A_319] : memref<10240x128xf32, #tpu.memory_space<vmem_shared>> -> memref<64x128xf32, #tpu.memory_space<vmem_shared>>
      %dma_wait3A_321 = arith.constant 0 : i32
      %dma_wait3A_322 = arith.constant 0 : i32
      %dma_wait3A_323 = tpu.memref_slice %arg8[%run_scoped3A_36, %dma_wait3A_321, %dma_wait3A_322] : memref<2x64x128xf32, #tpu.memory_space<vmem>> -> memref<1x64x128xf32, #tpu.memory_space<vmem>>
      %dma_wait3A_324 = tpu.memref_squeeze %dma_wait3A_323 : memref<1x64x128xf32, #tpu.memory_space<vmem>> -> memref<64x128xf32, #tpu.memory_space<vmem>>
      tpu.wait_dma2 semaphore(%run_scoped3A_300 : memref<!tpu.dma_semaphore, #tpu.memory_space<semaphore_mem>>) src(%dma_wait3A_324 : memref<64x128xf32, #tpu.memory_space<vmem>>) dst(%dma_wait3A_320 : memref<64x128xf32, #tpu.memory_space<vmem_shared>>)
      tpu.yield
    }) : () -> ()
    %barrier3A = arith.constant 0 : index
    tpu.barrier barrier_id(%barrier3A)
    "tpu.region"() ({
      %run_scoped3A_300 = tpu.sem_alloc : memref<!tpu.dma_semaphore, #tpu.memory_space<semaphore_mem>>
      %dma_start3A_301 = arith.constant 0 : i32
      %dma_start3A_302 = arith.constant 0 : i32
      %dma_start3A_303 = tpu.memref_slice %arg3[%add3A, %dma_start3A_301, %dma_start3A_302] : memref<32x160x64xi32, #tpu.memory_space<hbm>> -> memref<1x80x64xi32, #tpu.memory_space<hbm>>
      %dma_start3A_304 = tpu.memref_squeeze %dma_start3A_303 : memref<1x80x64xi32, #tpu.memory_space<hbm>> -> memref<80x64xi32, #tpu.memory_space<hbm>>
      %dma_start3A_305 = arith.constant 0 : i32
      %dma_start3A_306 = arith.constant 0 : i32
      %dma_start3A_307 = tpu.memref_slice %arg3[%add3A, %dma_start3A_305, %dma_start3A_306] : memref<32x160x64xi32, #tpu.memory_space<hbm>> -> memref<1x80x64xi32, #tpu.memory_space<hbm>>
      %dma_start3A_308 = tpu.memref_squeeze %dma_start3A_307 : memref<1x80x64xi32, #tpu.memory_space<hbm>> -> memref<80x64xi32, #tpu.memory_space<hbm>>
      tpu.enqueue_dma source(%dma_start3A_308 : memref<80x64xi32, #tpu.memory_space<hbm>>) target(%arg6 : memref<80x64xi32, #tpu.memory_space<vmem>>) target_semaphore(%run_scoped3A_300 : memref<!tpu.dma_semaphore, #tpu.memory_space<semaphore_mem>>)
      %dma_wait3A_309 = arith.constant 0 : i32
      %dma_wait3A_310 = arith.constant 0 : i32
      %dma_wait3A_311 = tpu.memref_slice %arg3[%add3A, %dma_wait3A_309, %dma_wait3A_310] : memref<32x160x64xi32, #tpu.memory_space<hbm>> -> memref<1x80x64xi32, #tpu.memory_space<hbm>>
      %dma_wait3A_312 = tpu.memref_squeeze %dma_wait3A_311 : memref<1x80x64xi32, #tpu.memory_space<hbm>> -> memref<80x64xi32, #tpu.memory_space<hbm>>
      %dma_wait3A_313 = arith.constant 0 : i32
      %dma_wait3A_314 = arith.constant 0 : i32
      %dma_wait3A_315 = tpu.memref_slice %arg3[%add3A, %dma_wait3A_313, %dma_wait3A_314] : memref<32x160x64xi32, #tpu.memory_space<hbm>> -> memref<1x80x64xi32, #tpu.memory_space<hbm>>
      %dma_wait3A_316 = tpu.memref_squeeze %dma_wait3A_315 : memref<1x80x64xi32, #tpu.memory_space<hbm>> -> memref<80x64xi32, #tpu.memory_space<hbm>>
      tpu.wait_dma2 semaphore(%run_scoped3A_300 : memref<!tpu.dma_semaphore, #tpu.memory_space<semaphore_mem>>) src(%dma_wait3A_316 : memref<80x64xi32, #tpu.memory_space<hbm>>) dst(%arg6 : memref<80x64xi32, #tpu.memory_space<vmem>>)
      tpu.yield
    }) : () -> ()
    "tpu.region"() ({
      %run_scoped3A_300 = tpu.sem_alloc : memref<!tpu.dma_semaphore, #tpu.memory_space<semaphore_mem>>
      %dma_start3A_301 = arith.constant 0 : i32
      %dma_start3A_302 = arith.constant 0 : i32
      %dma_start3A_303 = tpu.memref_slice %arg4[%add3A, %dma_start3A_301, %dma_start3A_302] : memref<32x160x64xi32, #tpu.memory_space<hbm>> -> memref<1x80x64xi32, #tpu.memory_space<hbm>>
      %dma_start3A_304 = tpu.memref_squeeze %dma_start3A_303 : memref<1x80x64xi32, #tpu.memory_space<hbm>> -> memref<80x64xi32, #tpu.memory_space<hbm>>
      %dma_start3A_305 = arith.constant 0 : i32
      %dma_start3A_306 = arith.constant 0 : i32
      %dma_start3A_307 = tpu.memref_slice %arg4[%add3A, %dma_start3A_305, %dma_start3A_306] : memref<32x160x64xi32, #tpu.memory_space<hbm>> -> memref<1x80x64xi32, #tpu.memory_space<hbm>>
      %dma_start3A_308 = tpu.memref_squeeze %dma_start3A_307 : memref<1x80x64xi32, #tpu.memory_space<hbm>> -> memref<80x64xi32, #tpu.memory_space<hbm>>
      tpu.enqueue_dma source(%dma_start3A_308 : memref<80x64xi32, #tpu.memory_space<hbm>>) target(%arg7 : memref<80x64xi32, #tpu.memory_space<vmem>>) target_semaphore(%run_scoped3A_300 : memref<!tpu.dma_semaphore, #tpu.memory_space<semaphore_mem>>)
      %dma_wait3A_309 = arith.constant 0 : i32
      %dma_wait3A_310 = arith.constant 0 : i32
      %dma_wait3A_311 = tpu.memref_slice %arg4[%add3A, %dma_wait3A_309, %dma_wait3A_310] : memref<32x160x64xi32, #tpu.memory_space<hbm>> -> memref<1x80x64xi32, #tpu.memory_space<hbm>>
      %dma_wait3A_312 = tpu.memref_squeeze %dma_wait3A_311 : memref<1x80x64xi32, #tpu.memory_space<hbm>> -> memref<80x64xi32, #tpu.memory_space<hbm>>
      %dma_wait3A_313 = arith.constant 0 : i32
      %dma_wait3A_314 = arith.constant 0 : i32
      %dma_wait3A_315 = tpu.memref_slice %arg4[%add3A, %dma_wait3A_313, %dma_wait3A_314] : memref<32x160x64xi32, #tpu.memory_space<hbm>> -> memref<1x80x64xi32, #tpu.memory_space<hbm>>
      %dma_wait3A_316 = tpu.memref_squeeze %dma_wait3A_315 : memref<1x80x64xi32, #tpu.memory_space<hbm>> -> memref<80x64xi32, #tpu.memory_space<hbm>>
      tpu.wait_dma2 semaphore(%run_scoped3A_300 : memref<!tpu.dma_semaphore, #tpu.memory_space<semaphore_mem>>) src(%dma_wait3A_316 : memref<80x64xi32, #tpu.memory_space<hbm>>) dst(%arg7 : memref<80x64xi32, #tpu.memory_space<vmem>>)
      tpu.yield
    }) : () -> ()
    %dma_start3A = arith.constant 0 : i32
    %dma_start3A_37 = arith.constant 0 : i32
    %dma_start3A_38 = arith.constant 0 : i32
    %dma_start3A_39 = arith.constant 0 : i32
    %dma_start3A_40 = tpu.memref_slice %arg8[%dma_start3A_37, %dma_start3A_38, %dma_start3A_39] : memref<2x64x128xf32, #tpu.memory_space<vmem>> -> memref<1x64x128xf32, #tpu.memory_space<vmem>>
    %dma_start3A_41 = tpu.memref_squeeze %dma_start3A_40 : memref<1x64x128xf32, #tpu.memory_space<vmem>> -> memref<64x128xf32, #tpu.memory_space<vmem>>
    %dma_start3A_42 = arith.constant 0 : i32
    %dma_start3A_43 = tpu.memref_slice %arg6[%dma_start3A, %dma_start3A_42] : memref<80x64xi32, #tpu.memory_space<vmem>> -> memref<1x64xi32, #tpu.memory_space<vmem>>
    %dma_start3A_44 = tpu.memref_squeeze %dma_start3A_43 : memref<1x64xi32, #tpu.memory_space<vmem>> -> memref<64xi32, #tpu.memory_space<vmem>>
    %dma_start3A_45 = arith.constant 0 : i32
    %dma_start3A_46 = arith.constant 0 : i32
    %dma_start3A_47 = tpu.memref_slice %arg2[%dma_start3A_45, %dma_start3A_46] : memref<10000x128xf32, #tpu.memory_space<hbm>> -> memref<10000x128xf32, #tpu.memory_space<hbm>>
    tpu.enqueue_indirect_dma source(%dma_start3A_47 : memref<10000x128xf32, #tpu.memory_space<hbm>>) target(%dma_start3A_41 : memref<64x128xf32, #tpu.memory_space<vmem>>) offsets(%dma_start3A_44 : memref<64xi32, #tpu.memory_space<vmem>>) semaphore(%arg10 : memref<!tpu.dma_semaphore, #tpu.memory_space<semaphore_mem>>)
    %dma_wait3A = arith.constant 0 : i32
    %dma_wait3A_48 = arith.constant 0 : i32
    %dma_wait3A_49 = arith.constant 0 : i32
    %dma_wait3A_50 = arith.constant 0 : i32
    %dma_wait3A_51 = tpu.memref_slice %arg8[%dma_wait3A_48, %dma_wait3A_49, %dma_wait3A_50] : memref<2x64x128xf32, #tpu.memory_space<vmem>> -> memref<1x64x128xf32, #tpu.memory_space<vmem>>
    %dma_wait3A_52 = tpu.memref_squeeze %dma_wait3A_51 : memref<1x64x128xf32, #tpu.memory_space<vmem>> -> memref<64x128xf32, #tpu.memory_space<vmem>>
    %dma_wait3A_53 = arith.constant 0 : i32
    %dma_wait3A_54 = tpu.memref_slice %arg6[%dma_wait3A, %dma_wait3A_53] : memref<80x64xi32, #tpu.memory_space<vmem>> -> memref<1x64xi32, #tpu.memory_space<vmem>>
    %dma_wait3A_55 = tpu.memref_squeeze %dma_wait3A_54 : memref<1x64xi32, #tpu.memory_space<vmem>> -> memref<64xi32, #tpu.memory_space<vmem>>
    %dma_wait3A_56 = arith.constant 0 : i32
    %dma_wait3A_57 = arith.constant 0 : i32
    %dma_wait3A_58 = tpu.memref_slice %arg2[%dma_wait3A_56, %dma_wait3A_57] : memref<10000x128xf32, #tpu.memory_space<hbm>> -> memref<10000x128xf32, #tpu.memory_space<hbm>>
    tpu.wait_indirect_dma semaphore(%arg10 : memref<!tpu.dma_semaphore, #tpu.memory_space<semaphore_mem>>) src(%dma_wait3A_58 : memref<10000x128xf32, #tpu.memory_space<hbm>>) dst(%dma_wait3A_52 : memref<64x128xf32, #tpu.memory_space<vmem>>)
    %dma_start3A_59 = arith.constant 0 : i32
    %dma_start3A_60 = arith.constant 0 : i32
    %dma_start3A_61 = arith.constant 0 : i32
    %dma_start3A_62 = arith.constant 0 : i32
    %dma_start3A_63 = tpu.memref_slice %arg8[%dma_start3A_59, %dma_start3A_61, %dma_start3A_62] : memref<2x64x128xf32, #tpu.memory_space<vmem>> -> memref<1x64x128xf32, #tpu.memory_space<vmem>>
    %dma_start3A_64 = tpu.memref_squeeze %dma_start3A_63 : memref<1x64x128xf32, #tpu.memory_space<vmem>> -> memref<64x128xf32, #tpu.memory_space<vmem>>
    %dma_start3A_65 = arith.constant 0 : i32
    %dma_start3A_66 = tpu.memref_slice %arg7[%dma_start3A_60, %dma_start3A_65] : memref<80x64xi32, #tpu.memory_space<vmem>> -> memref<1x64xi32, #tpu.memory_space<vmem>>
    %dma_start3A_67 = tpu.memref_squeeze %dma_start3A_66 : memref<1x64xi32, #tpu.memory_space<vmem>> -> memref<64xi32, #tpu.memory_space<vmem>>
    %dma_start3A_68 = arith.constant 0 : i32
    %dma_start3A_69 = arith.constant 0 : i32
    %dma_start3A_70 = tpu.memref_slice %arg9[%dma_start3A_68, %dma_start3A_69] : memref<10240x128xf32, #tpu.memory_space<vmem_shared>> -> memref<10240x128xf32, #tpu.memory_space<vmem_shared>>
    tpu.enqueue_indirect_dma source(%dma_start3A_64 : memref<64x128xf32, #tpu.memory_space<vmem>>) target(%dma_start3A_70 : memref<10240x128xf32, #tpu.memory_space<vmem_shared>>) offsets(%dma_start3A_67 : memref<64xi32, #tpu.memory_space<vmem>>) semaphore(%arg12 : memref<!tpu.dma_semaphore, #tpu.memory_space<semaphore_mem>>) {add = true}
    %dma_start3A_71 = arith.constant 1 : i32
    %dma_start3A_72 = arith.constant 1 : i32
    %dma_start3A_73 = arith.constant 0 : i32
    %dma_start3A_74 = arith.constant 0 : i32
    %dma_start3A_75 = tpu.memref_slice %arg8[%dma_start3A_72, %dma_start3A_73, %dma_start3A_74] : memref<2x64x128xf32, #tpu.memory_space<vmem>> -> memref<1x64x128xf32, #tpu.memory_space<vmem>>
    %dma_start3A_76 = tpu.memref_squeeze %dma_start3A_75 : memref<1x64x128xf32, #tpu.memory_space<vmem>> -> memref<64x128xf32, #tpu.memory_space<vmem>>
    %dma_start3A_77 = arith.constant 0 : i32
    %dma_start3A_78 = tpu.memref_slice %arg6[%dma_start3A_71, %dma_start3A_77] : memref<80x64xi32, #tpu.memory_space<vmem>> -> memref<1x64xi32, #tpu.memory_space<vmem>>
    %dma_start3A_79 = tpu.memref_squeeze %dma_start3A_78 : memref<1x64xi32, #tpu.memory_space<vmem>> -> memref<64xi32, #tpu.memory_space<vmem>>
    %dma_start3A_80 = arith.constant 0 : i32
    %dma_start3A_81 = arith.constant 0 : i32
    %dma_start3A_82 = tpu.memref_slice %arg2[%dma_start3A_80, %dma_start3A_81] : memref<10000x128xf32, #tpu.memory_space<hbm>> -> memref<10000x128xf32, #tpu.memory_space<hbm>>
    tpu.enqueue_indirect_dma source(%dma_start3A_82 : memref<10000x128xf32, #tpu.memory_space<hbm>>) target(%dma_start3A_76 : memref<64x128xf32, #tpu.memory_space<vmem>>) offsets(%dma_start3A_79 : memref<64xi32, #tpu.memory_space<vmem>>) semaphore(%arg11 : memref<!tpu.dma_semaphore, #tpu.memory_space<semaphore_mem>>)
    %scan3A_83 = arith.constant 0 : i32
    %scan3A_84 = arith.constant 0 : i32
    %scan3A_85 = arith.constant 39 : i32
    %scan3A_86 = arith.addi %scan3A_84, %scan3A_85 : i32
    %scan3A_87 = arith.constant 1 : i32
    scf.for %scan3A_300 = %scan3A_84 to %scan3A_86 step %scan3A_87  : i32 {
      %mul3A_301 = arith.constant 2 : i32
      %mul3A_302 = arith.muli %mul3A_301, %scan3A_300 : i32
      %add3A_303 = arith.constant 1 : i32
      %add3A_304 = arith.addi %mul3A_302, %add3A_303 : i32
      %mul3A_305 = arith.constant 2 : i32
      %mul3A_306 = arith.muli %mul3A_305, %scan3A_300 : i32
      %add3A_307 = arith.constant 2 : i32
      %add3A_308 = arith.addi %mul3A_306, %add3A_307 : i32
      %mul3A_309 = arith.constant 2 : i32
      %mul3A_310 = arith.muli %mul3A_309, %scan3A_300 : i32
      %add3A_311 = arith.constant 3 : i32
      %add3A_312 = arith.addi %mul3A_310, %add3A_311 : i32
      %dma_wait3A_313 = arith.constant 1 : i32
      %dma_wait3A_314 = arith.constant 0 : i32
      %dma_wait3A_315 = arith.constant 0 : i32
      %dma_wait3A_316 = tpu.memref_slice %arg8[%dma_wait3A_313, %dma_wait3A_314, %dma_wait3A_315] : memref<2x64x128xf32, #tpu.memory_space<vmem>> -> memref<1x64x128xf32, #tpu.memory_space<vmem>>
      %dma_wait3A_317 = tpu.memref_squeeze %dma_wait3A_316 : memref<1x64x128xf32, #tpu.memory_space<vmem>> -> memref<64x128xf32, #tpu.memory_space<vmem>>
      %dma_wait3A_318 = arith.constant 0 : i32
      %dma_wait3A_319 = tpu.memref_slice %arg6[%add3A_304, %dma_wait3A_318] : memref<80x64xi32, #tpu.memory_space<vmem>> -> memref<1x64xi32, #tpu.memory_space<vmem>>
      %dma_wait3A_320 = tpu.memref_squeeze %dma_wait3A_319 : memref<1x64xi32, #tpu.memory_space<vmem>> -> memref<64xi32, #tpu.memory_space<vmem>>
      %dma_wait3A_321 = arith.constant 0 : i32
      %dma_wait3A_322 = arith.constant 0 : i32
      %dma_wait3A_323 = tpu.memref_slice %arg2[%dma_wait3A_321, %dma_wait3A_322] : memref<10000x128xf32, #tpu.memory_space<hbm>> -> memref<10000x128xf32, #tpu.memory_space<hbm>>
      tpu.wait_indirect_dma semaphore(%arg11 : memref<!tpu.dma_semaphore, #tpu.memory_space<semaphore_mem>>) src(%dma_wait3A_323 : memref<10000x128xf32, #tpu.memory_space<hbm>>) dst(%dma_wait3A_317 : memref<64x128xf32, #tpu.memory_space<vmem>>)
      %sub3A = arith.constant 2 : i32
      %sub3A_324 = arith.subi %add3A_308, %sub3A : i32
      %dma_wait3A_325 = arith.constant 0 : i32
      %dma_wait3A_326 = arith.constant 0 : i32
      %dma_wait3A_327 = arith.constant 0 : i32
      %dma_wait3A_328 = tpu.memref_slice %arg8[%dma_wait3A_325, %dma_wait3A_326, %dma_wait3A_327] : memref<2x64x128xf32, #tpu.memory_space<vmem>> -> memref<1x64x128xf32, #tpu.memory_space<vmem>>
      %dma_wait3A_329 = tpu.memref_squeeze %dma_wait3A_328 : memref<1x64x128xf32, #tpu.memory_space<vmem>> -> memref<64x128xf32, #tpu.memory_space<vmem>>
      %dma_wait3A_330 = arith.constant 0 : i32
      %dma_wait3A_331 = tpu.memref_slice %arg7[%sub3A_324, %dma_wait3A_330] : memref<80x64xi32, #tpu.memory_space<vmem>> -> memref<1x64xi32, #tpu.memory_space<vmem>>
      %dma_wait3A_332 = tpu.memref_squeeze %dma_wait3A_331 : memref<1x64xi32, #tpu.memory_space<vmem>> -> memref<64xi32, #tpu.memory_space<vmem>>
      %dma_wait3A_333 = arith.constant 0 : i32
      %dma_wait3A_334 = arith.constant 0 : i32
      %dma_wait3A_335 = tpu.memref_slice %arg9[%dma_wait3A_333, %dma_wait3A_334] : memref<10240x128xf32, #tpu.memory_space<vmem_shared>> -> memref<10240x128xf32, #tpu.memory_space<vmem_shared>>
      tpu.wait_indirect_dma semaphore(%arg12 : memref<!tpu.dma_semaphore, #tpu.memory_space<semaphore_mem>>) src(%dma_wait3A_329 : memref<64x128xf32, #tpu.memory_space<vmem>>) dst(%dma_wait3A_335 : memref<10240x128xf32, #tpu.memory_space<vmem_shared>>)
      %dma_start3A_336 = arith.constant 0 : i32
      %dma_start3A_337 = arith.constant 0 : i32
      %dma_start3A_338 = arith.constant 0 : i32
      %dma_start3A_339 = tpu.memref_slice %arg8[%dma_start3A_336, %dma_start3A_337, %dma_start3A_338] : memref<2x64x128xf32, #tpu.memory_space<vmem>> -> memref<1x64x128xf32, #tpu.memory_space<vmem>>
      %dma_start3A_340 = tpu.memref_squeeze %dma_start3A_339 : memref<1x64x128xf32, #tpu.memory_space<vmem>> -> memref<64x128xf32, #tpu.memory_space<vmem>>
      %dma_start3A_341 = arith.constant 0 : i32
      %dma_start3A_342 = tpu.memref_slice %arg6[%add3A_308, %dma_start3A_341] : memref<80x64xi32, #tpu.memory_space<vmem>> -> memref<1x64xi32, #tpu.memory_space<vmem>>
      %dma_start3A_343 = tpu.memref_squeeze %dma_start3A_342 : memref<1x64xi32, #tpu.memory_space<vmem>> -> memref<64xi32, #tpu.memory_space<vmem>>
      %dma_start3A_344 = arith.constant 0 : i32
      %dma_start3A_345 = arith.constant 0 : i32
      %dma_start3A_346 = tpu.memref_slice %arg2[%dma_start3A_344, %dma_start3A_345] : memref<10000x128xf32, #tpu.memory_space<hbm>> -> memref<10000x128xf32, #tpu.memory_space<hbm>>
      tpu.enqueue_indirect_dma source(%dma_start3A_346 : memref<10000x128xf32, #tpu.memory_space<hbm>>) target(%dma_start3A_340 : memref<64x128xf32, #tpu.memory_space<vmem>>) offsets(%dma_start3A_343 : memref<64xi32, #tpu.memory_space<vmem>>) semaphore(%arg10 : memref<!tpu.dma_semaphore, #tpu.memory_space<semaphore_mem>>)
      %dma_start3A_347 = arith.constant 1 : i32
      %dma_start3A_348 = arith.constant 0 : i32
      %dma_start3A_349 = arith.constant 0 : i32
      %dma_start3A_350 = tpu.memref_slice %arg8[%dma_start3A_347, %dma_start3A_348, %dma_start3A_349] : memref<2x64x128xf32, #tpu.memory_space<vmem>> -> memref<1x64x128xf32, #tpu.memory_space<vmem>>
      %dma_start3A_351 = tpu.memref_squeeze %dma_start3A_350 : memref<1x64x128xf32, #tpu.memory_space<vmem>> -> memref<64x128xf32, #tpu.memory_space<vmem>>
      %dma_start3A_352 = arith.constant 0 : i32
      %dma_start3A_353 = tpu.memref_slice %arg7[%add3A_304, %dma_start3A_352] : memref<80x64xi32, #tpu.memory_space<vmem>> -> memref<1x64xi32, #tpu.memory_space<vmem>>
      %dma_start3A_354 = tpu.memref_squeeze %dma_start3A_353 : memref<1x64xi32, #tpu.memory_space<vmem>> -> memref<64xi32, #tpu.memory_space<vmem>>
      %dma_start3A_355 = arith.constant 0 : i32
      %dma_start3A_356 = arith.constant 0 : i32
      %dma_start3A_357 = tpu.memref_slice %arg9[%dma_start3A_355, %dma_start3A_356] : memref<10240x128xf32, #tpu.memory_space<vmem_shared>> -> memref<10240x128xf32, #tpu.memory_space<vmem_shared>>
      tpu.enqueue_indirect_dma source(%dma_start3A_351 : memref<64x128xf32, #tpu.memory_space<vmem>>) target(%dma_start3A_357 : memref<10240x128xf32, #tpu.memory_space<vmem_shared>>) offsets(%dma_start3A_354 : memref<64xi32, #tpu.memory_space<vmem>>) semaphore(%arg13 : memref<!tpu.dma_semaphore, #tpu.memory_space<semaphore_mem>>) {add = true}
      %dma_wait3A_358 = arith.constant 0 : i32
      %dma_wait3A_359 = arith.constant 0 : i32
      %dma_wait3A_360 = arith.constant 0 : i32
      %dma_wait3A_361 = tpu.memref_slice %arg8[%dma_wait3A_358, %dma_wait3A_359, %dma_wait3A_360] : memref<2x64x128xf32, #tpu.memory_space<vmem>> -> memref<1x64x128xf32, #tpu.memory_space<vmem>>
      %dma_wait3A_362 = tpu.memref_squeeze %dma_wait3A_361 : memref<1x64x128xf32, #tpu.memory_space<vmem>> -> memref<64x128xf32, #tpu.memory_space<vmem>>
      %dma_wait3A_363 = arith.constant 0 : i32
      %dma_wait3A_364 = tpu.memref_slice %arg6[%add3A_308, %dma_wait3A_363] : memref<80x64xi32, #tpu.memory_space<vmem>> -> memref<1x64xi32, #tpu.memory_space<vmem>>
      %dma_wait3A_365 = tpu.memref_squeeze %dma_wait3A_364 : memref<1x64xi32, #tpu.memory_space<vmem>> -> memref<64xi32, #tpu.memory_space<vmem>>
      %dma_wait3A_366 = arith.constant 0 : i32
      %dma_wait3A_367 = arith.constant 0 : i32
      %dma_wait3A_368 = tpu.memref_slice %arg2[%dma_wait3A_366, %dma_wait3A_367] : memref<10000x128xf32, #tpu.memory_space<hbm>> -> memref<10000x128xf32, #tpu.memory_space<hbm>>
      tpu.wait_indirect_dma semaphore(%arg10 : memref<!tpu.dma_semaphore, #tpu.memory_space<semaphore_mem>>) src(%dma_wait3A_368 : memref<10000x128xf32, #tpu.memory_space<hbm>>) dst(%dma_wait3A_362 : memref<64x128xf32, #tpu.memory_space<vmem>>)
      %dma_wait3A_369 = arith.constant 1 : i32
      %dma_wait3A_370 = arith.constant 0 : i32
      %dma_wait3A_371 = arith.constant 0 : i32
      %dma_wait3A_372 = tpu.memref_slice %arg8[%dma_wait3A_369, %dma_wait3A_370, %dma_wait3A_371] : memref<2x64x128xf32, #tpu.memory_space<vmem>> -> memref<1x64x128xf32, #tpu.memory_space<vmem>>
      %dma_wait3A_373 = tpu.memref_squeeze %dma_wait3A_372 : memref<1x64x128xf32, #tpu.memory_space<vmem>> -> memref<64x128xf32, #tpu.memory_space<vmem>>
      %dma_wait3A_374 = arith.constant 0 : i32
      %dma_wait3A_375 = tpu.memref_slice %arg7[%add3A_304, %dma_wait3A_374] : memref<80x64xi32, #tpu.memory_space<vmem>> -> memref<1x64xi32, #tpu.memory_space<vmem>>
      %dma_wait3A_376 = tpu.memref_squeeze %dma_wait3A_375 : memref<1x64xi32, #tpu.memory_space<vmem>> -> memref<64xi32, #tpu.memory_space<vmem>>
      %dma_wait3A_377 = arith.constant 0 : i32
      %dma_wait3A_378 = arith.constant 0 : i32
      %dma_wait3A_379 = tpu.memref_slice %arg9[%dma_wait3A_377, %dma_wait3A_378] : memref<10240x128xf32, #tpu.memory_space<vmem_shared>> -> memref<10240x128xf32, #tpu.memory_space<vmem_shared>>
      tpu.wait_indirect_dma semaphore(%arg13 : memref<!tpu.dma_semaphore, #tpu.memory_space<semaphore_mem>>) src(%dma_wait3A_373 : memref<64x128xf32, #tpu.memory_space<vmem>>) dst(%dma_wait3A_379 : memref<10240x128xf32, #tpu.memory_space<vmem_shared>>)
      %dma_start3A_380 = arith.constant 1 : i32
      %dma_start3A_381 = arith.constant 0 : i32
      %dma_start3A_382 = arith.constant 0 : i32
      %dma_start3A_383 = tpu.memref_slice %arg8[%dma_start3A_380, %dma_start3A_381, %dma_start3A_382] : memref<2x64x128xf32, #tpu.memory_space<vmem>> -> memref<1x64x128xf32, #tpu.memory_space<vmem>>
      %dma_start3A_384 = tpu.memref_squeeze %dma_start3A_383 : memref<1x64x128xf32, #tpu.memory_space<vmem>> -> memref<64x128xf32, #tpu.memory_space<vmem>>
      %dma_start3A_385 = arith.constant 0 : i32
      %dma_start3A_386 = tpu.memref_slice %arg6[%add3A_312, %dma_start3A_385] : memref<80x64xi32, #tpu.memory_space<vmem>> -> memref<1x64xi32, #tpu.memory_space<vmem>>
      %dma_start3A_387 = tpu.memref_squeeze %dma_start3A_386 : memref<1x64xi32, #tpu.memory_space<vmem>> -> memref<64xi32, #tpu.memory_space<vmem>>
      %dma_start3A_388 = arith.constant 0 : i32
      %dma_start3A_389 = arith.constant 0 : i32
      %dma_start3A_390 = tpu.memref_slice %arg2[%dma_start3A_388, %dma_start3A_389] : memref<10000x128xf32, #tpu.memory_space<hbm>> -> memref<10000x128xf32, #tpu.memory_space<hbm>>
      tpu.enqueue_indirect_dma source(%dma_start3A_390 : memref<10000x128xf32, #tpu.memory_space<hbm>>) target(%dma_start3A_384 : memref<64x128xf32, #tpu.memory_space<vmem>>) offsets(%dma_start3A_387 : memref<64xi32, #tpu.memory_space<vmem>>) semaphore(%arg11 : memref<!tpu.dma_semaphore, #tpu.memory_space<semaphore_mem>>)
      %dma_start3A_391 = arith.constant 0 : i32
      %dma_start3A_392 = arith.constant 0 : i32
      %dma_start3A_393 = arith.constant 0 : i32
      %dma_start3A_394 = tpu.memref_slice %arg8[%dma_start3A_391, %dma_start3A_392, %dma_start3A_393] : memref<2x64x128xf32, #tpu.memory_space<vmem>> -> memref<1x64x128xf32, #tpu.memory_space<vmem>>
      %dma_start3A_395 = tpu.memref_squeeze %dma_start3A_394 : memref<1x64x128xf32, #tpu.memory_space<vmem>> -> memref<64x128xf32, #tpu.memory_space<vmem>>
      %dma_start3A_396 = arith.constant 0 : i32
      %dma_start3A_397 = tpu.memref_slice %arg7[%add3A_308, %dma_start3A_396] : memref<80x64xi32, #tpu.memory_space<vmem>> -> memref<1x64xi32, #tpu.memory_space<vmem>>
      %dma_start3A_398 = tpu.memref_squeeze %dma_start3A_397 : memref<1x64xi32, #tpu.memory_space<vmem>> -> memref<64xi32, #tpu.memory_space<vmem>>
      %dma_start3A_399 = arith.constant 0 : i32
      %dma_start3A_400 = arith.constant 0 : i32
      %dma_start3A_401 = tpu.memref_slice %arg9[%dma_start3A_399, %dma_start3A_400] : memref<10240x128xf32, #tpu.memory_space<vmem_shared>> -> memref<10240x128xf32, #tpu.memory_space<vmem_shared>>
      tpu.enqueue_indirect_dma source(%dma_start3A_395 : memref<64x128xf32, #tpu.memory_space<vmem>>) target(%dma_start3A_401 : memref<10240x128xf32, #tpu.memory_space<vmem_shared>>) offsets(%dma_start3A_398 : memref<64xi32, #tpu.memory_space<vmem>>) semaphore(%arg12 : memref<!tpu.dma_semaphore, #tpu.memory_space<semaphore_mem>>) {add = true}
    }
    %scan3A_88 = arith.constant 39 : i32
    %dma_wait3A_89 = arith.constant 79 : i32
    %dma_wait3A_90 = arith.constant 1 : i32
    %dma_wait3A_91 = arith.constant 0 : i32
    %dma_wait3A_92 = arith.constant 0 : i32
    %dma_wait3A_93 = tpu.memref_slice %arg8[%dma_wait3A_90, %dma_wait3A_91, %dma_wait3A_92] : memref<2x64x128xf32, #tpu.memory_space<vmem>> -> memref<1x64x128xf32, #tpu.memory_space<vmem>>
    %dma_wait3A_94 = tpu.memref_squeeze %dma_wait3A_93 : memref<1x64x128xf32, #tpu.memory_space<vmem>> -> memref<64x128xf32, #tpu.memory_space<vmem>>
    %dma_wait3A_95 = arith.constant 0 : i32
    %dma_wait3A_96 = tpu.memref_slice %arg6[%dma_wait3A_89, %dma_wait3A_95] : memref<80x64xi32, #tpu.memory_space<vmem>> -> memref<1x64xi32, #tpu.memory_space<vmem>>
    %dma_wait3A_97 = tpu.memref_squeeze %dma_wait3A_96 : memref<1x64xi32, #tpu.memory_space<vmem>> -> memref<64xi32, #tpu.memory_space<vmem>>
    %dma_wait3A_98 = arith.constant 0 : i32
    %dma_wait3A_99 = arith.constant 0 : i32
    %dma_wait3A_100 = tpu.memref_slice %arg2[%dma_wait3A_98, %dma_wait3A_99] : memref<10000x128xf32, #tpu.memory_space<hbm>> -> memref<10000x128xf32, #tpu.memory_space<hbm>>
    tpu.wait_indirect_dma semaphore(%arg11 : memref<!tpu.dma_semaphore, #tpu.memory_space<semaphore_mem>>) src(%dma_wait3A_100 : memref<10000x128xf32, #tpu.memory_space<hbm>>) dst(%dma_wait3A_94 : memref<64x128xf32, #tpu.memory_space<vmem>>)
    %dma_wait3A_101 = arith.constant 0 : i32
    %dma_wait3A_102 = arith.constant 78 : i32
    %dma_wait3A_103 = arith.constant 0 : i32
    %dma_wait3A_104 = arith.constant 0 : i32
    %dma_wait3A_105 = tpu.memref_slice %arg8[%dma_wait3A_101, %dma_wait3A_103, %dma_wait3A_104] : memref<2x64x128xf32, #tpu.memory_space<vmem>> -> memref<1x64x128xf32, #tpu.memory_space<vmem>>
    %dma_wait3A_106 = tpu.memref_squeeze %dma_wait3A_105 : memref<1x64x128xf32, #tpu.memory_space<vmem>> -> memref<64x128xf32, #tpu.memory_space<vmem>>
    %dma_wait3A_107 = arith.constant 0 : i32
    %dma_wait3A_108 = tpu.memref_slice %arg7[%dma_wait3A_102, %dma_wait3A_107] : memref<80x64xi32, #tpu.memory_space<vmem>> -> memref<1x64xi32, #tpu.memory_space<vmem>>
    %dma_wait3A_109 = tpu.memref_squeeze %dma_wait3A_108 : memref<1x64xi32, #tpu.memory_space<vmem>> -> memref<64xi32, #tpu.memory_space<vmem>>
    %dma_wait3A_110 = arith.constant 0 : i32
    %dma_wait3A_111 = arith.constant 0 : i32
    %dma_wait3A_112 = tpu.memref_slice %arg9[%dma_wait3A_110, %dma_wait3A_111] : memref<10240x128xf32, #tpu.memory_space<vmem_shared>> -> memref<10240x128xf32, #tpu.memory_space<vmem_shared>>
    tpu.wait_indirect_dma semaphore(%arg12 : memref<!tpu.dma_semaphore, #tpu.memory_space<semaphore_mem>>) src(%dma_wait3A_106 : memref<64x128xf32, #tpu.memory_space<vmem>>) dst(%dma_wait3A_112 : memref<10240x128xf32, #tpu.memory_space<vmem_shared>>)
    %dma_start3A_113 = arith.constant 1 : i32
    %dma_start3A_114 = arith.constant 79 : i32
    %dma_start3A_115 = arith.constant 0 : i32
    %dma_start3A_116 = arith.constant 0 : i32
    %dma_start3A_117 = tpu.memref_slice %arg8[%dma_start3A_113, %dma_start3A_115, %dma_start3A_116] : memref<2x64x128xf32, #tpu.memory_space<vmem>> -> memref<1x64x128xf32, #tpu.memory_space<vmem>>
    %dma_start3A_118 = tpu.memref_squeeze %dma_start3A_117 : memref<1x64x128xf32, #tpu.memory_space<vmem>> -> memref<64x128xf32, #tpu.memory_space<vmem>>
    %dma_start3A_119 = arith.constant 0 : i32
    %dma_start3A_120 = tpu.memref_slice %arg7[%dma_start3A_114, %dma_start3A_119] : memref<80x64xi32, #tpu.memory_space<vmem>> -> memref<1x64xi32, #tpu.memory_space<vmem>>
    %dma_start3A_121 = tpu.memref_squeeze %dma_start3A_120 : memref<1x64xi32, #tpu.memory_space<vmem>> -> memref<64xi32, #tpu.memory_space<vmem>>
    %dma_start3A_122 = arith.constant 0 : i32
    %dma_start3A_123 = arith.constant 0 : i32
    %dma_start3A_124 = tpu.memref_slice %arg9[%dma_start3A_122, %dma_start3A_123] : memref<10240x128xf32, #tpu.memory_space<vmem_shared>> -> memref<10240x128xf32, #tpu.memory_space<vmem_shared>>
    tpu.enqueue_indirect_dma source(%dma_start3A_118 : memref<64x128xf32, #tpu.memory_space<vmem>>) target(%dma_start3A_124 : memref<10240x128xf32, #tpu.memory_space<vmem_shared>>) offsets(%dma_start3A_121 : memref<64xi32, #tpu.memory_space<vmem>>) semaphore(%arg13 : memref<!tpu.dma_semaphore, #tpu.memory_space<semaphore_mem>>) {add = true}
    %dma_wait3A_125 = arith.constant 1 : i32
    %dma_wait3A_126 = arith.constant 79 : i32
    %dma_wait3A_127 = arith.constant 0 : i32
    %dma_wait3A_128 = arith.constant 0 : i32
    %dma_wait3A_129 = tpu.memref_slice %arg8[%dma_wait3A_125, %dma_wait3A_127, %dma_wait3A_128] : memref<2x64x128xf32, #tpu.memory_space<vmem>> -> memref<1x64x128xf32, #tpu.memory_space<vmem>>
    %dma_wait3A_130 = tpu.memref_squeeze %dma_wait3A_129 : memref<1x64x128xf32, #tpu.memory_space<vmem>> -> memref<64x128xf32, #tpu.memory_space<vmem>>
    %dma_wait3A_131 = arith.constant 0 : i32
    %dma_wait3A_132 = tpu.memref_slice %arg7[%dma_wait3A_126, %dma_wait3A_131] : memref<80x64xi32, #tpu.memory_space<vmem>> -> memref<1x64xi32, #tpu.memory_space<vmem>>
    %dma_wait3A_133 = tpu.memref_squeeze %dma_wait3A_132 : memref<1x64xi32, #tpu.memory_space<vmem>> -> memref<64xi32, #tpu.memory_space<vmem>>
    %dma_wait3A_134 = arith.constant 0 : i32
    %dma_wait3A_135 = arith.constant 0 : i32
    %dma_wait3A_136 = tpu.memref_slice %arg9[%dma_wait3A_134, %dma_wait3A_135] : memref<10240x128xf32, #tpu.memory_space<vmem_shared>> -> memref<10240x128xf32, #tpu.memory_space<vmem_shared>>
    tpu.wait_indirect_dma semaphore(%arg13 : memref<!tpu.dma_semaphore, #tpu.memory_space<semaphore_mem>>) src(%dma_wait3A_130 : memref<64x128xf32, #tpu.memory_space<vmem>>) dst(%dma_wait3A_136 : memref<10240x128xf32, #tpu.memory_space<vmem_shared>>)
    "tpu.region"() ({
      %run_scoped3A_300 = tpu.sem_alloc : memref<!tpu.dma_semaphore, #tpu.memory_space<semaphore_mem>>
      %dma_start3A_301 = arith.constant 80 : i32
      %dma_start3A_302 = arith.constant 0 : i32
      %dma_start3A_303 = tpu.memref_slice %arg3[%add3A, %dma_start3A_301, %dma_start3A_302] : memref<32x160x64xi32, #tpu.memory_space<hbm>> -> memref<1x80x64xi32, #tpu.memory_space<hbm>>
      %dma_start3A_304 = tpu.memref_squeeze %dma_start3A_303 : memref<1x80x64xi32, #tpu.memory_space<hbm>> -> memref<80x64xi32, #tpu.memory_space<hbm>>
      %dma_start3A_305 = arith.constant 80 : i32
      %dma_start3A_306 = arith.constant 0 : i32
      %dma_start3A_307 = tpu.memref_slice %arg3[%add3A, %dma_start3A_305, %dma_start3A_306] : memref<32x160x64xi32, #tpu.memory_space<hbm>> -> memref<1x80x64xi32, #tpu.memory_space<hbm>>
      %dma_start3A_308 = tpu.memref_squeeze %dma_start3A_307 : memref<1x80x64xi32, #tpu.memory_space<hbm>> -> memref<80x64xi32, #tpu.memory_space<hbm>>
      tpu.enqueue_dma source(%dma_start3A_308 : memref<80x64xi32, #tpu.memory_space<hbm>>) target(%arg6 : memref<80x64xi32, #tpu.memory_space<vmem>>) target_semaphore(%run_scoped3A_300 : memref<!tpu.dma_semaphore, #tpu.memory_space<semaphore_mem>>)
      %dma_wait3A_309 = arith.constant 80 : i32
      %dma_wait3A_310 = arith.constant 0 : i32
      %dma_wait3A_311 = tpu.memref_slice %arg3[%add3A, %dma_wait3A_309, %dma_wait3A_310] : memref<32x160x64xi32, #tpu.memory_space<hbm>> -> memref<1x80x64xi32, #tpu.memory_space<hbm>>
      %dma_wait3A_312 = tpu.memref_squeeze %dma_wait3A_311 : memref<1x80x64xi32, #tpu.memory_space<hbm>> -> memref<80x64xi32, #tpu.memory_space<hbm>>
      %dma_wait3A_313 = arith.constant 80 : i32
      %dma_wait3A_314 = arith.constant 0 : i32
      %dma_wait3A_315 = tpu.memref_slice %arg3[%add3A, %dma_wait3A_313, %dma_wait3A_314] : memref<32x160x64xi32, #tpu.memory_space<hbm>> -> memref<1x80x64xi32, #tpu.memory_space<hbm>>
      %dma_wait3A_316 = tpu.memref_squeeze %dma_wait3A_315 : memref<1x80x64xi32, #tpu.memory_space<hbm>> -> memref<80x64xi32, #tpu.memory_space<hbm>>
      tpu.wait_dma2 semaphore(%run_scoped3A_300 : memref<!tpu.dma_semaphore, #tpu.memory_space<semaphore_mem>>) src(%dma_wait3A_316 : memref<80x64xi32, #tpu.memory_space<hbm>>) dst(%arg6 : memref<80x64xi32, #tpu.memory_space<vmem>>)
      tpu.yield
    }) : () -> ()
    "tpu.region"() ({
      %run_scoped3A_300 = tpu.sem_alloc : memref<!tpu.dma_semaphore, #tpu.memory_space<semaphore_mem>>
      %dma_start3A_301 = arith.constant 80 : i32
      %dma_start3A_302 = arith.constant 0 : i32
      %dma_start3A_303 = tpu.memref_slice %arg4[%add3A, %dma_start3A_301, %dma_start3A_302] : memref<32x160x64xi32, #tpu.memory_space<hbm>> -> memref<1x80x64xi32, #tpu.memory_space<hbm>>
      %dma_start3A_304 = tpu.memref_squeeze %dma_start3A_303 : memref<1x80x64xi32, #tpu.memory_space<hbm>> -> memref<80x64xi32, #tpu.memory_space<hbm>>
      %dma_start3A_305 = arith.constant 80 : i32
      %dma_start3A_306 = arith.constant 0 : i32
      %dma_start3A_307 = tpu.memref_slice %arg4[%add3A, %dma_start3A_305, %dma_start3A_306] : memref<32x160x64xi32, #tpu.memory_space<hbm>> -> memref<1x80x64xi32, #tpu.memory_space<hbm>>
      %dma_start3A_308 = tpu.memref_squeeze %dma_start3A_307 : memref<1x80x64xi32, #tpu.memory_space<hbm>> -> memref<80x64xi32, #tpu.memory_space<hbm>>
      tpu.enqueue_dma source(%dma_start3A_308 : memref<80x64xi32, #tpu.memory_space<hbm>>) target(%arg7 : memref<80x64xi32, #tpu.memory_space<vmem>>) target_semaphore(%run_scoped3A_300 : memref<!tpu.dma_semaphore, #tpu.memory_space<semaphore_mem>>)
      %dma_wait3A_309 = arith.constant 80 : i32
      %dma_wait3A_310 = arith.constant 0 : i32
      %dma_wait3A_311 = tpu.memref_slice %arg4[%add3A, %dma_wait3A_309, %dma_wait3A_310] : memref<32x160x64xi32, #tpu.memory_space<hbm>> -> memref<1x80x64xi32, #tpu.memory_space<hbm>>
      %dma_wait3A_312 = tpu.memref_squeeze %dma_wait3A_311 : memref<1x80x64xi32, #tpu.memory_space<hbm>> -> memref<80x64xi32, #tpu.memory_space<hbm>>
      %dma_wait3A_313 = arith.constant 80 : i32
      %dma_wait3A_314 = arith.constant 0 : i32
      %dma_wait3A_315 = tpu.memref_slice %arg4[%add3A, %dma_wait3A_313, %dma_wait3A_314] : memref<32x160x64xi32, #tpu.memory_space<hbm>> -> memref<1x80x64xi32, #tpu.memory_space<hbm>>
      %dma_wait3A_316 = tpu.memref_squeeze %dma_wait3A_315 : memref<1x80x64xi32, #tpu.memory_space<hbm>> -> memref<80x64xi32, #tpu.memory_space<hbm>>
      tpu.wait_dma2 semaphore(%run_scoped3A_300 : memref<!tpu.dma_semaphore, #tpu.memory_space<semaphore_mem>>) src(%dma_wait3A_316 : memref<80x64xi32, #tpu.memory_space<hbm>>) dst(%arg7 : memref<80x64xi32, #tpu.memory_space<vmem>>)
      tpu.yield
    }) : () -> ()
    %dma_start3A_137 = arith.constant 0 : i32
    %dma_start3A_138 = arith.constant 0 : i32
    %dma_start3A_139 = arith.constant 0 : i32
    %dma_start3A_140 = arith.constant 0 : i32
    %dma_start3A_141 = tpu.memref_slice %arg8[%dma_start3A_138, %dma_start3A_139, %dma_start3A_140] : memref<2x64x128xf32, #tpu.memory_space<vmem>> -> memref<1x64x128xf32, #tpu.memory_space<vmem>>
    %dma_start3A_142 = tpu.memref_squeeze %dma_start3A_141 : memref<1x64x128xf32, #tpu.memory_space<vmem>> -> memref<64x128xf32, #tpu.memory_space<vmem>>
    %dma_start3A_143 = arith.constant 0 : i32
    %dma_start3A_144 = tpu.memref_slice %arg6[%dma_start3A_137, %dma_start3A_143] : memref<80x64xi32, #tpu.memory_space<vmem>> -> memref<1x64xi32, #tpu.memory_space<vmem>>
    %dma_start3A_145 = tpu.memref_squeeze %dma_start3A_144 : memref<1x64xi32, #tpu.memory_space<vmem>> -> memref<64xi32, #tpu.memory_space<vmem>>
    %dma_start3A_146 = arith.constant 0 : i32
    %dma_start3A_147 = arith.constant 0 : i32
    %dma_start3A_148 = tpu.memref_slice %arg2[%dma_start3A_146, %dma_start3A_147] : memref<10000x128xf32, #tpu.memory_space<hbm>> -> memref<10000x128xf32, #tpu.memory_space<hbm>>
    tpu.enqueue_indirect_dma source(%dma_start3A_148 : memref<10000x128xf32, #tpu.memory_space<hbm>>) target(%dma_start3A_142 : memref<64x128xf32, #tpu.memory_space<vmem>>) offsets(%dma_start3A_145 : memref<64xi32, #tpu.memory_space<vmem>>) semaphore(%arg10 : memref<!tpu.dma_semaphore, #tpu.memory_space<semaphore_mem>>)
    %dma_wait3A_149 = arith.constant 0 : i32
    %dma_wait3A_150 = arith.constant 0 : i32
    %dma_wait3A_151 = arith.constant 0 : i32
    %dma_wait3A_152 = arith.constant 0 : i32
    %dma_wait3A_153 = tpu.memref_slice %arg8[%dma_wait3A_150, %dma_wait3A_151, %dma_wait3A_152] : memref<2x64x128xf32, #tpu.memory_space<vmem>> -> memref<1x64x128xf32, #tpu.memory_space<vmem>>
    %dma_wait3A_154 = tpu.memref_squeeze %dma_wait3A_153 : memref<1x64x128xf32, #tpu.memory_space<vmem>> -> memref<64x128xf32, #tpu.memory_space<vmem>>
    %dma_wait3A_155 = arith.constant 0 : i32
    %dma_wait3A_156 = tpu.memref_slice %arg6[%dma_wait3A_149, %dma_wait3A_155] : memref<80x64xi32, #tpu.memory_space<vmem>> -> memref<1x64xi32, #tpu.memory_space<vmem>>
    %dma_wait3A_157 = tpu.memref_squeeze %dma_wait3A_156 : memref<1x64xi32, #tpu.memory_space<vmem>> -> memref<64xi32, #tpu.memory_space<vmem>>
    %dma_wait3A_158 = arith.constant 0 : i32
    %dma_wait3A_159 = arith.constant 0 : i32
    %dma_wait3A_160 = tpu.memref_slice %arg2[%dma_wait3A_158, %dma_wait3A_159] : memref<10000x128xf32, #tpu.memory_space<hbm>> -> memref<10000x128xf32, #tpu.memory_space<hbm>>
    tpu.wait_indirect_dma semaphore(%arg10 : memref<!tpu.dma_semaphore, #tpu.memory_space<semaphore_mem>>) src(%dma_wait3A_160 : memref<10000x128xf32, #tpu.memory_space<hbm>>) dst(%dma_wait3A_154 : memref<64x128xf32, #tpu.memory_space<vmem>>)
    %dma_start3A_161 = arith.constant 0 : i32
    %dma_start3A_162 = arith.constant 0 : i32
    %dma_start3A_163 = arith.constant 0 : i32
    %dma_start3A_164 = arith.constant 0 : i32
    %dma_start3A_165 = tpu.memref_slice %arg8[%dma_start3A_161, %dma_start3A_163, %dma_start3A_164] : memref<2x64x128xf32, #tpu.memory_space<vmem>> -> memref<1x64x128xf32, #tpu.memory_space<vmem>>
    %dma_start3A_166 = tpu.memref_squeeze %dma_start3A_165 : memref<1x64x128xf32, #tpu.memory_space<vmem>> -> memref<64x128xf32, #tpu.memory_space<vmem>>
    %dma_start3A_167 = arith.constant 0 : i32
    %dma_start3A_168 = tpu.memref_slice %arg7[%dma_start3A_162, %dma_start3A_167] : memref<80x64xi32, #tpu.memory_space<vmem>> -> memref<1x64xi32, #tpu.memory_space<vmem>>
    %dma_start3A_169 = tpu.memref_squeeze %dma_start3A_168 : memref<1x64xi32, #tpu.memory_space<vmem>> -> memref<64xi32, #tpu.memory_space<vmem>>
    %dma_start3A_170 = arith.constant 0 : i32
    %dma_start3A_171 = arith.constant 0 : i32
    %dma_start3A_172 = tpu.memref_slice %arg9[%dma_start3A_170, %dma_start3A_171] : memref<10240x128xf32, #tpu.memory_space<vmem_shared>> -> memref<10240x128xf32, #tpu.memory_space<vmem_shared>>
    tpu.enqueue_indirect_dma source(%dma_start3A_166 : memref<64x128xf32, #tpu.memory_space<vmem>>) target(%dma_start3A_172 : memref<10240x128xf32, #tpu.memory_space<vmem_shared>>) offsets(%dma_start3A_169 : memref<64xi32, #tpu.memory_space<vmem>>) semaphore(%arg12 : memref<!tpu.dma_semaphore, #tpu.memory_space<semaphore_mem>>) {add = true}
    %dma_start3A_173 = arith.constant 1 : i32
    %dma_start3A_174 = arith.constant 1 : i32
    %dma_start3A_175 = arith.constant 0 : i32
    %dma_start3A_176 = arith.constant 0 : i32
    %dma_start3A_177 = tpu.memref_slice %arg8[%dma_start3A_174, %dma_start3A_175, %dma_start3A_176] : memref<2x64x128xf32, #tpu.memory_space<vmem>> -> memref<1x64x128xf32, #tpu.memory_space<vmem>>
    %dma_start3A_178 = tpu.memref_squeeze %dma_start3A_177 : memref<1x64x128xf32, #tpu.memory_space<vmem>> -> memref<64x128xf32, #tpu.memory_space<vmem>>
    %dma_start3A_179 = arith.constant 0 : i32
    %dma_start3A_180 = tpu.memref_slice %arg6[%dma_start3A_173, %dma_start3A_179] : memref<80x64xi32, #tpu.memory_space<vmem>> -> memref<1x64xi32, #tpu.memory_space<vmem>>
    %dma_start3A_181 = tpu.memref_squeeze %dma_start3A_180 : memref<1x64xi32, #tpu.memory_space<vmem>> -> memref<64xi32, #tpu.memory_space<vmem>>
    %dma_start3A_182 = arith.constant 0 : i32
    %dma_start3A_183 = arith.constant 0 : i32
    %dma_start3A_184 = tpu.memref_slice %arg2[%dma_start3A_182, %dma_start3A_183] : memref<10000x128xf32, #tpu.memory_space<hbm>> -> memref<10000x128xf32, #tpu.memory_space<hbm>>
    tpu.enqueue_indirect_dma source(%dma_start3A_184 : memref<10000x128xf32, #tpu.memory_space<hbm>>) target(%dma_start3A_178 : memref<64x128xf32, #tpu.memory_space<vmem>>) offsets(%dma_start3A_181 : memref<64xi32, #tpu.memory_space<vmem>>) semaphore(%arg11 : memref<!tpu.dma_semaphore, #tpu.memory_space<semaphore_mem>>)
    %scan3A_185 = arith.constant 0 : i32
    %scan3A_186 = arith.constant 0 : i32
    %scan3A_187 = arith.constant 39 : i32
    %scan3A_188 = arith.addi %scan3A_186, %scan3A_187 : i32
    %scan3A_189 = arith.constant 1 : i32
    scf.for %scan3A_300 = %scan3A_186 to %scan3A_188 step %scan3A_189  : i32 {
      %mul3A_301 = arith.constant 2 : i32
      %mul3A_302 = arith.muli %mul3A_301, %scan3A_300 : i32
      %add3A_303 = arith.constant 1 : i32
      %add3A_304 = arith.addi %mul3A_302, %add3A_303 : i32
      %mul3A_305 = arith.constant 2 : i32
      %mul3A_306 = arith.muli %mul3A_305, %scan3A_300 : i32
      %add3A_307 = arith.constant 2 : i32
      %add3A_308 = arith.addi %mul3A_306, %add3A_307 : i32
      %mul3A_309 = arith.constant 2 : i32
      %mul3A_310 = arith.muli %mul3A_309, %scan3A_300 : i32
      %add3A_311 = arith.constant 3 : i32
      %add3A_312 = arith.addi %mul3A_310, %add3A_311 : i32
      %dma_wait3A_313 = arith.constant 1 : i32
      %dma_wait3A_314 = arith.constant 0 : i32
      %dma_wait3A_315 = arith.constant 0 : i32
      %dma_wait3A_316 = tpu.memref_slice %arg8[%dma_wait3A_313, %dma_wait3A_314, %dma_wait3A_315] : memref<2x64x128xf32, #tpu.memory_space<vmem>> -> memref<1x64x128xf32, #tpu.memory_space<vmem>>
      %dma_wait3A_317 = tpu.memref_squeeze %dma_wait3A_316 : memref<1x64x128xf32, #tpu.memory_space<vmem>> -> memref<64x128xf32, #tpu.memory_space<vmem>>
      %dma_wait3A_318 = arith.constant 0 : i32
      %dma_wait3A_319 = tpu.memref_slice %arg6[%add3A_304, %dma_wait3A_318] : memref<80x64xi32, #tpu.memory_space<vmem>> -> memref<1x64xi32, #tpu.memory_space<vmem>>
      %dma_wait3A_320 = tpu.memref_squeeze %dma_wait3A_319 : memref<1x64xi32, #tpu.memory_space<vmem>> -> memref<64xi32, #tpu.memory_space<vmem>>
      %dma_wait3A_321 = arith.constant 0 : i32
      %dma_wait3A_322 = arith.constant 0 : i32
      %dma_wait3A_323 = tpu.memref_slice %arg2[%dma_wait3A_321, %dma_wait3A_322] : memref<10000x128xf32, #tpu.memory_space<hbm>> -> memref<10000x128xf32, #tpu.memory_space<hbm>>
      tpu.wait_indirect_dma semaphore(%arg11 : memref<!tpu.dma_semaphore, #tpu.memory_space<semaphore_mem>>) src(%dma_wait3A_323 : memref<10000x128xf32, #tpu.memory_space<hbm>>) dst(%dma_wait3A_317 : memref<64x128xf32, #tpu.memory_space<vmem>>)
      %sub3A = arith.constant 2 : i32
      %sub3A_324 = arith.subi %add3A_308, %sub3A : i32
      %dma_wait3A_325 = arith.constant 0 : i32
      %dma_wait3A_326 = arith.constant 0 : i32
      %dma_wait3A_327 = arith.constant 0 : i32
      %dma_wait3A_328 = tpu.memref_slice %arg8[%dma_wait3A_325, %dma_wait3A_326, %dma_wait3A_327] : memref<2x64x128xf32, #tpu.memory_space<vmem>> -> memref<1x64x128xf32, #tpu.memory_space<vmem>>
      %dma_wait3A_329 = tpu.memref_squeeze %dma_wait3A_328 : memref<1x64x128xf32, #tpu.memory_space<vmem>> -> memref<64x128xf32, #tpu.memory_space<vmem>>
      %dma_wait3A_330 = arith.constant 0 : i32
      %dma_wait3A_331 = tpu.memref_slice %arg7[%sub3A_324, %dma_wait3A_330] : memref<80x64xi32, #tpu.memory_space<vmem>> -> memref<1x64xi32, #tpu.memory_space<vmem>>
      %dma_wait3A_332 = tpu.memref_squeeze %dma_wait3A_331 : memref<1x64xi32, #tpu.memory_space<vmem>> -> memref<64xi32, #tpu.memory_space<vmem>>
      %dma_wait3A_333 = arith.constant 0 : i32
      %dma_wait3A_334 = arith.constant 0 : i32
      %dma_wait3A_335 = tpu.memref_slice %arg9[%dma_wait3A_333, %dma_wait3A_334] : memref<10240x128xf32, #tpu.memory_space<vmem_shared>> -> memref<10240x128xf32, #tpu.memory_space<vmem_shared>>
      tpu.wait_indirect_dma semaphore(%arg12 : memref<!tpu.dma_semaphore, #tpu.memory_space<semaphore_mem>>) src(%dma_wait3A_329 : memref<64x128xf32, #tpu.memory_space<vmem>>) dst(%dma_wait3A_335 : memref<10240x128xf32, #tpu.memory_space<vmem_shared>>)
      %dma_start3A_336 = arith.constant 0 : i32
      %dma_start3A_337 = arith.constant 0 : i32
      %dma_start3A_338 = arith.constant 0 : i32
      %dma_start3A_339 = tpu.memref_slice %arg8[%dma_start3A_336, %dma_start3A_337, %dma_start3A_338] : memref<2x64x128xf32, #tpu.memory_space<vmem>> -> memref<1x64x128xf32, #tpu.memory_space<vmem>>
      %dma_start3A_340 = tpu.memref_squeeze %dma_start3A_339 : memref<1x64x128xf32, #tpu.memory_space<vmem>> -> memref<64x128xf32, #tpu.memory_space<vmem>>
      %dma_start3A_341 = arith.constant 0 : i32
      %dma_start3A_342 = tpu.memref_slice %arg6[%add3A_308, %dma_start3A_341] : memref<80x64xi32, #tpu.memory_space<vmem>> -> memref<1x64xi32, #tpu.memory_space<vmem>>
      %dma_start3A_343 = tpu.memref_squeeze %dma_start3A_342 : memref<1x64xi32, #tpu.memory_space<vmem>> -> memref<64xi32, #tpu.memory_space<vmem>>
      %dma_start3A_344 = arith.constant 0 : i32
      %dma_start3A_345 = arith.constant 0 : i32
      %dma_start3A_346 = tpu.memref_slice %arg2[%dma_start3A_344, %dma_start3A_345] : memref<10000x128xf32, #tpu.memory_space<hbm>> -> memref<10000x128xf32, #tpu.memory_space<hbm>>
      tpu.enqueue_indirect_dma source(%dma_start3A_346 : memref<10000x128xf32, #tpu.memory_space<hbm>>) target(%dma_start3A_340 : memref<64x128xf32, #tpu.memory_space<vmem>>) offsets(%dma_start3A_343 : memref<64xi32, #tpu.memory_space<vmem>>) semaphore(%arg10 : memref<!tpu.dma_semaphore, #tpu.memory_space<semaphore_mem>>)
      %dma_start3A_347 = arith.constant 1 : i32
      %dma_start3A_348 = arith.constant 0 : i32
      %dma_start3A_349 = arith.constant 0 : i32
      %dma_start3A_350 = tpu.memref_slice %arg8[%dma_start3A_347, %dma_start3A_348, %dma_start3A_349] : memref<2x64x128xf32, #tpu.memory_space<vmem>> -> memref<1x64x128xf32, #tpu.memory_space<vmem>>
      %dma_start3A_351 = tpu.memref_squeeze %dma_start3A_350 : memref<1x64x128xf32, #tpu.memory_space<vmem>> -> memref<64x128xf32, #tpu.memory_space<vmem>>
      %dma_start3A_352 = arith.constant 0 : i32
      %dma_start3A_353 = tpu.memref_slice %arg7[%add3A_304, %dma_start3A_352] : memref<80x64xi32, #tpu.memory_space<vmem>> -> memref<1x64xi32, #tpu.memory_space<vmem>>
      %dma_start3A_354 = tpu.memref_squeeze %dma_start3A_353 : memref<1x64xi32, #tpu.memory_space<vmem>> -> memref<64xi32, #tpu.memory_space<vmem>>
      %dma_start3A_355 = arith.constant 0 : i32
      %dma_start3A_356 = arith.constant 0 : i32
      %dma_start3A_357 = tpu.memref_slice %arg9[%dma_start3A_355, %dma_start3A_356] : memref<10240x128xf32, #tpu.memory_space<vmem_shared>> -> memref<10240x128xf32, #tpu.memory_space<vmem_shared>>
      tpu.enqueue_indirect_dma source(%dma_start3A_351 : memref<64x128xf32, #tpu.memory_space<vmem>>) target(%dma_start3A_357 : memref<10240x128xf32, #tpu.memory_space<vmem_shared>>) offsets(%dma_start3A_354 : memref<64xi32, #tpu.memory_space<vmem>>) semaphore(%arg13 : memref<!tpu.dma_semaphore, #tpu.memory_space<semaphore_mem>>) {add = true}
      %dma_wait3A_358 = arith.constant 0 : i32
      %dma_wait3A_359 = arith.constant 0 : i32
      %dma_wait3A_360 = arith.constant 0 : i32
      %dma_wait3A_361 = tpu.memref_slice %arg8[%dma_wait3A_358, %dma_wait3A_359, %dma_wait3A_360] : memref<2x64x128xf32, #tpu.memory_space<vmem>> -> memref<1x64x128xf32, #tpu.memory_space<vmem>>
      %dma_wait3A_362 = tpu.memref_squeeze %dma_wait3A_361 : memref<1x64x128xf32, #tpu.memory_space<vmem>> -> memref<64x128xf32, #tpu.memory_space<vmem>>
      %dma_wait3A_363 = arith.constant 0 : i32
      %dma_wait3A_364 = tpu.memref_slice %arg6[%add3A_308, %dma_wait3A_363] : memref<80x64xi32, #tpu.memory_space<vmem>> -> memref<1x64xi32, #tpu.memory_space<vmem>>
      %dma_wait3A_365 = tpu.memref_squeeze %dma_wait3A_364 : memref<1x64xi32, #tpu.memory_space<vmem>> -> memref<64xi32, #tpu.memory_space<vmem>>
      %dma_wait3A_366 = arith.constant 0 : i32
      %dma_wait3A_367 = arith.constant 0 : i32
      %dma_wait3A_368 = tpu.memref_slice %arg2[%dma_wait3A_366, %dma_wait3A_367] : memref<10000x128xf32, #tpu.memory_space<hbm>> -> memref<10000x128xf32, #tpu.memory_space<hbm>>
      tpu.wait_indirect_dma semaphore(%arg10 : memref<!tpu.dma_semaphore, #tpu.memory_space<semaphore_mem>>) src(%dma_wait3A_368 : memref<10000x128xf32, #tpu.memory_space<hbm>>) dst(%dma_wait3A_362 : memref<64x128xf32, #tpu.memory_space<vmem>>)
      %dma_wait3A_369 = arith.constant 1 : i32
      %dma_wait3A_370 = arith.constant 0 : i32
      %dma_wait3A_371 = arith.constant 0 : i32
      %dma_wait3A_372 = tpu.memref_slice %arg8[%dma_wait3A_369, %dma_wait3A_370, %dma_wait3A_371] : memref<2x64x128xf32, #tpu.memory_space<vmem>> -> memref<1x64x128xf32, #tpu.memory_space<vmem>>
      %dma_wait3A_373 = tpu.memref_squeeze %dma_wait3A_372 : memref<1x64x128xf32, #tpu.memory_space<vmem>> -> memref<64x128xf32, #tpu.memory_space<vmem>>
      %dma_wait3A_374 = arith.constant 0 : i32
      %dma_wait3A_375 = tpu.memref_slice %arg7[%add3A_304, %dma_wait3A_374] : memref<80x64xi32, #tpu.memory_space<vmem>> -> memref<1x64xi32, #tpu.memory_space<vmem>>
      %dma_wait3A_376 = tpu.memref_squeeze %dma_wait3A_375 : memref<1x64xi32, #tpu.memory_space<vmem>> -> memref<64xi32, #tpu.memory_space<vmem>>
      %dma_wait3A_377 = arith.constant 0 : i32
      %dma_wait3A_378 = arith.constant 0 : i32
      %dma_wait3A_379 = tpu.memref_slice %arg9[%dma_wait3A_377, %dma_wait3A_378] : memref<10240x128xf32, #tpu.memory_space<vmem_shared>> -> memref<10240x128xf32, #tpu.memory_space<vmem_shared>>
      tpu.wait_indirect_dma semaphore(%arg13 : memref<!tpu.dma_semaphore, #tpu.memory_space<semaphore_mem>>) src(%dma_wait3A_373 : memref<64x128xf32, #tpu.memory_space<vmem>>) dst(%dma_wait3A_379 : memref<10240x128xf32, #tpu.memory_space<vmem_shared>>)
      %dma_start3A_380 = arith.constant 1 : i32
      %dma_start3A_381 = arith.constant 0 : i32
      %dma_start3A_382 = arith.constant 0 : i32
      %dma_start3A_383 = tpu.memref_slice %arg8[%dma_start3A_380, %dma_start3A_381, %dma_start3A_382] : memref<2x64x128xf32, #tpu.memory_space<vmem>> -> memref<1x64x128xf32, #tpu.memory_space<vmem>>
      %dma_start3A_384 = tpu.memref_squeeze %dma_start3A_383 : memref<1x64x128xf32, #tpu.memory_space<vmem>> -> memref<64x128xf32, #tpu.memory_space<vmem>>
      %dma_start3A_385 = arith.constant 0 : i32
      %dma_start3A_386 = tpu.memref_slice %arg6[%add3A_312, %dma_start3A_385] : memref<80x64xi32, #tpu.memory_space<vmem>> -> memref<1x64xi32, #tpu.memory_space<vmem>>
      %dma_start3A_387 = tpu.memref_squeeze %dma_start3A_386 : memref<1x64xi32, #tpu.memory_space<vmem>> -> memref<64xi32, #tpu.memory_space<vmem>>
      %dma_start3A_388 = arith.constant 0 : i32
      %dma_start3A_389 = arith.constant 0 : i32
      %dma_start3A_390 = tpu.memref_slice %arg2[%dma_start3A_388, %dma_start3A_389] : memref<10000x128xf32, #tpu.memory_space<hbm>> -> memref<10000x128xf32, #tpu.memory_space<hbm>>
      tpu.enqueue_indirect_dma source(%dma_start3A_390 : memref<10000x128xf32, #tpu.memory_space<hbm>>) target(%dma_start3A_384 : memref<64x128xf32, #tpu.memory_space<vmem>>) offsets(%dma_start3A_387 : memref<64xi32, #tpu.memory_space<vmem>>) semaphore(%arg11 : memref<!tpu.dma_semaphore, #tpu.memory_space<semaphore_mem>>)
      %dma_start3A_391 = arith.constant 0 : i32
      %dma_start3A_392 = arith.constant 0 : i32
      %dma_start3A_393 = arith.constant 0 : i32
      %dma_start3A_394 = tpu.memref_slice %arg8[%dma_start3A_391, %dma_start3A_392, %dma_start3A_393] : memref<2x64x128xf32, #tpu.memory_space<vmem>> -> memref<1x64x128xf32, #tpu.memory_space<vmem>>
      %dma_start3A_395 = tpu.memref_squeeze %dma_start3A_394 : memref<1x64x128xf32, #tpu.memory_space<vmem>> -> memref<64x128xf32, #tpu.memory_space<vmem>>
      %dma_start3A_396 = arith.constant 0 : i32
      %dma_start3A_397 = tpu.memref_slice %arg7[%add3A_308, %dma_start3A_396] : memref<80x64xi32, #tpu.memory_space<vmem>> -> memref<1x64xi32, #tpu.memory_space<vmem>>
      %dma_start3A_398 = tpu.memref_squeeze %dma_start3A_397 : memref<1x64xi32, #tpu.memory_space<vmem>> -> memref<64xi32, #tpu.memory_space<vmem>>
      %dma_start3A_399 = arith.constant 0 : i32
      %dma_start3A_400 = arith.constant 0 : i32
      %dma_start3A_401 = tpu.memref_slice %arg9[%dma_start3A_399, %dma_start3A_400] : memref<10240x128xf32, #tpu.memory_space<vmem_shared>> -> memref<10240x128xf32, #tpu.memory_space<vmem_shared>>
      tpu.enqueue_indirect_dma source(%dma_start3A_395 : memref<64x128xf32, #tpu.memory_space<vmem>>) target(%dma_start3A_401 : memref<10240x128xf32, #tpu.memory_space<vmem_shared>>) offsets(%dma_start3A_398 : memref<64xi32, #tpu.memory_space<vmem>>) semaphore(%arg12 : memref<!tpu.dma_semaphore, #tpu.memory_space<semaphore_mem>>) {add = true}
    }
    %scan3A_190 = arith.constant 39 : i32
    %dma_wait3A_191 = arith.constant 79 : i32
    %dma_wait3A_192 = arith.constant 1 : i32
    %dma_wait3A_193 = arith.constant 0 : i32
    %dma_wait3A_194 = arith.constant 0 : i32
    %dma_wait3A_195 = tpu.memref_slice %arg8[%dma_wait3A_192, %dma_wait3A_193, %dma_wait3A_194] : memref<2x64x128xf32, #tpu.memory_space<vmem>> -> memref<1x64x128xf32, #tpu.memory_space<vmem>>
    %dma_wait3A_196 = tpu.memref_squeeze %dma_wait3A_195 : memref<1x64x128xf32, #tpu.memory_space<vmem>> -> memref<64x128xf32, #tpu.memory_space<vmem>>
    %dma_wait3A_197 = arith.constant 0 : i32
    %dma_wait3A_198 = tpu.memref_slice %arg6[%dma_wait3A_191, %dma_wait3A_197] : memref<80x64xi32, #tpu.memory_space<vmem>> -> memref<1x64xi32, #tpu.memory_space<vmem>>
    %dma_wait3A_199 = tpu.memref_squeeze %dma_wait3A_198 : memref<1x64xi32, #tpu.memory_space<vmem>> -> memref<64xi32, #tpu.memory_space<vmem>>
    %dma_wait3A_200 = arith.constant 0 : i32
    %dma_wait3A_201 = arith.constant 0 : i32
    %dma_wait3A_202 = tpu.memref_slice %arg2[%dma_wait3A_200, %dma_wait3A_201] : memref<10000x128xf32, #tpu.memory_space<hbm>> -> memref<10000x128xf32, #tpu.memory_space<hbm>>
    tpu.wait_indirect_dma semaphore(%arg11 : memref<!tpu.dma_semaphore, #tpu.memory_space<semaphore_mem>>) src(%dma_wait3A_202 : memref<10000x128xf32, #tpu.memory_space<hbm>>) dst(%dma_wait3A_196 : memref<64x128xf32, #tpu.memory_space<vmem>>)
    %dma_wait3A_203 = arith.constant 0 : i32
    %dma_wait3A_204 = arith.constant 78 : i32
    %dma_wait3A_205 = arith.constant 0 : i32
    %dma_wait3A_206 = arith.constant 0 : i32
    %dma_wait3A_207 = tpu.memref_slice %arg8[%dma_wait3A_203, %dma_wait3A_205, %dma_wait3A_206] : memref<2x64x128xf32, #tpu.memory_space<vmem>> -> memref<1x64x128xf32, #tpu.memory_space<vmem>>
    %dma_wait3A_208 = tpu.memref_squeeze %dma_wait3A_207 : memref<1x64x128xf32, #tpu.memory_space<vmem>> -> memref<64x128xf32, #tpu.memory_space<vmem>>
    %dma_wait3A_209 = arith.constant 0 : i32
    %dma_wait3A_210 = tpu.memref_slice %arg7[%dma_wait3A_204, %dma_wait3A_209] : memref<80x64xi32, #tpu.memory_space<vmem>> -> memref<1x64xi32, #tpu.memory_space<vmem>>
    %dma_wait3A_211 = tpu.memref_squeeze %dma_wait3A_210 : memref<1x64xi32, #tpu.memory_space<vmem>> -> memref<64xi32, #tpu.memory_space<vmem>>
    %dma_wait3A_212 = arith.constant 0 : i32
    %dma_wait3A_213 = arith.constant 0 : i32
    %dma_wait3A_214 = tpu.memref_slice %arg9[%dma_wait3A_212, %dma_wait3A_213] : memref<10240x128xf32, #tpu.memory_space<vmem_shared>> -> memref<10240x128xf32, #tpu.memory_space<vmem_shared>>
    tpu.wait_indirect_dma semaphore(%arg12 : memref<!tpu.dma_semaphore, #tpu.memory_space<semaphore_mem>>) src(%dma_wait3A_208 : memref<64x128xf32, #tpu.memory_space<vmem>>) dst(%dma_wait3A_214 : memref<10240x128xf32, #tpu.memory_space<vmem_shared>>)
    %dma_start3A_215 = arith.constant 1 : i32
    %dma_start3A_216 = arith.constant 79 : i32
    %dma_start3A_217 = arith.constant 0 : i32
    %dma_start3A_218 = arith.constant 0 : i32
    %dma_start3A_219 = tpu.memref_slice %arg8[%dma_start3A_215, %dma_start3A_217, %dma_start3A_218] : memref<2x64x128xf32, #tpu.memory_space<vmem>> -> memref<1x64x128xf32, #tpu.memory_space<vmem>>
    %dma_start3A_220 = tpu.memref_squeeze %dma_start3A_219 : memref<1x64x128xf32, #tpu.memory_space<vmem>> -> memref<64x128xf32, #tpu.memory_space<vmem>>
    %dma_start3A_221 = arith.constant 0 : i32
    %dma_start3A_222 = tpu.memref_slice %arg7[%dma_start3A_216, %dma_start3A_221] : memref<80x64xi32, #tpu.memory_space<vmem>> -> memref<1x64xi32, #tpu.memory_space<vmem>>
    %dma_start3A_223 = tpu.memref_squeeze %dma_start3A_222 : memref<1x64xi32, #tpu.memory_space<vmem>> -> memref<64xi32, #tpu.memory_space<vmem>>
    %dma_start3A_224 = arith.constant 0 : i32
    %dma_start3A_225 = arith.constant 0 : i32
    %dma_start3A_226 = tpu.memref_slice %arg9[%dma_start3A_224, %dma_start3A_225] : memref<10240x128xf32, #tpu.memory_space<vmem_shared>> -> memref<10240x128xf32, #tpu.memory_space<vmem_shared>>
    tpu.enqueue_indirect_dma source(%dma_start3A_220 : memref<64x128xf32, #tpu.memory_space<vmem>>) target(%dma_start3A_226 : memref<10240x128xf32, #tpu.memory_space<vmem_shared>>) offsets(%dma_start3A_223 : memref<64xi32, #tpu.memory_space<vmem>>) semaphore(%arg13 : memref<!tpu.dma_semaphore, #tpu.memory_space<semaphore_mem>>) {add = true}
    %dma_wait3A_227 = arith.constant 1 : i32
    %dma_wait3A_228 = arith.constant 79 : i32
    %dma_wait3A_229 = arith.constant 0 : i32
    %dma_wait3A_230 = arith.constant 0 : i32
    %dma_wait3A_231 = tpu.memref_slice %arg8[%dma_wait3A_227, %dma_wait3A_229, %dma_wait3A_230] : memref<2x64x128xf32, #tpu.memory_space<vmem>> -> memref<1x64x128xf32, #tpu.memory_space<vmem>>
    %dma_wait3A_232 = tpu.memref_squeeze %dma_wait3A_231 : memref<1x64x128xf32, #tpu.memory_space<vmem>> -> memref<64x128xf32, #tpu.memory_space<vmem>>
    %dma_wait3A_233 = arith.constant 0 : i32
    %dma_wait3A_234 = tpu.memref_slice %arg7[%dma_wait3A_228, %dma_wait3A_233] : memref<80x64xi32, #tpu.memory_space<vmem>> -> memref<1x64xi32, #tpu.memory_space<vmem>>
    %dma_wait3A_235 = tpu.memref_squeeze %dma_wait3A_234 : memref<1x64xi32, #tpu.memory_space<vmem>> -> memref<64xi32, #tpu.memory_space<vmem>>
    %dma_wait3A_236 = arith.constant 0 : i32
    %dma_wait3A_237 = arith.constant 0 : i32
    %dma_wait3A_238 = tpu.memref_slice %arg9[%dma_wait3A_236, %dma_wait3A_237] : memref<10240x128xf32, #tpu.memory_space<vmem_shared>> -> memref<10240x128xf32, #tpu.memory_space<vmem_shared>>
    tpu.wait_indirect_dma semaphore(%arg13 : memref<!tpu.dma_semaphore, #tpu.memory_space<semaphore_mem>>) src(%dma_wait3A_232 : memref<64x128xf32, #tpu.memory_space<vmem>>) dst(%dma_wait3A_238 : memref<10240x128xf32, #tpu.memory_space<vmem_shared>>)
    %barrier3A_239 = arith.constant 0 : index
    tpu.barrier barrier_id(%barrier3A_239)
    %add3A_240 = arith.constant 0 : i32
    %add3A_241 = arith.addi %mul3A_2, %add3A_240 : i32
    %run_scoped3A_242 = arith.constant 0 : i32
    "tpu.region"() ({
      %run_scoped3A_300 = tpu.sem_alloc : memref<!tpu.dma_semaphore, #tpu.memory_space<semaphore_mem>>
      %dma_start3A_301 = arith.constant 0 : i32
      %dma_start3A_302 = arith.constant 0 : i32
      %dma_start3A_303 = tpu.memref_slice %arg8[%run_scoped3A_242, %dma_start3A_301, %dma_start3A_302] : memref<2x64x128xf32, #tpu.memory_space<vmem>> -> memref<1x64x128xf32, #tpu.memory_space<vmem>>
      %dma_start3A_304 = tpu.memref_squeeze %dma_start3A_303 : memref<1x64x128xf32, #tpu.memory_space<vmem>> -> memref<64x128xf32, #tpu.memory_space<vmem>>
      %dma_start3A_305 = arith.constant 0 : i32
      %dma_start3A_306 = tpu.memref_slice %arg9[%add3A_241, %dma_start3A_305] : memref<10240x128xf32, #tpu.memory_space<vmem_shared>> -> memref<64x128xf32, #tpu.memory_space<vmem_shared>>
      %dma_start3A_307 = arith.constant 0 : i32
      %dma_start3A_308 = arith.constant 0 : i32
      %dma_start3A_309 = tpu.memref_slice %arg8[%run_scoped3A_242, %dma_start3A_307, %dma_start3A_308] : memref<2x64x128xf32, #tpu.memory_space<vmem>> -> memref<1x64x128xf32, #tpu.memory_space<vmem>>
      %dma_start3A_310 = tpu.memref_squeeze %dma_start3A_309 : memref<1x64x128xf32, #tpu.memory_space<vmem>> -> memref<64x128xf32, #tpu.memory_space<vmem>>
      %dma_start3A_311 = arith.constant 0 : i32
      %dma_start3A_312 = tpu.memref_slice %arg9[%add3A_241, %dma_start3A_311] : memref<10240x128xf32, #tpu.memory_space<vmem_shared>> -> memref<64x128xf32, #tpu.memory_space<vmem_shared>>
      tpu.enqueue_dma source(%dma_start3A_312 : memref<64x128xf32, #tpu.memory_space<vmem_shared>>) target(%dma_start3A_310 : memref<64x128xf32, #tpu.memory_space<vmem>>) target_semaphore(%run_scoped3A_300 : memref<!tpu.dma_semaphore, #tpu.memory_space<semaphore_mem>>)
      %dma_wait3A_313 = arith.constant 0 : i32
      %dma_wait3A_314 = arith.constant 0 : i32
      %dma_wait3A_315 = tpu.memref_slice %arg8[%run_scoped3A_242, %dma_wait3A_313, %dma_wait3A_314] : memref<2x64x128xf32, #tpu.memory_space<vmem>> -> memref<1x64x128xf32, #tpu.memory_space<vmem>>
      %dma_wait3A_316 = tpu.memref_squeeze %dma_wait3A_315 : memref<1x64x128xf32, #tpu.memory_space<vmem>> -> memref<64x128xf32, #tpu.memory_space<vmem>>
      %dma_wait3A_317 = arith.constant 0 : i32
      %dma_wait3A_318 = tpu.memref_slice %arg9[%add3A_241, %dma_wait3A_317] : memref<10240x128xf32, #tpu.memory_space<vmem_shared>> -> memref<64x128xf32, #tpu.memory_space<vmem_shared>>
      %dma_wait3A_319 = arith.constant 0 : i32
      %dma_wait3A_320 = arith.constant 0 : i32
      %dma_wait3A_321 = tpu.memref_slice %arg8[%run_scoped3A_242, %dma_wait3A_319, %dma_wait3A_320] : memref<2x64x128xf32, #tpu.memory_space<vmem>> -> memref<1x64x128xf32, #tpu.memory_space<vmem>>
      %dma_wait3A_322 = tpu.memref_squeeze %dma_wait3A_321 : memref<1x64x128xf32, #tpu.memory_space<vmem>> -> memref<64x128xf32, #tpu.memory_space<vmem>>
      %dma_wait3A_323 = arith.constant 0 : i32
      %dma_wait3A_324 = tpu.memref_slice %arg9[%add3A_241, %dma_wait3A_323] : memref<10240x128xf32, #tpu.memory_space<vmem_shared>> -> memref<64x128xf32, #tpu.memory_space<vmem_shared>>
      tpu.wait_dma2 semaphore(%run_scoped3A_300 : memref<!tpu.dma_semaphore, #tpu.memory_space<semaphore_mem>>) src(%dma_wait3A_324 : memref<64x128xf32, #tpu.memory_space<vmem_shared>>) dst(%dma_wait3A_322 : memref<64x128xf32, #tpu.memory_space<vmem>>)
      tpu.yield
    }) : () -> ()
    %add3A_243 = arith.constant 0 : i32
    %add3A_244 = arith.addi %mul3A_2, %add3A_243 : i32
    %run_scoped3A_245 = arith.constant 0 : i32
    "tpu.region"() ({
      %run_scoped3A_300 = tpu.sem_alloc : memref<!tpu.dma_semaphore, #tpu.memory_space<semaphore_mem>>
      %dma_start3A_301 = arith.constant 0 : i32
      %dma_start3A_302 = arith.constant 0 : i32
      %dma_start3A_303 = tpu.memref_slice %arg8[%run_scoped3A_245, %dma_start3A_301, %dma_start3A_302] : memref<2x64x128xf32, #tpu.memory_space<vmem>> -> memref<1x64x128xf32, #tpu.memory_space<vmem>>
      %dma_start3A_304 = tpu.memref_squeeze %dma_start3A_303 : memref<1x64x128xf32, #tpu.memory_space<vmem>> -> memref<64x128xf32, #tpu.memory_space<vmem>>
      %dma_start3A_305 = arith.constant 0 : i32
      %dma_start3A_306 = tpu.memref_slice %arg5[%arg0, %add3A_244, %dma_start3A_305] : memref<2x10240x128xf32, #tpu.memory_space<hbm>> -> memref<1x64x128xf32, #tpu.memory_space<hbm>>
      %dma_start3A_307 = tpu.memref_squeeze %dma_start3A_306 : memref<1x64x128xf32, #tpu.memory_space<hbm>> -> memref<64x128xf32, #tpu.memory_space<hbm>>
      %dma_start3A_308 = arith.constant 0 : i32
      %dma_start3A_309 = tpu.memref_slice %arg5[%arg0, %add3A_244, %dma_start3A_308] : memref<2x10240x128xf32, #tpu.memory_space<hbm>> -> memref<1x64x128xf32, #tpu.memory_space<hbm>>
      %dma_start3A_310 = tpu.memref_squeeze %dma_start3A_309 : memref<1x64x128xf32, #tpu.memory_space<hbm>> -> memref<64x128xf32, #tpu.memory_space<hbm>>
      %dma_start3A_311 = arith.constant 0 : i32
      %dma_start3A_312 = arith.constant 0 : i32
      %dma_start3A_313 = tpu.memref_slice %arg8[%run_scoped3A_245, %dma_start3A_311, %dma_start3A_312] : memref<2x64x128xf32, #tpu.memory_space<vmem>> -> memref<1x64x128xf32, #tpu.memory_space<vmem>>
      %dma_start3A_314 = tpu.memref_squeeze %dma_start3A_313 : memref<1x64x128xf32, #tpu.memory_space<vmem>> -> memref<64x128xf32, #tpu.memory_space<vmem>>
      tpu.enqueue_dma source(%dma_start3A_314 : memref<64x128xf32, #tpu.memory_space<vmem>>) target(%dma_start3A_310 : memref<64x128xf32, #tpu.memory_space<hbm>>) target_semaphore(%run_scoped3A_300 : memref<!tpu.dma_semaphore, #tpu.memory_space<semaphore_mem>>)
      %dma_wait3A_315 = arith.constant 0 : i32
      %dma_wait3A_316 = arith.constant 0 : i32
      %dma_wait3A_317 = tpu.memref_slice %arg8[%run_scoped3A_245, %dma_wait3A_315, %dma_wait3A_316] : memref<2x64x128xf32, #tpu.memory_space<vmem>> -> memref<1x64x128xf32, #tpu.memory_space<vmem>>
      %dma_wait3A_318 = tpu.memref_squeeze %dma_wait3A_317 : memref<1x64x128xf32, #tpu.memory_space<vmem>> -> memref<64x128xf32, #tpu.memory_space<vmem>>
      %dma_wait3A_319 = arith.constant 0 : i32
      %dma_wait3A_320 = tpu.memref_slice %arg5[%arg0, %add3A_244, %dma_wait3A_319] : memref<2x10240x128xf32, #tpu.memory_space<hbm>> -> memref<1x64x128xf32, #tpu.memory_space<hbm>>
      %dma_wait3A_321 = tpu.memref_squeeze %dma_wait3A_320 : memref<1x64x128xf32, #tpu.memory_space<hbm>> -> memref<64x128xf32, #tpu.memory_space<hbm>>
      %dma_wait3A_322 = arith.constant 0 : i32
      %dma_wait3A_323 = tpu.memref_slice %arg5[%arg0, %add3A_244, %dma_wait3A_322] : memref<2x10240x128xf32, #tpu.memory_space<hbm>> -> memref<1x64x128xf32, #tpu.memory_space<hbm>>
      %dma_wait3A_324 = tpu.memref_squeeze %dma_wait3A_323 : memref<1x64x128xf32, #tpu.memory_space<hbm>> -> memref<64x128xf32, #tpu.memory_space<hbm>>
      %dma_wait3A_325 = arith.constant 0 : i32
      %dma_wait3A_326 = arith.constant 0 : i32
      %dma_wait3A_327 = tpu.memref_slice %arg8[%run_scoped3A_245, %dma_wait3A_325, %dma_wait3A_326] : memref<2x64x128xf32, #tpu.memory_space<vmem>> -> memref<1x64x128xf32, #tpu.memory_space<vmem>>
      %dma_wait3A_328 = tpu.memref_squeeze %dma_wait3A_327 : memref<1x64x128xf32, #tpu.memory_space<vmem>> -> memref<64x128xf32, #tpu.memory_space<vmem>>
      tpu.wait_dma2 semaphore(%run_scoped3A_300 : memref<!tpu.dma_semaphore, #tpu.memory_space<semaphore_mem>>) src(%dma_wait3A_328 : memref<64x128xf32, #tpu.memory_space<vmem>>) dst(%dma_wait3A_324 : memref<64x128xf32, #tpu.memory_space<hbm>>)
      tpu.yield
    }) : () -> ()
    %add3A_246 = arith.constant 64 : i32
    %add3A_247 = arith.addi %mul3A_2, %add3A_246 : i32
    %run_scoped3A_248 = arith.constant 0 : i32
    "tpu.region"() ({
      %run_scoped3A_300 = tpu.sem_alloc : memref<!tpu.dma_semaphore, #tpu.memory_space<semaphore_mem>>
      %dma_start3A_301 = arith.constant 0 : i32
      %dma_start3A_302 = arith.constant 0 : i32
      %dma_start3A_303 = tpu.memref_slice %arg8[%run_scoped3A_248, %dma_start3A_301, %dma_start3A_302] : memref<2x64x128xf32, #tpu.memory_space<vmem>> -> memref<1x64x128xf32, #tpu.memory_space<vmem>>
      %dma_start3A_304 = tpu.memref_squeeze %dma_start3A_303 : memref<1x64x128xf32, #tpu.memory_space<vmem>> -> memref<64x128xf32, #tpu.memory_space<vmem>>
      %dma_start3A_305 = arith.constant 0 : i32
      %dma_start3A_306 = tpu.memref_slice %arg9[%add3A_247, %dma_start3A_305] : memref<10240x128xf32, #tpu.memory_space<vmem_shared>> -> memref<64x128xf32, #tpu.memory_space<vmem_shared>>
      %dma_start3A_307 = arith.constant 0 : i32
      %dma_start3A_308 = arith.constant 0 : i32
      %dma_start3A_309 = tpu.memref_slice %arg8[%run_scoped3A_248, %dma_start3A_307, %dma_start3A_308] : memref<2x64x128xf32, #tpu.memory_space<vmem>> -> memref<1x64x128xf32, #tpu.memory_space<vmem>>
      %dma_start3A_310 = tpu.memref_squeeze %dma_start3A_309 : memref<1x64x128xf32, #tpu.memory_space<vmem>> -> memref<64x128xf32, #tpu.memory_space<vmem>>
      %dma_start3A_311 = arith.constant 0 : i32
      %dma_start3A_312 = tpu.memref_slice %arg9[%add3A_247, %dma_start3A_311] : memref<10240x128xf32, #tpu.memory_space<vmem_shared>> -> memref<64x128xf32, #tpu.memory_space<vmem_shared>>
      tpu.enqueue_dma source(%dma_start3A_312 : memref<64x128xf32, #tpu.memory_space<vmem_shared>>) target(%dma_start3A_310 : memref<64x128xf32, #tpu.memory_space<vmem>>) target_semaphore(%run_scoped3A_300 : memref<!tpu.dma_semaphore, #tpu.memory_space<semaphore_mem>>)
      %dma_wait3A_313 = arith.constant 0 : i32
      %dma_wait3A_314 = arith.constant 0 : i32
      %dma_wait3A_315 = tpu.memref_slice %arg8[%run_scoped3A_248, %dma_wait3A_313, %dma_wait3A_314] : memref<2x64x128xf32, #tpu.memory_space<vmem>> -> memref<1x64x128xf32, #tpu.memory_space<vmem>>
      %dma_wait3A_316 = tpu.memref_squeeze %dma_wait3A_315 : memref<1x64x128xf32, #tpu.memory_space<vmem>> -> memref<64x128xf32, #tpu.memory_space<vmem>>
      %dma_wait3A_317 = arith.constant 0 : i32
      %dma_wait3A_318 = tpu.memref_slice %arg9[%add3A_247, %dma_wait3A_317] : memref<10240x128xf32, #tpu.memory_space<vmem_shared>> -> memref<64x128xf32, #tpu.memory_space<vmem_shared>>
      %dma_wait3A_319 = arith.constant 0 : i32
      %dma_wait3A_320 = arith.constant 0 : i32
      %dma_wait3A_321 = tpu.memref_slice %arg8[%run_scoped3A_248, %dma_wait3A_319, %dma_wait3A_320] : memref<2x64x128xf32, #tpu.memory_space<vmem>> -> memref<1x64x128xf32, #tpu.memory_space<vmem>>
      %dma_wait3A_322 = tpu.memref_squeeze %dma_wait3A_321 : memref<1x64x128xf32, #tpu.memory_space<vmem>> -> memref<64x128xf32, #tpu.memory_space<vmem>>
      %dma_wait3A_323 = arith.constant 0 : i32
      %dma_wait3A_324 = tpu.memref_slice %arg9[%add3A_247, %dma_wait3A_323] : memref<10240x128xf32, #tpu.memory_space<vmem_shared>> -> memref<64x128xf32, #tpu.memory_space<vmem_shared>>
      tpu.wait_dma2 semaphore(%run_scoped3A_300 : memref<!tpu.dma_semaphore, #tpu.memory_space<semaphore_mem>>) src(%dma_wait3A_324 : memref<64x128xf32, #tpu.memory_space<vmem_shared>>) dst(%dma_wait3A_322 : memref<64x128xf32, #tpu.memory_space<vmem>>)
      tpu.yield
    }) : () -> ()
    %add3A_249 = arith.constant 64 : i32
    %add3A_250 = arith.addi %mul3A_2, %add3A_249 : i32
    %run_scoped3A_251 = arith.constant 0 : i32
    "tpu.region"() ({
      %run_scoped3A_300 = tpu.sem_alloc : memref<!tpu.dma_semaphore, #tpu.memory_space<semaphore_mem>>
      %dma_start3A_301 = arith.constant 0 : i32
      %dma_start3A_302 = arith.constant 0 : i32
      %dma_start3A_303 = tpu.memref_slice %arg8[%run_scoped3A_251, %dma_start3A_301, %dma_start3A_302] : memref<2x64x128xf32, #tpu.memory_space<vmem>> -> memref<1x64x128xf32, #tpu.memory_space<vmem>>
      %dma_start3A_304 = tpu.memref_squeeze %dma_start3A_303 : memref<1x64x128xf32, #tpu.memory_space<vmem>> -> memref<64x128xf32, #tpu.memory_space<vmem>>
      %dma_start3A_305 = arith.constant 0 : i32
      %dma_start3A_306 = tpu.memref_slice %arg5[%arg0, %add3A_250, %dma_start3A_305] : memref<2x10240x128xf32, #tpu.memory_space<hbm>> -> memref<1x64x128xf32, #tpu.memory_space<hbm>>
      %dma_start3A_307 = tpu.memref_squeeze %dma_start3A_306 : memref<1x64x128xf32, #tpu.memory_space<hbm>> -> memref<64x128xf32, #tpu.memory_space<hbm>>
      %dma_start3A_308 = arith.constant 0 : i32
      %dma_start3A_309 = tpu.memref_slice %arg5[%arg0, %add3A_250, %dma_start3A_308] : memref<2x10240x128xf32, #tpu.memory_space<hbm>> -> memref<1x64x128xf32, #tpu.memory_space<hbm>>
      %dma_start3A_310 = tpu.memref_squeeze %dma_start3A_309 : memref<1x64x128xf32, #tpu.memory_space<hbm>> -> memref<64x128xf32, #tpu.memory_space<hbm>>
      %dma_start3A_311 = arith.constant 0 : i32
      %dma_start3A_312 = arith.constant 0 : i32
      %dma_start3A_313 = tpu.memref_slice %arg8[%run_scoped3A_251, %dma_start3A_311, %dma_start3A_312] : memref<2x64x128xf32, #tpu.memory_space<vmem>> -> memref<1x64x128xf32, #tpu.memory_space<vmem>>
      %dma_start3A_314 = tpu.memref_squeeze %dma_start3A_313 : memref<1x64x128xf32, #tpu.memory_space<vmem>> -> memref<64x128xf32, #tpu.memory_space<vmem>>
      tpu.enqueue_dma source(%dma_start3A_314 : memref<64x128xf32, #tpu.memory_space<vmem>>) target(%dma_start3A_310 : memref<64x128xf32, #tpu.memory_space<hbm>>) target_semaphore(%run_scoped3A_300 : memref<!tpu.dma_semaphore, #tpu.memory_space<semaphore_mem>>)
      %dma_wait3A_315 = arith.constant 0 : i32
      %dma_wait3A_316 = arith.constant 0 : i32
      %dma_wait3A_317 = tpu.memref_slice %arg8[%run_scoped3A_251, %dma_wait3A_315, %dma_wait3A_316] : memref<2x64x128xf32, #tpu.memory_space<vmem>> -> memref<1x64x128xf32, #tpu.memory_space<vmem>>
      %dma_wait3A_318 = tpu.memref_squeeze %dma_wait3A_317 : memref<1x64x128xf32, #tpu.memory_space<vmem>> -> memref<64x128xf32, #tpu.memory_space<vmem>>
      %dma_wait3A_319 = arith.constant 0 : i32
      %dma_wait3A_320 = tpu.memref_slice %arg5[%arg0, %add3A_250, %dma_wait3A_319] : memref<2x10240x128xf32, #tpu.memory_space<hbm>> -> memref<1x64x128xf32, #tpu.memory_space<hbm>>
      %dma_wait3A_321 = tpu.memref_squeeze %dma_wait3A_320 : memref<1x64x128xf32, #tpu.memory_space<hbm>> -> memref<64x128xf32, #tpu.memory_space<hbm>>
      %dma_wait3A_322 = arith.constant 0 : i32
      %dma_wait3A_323 = tpu.memref_slice %arg5[%arg0, %add3A_250, %dma_wait3A_322] : memref<2x10240x128xf32, #tpu.memory_space<hbm>> -> memref<1x64x128xf32, #tpu.memory_space<hbm>>
      %dma_wait3A_324 = tpu.memref_squeeze %dma_wait3A_323 : memref<1x64x128xf32, #tpu.memory_space<hbm>> -> memref<64x128xf32, #tpu.memory_space<hbm>>
      %dma_wait3A_325 = arith.constant 0 : i32
      %dma_wait3A_326 = arith.constant 0 : i32
      %dma_wait3A_327 = tpu.memref_slice %arg8[%run_scoped3A_251, %dma_wait3A_325, %dma_wait3A_326] : memref<2x64x128xf32, #tpu.memory_space<vmem>> -> memref<1x64x128xf32, #tpu.memory_space<vmem>>
      %dma_wait3A_328 = tpu.memref_squeeze %dma_wait3A_327 : memref<1x64x128xf32, #tpu.memory_space<vmem>> -> memref<64x128xf32, #tpu.memory_space<vmem>>
      tpu.wait_dma2 semaphore(%run_scoped3A_300 : memref<!tpu.dma_semaphore, #tpu.memory_space<semaphore_mem>>) src(%dma_wait3A_328 : memref<64x128xf32, #tpu.memory_space<vmem>>) dst(%dma_wait3A_324 : memref<64x128xf32, #tpu.memory_space<hbm>>)
      tpu.yield
    }) : () -> ()
    %add3A_252 = arith.constant 128 : i32
    %add3A_253 = arith.addi %mul3A_2, %add3A_252 : i32
    %run_scoped3A_254 = arith.constant 0 : i32
    "tpu.region"() ({
      %run_scoped3A_300 = tpu.sem_alloc : memref<!tpu.dma_semaphore, #tpu.memory_space<semaphore_mem>>
      %dma_start3A_301 = arith.constant 0 : i32
      %dma_start3A_302 = arith.constant 0 : i32
      %dma_start3A_303 = tpu.memref_slice %arg8[%run_scoped3A_254, %dma_start3A_301, %dma_start3A_302] : memref<2x64x128xf32, #tpu.memory_space<vmem>> -> memref<1x64x128xf32, #tpu.memory_space<vmem>>
      %dma_start3A_304 = tpu.memref_squeeze %dma_start3A_303 : memref<1x64x128xf32, #tpu.memory_space<vmem>> -> memref<64x128xf32, #tpu.memory_space<vmem>>
      %dma_start3A_305 = arith.constant 0 : i32
      %dma_start3A_306 = tpu.memref_slice %arg9[%add3A_253, %dma_start3A_305] : memref<10240x128xf32, #tpu.memory_space<vmem_shared>> -> memref<64x128xf32, #tpu.memory_space<vmem_shared>>
      %dma_start3A_307 = arith.constant 0 : i32
      %dma_start3A_308 = arith.constant 0 : i32
      %dma_start3A_309 = tpu.memref_slice %arg8[%run_scoped3A_254, %dma_start3A_307, %dma_start3A_308] : memref<2x64x128xf32, #tpu.memory_space<vmem>> -> memref<1x64x128xf32, #tpu.memory_space<vmem>>
      %dma_start3A_310 = tpu.memref_squeeze %dma_start3A_309 : memref<1x64x128xf32, #tpu.memory_space<vmem>> -> memref<64x128xf32, #tpu.memory_space<vmem>>
      %dma_start3A_311 = arith.constant 0 : i32
      %dma_start3A_312 = tpu.memref_slice %arg9[%add3A_253, %dma_start3A_311] : memref<10240x128xf32, #tpu.memory_space<vmem_shared>> -> memref<64x128xf32, #tpu.memory_space<vmem_shared>>
      tpu.enqueue_dma source(%dma_start3A_312 : memref<64x128xf32, #tpu.memory_space<vmem_shared>>) target(%dma_start3A_310 : memref<64x128xf32, #tpu.memory_space<vmem>>) target_semaphore(%run_scoped3A_300 : memref<!tpu.dma_semaphore, #tpu.memory_space<semaphore_mem>>)
      %dma_wait3A_313 = arith.constant 0 : i32
      %dma_wait3A_314 = arith.constant 0 : i32
      %dma_wait3A_315 = tpu.memref_slice %arg8[%run_scoped3A_254, %dma_wait3A_313, %dma_wait3A_314] : memref<2x64x128xf32, #tpu.memory_space<vmem>> -> memref<1x64x128xf32, #tpu.memory_space<vmem>>
      %dma_wait3A_316 = tpu.memref_squeeze %dma_wait3A_315 : memref<1x64x128xf32, #tpu.memory_space<vmem>> -> memref<64x128xf32, #tpu.memory_space<vmem>>
      %dma_wait3A_317 = arith.constant 0 : i32
      %dma_wait3A_318 = tpu.memref_slice %arg9[%add3A_253, %dma_wait3A_317] : memref<10240x128xf32, #tpu.memory_space<vmem_shared>> -> memref<64x128xf32, #tpu.memory_space<vmem_shared>>
      %dma_wait3A_319 = arith.constant 0 : i32
      %dma_wait3A_320 = arith.constant 0 : i32
      %dma_wait3A_321 = tpu.memref_slice %arg8[%run_scoped3A_254, %dma_wait3A_319, %dma_wait3A_320] : memref<2x64x128xf32, #tpu.memory_space<vmem>> -> memref<1x64x128xf32, #tpu.memory_space<vmem>>
      %dma_wait3A_322 = tpu.memref_squeeze %dma_wait3A_321 : memref<1x64x128xf32, #tpu.memory_space<vmem>> -> memref<64x128xf32, #tpu.memory_space<vmem>>
      %dma_wait3A_323 = arith.constant 0 : i32
      %dma_wait3A_324 = tpu.memref_slice %arg9[%add3A_253, %dma_wait3A_323] : memref<10240x128xf32, #tpu.memory_space<vmem_shared>> -> memref<64x128xf32, #tpu.memory_space<vmem_shared>>
      tpu.wait_dma2 semaphore(%run_scoped3A_300 : memref<!tpu.dma_semaphore, #tpu.memory_space<semaphore_mem>>) src(%dma_wait3A_324 : memref<64x128xf32, #tpu.memory_space<vmem_shared>>) dst(%dma_wait3A_322 : memref<64x128xf32, #tpu.memory_space<vmem>>)
      tpu.yield
    }) : () -> ()
    %add3A_255 = arith.constant 128 : i32
    %add3A_256 = arith.addi %mul3A_2, %add3A_255 : i32
    %run_scoped3A_257 = arith.constant 0 : i32
    "tpu.region"() ({
      %run_scoped3A_300 = tpu.sem_alloc : memref<!tpu.dma_semaphore, #tpu.memory_space<semaphore_mem>>
      %dma_start3A_301 = arith.constant 0 : i32
      %dma_start3A_302 = arith.constant 0 : i32
      %dma_start3A_303 = tpu.memref_slice %arg8[%run_scoped3A_257, %dma_start3A_301, %dma_start3A_302] : memref<2x64x128xf32, #tpu.memory_space<vmem>> -> memref<1x64x128xf32, #tpu.memory_space<vmem>>
      %dma_start3A_304 = tpu.memref_squeeze %dma_start3A_303 : memref<1x64x128xf32, #tpu.memory_space<vmem>> -> memref<64x128xf32, #tpu.memory_space<vmem>>
      %dma_start3A_305 = arith.constant 0 : i32
      %dma_start3A_306 = tpu.memref_slice %arg5[%arg0, %add3A_256, %dma_start3A_305] : memref<2x10240x128xf32, #tpu.memory_space<hbm>> -> memref<1x64x128xf32, #tpu.memory_space<hbm>>
      %dma_start3A_307 = tpu.memref_squeeze %dma_start3A_306 : memref<1x64x128xf32, #tpu.memory_space<hbm>> -> memref<64x128xf32, #tpu.memory_space<hbm>>
      %dma_start3A_308 = arith.constant 0 : i32
      %dma_start3A_309 = tpu.memref_slice %arg5[%arg0, %add3A_256, %dma_start3A_308] : memref<2x10240x128xf32, #tpu.memory_space<hbm>> -> memref<1x64x128xf32, #tpu.memory_space<hbm>>
      %dma_start3A_310 = tpu.memref_squeeze %dma_start3A_309 : memref<1x64x128xf32, #tpu.memory_space<hbm>> -> memref<64x128xf32, #tpu.memory_space<hbm>>
      %dma_start3A_311 = arith.constant 0 : i32
      %dma_start3A_312 = arith.constant 0 : i32
      %dma_start3A_313 = tpu.memref_slice %arg8[%run_scoped3A_257, %dma_start3A_311, %dma_start3A_312] : memref<2x64x128xf32, #tpu.memory_space<vmem>> -> memref<1x64x128xf32, #tpu.memory_space<vmem>>
      %dma_start3A_314 = tpu.memref_squeeze %dma_start3A_313 : memref<1x64x128xf32, #tpu.memory_space<vmem>> -> memref<64x128xf32, #tpu.memory_space<vmem>>
      tpu.enqueue_dma source(%dma_start3A_314 : memref<64x128xf32, #tpu.memory_space<vmem>>) target(%dma_start3A_310 : memref<64x128xf32, #tpu.memory_space<hbm>>) target_semaphore(%run_scoped3A_300 : memref<!tpu.dma_semaphore, #tpu.memory_space<semaphore_mem>>)
      %dma_wait3A_315 = arith.constant 0 : i32
      %dma_wait3A_316 = arith.constant 0 : i32
      %dma_wait3A_317 = tpu.memref_slice %arg8[%run_scoped3A_257, %dma_wait3A_315, %dma_wait3A_316] : memref<2x64x128xf32, #tpu.memory_space<vmem>> -> memref<1x64x128xf32, #tpu.memory_space<vmem>>
      %dma_wait3A_318 = tpu.memref_squeeze %dma_wait3A_317 : memref<1x64x128xf32, #tpu.memory_space<vmem>> -> memref<64x128xf32, #tpu.memory_space<vmem>>
      %dma_wait3A_319 = arith.constant 0 : i32
      %dma_wait3A_320 = tpu.memref_slice %arg5[%arg0, %add3A_256, %dma_wait3A_319] : memref<2x10240x128xf32, #tpu.memory_space<hbm>> -> memref<1x64x128xf32, #tpu.memory_space<hbm>>
      %dma_wait3A_321 = tpu.memref_squeeze %dma_wait3A_320 : memref<1x64x128xf32, #tpu.memory_space<hbm>> -> memref<64x128xf32, #tpu.memory_space<hbm>>
      %dma_wait3A_322 = arith.constant 0 : i32
      %dma_wait3A_323 = tpu.memref_slice %arg5[%arg0, %add3A_256, %dma_wait3A_322] : memref<2x10240x128xf32, #tpu.memory_space<hbm>> -> memref<1x64x128xf32, #tpu.memory_space<hbm>>
      %dma_wait3A_324 = tpu.memref_squeeze %dma_wait3A_323 : memref<1x64x128xf32, #tpu.memory_space<hbm>> -> memref<64x128xf32, #tpu.memory_space<hbm>>
      %dma_wait3A_325 = arith.constant 0 : i32
      %dma_wait3A_326 = arith.constant 0 : i32
      %dma_wait3A_327 = tpu.memref_slice %arg8[%run_scoped3A_257, %dma_wait3A_325, %dma_wait3A_326] : memref<2x64x128xf32, #tpu.memory_space<vmem>> -> memref<1x64x128xf32, #tpu.memory_space<vmem>>
      %dma_wait3A_328 = tpu.memref_squeeze %dma_wait3A_327 : memref<1x64x128xf32, #tpu.memory_space<vmem>> -> memref<64x128xf32, #tpu.memory_space<vmem>>
      tpu.wait_dma2 semaphore(%run_scoped3A_300 : memref<!tpu.dma_semaphore, #tpu.memory_space<semaphore_mem>>) src(%dma_wait3A_328 : memref<64x128xf32, #tpu.memory_space<vmem>>) dst(%dma_wait3A_324 : memref<64x128xf32, #tpu.memory_space<hbm>>)
      tpu.yield
    }) : () -> ()
    %add3A_258 = arith.constant 192 : i32
    %add3A_259 = arith.addi %mul3A_2, %add3A_258 : i32
    %run_scoped3A_260 = arith.constant 0 : i32
    "tpu.region"() ({
      %run_scoped3A_300 = tpu.sem_alloc : memref<!tpu.dma_semaphore, #tpu.memory_space<semaphore_mem>>
      %dma_start3A_301 = arith.constant 0 : i32
      %dma_start3A_302 = arith.constant 0 : i32
      %dma_start3A_303 = tpu.memref_slice %arg8[%run_scoped3A_260, %dma_start3A_301, %dma_start3A_302] : memref<2x64x128xf32, #tpu.memory_space<vmem>> -> memref<1x64x128xf32, #tpu.memory_space<vmem>>
      %dma_start3A_304 = tpu.memref_squeeze %dma_start3A_303 : memref<1x64x128xf32, #tpu.memory_space<vmem>> -> memref<64x128xf32, #tpu.memory_space<vmem>>
      %dma_start3A_305 = arith.constant 0 : i32
      %dma_start3A_306 = tpu.memref_slice %arg9[%add3A_259, %dma_start3A_305] : memref<10240x128xf32, #tpu.memory_space<vmem_shared>> -> memref<64x128xf32, #tpu.memory_space<vmem_shared>>
      %dma_start3A_307 = arith.constant 0 : i32
      %dma_start3A_308 = arith.constant 0 : i32
      %dma_start3A_309 = tpu.memref_slice %arg8[%run_scoped3A_260, %dma_start3A_307, %dma_start3A_308] : memref<2x64x128xf32, #tpu.memory_space<vmem>> -> memref<1x64x128xf32, #tpu.memory_space<vmem>>
      %dma_start3A_310 = tpu.memref_squeeze %dma_start3A_309 : memref<1x64x128xf32, #tpu.memory_space<vmem>> -> memref<64x128xf32, #tpu.memory_space<vmem>>
      %dma_start3A_311 = arith.constant 0 : i32
      %dma_start3A_312 = tpu.memref_slice %arg9[%add3A_259, %dma_start3A_311] : memref<10240x128xf32, #tpu.memory_space<vmem_shared>> -> memref<64x128xf32, #tpu.memory_space<vmem_shared>>
      tpu.enqueue_dma source(%dma_start3A_312 : memref<64x128xf32, #tpu.memory_space<vmem_shared>>) target(%dma_start3A_310 : memref<64x128xf32, #tpu.memory_space<vmem>>) target_semaphore(%run_scoped3A_300 : memref<!tpu.dma_semaphore, #tpu.memory_space<semaphore_mem>>)
      %dma_wait3A_313 = arith.constant 0 : i32
      %dma_wait3A_314 = arith.constant 0 : i32
      %dma_wait3A_315 = tpu.memref_slice %arg8[%run_scoped3A_260, %dma_wait3A_313, %dma_wait3A_314] : memref<2x64x128xf32, #tpu.memory_space<vmem>> -> memref<1x64x128xf32, #tpu.memory_space<vmem>>
      %dma_wait3A_316 = tpu.memref_squeeze %dma_wait3A_315 : memref<1x64x128xf32, #tpu.memory_space<vmem>> -> memref<64x128xf32, #tpu.memory_space<vmem>>
      %dma_wait3A_317 = arith.constant 0 : i32
      %dma_wait3A_318 = tpu.memref_slice %arg9[%add3A_259, %dma_wait3A_317] : memref<10240x128xf32, #tpu.memory_space<vmem_shared>> -> memref<64x128xf32, #tpu.memory_space<vmem_shared>>
      %dma_wait3A_319 = arith.constant 0 : i32
      %dma_wait3A_320 = arith.constant 0 : i32
      %dma_wait3A_321 = tpu.memref_slice %arg8[%run_scoped3A_260, %dma_wait3A_319, %dma_wait3A_320] : memref<2x64x128xf32, #tpu.memory_space<vmem>> -> memref<1x64x128xf32, #tpu.memory_space<vmem>>
      %dma_wait3A_322 = tpu.memref_squeeze %dma_wait3A_321 : memref<1x64x128xf32, #tpu.memory_space<vmem>> -> memref<64x128xf32, #tpu.memory_space<vmem>>
      %dma_wait3A_323 = arith.constant 0 : i32
      %dma_wait3A_324 = tpu.memref_slice %arg9[%add3A_259, %dma_wait3A_323] : memref<10240x128xf32, #tpu.memory_space<vmem_shared>> -> memref<64x128xf32, #tpu.memory_space<vmem_shared>>
      tpu.wait_dma2 semaphore(%run_scoped3A_300 : memref<!tpu.dma_semaphore, #tpu.memory_space<semaphore_mem>>) src(%dma_wait3A_324 : memref<64x128xf32, #tpu.memory_space<vmem_shared>>) dst(%dma_wait3A_322 : memref<64x128xf32, #tpu.memory_space<vmem>>)
      tpu.yield
    }) : () -> ()
    %add3A_261 = arith.constant 192 : i32
    %add3A_262 = arith.addi %mul3A_2, %add3A_261 : i32
    %run_scoped3A_263 = arith.constant 0 : i32
    "tpu.region"() ({
      %run_scoped3A_300 = tpu.sem_alloc : memref<!tpu.dma_semaphore, #tpu.memory_space<semaphore_mem>>
      %dma_start3A_301 = arith.constant 0 : i32
      %dma_start3A_302 = arith.constant 0 : i32
      %dma_start3A_303 = tpu.memref_slice %arg8[%run_scoped3A_263, %dma_start3A_301, %dma_start3A_302] : memref<2x64x128xf32, #tpu.memory_space<vmem>> -> memref<1x64x128xf32, #tpu.memory_space<vmem>>
      %dma_start3A_304 = tpu.memref_squeeze %dma_start3A_303 : memref<1x64x128xf32, #tpu.memory_space<vmem>> -> memref<64x128xf32, #tpu.memory_space<vmem>>
      %dma_start3A_305 = arith.constant 0 : i32
      %dma_start3A_306 = tpu.memref_slice %arg5[%arg0, %add3A_262, %dma_start3A_305] : memref<2x10240x128xf32, #tpu.memory_space<hbm>> -> memref<1x64x128xf32, #tpu.memory_space<hbm>>
      %dma_start3A_307 = tpu.memref_squeeze %dma_start3A_306 : memref<1x64x128xf32, #tpu.memory_space<hbm>> -> memref<64x128xf32, #tpu.memory_space<hbm>>
      %dma_start3A_308 = arith.constant 0 : i32
      %dma_start3A_309 = tpu.memref_slice %arg5[%arg0, %add3A_262, %dma_start3A_308] : memref<2x10240x128xf32, #tpu.memory_space<hbm>> -> memref<1x64x128xf32, #tpu.memory_space<hbm>>
      %dma_start3A_310 = tpu.memref_squeeze %dma_start3A_309 : memref<1x64x128xf32, #tpu.memory_space<hbm>> -> memref<64x128xf32, #tpu.memory_space<hbm>>
      %dma_start3A_311 = arith.constant 0 : i32
      %dma_start3A_312 = arith.constant 0 : i32
      %dma_start3A_313 = tpu.memref_slice %arg8[%run_scoped3A_263, %dma_start3A_311, %dma_start3A_312] : memref<2x64x128xf32, #tpu.memory_space<vmem>> -> memref<1x64x128xf32, #tpu.memory_space<vmem>>
      %dma_start3A_314 = tpu.memref_squeeze %dma_start3A_313 : memref<1x64x128xf32, #tpu.memory_space<vmem>> -> memref<64x128xf32, #tpu.memory_space<vmem>>
      tpu.enqueue_dma source(%dma_start3A_314 : memref<64x128xf32, #tpu.memory_space<vmem>>) target(%dma_start3A_310 : memref<64x128xf32, #tpu.memory_space<hbm>>) target_semaphore(%run_scoped3A_300 : memref<!tpu.dma_semaphore, #tpu.memory_space<semaphore_mem>>)
      %dma_wait3A_315 = arith.constant 0 : i32
      %dma_wait3A_316 = arith.constant 0 : i32
      %dma_wait3A_317 = tpu.memref_slice %arg8[%run_scoped3A_263, %dma_wait3A_315, %dma_wait3A_316] : memref<2x64x128xf32, #tpu.memory_space<vmem>> -> memref<1x64x128xf32, #tpu.memory_space<vmem>>
      %dma_wait3A_318 = tpu.memref_squeeze %dma_wait3A_317 : memref<1x64x128xf32, #tpu.memory_space<vmem>> -> memref<64x128xf32, #tpu.memory_space<vmem>>
      %dma_wait3A_319 = arith.constant 0 : i32
      %dma_wait3A_320 = tpu.memref_slice %arg5[%arg0, %add3A_262, %dma_wait3A_319] : memref<2x10240x128xf32, #tpu.memory_space<hbm>> -> memref<1x64x128xf32, #tpu.memory_space<hbm>>
      %dma_wait3A_321 = tpu.memref_squeeze %dma_wait3A_320 : memref<1x64x128xf32, #tpu.memory_space<hbm>> -> memref<64x128xf32, #tpu.memory_space<hbm>>
      %dma_wait3A_322 = arith.constant 0 : i32
      %dma_wait3A_323 = tpu.memref_slice %arg5[%arg0, %add3A_262, %dma_wait3A_322] : memref<2x10240x128xf32, #tpu.memory_space<hbm>> -> memref<1x64x128xf32, #tpu.memory_space<hbm>>
      %dma_wait3A_324 = tpu.memref_squeeze %dma_wait3A_323 : memref<1x64x128xf32, #tpu.memory_space<hbm>> -> memref<64x128xf32, #tpu.memory_space<hbm>>
      %dma_wait3A_325 = arith.constant 0 : i32
      %dma_wait3A_326 = arith.constant 0 : i32
      %dma_wait3A_327 = tpu.memref_slice %arg8[%run_scoped3A_263, %dma_wait3A_325, %dma_wait3A_326] : memref<2x64x128xf32, #tpu.memory_space<vmem>> -> memref<1x64x128xf32, #tpu.memory_space<vmem>>
      %dma_wait3A_328 = tpu.memref_squeeze %dma_wait3A_327 : memref<1x64x128xf32, #tpu.memory_space<vmem>> -> memref<64x128xf32, #tpu.memory_space<vmem>>
      tpu.wait_dma2 semaphore(%run_scoped3A_300 : memref<!tpu.dma_semaphore, #tpu.memory_space<semaphore_mem>>) src(%dma_wait3A_328 : memref<64x128xf32, #tpu.memory_space<vmem>>) dst(%dma_wait3A_324 : memref<64x128xf32, #tpu.memory_space<hbm>>)
      tpu.yield
    }) : () -> ()
    %add3A_264 = arith.constant 256 : i32
    %add3A_265 = arith.addi %mul3A_2, %add3A_264 : i32
    %run_scoped3A_266 = arith.constant 0 : i32
    "tpu.region"() ({
      %run_scoped3A_300 = tpu.sem_alloc : memref<!tpu.dma_semaphore, #tpu.memory_space<semaphore_mem>>
      %dma_start3A_301 = arith.constant 0 : i32
      %dma_start3A_302 = arith.constant 0 : i32
      %dma_start3A_303 = tpu.memref_slice %arg8[%run_scoped3A_266, %dma_start3A_301, %dma_start3A_302] : memref<2x64x128xf32, #tpu.memory_space<vmem>> -> memref<1x64x128xf32, #tpu.memory_space<vmem>>
      %dma_start3A_304 = tpu.memref_squeeze %dma_start3A_303 : memref<1x64x128xf32, #tpu.memory_space<vmem>> -> memref<64x128xf32, #tpu.memory_space<vmem>>
      %dma_start3A_305 = arith.constant 0 : i32
      %dma_start3A_306 = tpu.memref_slice %arg9[%add3A_265, %dma_start3A_305] : memref<10240x128xf32, #tpu.memory_space<vmem_shared>> -> memref<64x128xf32, #tpu.memory_space<vmem_shared>>
      %dma_start3A_307 = arith.constant 0 : i32
      %dma_start3A_308 = arith.constant 0 : i32
      %dma_start3A_309 = tpu.memref_slice %arg8[%run_scoped3A_266, %dma_start3A_307, %dma_start3A_308] : memref<2x64x128xf32, #tpu.memory_space<vmem>> -> memref<1x64x128xf32, #tpu.memory_space<vmem>>
      %dma_start3A_310 = tpu.memref_squeeze %dma_start3A_309 : memref<1x64x128xf32, #tpu.memory_space<vmem>> -> memref<64x128xf32, #tpu.memory_space<vmem>>
      %dma_start3A_311 = arith.constant 0 : i32
      %dma_start3A_312 = tpu.memref_slice %arg9[%add3A_265, %dma_start3A_311] : memref<10240x128xf32, #tpu.memory_space<vmem_shared>> -> memref<64x128xf32, #tpu.memory_space<vmem_shared>>
      tpu.enqueue_dma source(%dma_start3A_312 : memref<64x128xf32, #tpu.memory_space<vmem_shared>>) target(%dma_start3A_310 : memref<64x128xf32, #tpu.memory_space<vmem>>) target_semaphore(%run_scoped3A_300 : memref<!tpu.dma_semaphore, #tpu.memory_space<semaphore_mem>>)
      %dma_wait3A_313 = arith.constant 0 : i32
      %dma_wait3A_314 = arith.constant 0 : i32
      %dma_wait3A_315 = tpu.memref_slice %arg8[%run_scoped3A_266, %dma_wait3A_313, %dma_wait3A_314] : memref<2x64x128xf32, #tpu.memory_space<vmem>> -> memref<1x64x128xf32, #tpu.memory_space<vmem>>
      %dma_wait3A_316 = tpu.memref_squeeze %dma_wait3A_315 : memref<1x64x128xf32, #tpu.memory_space<vmem>> -> memref<64x128xf32, #tpu.memory_space<vmem>>
      %dma_wait3A_317 = arith.constant 0 : i32
      %dma_wait3A_318 = tpu.memref_slice %arg9[%add3A_265, %dma_wait3A_317] : memref<10240x128xf32, #tpu.memory_space<vmem_shared>> -> memref<64x128xf32, #tpu.memory_space<vmem_shared>>
      %dma_wait3A_319 = arith.constant 0 : i32
      %dma_wait3A_320 = arith.constant 0 : i32
      %dma_wait3A_321 = tpu.memref_slice %arg8[%run_scoped3A_266, %dma_wait3A_319, %dma_wait3A_320] : memref<2x64x128xf32, #tpu.memory_space<vmem>> -> memref<1x64x128xf32, #tpu.memory_space<vmem>>
      %dma_wait3A_322 = tpu.memref_squeeze %dma_wait3A_321 : memref<1x64x128xf32, #tpu.memory_space<vmem>> -> memref<64x128xf32, #tpu.memory_space<vmem>>
      %dma_wait3A_323 = arith.constant 0 : i32
      %dma_wait3A_324 = tpu.memref_slice %arg9[%add3A_265, %dma_wait3A_323] : memref<10240x128xf32, #tpu.memory_space<vmem_shared>> -> memref<64x128xf32, #tpu.memory_space<vmem_shared>>
      tpu.wait_dma2 semaphore(%run_scoped3A_300 : memref<!tpu.dma_semaphore, #tpu.memory_space<semaphore_mem>>) src(%dma_wait3A_324 : memref<64x128xf32, #tpu.memory_space<vmem_shared>>) dst(%dma_wait3A_322 : memref<64x128xf32, #tpu.memory_space<vmem>>)
      tpu.yield
    }) : () -> ()
    %add3A_267 = arith.constant 256 : i32
    %add3A_268 = arith.addi %mul3A_2, %add3A_267 : i32
    %run_scoped3A_269 = arith.constant 0 : i32
    "tpu.region"() ({
      %run_scoped3A_300 = tpu.sem_alloc : memref<!tpu.dma_semaphore, #tpu.memory_space<semaphore_mem>>
      %dma_start3A_301 = arith.constant 0 : i32
      %dma_start3A_302 = arith.constant 0 : i32
      %dma_start3A_303 = tpu.memref_slice %arg8[%run_scoped3A_269, %dma_start3A_301, %dma_start3A_302] : memref<2x64x128xf32, #tpu.memory_space<vmem>> -> memref<1x64x128xf32, #tpu.memory_space<vmem>>
      %dma_start3A_304 = tpu.memref_squeeze %dma_start3A_303 : memref<1x64x128xf32, #tpu.memory_space<vmem>> -> memref<64x128xf32, #tpu.memory_space<vmem>>
      %dma_start3A_305 = arith.constant 0 : i32
      %dma_start3A_306 = tpu.memref_slice %arg5[%arg0, %add3A_268, %dma_start3A_305] : memref<2x10240x128xf32, #tpu.memory_space<hbm>> -> memref<1x64x128xf32, #tpu.memory_space<hbm>>
      %dma_start3A_307 = tpu.memref_squeeze %dma_start3A_306 : memref<1x64x128xf32, #tpu.memory_space<hbm>> -> memref<64x128xf32, #tpu.memory_space<hbm>>
      %dma_start3A_308 = arith.constant 0 : i32
      %dma_start3A_309 = tpu.memref_slice %arg5[%arg0, %add3A_268, %dma_start3A_308] : memref<2x10240x128xf32, #tpu.memory_space<hbm>> -> memref<1x64x128xf32, #tpu.memory_space<hbm>>
      %dma_start3A_310 = tpu.memref_squeeze %dma_start3A_309 : memref<1x64x128xf32, #tpu.memory_space<hbm>> -> memref<64x128xf32, #tpu.memory_space<hbm>>
      %dma_start3A_311 = arith.constant 0 : i32
      %dma_start3A_312 = arith.constant 0 : i32
      %dma_start3A_313 = tpu.memref_slice %arg8[%run_scoped3A_269, %dma_start3A_311, %dma_start3A_312] : memref<2x64x128xf32, #tpu.memory_space<vmem>> -> memref<1x64x128xf32, #tpu.memory_space<vmem>>
      %dma_start3A_314 = tpu.memref_squeeze %dma_start3A_313 : memref<1x64x128xf32, #tpu.memory_space<vmem>> -> memref<64x128xf32, #tpu.memory_space<vmem>>
      tpu.enqueue_dma source(%dma_start3A_314 : memref<64x128xf32, #tpu.memory_space<vmem>>) target(%dma_start3A_310 : memref<64x128xf32, #tpu.memory_space<hbm>>) target_semaphore(%run_scoped3A_300 : memref<!tpu.dma_semaphore, #tpu.memory_space<semaphore_mem>>)
      %dma_wait3A_315 = arith.constant 0 : i32
      %dma_wait3A_316 = arith.constant 0 : i32
      %dma_wait3A_317 = tpu.memref_slice %arg8[%run_scoped3A_269, %dma_wait3A_315, %dma_wait3A_316] : memref<2x64x128xf32, #tpu.memory_space<vmem>> -> memref<1x64x128xf32, #tpu.memory_space<vmem>>
      %dma_wait3A_318 = tpu.memref_squeeze %dma_wait3A_317 : memref<1x64x128xf32, #tpu.memory_space<vmem>> -> memref<64x128xf32, #tpu.memory_space<vmem>>
      %dma_wait3A_319 = arith.constant 0 : i32
      %dma_wait3A_320 = tpu.memref_slice %arg5[%arg0, %add3A_268, %dma_wait3A_319] : memref<2x10240x128xf32, #tpu.memory_space<hbm>> -> memref<1x64x128xf32, #tpu.memory_space<hbm>>
      %dma_wait3A_321 = tpu.memref_squeeze %dma_wait3A_320 : memref<1x64x128xf32, #tpu.memory_space<hbm>> -> memref<64x128xf32, #tpu.memory_space<hbm>>
      %dma_wait3A_322 = arith.constant 0 : i32
      %dma_wait3A_323 = tpu.memref_slice %arg5[%arg0, %add3A_268, %dma_wait3A_322] : memref<2x10240x128xf32, #tpu.memory_space<hbm>> -> memref<1x64x128xf32, #tpu.memory_space<hbm>>
      %dma_wait3A_324 = tpu.memref_squeeze %dma_wait3A_323 : memref<1x64x128xf32, #tpu.memory_space<hbm>> -> memref<64x128xf32, #tpu.memory_space<hbm>>
      %dma_wait3A_325 = arith.constant 0 : i32
      %dma_wait3A_326 = arith.constant 0 : i32
      %dma_wait3A_327 = tpu.memref_slice %arg8[%run_scoped3A_269, %dma_wait3A_325, %dma_wait3A_326] : memref<2x64x128xf32, #tpu.memory_space<vmem>> -> memref<1x64x128xf32, #tpu.memory_space<vmem>>
      %dma_wait3A_328 = tpu.memref_squeeze %dma_wait3A_327 : memref<1x64x128xf32, #tpu.memory_space<vmem>> -> memref<64x128xf32, #tpu.memory_space<vmem>>
      tpu.wait_dma2 semaphore(%run_scoped3A_300 : memref<!tpu.dma_semaphore, #tpu.memory_space<semaphore_mem>>) src(%dma_wait3A_328 : memref<64x128xf32, #tpu.memory_space<vmem>>) dst(%dma_wait3A_324 : memref<64x128xf32, #tpu.memory_space<hbm>>)
      tpu.yield
    }) : () -> ()
    %add3A_270 = arith.constant 320 : i32
    %add3A_271 = arith.addi %mul3A_2, %add3A_270 : i32
    %run_scoped3A_272 = arith.constant 0 : i32
    "tpu.region"() ({
      %run_scoped3A_300 = tpu.sem_alloc : memref<!tpu.dma_semaphore, #tpu.memory_space<semaphore_mem>>
      %dma_start3A_301 = arith.constant 0 : i32
      %dma_start3A_302 = arith.constant 0 : i32
      %dma_start3A_303 = tpu.memref_slice %arg8[%run_scoped3A_272, %dma_start3A_301, %dma_start3A_302] : memref<2x64x128xf32, #tpu.memory_space<vmem>> -> memref<1x64x128xf32, #tpu.memory_space<vmem>>
      %dma_start3A_304 = tpu.memref_squeeze %dma_start3A_303 : memref<1x64x128xf32, #tpu.memory_space<vmem>> -> memref<64x128xf32, #tpu.memory_space<vmem>>
      %dma_start3A_305 = arith.constant 0 : i32
      %dma_start3A_306 = tpu.memref_slice %arg9[%add3A_271, %dma_start3A_305] : memref<10240x128xf32, #tpu.memory_space<vmem_shared>> -> memref<64x128xf32, #tpu.memory_space<vmem_shared>>
      %dma_start3A_307 = arith.constant 0 : i32
      %dma_start3A_308 = arith.constant 0 : i32
      %dma_start3A_309 = tpu.memref_slice %arg8[%run_scoped3A_272, %dma_start3A_307, %dma_start3A_308] : memref<2x64x128xf32, #tpu.memory_space<vmem>> -> memref<1x64x128xf32, #tpu.memory_space<vmem>>
      %dma_start3A_310 = tpu.memref_squeeze %dma_start3A_309 : memref<1x64x128xf32, #tpu.memory_space<vmem>> -> memref<64x128xf32, #tpu.memory_space<vmem>>
      %dma_start3A_311 = arith.constant 0 : i32
      %dma_start3A_312 = tpu.memref_slice %arg9[%add3A_271, %dma_start3A_311] : memref<10240x128xf32, #tpu.memory_space<vmem_shared>> -> memref<64x128xf32, #tpu.memory_space<vmem_shared>>
      tpu.enqueue_dma source(%dma_start3A_312 : memref<64x128xf32, #tpu.memory_space<vmem_shared>>) target(%dma_start3A_310 : memref<64x128xf32, #tpu.memory_space<vmem>>) target_semaphore(%run_scoped3A_300 : memref<!tpu.dma_semaphore, #tpu.memory_space<semaphore_mem>>)
      %dma_wait3A_313 = arith.constant 0 : i32
      %dma_wait3A_314 = arith.constant 0 : i32
      %dma_wait3A_315 = tpu.memref_slice %arg8[%run_scoped3A_272, %dma_wait3A_313, %dma_wait3A_314] : memref<2x64x128xf32, #tpu.memory_space<vmem>> -> memref<1x64x128xf32, #tpu.memory_space<vmem>>
      %dma_wait3A_316 = tpu.memref_squeeze %dma_wait3A_315 : memref<1x64x128xf32, #tpu.memory_space<vmem>> -> memref<64x128xf32, #tpu.memory_space<vmem>>
      %dma_wait3A_317 = arith.constant 0 : i32
      %dma_wait3A_318 = tpu.memref_slice %arg9[%add3A_271, %dma_wait3A_317] : memref<10240x128xf32, #tpu.memory_space<vmem_shared>> -> memref<64x128xf32, #tpu.memory_space<vmem_shared>>
      %dma_wait3A_319 = arith.constant 0 : i32
      %dma_wait3A_320 = arith.constant 0 : i32
      %dma_wait3A_321 = tpu.memref_slice %arg8[%run_scoped3A_272, %dma_wait3A_319, %dma_wait3A_320] : memref<2x64x128xf32, #tpu.memory_space<vmem>> -> memref<1x64x128xf32, #tpu.memory_space<vmem>>
      %dma_wait3A_322 = tpu.memref_squeeze %dma_wait3A_321 : memref<1x64x128xf32, #tpu.memory_space<vmem>> -> memref<64x128xf32, #tpu.memory_space<vmem>>
      %dma_wait3A_323 = arith.constant 0 : i32
      %dma_wait3A_324 = tpu.memref_slice %arg9[%add3A_271, %dma_wait3A_323] : memref<10240x128xf32, #tpu.memory_space<vmem_shared>> -> memref<64x128xf32, #tpu.memory_space<vmem_shared>>
      tpu.wait_dma2 semaphore(%run_scoped3A_300 : memref<!tpu.dma_semaphore, #tpu.memory_space<semaphore_mem>>) src(%dma_wait3A_324 : memref<64x128xf32, #tpu.memory_space<vmem_shared>>) dst(%dma_wait3A_322 : memref<64x128xf32, #tpu.memory_space<vmem>>)
      tpu.yield
    }) : () -> ()
    %add3A_273 = arith.constant 320 : i32
    %add3A_274 = arith.addi %mul3A_2, %add3A_273 : i32
    %run_scoped3A_275 = arith.constant 0 : i32
    "tpu.region"() ({
      %run_scoped3A_300 = tpu.sem_alloc : memref<!tpu.dma_semaphore, #tpu.memory_space<semaphore_mem>>
      %dma_start3A_301 = arith.constant 0 : i32
      %dma_start3A_302 = arith.constant 0 : i32
      %dma_start3A_303 = tpu.memref_slice %arg8[%run_scoped3A_275, %dma_start3A_301, %dma_start3A_302] : memref<2x64x128xf32, #tpu.memory_space<vmem>> -> memref<1x64x128xf32, #tpu.memory_space<vmem>>
      %dma_start3A_304 = tpu.memref_squeeze %dma_start3A_303 : memref<1x64x128xf32, #tpu.memory_space<vmem>> -> memref<64x128xf32, #tpu.memory_space<vmem>>
      %dma_start3A_305 = arith.constant 0 : i32
      %dma_start3A_306 = tpu.memref_slice %arg5[%arg0, %add3A_274, %dma_start3A_305] : memref<2x10240x128xf32, #tpu.memory_space<hbm>> -> memref<1x64x128xf32, #tpu.memory_space<hbm>>
      %dma_start3A_307 = tpu.memref_squeeze %dma_start3A_306 : memref<1x64x128xf32, #tpu.memory_space<hbm>> -> memref<64x128xf32, #tpu.memory_space<hbm>>
      %dma_start3A_308 = arith.constant 0 : i32
      %dma_start3A_309 = tpu.memref_slice %arg5[%arg0, %add3A_274, %dma_start3A_308] : memref<2x10240x128xf32, #tpu.memory_space<hbm>> -> memref<1x64x128xf32, #tpu.memory_space<hbm>>
      %dma_start3A_310 = tpu.memref_squeeze %dma_start3A_309 : memref<1x64x128xf32, #tpu.memory_space<hbm>> -> memref<64x128xf32, #tpu.memory_space<hbm>>
      %dma_start3A_311 = arith.constant 0 : i32
      %dma_start3A_312 = arith.constant 0 : i32
      %dma_start3A_313 = tpu.memref_slice %arg8[%run_scoped3A_275, %dma_start3A_311, %dma_start3A_312] : memref<2x64x128xf32, #tpu.memory_space<vmem>> -> memref<1x64x128xf32, #tpu.memory_space<vmem>>
      %dma_start3A_314 = tpu.memref_squeeze %dma_start3A_313 : memref<1x64x128xf32, #tpu.memory_space<vmem>> -> memref<64x128xf32, #tpu.memory_space<vmem>>
      tpu.enqueue_dma source(%dma_start3A_314 : memref<64x128xf32, #tpu.memory_space<vmem>>) target(%dma_start3A_310 : memref<64x128xf32, #tpu.memory_space<hbm>>) target_semaphore(%run_scoped3A_300 : memref<!tpu.dma_semaphore, #tpu.memory_space<semaphore_mem>>)
      %dma_wait3A_315 = arith.constant 0 : i32
      %dma_wait3A_316 = arith.constant 0 : i32
      %dma_wait3A_317 = tpu.memref_slice %arg8[%run_scoped3A_275, %dma_wait3A_315, %dma_wait3A_316] : memref<2x64x128xf32, #tpu.memory_space<vmem>> -> memref<1x64x128xf32, #tpu.memory_space<vmem>>
      %dma_wait3A_318 = tpu.memref_squeeze %dma_wait3A_317 : memref<1x64x128xf32, #tpu.memory_space<vmem>> -> memref<64x128xf32, #tpu.memory_space<vmem>>
      %dma_wait3A_319 = arith.constant 0 : i32
      %dma_wait3A_320 = tpu.memref_slice %arg5[%arg0, %add3A_274, %dma_wait3A_319] : memref<2x10240x128xf32, #tpu.memory_space<hbm>> -> memref<1x64x128xf32, #tpu.memory_space<hbm>>
      %dma_wait3A_321 = tpu.memref_squeeze %dma_wait3A_320 : memref<1x64x128xf32, #tpu.memory_space<hbm>> -> memref<64x128xf32, #tpu.memory_space<hbm>>
      %dma_wait3A_322 = arith.constant 0 : i32
      %dma_wait3A_323 = tpu.memref_slice %arg5[%arg0, %add3A_274, %dma_wait3A_322] : memref<2x10240x128xf32, #tpu.memory_space<hbm>> -> memref<1x64x128xf32, #tpu.memory_space<hbm>>
      %dma_wait3A_324 = tpu.memref_squeeze %dma_wait3A_323 : memref<1x64x128xf32, #tpu.memory_space<hbm>> -> memref<64x128xf32, #tpu.memory_space<hbm>>
      %dma_wait3A_325 = arith.constant 0 : i32
      %dma_wait3A_326 = arith.constant 0 : i32
      %dma_wait3A_327 = tpu.memref_slice %arg8[%run_scoped3A_275, %dma_wait3A_325, %dma_wait3A_326] : memref<2x64x128xf32, #tpu.memory_space<vmem>> -> memref<1x64x128xf32, #tpu.memory_space<vmem>>
      %dma_wait3A_328 = tpu.memref_squeeze %dma_wait3A_327 : memref<1x64x128xf32, #tpu.memory_space<vmem>> -> memref<64x128xf32, #tpu.memory_space<vmem>>
      tpu.wait_dma2 semaphore(%run_scoped3A_300 : memref<!tpu.dma_semaphore, #tpu.memory_space<semaphore_mem>>) src(%dma_wait3A_328 : memref<64x128xf32, #tpu.memory_space<vmem>>) dst(%dma_wait3A_324 : memref<64x128xf32, #tpu.memory_space<hbm>>)
      tpu.yield
    }) : () -> ()
    %add3A_276 = arith.constant 384 : i32
    %add3A_277 = arith.addi %mul3A_2, %add3A_276 : i32
    %run_scoped3A_278 = arith.constant 0 : i32
    "tpu.region"() ({
      %run_scoped3A_300 = tpu.sem_alloc : memref<!tpu.dma_semaphore, #tpu.memory_space<semaphore_mem>>
      %dma_start3A_301 = arith.constant 0 : i32
      %dma_start3A_302 = arith.constant 0 : i32
      %dma_start3A_303 = tpu.memref_slice %arg8[%run_scoped3A_278, %dma_start3A_301, %dma_start3A_302] : memref<2x64x128xf32, #tpu.memory_space<vmem>> -> memref<1x64x128xf32, #tpu.memory_space<vmem>>
      %dma_start3A_304 = tpu.memref_squeeze %dma_start3A_303 : memref<1x64x128xf32, #tpu.memory_space<vmem>> -> memref<64x128xf32, #tpu.memory_space<vmem>>
      %dma_start3A_305 = arith.constant 0 : i32
      %dma_start3A_306 = tpu.memref_slice %arg9[%add3A_277, %dma_start3A_305] : memref<10240x128xf32, #tpu.memory_space<vmem_shared>> -> memref<64x128xf32, #tpu.memory_space<vmem_shared>>
      %dma_start3A_307 = arith.constant 0 : i32
      %dma_start3A_308 = arith.constant 0 : i32
      %dma_start3A_309 = tpu.memref_slice %arg8[%run_scoped3A_278, %dma_start3A_307, %dma_start3A_308] : memref<2x64x128xf32, #tpu.memory_space<vmem>> -> memref<1x64x128xf32, #tpu.memory_space<vmem>>
      %dma_start3A_310 = tpu.memref_squeeze %dma_start3A_309 : memref<1x64x128xf32, #tpu.memory_space<vmem>> -> memref<64x128xf32, #tpu.memory_space<vmem>>
      %dma_start3A_311 = arith.constant 0 : i32
      %dma_start3A_312 = tpu.memref_slice %arg9[%add3A_277, %dma_start3A_311] : memref<10240x128xf32, #tpu.memory_space<vmem_shared>> -> memref<64x128xf32, #tpu.memory_space<vmem_shared>>
      tpu.enqueue_dma source(%dma_start3A_312 : memref<64x128xf32, #tpu.memory_space<vmem_shared>>) target(%dma_start3A_310 : memref<64x128xf32, #tpu.memory_space<vmem>>) target_semaphore(%run_scoped3A_300 : memref<!tpu.dma_semaphore, #tpu.memory_space<semaphore_mem>>)
      %dma_wait3A_313 = arith.constant 0 : i32
      %dma_wait3A_314 = arith.constant 0 : i32
      %dma_wait3A_315 = tpu.memref_slice %arg8[%run_scoped3A_278, %dma_wait3A_313, %dma_wait3A_314] : memref<2x64x128xf32, #tpu.memory_space<vmem>> -> memref<1x64x128xf32, #tpu.memory_space<vmem>>
      %dma_wait3A_316 = tpu.memref_squeeze %dma_wait3A_315 : memref<1x64x128xf32, #tpu.memory_space<vmem>> -> memref<64x128xf32, #tpu.memory_space<vmem>>
      %dma_wait3A_317 = arith.constant 0 : i32
      %dma_wait3A_318 = tpu.memref_slice %arg9[%add3A_277, %dma_wait3A_317] : memref<10240x128xf32, #tpu.memory_space<vmem_shared>> -> memref<64x128xf32, #tpu.memory_space<vmem_shared>>
      %dma_wait3A_319 = arith.constant 0 : i32
      %dma_wait3A_320 = arith.constant 0 : i32
      %dma_wait3A_321 = tpu.memref_slice %arg8[%run_scoped3A_278, %dma_wait3A_319, %dma_wait3A_320] : memref<2x64x128xf32, #tpu.memory_space<vmem>> -> memref<1x64x128xf32, #tpu.memory_space<vmem>>
      %dma_wait3A_322 = tpu.memref_squeeze %dma_wait3A_321 : memref<1x64x128xf32, #tpu.memory_space<vmem>> -> memref<64x128xf32, #tpu.memory_space<vmem>>
      %dma_wait3A_323 = arith.constant 0 : i32
      %dma_wait3A_324 = tpu.memref_slice %arg9[%add3A_277, %dma_wait3A_323] : memref<10240x128xf32, #tpu.memory_space<vmem_shared>> -> memref<64x128xf32, #tpu.memory_space<vmem_shared>>
      tpu.wait_dma2 semaphore(%run_scoped3A_300 : memref<!tpu.dma_semaphore, #tpu.memory_space<semaphore_mem>>) src(%dma_wait3A_324 : memref<64x128xf32, #tpu.memory_space<vmem_shared>>) dst(%dma_wait3A_322 : memref<64x128xf32, #tpu.memory_space<vmem>>)
      tpu.yield
    }) : () -> ()
    %add3A_279 = arith.constant 384 : i32
    %add3A_280 = arith.addi %mul3A_2, %add3A_279 : i32
    %run_scoped3A_281 = arith.constant 0 : i32
    "tpu.region"() ({
      %run_scoped3A_300 = tpu.sem_alloc : memref<!tpu.dma_semaphore, #tpu.memory_space<semaphore_mem>>
      %dma_start3A_301 = arith.constant 0 : i32
      %dma_start3A_302 = arith.constant 0 : i32
      %dma_start3A_303 = tpu.memref_slice %arg8[%run_scoped3A_281, %dma_start3A_301, %dma_start3A_302] : memref<2x64x128xf32, #tpu.memory_space<vmem>> -> memref<1x64x128xf32, #tpu.memory_space<vmem>>
      %dma_start3A_304 = tpu.memref_squeeze %dma_start3A_303 : memref<1x64x128xf32, #tpu.memory_space<vmem>> -> memref<64x128xf32, #tpu.memory_space<vmem>>
      %dma_start3A_305 = arith.constant 0 : i32
      %dma_start3A_306 = tpu.memref_slice %arg5[%arg0, %add3A_280, %dma_start3A_305] : memref<2x10240x128xf32, #tpu.memory_space<hbm>> -> memref<1x64x128xf32, #tpu.memory_space<hbm>>
      %dma_start3A_307 = tpu.memref_squeeze %dma_start3A_306 : memref<1x64x128xf32, #tpu.memory_space<hbm>> -> memref<64x128xf32, #tpu.memory_space<hbm>>
      %dma_start3A_308 = arith.constant 0 : i32
      %dma_start3A_309 = tpu.memref_slice %arg5[%arg0, %add3A_280, %dma_start3A_308] : memref<2x10240x128xf32, #tpu.memory_space<hbm>> -> memref<1x64x128xf32, #tpu.memory_space<hbm>>
      %dma_start3A_310 = tpu.memref_squeeze %dma_start3A_309 : memref<1x64x128xf32, #tpu.memory_space<hbm>> -> memref<64x128xf32, #tpu.memory_space<hbm>>
      %dma_start3A_311 = arith.constant 0 : i32
      %dma_start3A_312 = arith.constant 0 : i32
      %dma_start3A_313 = tpu.memref_slice %arg8[%run_scoped3A_281, %dma_start3A_311, %dma_start3A_312] : memref<2x64x128xf32, #tpu.memory_space<vmem>> -> memref<1x64x128xf32, #tpu.memory_space<vmem>>
      %dma_start3A_314 = tpu.memref_squeeze %dma_start3A_313 : memref<1x64x128xf32, #tpu.memory_space<vmem>> -> memref<64x128xf32, #tpu.memory_space<vmem>>
      tpu.enqueue_dma source(%dma_start3A_314 : memref<64x128xf32, #tpu.memory_space<vmem>>) target(%dma_start3A_310 : memref<64x128xf32, #tpu.memory_space<hbm>>) target_semaphore(%run_scoped3A_300 : memref<!tpu.dma_semaphore, #tpu.memory_space<semaphore_mem>>)
      %dma_wait3A_315 = arith.constant 0 : i32
      %dma_wait3A_316 = arith.constant 0 : i32
      %dma_wait3A_317 = tpu.memref_slice %arg8[%run_scoped3A_281, %dma_wait3A_315, %dma_wait3A_316] : memref<2x64x128xf32, #tpu.memory_space<vmem>> -> memref<1x64x128xf32, #tpu.memory_space<vmem>>
      %dma_wait3A_318 = tpu.memref_squeeze %dma_wait3A_317 : memref<1x64x128xf32, #tpu.memory_space<vmem>> -> memref<64x128xf32, #tpu.memory_space<vmem>>
      %dma_wait3A_319 = arith.constant 0 : i32
      %dma_wait3A_320 = tpu.memref_slice %arg5[%arg0, %add3A_280, %dma_wait3A_319] : memref<2x10240x128xf32, #tpu.memory_space<hbm>> -> memref<1x64x128xf32, #tpu.memory_space<hbm>>
      %dma_wait3A_321 = tpu.memref_squeeze %dma_wait3A_320 : memref<1x64x128xf32, #tpu.memory_space<hbm>> -> memref<64x128xf32, #tpu.memory_space<hbm>>
      %dma_wait3A_322 = arith.constant 0 : i32
      %dma_wait3A_323 = tpu.memref_slice %arg5[%arg0, %add3A_280, %dma_wait3A_322] : memref<2x10240x128xf32, #tpu.memory_space<hbm>> -> memref<1x64x128xf32, #tpu.memory_space<hbm>>
      %dma_wait3A_324 = tpu.memref_squeeze %dma_wait3A_323 : memref<1x64x128xf32, #tpu.memory_space<hbm>> -> memref<64x128xf32, #tpu.memory_space<hbm>>
      %dma_wait3A_325 = arith.constant 0 : i32
      %dma_wait3A_326 = arith.constant 0 : i32
      %dma_wait3A_327 = tpu.memref_slice %arg8[%run_scoped3A_281, %dma_wait3A_325, %dma_wait3A_326] : memref<2x64x128xf32, #tpu.memory_space<vmem>> -> memref<1x64x128xf32, #tpu.memory_space<vmem>>
      %dma_wait3A_328 = tpu.memref_squeeze %dma_wait3A_327 : memref<1x64x128xf32, #tpu.memory_space<vmem>> -> memref<64x128xf32, #tpu.memory_space<vmem>>
      tpu.wait_dma2 semaphore(%run_scoped3A_300 : memref<!tpu.dma_semaphore, #tpu.memory_space<semaphore_mem>>) src(%dma_wait3A_328 : memref<64x128xf32, #tpu.memory_space<vmem>>) dst(%dma_wait3A_324 : memref<64x128xf32, #tpu.memory_space<hbm>>)
      tpu.yield
    }) : () -> ()
    %add3A_282 = arith.constant 448 : i32
    %add3A_283 = arith.addi %mul3A_2, %add3A_282 : i32
    %run_scoped3A_284 = arith.constant 0 : i32
    "tpu.region"() ({
      %run_scoped3A_300 = tpu.sem_alloc : memref<!tpu.dma_semaphore, #tpu.memory_space<semaphore_mem>>
      %dma_start3A_301 = arith.constant 0 : i32
      %dma_start3A_302 = arith.constant 0 : i32
      %dma_start3A_303 = tpu.memref_slice %arg8[%run_scoped3A_284, %dma_start3A_301, %dma_start3A_302] : memref<2x64x128xf32, #tpu.memory_space<vmem>> -> memref<1x64x128xf32, #tpu.memory_space<vmem>>
      %dma_start3A_304 = tpu.memref_squeeze %dma_start3A_303 : memref<1x64x128xf32, #tpu.memory_space<vmem>> -> memref<64x128xf32, #tpu.memory_space<vmem>>
      %dma_start3A_305 = arith.constant 0 : i32
      %dma_start3A_306 = tpu.memref_slice %arg9[%add3A_283, %dma_start3A_305] : memref<10240x128xf32, #tpu.memory_space<vmem_shared>> -> memref<64x128xf32, #tpu.memory_space<vmem_shared>>
      %dma_start3A_307 = arith.constant 0 : i32
      %dma_start3A_308 = arith.constant 0 : i32
      %dma_start3A_309 = tpu.memref_slice %arg8[%run_scoped3A_284, %dma_start3A_307, %dma_start3A_308] : memref<2x64x128xf32, #tpu.memory_space<vmem>> -> memref<1x64x128xf32, #tpu.memory_space<vmem>>
      %dma_start3A_310 = tpu.memref_squeeze %dma_start3A_309 : memref<1x64x128xf32, #tpu.memory_space<vmem>> -> memref<64x128xf32, #tpu.memory_space<vmem>>
      %dma_start3A_311 = arith.constant 0 : i32
      %dma_start3A_312 = tpu.memref_slice %arg9[%add3A_283, %dma_start3A_311] : memref<10240x128xf32, #tpu.memory_space<vmem_shared>> -> memref<64x128xf32, #tpu.memory_space<vmem_shared>>
      tpu.enqueue_dma source(%dma_start3A_312 : memref<64x128xf32, #tpu.memory_space<vmem_shared>>) target(%dma_start3A_310 : memref<64x128xf32, #tpu.memory_space<vmem>>) target_semaphore(%run_scoped3A_300 : memref<!tpu.dma_semaphore, #tpu.memory_space<semaphore_mem>>)
      %dma_wait3A_313 = arith.constant 0 : i32
      %dma_wait3A_314 = arith.constant 0 : i32
      %dma_wait3A_315 = tpu.memref_slice %arg8[%run_scoped3A_284, %dma_wait3A_313, %dma_wait3A_314] : memref<2x64x128xf32, #tpu.memory_space<vmem>> -> memref<1x64x128xf32, #tpu.memory_space<vmem>>
      %dma_wait3A_316 = tpu.memref_squeeze %dma_wait3A_315 : memref<1x64x128xf32, #tpu.memory_space<vmem>> -> memref<64x128xf32, #tpu.memory_space<vmem>>
      %dma_wait3A_317 = arith.constant 0 : i32
      %dma_wait3A_318 = tpu.memref_slice %arg9[%add3A_283, %dma_wait3A_317] : memref<10240x128xf32, #tpu.memory_space<vmem_shared>> -> memref<64x128xf32, #tpu.memory_space<vmem_shared>>
      %dma_wait3A_319 = arith.constant 0 : i32
      %dma_wait3A_320 = arith.constant 0 : i32
      %dma_wait3A_321 = tpu.memref_slice %arg8[%run_scoped3A_284, %dma_wait3A_319, %dma_wait3A_320] : memref<2x64x128xf32, #tpu.memory_space<vmem>> -> memref<1x64x128xf32, #tpu.memory_space<vmem>>
      %dma_wait3A_322 = tpu.memref_squeeze %dma_wait3A_321 : memref<1x64x128xf32, #tpu.memory_space<vmem>> -> memref<64x128xf32, #tpu.memory_space<vmem>>
      %dma_wait3A_323 = arith.constant 0 : i32
      %dma_wait3A_324 = tpu.memref_slice %arg9[%add3A_283, %dma_wait3A_323] : memref<10240x128xf32, #tpu.memory_space<vmem_shared>> -> memref<64x128xf32, #tpu.memory_space<vmem_shared>>
      tpu.wait_dma2 semaphore(%run_scoped3A_300 : memref<!tpu.dma_semaphore, #tpu.memory_space<semaphore_mem>>) src(%dma_wait3A_324 : memref<64x128xf32, #tpu.memory_space<vmem_shared>>) dst(%dma_wait3A_322 : memref<64x128xf32, #tpu.memory_space<vmem>>)
      tpu.yield
    }) : () -> ()
    %add3A_285 = arith.constant 448 : i32
    %add3A_286 = arith.addi %mul3A_2, %add3A_285 : i32
    %run_scoped3A_287 = arith.constant 0 : i32
    "tpu.region"() ({
      %run_scoped3A_300 = tpu.sem_alloc : memref<!tpu.dma_semaphore, #tpu.memory_space<semaphore_mem>>
      %dma_start3A_301 = arith.constant 0 : i32
      %dma_start3A_302 = arith.constant 0 : i32
      %dma_start3A_303 = tpu.memref_slice %arg8[%run_scoped3A_287, %dma_start3A_301, %dma_start3A_302] : memref<2x64x128xf32, #tpu.memory_space<vmem>> -> memref<1x64x128xf32, #tpu.memory_space<vmem>>
      %dma_start3A_304 = tpu.memref_squeeze %dma_start3A_303 : memref<1x64x128xf32, #tpu.memory_space<vmem>> -> memref<64x128xf32, #tpu.memory_space<vmem>>
      %dma_start3A_305 = arith.constant 0 : i32
      %dma_start3A_306 = tpu.memref_slice %arg5[%arg0, %add3A_286, %dma_start3A_305] : memref<2x10240x128xf32, #tpu.memory_space<hbm>> -> memref<1x64x128xf32, #tpu.memory_space<hbm>>
      %dma_start3A_307 = tpu.memref_squeeze %dma_start3A_306 : memref<1x64x128xf32, #tpu.memory_space<hbm>> -> memref<64x128xf32, #tpu.memory_space<hbm>>
      %dma_start3A_308 = arith.constant 0 : i32
      %dma_start3A_309 = tpu.memref_slice %arg5[%arg0, %add3A_286, %dma_start3A_308] : memref<2x10240x128xf32, #tpu.memory_space<hbm>> -> memref<1x64x128xf32, #tpu.memory_space<hbm>>
      %dma_start3A_310 = tpu.memref_squeeze %dma_start3A_309 : memref<1x64x128xf32, #tpu.memory_space<hbm>> -> memref<64x128xf32, #tpu.memory_space<hbm>>
      %dma_start3A_311 = arith.constant 0 : i32
      %dma_start3A_312 = arith.constant 0 : i32
      %dma_start3A_313 = tpu.memref_slice %arg8[%run_scoped3A_287, %dma_start3A_311, %dma_start3A_312] : memref<2x64x128xf32, #tpu.memory_space<vmem>> -> memref<1x64x128xf32, #tpu.memory_space<vmem>>
      %dma_start3A_314 = tpu.memref_squeeze %dma_start3A_313 : memref<1x64x128xf32, #tpu.memory_space<vmem>> -> memref<64x128xf32, #tpu.memory_space<vmem>>
      tpu.enqueue_dma source(%dma_start3A_314 : memref<64x128xf32, #tpu.memory_space<vmem>>) target(%dma_start3A_310 : memref<64x128xf32, #tpu.memory_space<hbm>>) target_semaphore(%run_scoped3A_300 : memref<!tpu.dma_semaphore, #tpu.memory_space<semaphore_mem>>)
      %dma_wait3A_315 = arith.constant 0 : i32
      %dma_wait3A_316 = arith.constant 0 : i32
      %dma_wait3A_317 = tpu.memref_slice %arg8[%run_scoped3A_287, %dma_wait3A_315, %dma_wait3A_316] : memref<2x64x128xf32, #tpu.memory_space<vmem>> -> memref<1x64x128xf32, #tpu.memory_space<vmem>>
      %dma_wait3A_318 = tpu.memref_squeeze %dma_wait3A_317 : memref<1x64x128xf32, #tpu.memory_space<vmem>> -> memref<64x128xf32, #tpu.memory_space<vmem>>
      %dma_wait3A_319 = arith.constant 0 : i32
      %dma_wait3A_320 = tpu.memref_slice %arg5[%arg0, %add3A_286, %dma_wait3A_319] : memref<2x10240x128xf32, #tpu.memory_space<hbm>> -> memref<1x64x128xf32, #tpu.memory_space<hbm>>
      %dma_wait3A_321 = tpu.memref_squeeze %dma_wait3A_320 : memref<1x64x128xf32, #tpu.memory_space<hbm>> -> memref<64x128xf32, #tpu.memory_space<hbm>>
      %dma_wait3A_322 = arith.constant 0 : i32
      %dma_wait3A_323 = tpu.memref_slice %arg5[%arg0, %add3A_286, %dma_wait3A_322] : memref<2x10240x128xf32, #tpu.memory_space<hbm>> -> memref<1x64x128xf32, #tpu.memory_space<hbm>>
      %dma_wait3A_324 = tpu.memref_squeeze %dma_wait3A_323 : memref<1x64x128xf32, #tpu.memory_space<hbm>> -> memref<64x128xf32, #tpu.memory_space<hbm>>
      %dma_wait3A_325 = arith.constant 0 : i32
      %dma_wait3A_326 = arith.constant 0 : i32
      %dma_wait3A_327 = tpu.memref_slice %arg8[%run_scoped3A_287, %dma_wait3A_325, %dma_wait3A_326] : memref<2x64x128xf32, #tpu.memory_space<vmem>> -> memref<1x64x128xf32, #tpu.memory_space<vmem>>
      %dma_wait3A_328 = tpu.memref_squeeze %dma_wait3A_327 : memref<1x64x128xf32, #tpu.memory_space<vmem>> -> memref<64x128xf32, #tpu.memory_space<vmem>>
      tpu.wait_dma2 semaphore(%run_scoped3A_300 : memref<!tpu.dma_semaphore, #tpu.memory_space<semaphore_mem>>) src(%dma_wait3A_328 : memref<64x128xf32, #tpu.memory_space<vmem>>) dst(%dma_wait3A_324 : memref<64x128xf32, #tpu.memory_space<hbm>>)
      tpu.yield
    }) : () -> ()
    %add3A_288 = arith.constant 512 : i32
    %add3A_289 = arith.addi %mul3A_2, %add3A_288 : i32
    %run_scoped3A_290 = arith.constant 0 : i32
    "tpu.region"() ({
      %run_scoped3A_300 = tpu.sem_alloc : memref<!tpu.dma_semaphore, #tpu.memory_space<semaphore_mem>>
      %dma_start3A_301 = arith.constant 0 : i32
      %dma_start3A_302 = arith.constant 0 : i32
      %dma_start3A_303 = tpu.memref_slice %arg8[%run_scoped3A_290, %dma_start3A_301, %dma_start3A_302] : memref<2x64x128xf32, #tpu.memory_space<vmem>> -> memref<1x64x128xf32, #tpu.memory_space<vmem>>
      %dma_start3A_304 = tpu.memref_squeeze %dma_start3A_303 : memref<1x64x128xf32, #tpu.memory_space<vmem>> -> memref<64x128xf32, #tpu.memory_space<vmem>>
      %dma_start3A_305 = arith.constant 0 : i32
      %dma_start3A_306 = tpu.memref_slice %arg9[%add3A_289, %dma_start3A_305] : memref<10240x128xf32, #tpu.memory_space<vmem_shared>> -> memref<64x128xf32, #tpu.memory_space<vmem_shared>>
      %dma_start3A_307 = arith.constant 0 : i32
      %dma_start3A_308 = arith.constant 0 : i32
      %dma_start3A_309 = tpu.memref_slice %arg8[%run_scoped3A_290, %dma_start3A_307, %dma_start3A_308] : memref<2x64x128xf32, #tpu.memory_space<vmem>> -> memref<1x64x128xf32, #tpu.memory_space<vmem>>
      %dma_start3A_310 = tpu.memref_squeeze %dma_start3A_309 : memref<1x64x128xf32, #tpu.memory_space<vmem>> -> memref<64x128xf32, #tpu.memory_space<vmem>>
      %dma_start3A_311 = arith.constant 0 : i32
      %dma_start3A_312 = tpu.memref_slice %arg9[%add3A_289, %dma_start3A_311] : memref<10240x128xf32, #tpu.memory_space<vmem_shared>> -> memref<64x128xf32, #tpu.memory_space<vmem_shared>>
      tpu.enqueue_dma source(%dma_start3A_312 : memref<64x128xf32, #tpu.memory_space<vmem_shared>>) target(%dma_start3A_310 : memref<64x128xf32, #tpu.memory_space<vmem>>) target_semaphore(%run_scoped3A_300 : memref<!tpu.dma_semaphore, #tpu.memory_space<semaphore_mem>>)
      %dma_wait3A_313 = arith.constant 0 : i32
      %dma_wait3A_314 = arith.constant 0 : i32
      %dma_wait3A_315 = tpu.memref_slice %arg8[%run_scoped3A_290, %dma_wait3A_313, %dma_wait3A_314] : memref<2x64x128xf32, #tpu.memory_space<vmem>> -> memref<1x64x128xf32, #tpu.memory_space<vmem>>
      %dma_wait3A_316 = tpu.memref_squeeze %dma_wait3A_315 : memref<1x64x128xf32, #tpu.memory_space<vmem>> -> memref<64x128xf32, #tpu.memory_space<vmem>>
      %dma_wait3A_317 = arith.constant 0 : i32
      %dma_wait3A_318 = tpu.memref_slice %arg9[%add3A_289, %dma_wait3A_317] : memref<10240x128xf32, #tpu.memory_space<vmem_shared>> -> memref<64x128xf32, #tpu.memory_space<vmem_shared>>
      %dma_wait3A_319 = arith.constant 0 : i32
      %dma_wait3A_320 = arith.constant 0 : i32
      %dma_wait3A_321 = tpu.memref_slice %arg8[%run_scoped3A_290, %dma_wait3A_319, %dma_wait3A_320] : memref<2x64x128xf32, #tpu.memory_space<vmem>> -> memref<1x64x128xf32, #tpu.memory_space<vmem>>
      %dma_wait3A_322 = tpu.memref_squeeze %dma_wait3A_321 : memref<1x64x128xf32, #tpu.memory_space<vmem>> -> memref<64x128xf32, #tpu.memory_space<vmem>>
      %dma_wait3A_323 = arith.constant 0 : i32
      %dma_wait3A_324 = tpu.memref_slice %arg9[%add3A_289, %dma_wait3A_323] : memref<10240x128xf32, #tpu.memory_space<vmem_shared>> -> memref<64x128xf32, #tpu.memory_space<vmem_shared>>
      tpu.wait_dma2 semaphore(%run_scoped3A_300 : memref<!tpu.dma_semaphore, #tpu.memory_space<semaphore_mem>>) src(%dma_wait3A_324 : memref<64x128xf32, #tpu.memory_space<vmem_shared>>) dst(%dma_wait3A_322 : memref<64x128xf32, #tpu.memory_space<vmem>>)
      tpu.yield
    }) : () -> ()
    %add3A_291 = arith.constant 512 : i32
    %add3A_292 = arith.addi %mul3A_2, %add3A_291 : i32
    %run_scoped3A_293 = arith.constant 0 : i32
    "tpu.region"() ({
      %run_scoped3A_300 = tpu.sem_alloc : memref<!tpu.dma_semaphore, #tpu.memory_space<semaphore_mem>>
      %dma_start3A_301 = arith.constant 0 : i32
      %dma_start3A_302 = arith.constant 0 : i32
      %dma_start3A_303 = tpu.memref_slice %arg8[%run_scoped3A_293, %dma_start3A_301, %dma_start3A_302] : memref<2x64x128xf32, #tpu.memory_space<vmem>> -> memref<1x64x128xf32, #tpu.memory_space<vmem>>
      %dma_start3A_304 = tpu.memref_squeeze %dma_start3A_303 : memref<1x64x128xf32, #tpu.memory_space<vmem>> -> memref<64x128xf32, #tpu.memory_space<vmem>>
      %dma_start3A_305 = arith.constant 0 : i32
      %dma_start3A_306 = tpu.memref_slice %arg5[%arg0, %add3A_292, %dma_start3A_305] : memref<2x10240x128xf32, #tpu.memory_space<hbm>> -> memref<1x64x128xf32, #tpu.memory_space<hbm>>
      %dma_start3A_307 = tpu.memref_squeeze %dma_start3A_306 : memref<1x64x128xf32, #tpu.memory_space<hbm>> -> memref<64x128xf32, #tpu.memory_space<hbm>>
      %dma_start3A_308 = arith.constant 0 : i32
      %dma_start3A_309 = tpu.memref_slice %arg5[%arg0, %add3A_292, %dma_start3A_308] : memref<2x10240x128xf32, #tpu.memory_space<hbm>> -> memref<1x64x128xf32, #tpu.memory_space<hbm>>
      %dma_start3A_310 = tpu.memref_squeeze %dma_start3A_309 : memref<1x64x128xf32, #tpu.memory_space<hbm>> -> memref<64x128xf32, #tpu.memory_space<hbm>>
      %dma_start3A_311 = arith.constant 0 : i32
      %dma_start3A_312 = arith.constant 0 : i32
      %dma_start3A_313 = tpu.memref_slice %arg8[%run_scoped3A_293, %dma_start3A_311, %dma_start3A_312] : memref<2x64x128xf32, #tpu.memory_space<vmem>> -> memref<1x64x128xf32, #tpu.memory_space<vmem>>
      %dma_start3A_314 = tpu.memref_squeeze %dma_start3A_313 : memref<1x64x128xf32, #tpu.memory_space<vmem>> -> memref<64x128xf32, #tpu.memory_space<vmem>>
      tpu.enqueue_dma source(%dma_start3A_314 : memref<64x128xf32, #tpu.memory_space<vmem>>) target(%dma_start3A_310 : memref<64x128xf32, #tpu.memory_space<hbm>>) target_semaphore(%run_scoped3A_300 : memref<!tpu.dma_semaphore, #tpu.memory_space<semaphore_mem>>)
      %dma_wait3A_315 = arith.constant 0 : i32
      %dma_wait3A_316 = arith.constant 0 : i32
      %dma_wait3A_317 = tpu.memref_slice %arg8[%run_scoped3A_293, %dma_wait3A_315, %dma_wait3A_316] : memref<2x64x128xf32, #tpu.memory_space<vmem>> -> memref<1x64x128xf32, #tpu.memory_space<vmem>>
      %dma_wait3A_318 = tpu.memref_squeeze %dma_wait3A_317 : memref<1x64x128xf32, #tpu.memory_space<vmem>> -> memref<64x128xf32, #tpu.memory_space<vmem>>
      %dma_wait3A_319 = arith.constant 0 : i32
      %dma_wait3A_320 = tpu.memref_slice %arg5[%arg0, %add3A_292, %dma_wait3A_319] : memref<2x10240x128xf32, #tpu.memory_space<hbm>> -> memref<1x64x128xf32, #tpu.memory_space<hbm>>
      %dma_wait3A_321 = tpu.memref_squeeze %dma_wait3A_320 : memref<1x64x128xf32, #tpu.memory_space<hbm>> -> memref<64x128xf32, #tpu.memory_space<hbm>>
      %dma_wait3A_322 = arith.constant 0 : i32
      %dma_wait3A_323 = tpu.memref_slice %arg5[%arg0, %add3A_292, %dma_wait3A_322] : memref<2x10240x128xf32, #tpu.memory_space<hbm>> -> memref<1x64x128xf32, #tpu.memory_space<hbm>>
      %dma_wait3A_324 = tpu.memref_squeeze %dma_wait3A_323 : memref<1x64x128xf32, #tpu.memory_space<hbm>> -> memref<64x128xf32, #tpu.memory_space<hbm>>
      %dma_wait3A_325 = arith.constant 0 : i32
      %dma_wait3A_326 = arith.constant 0 : i32
      %dma_wait3A_327 = tpu.memref_slice %arg8[%run_scoped3A_293, %dma_wait3A_325, %dma_wait3A_326] : memref<2x64x128xf32, #tpu.memory_space<vmem>> -> memref<1x64x128xf32, #tpu.memory_space<vmem>>
      %dma_wait3A_328 = tpu.memref_squeeze %dma_wait3A_327 : memref<1x64x128xf32, #tpu.memory_space<vmem>> -> memref<64x128xf32, #tpu.memory_space<vmem>>
      tpu.wait_dma2 semaphore(%run_scoped3A_300 : memref<!tpu.dma_semaphore, #tpu.memory_space<semaphore_mem>>) src(%dma_wait3A_328 : memref<64x128xf32, #tpu.memory_space<vmem>>) dst(%dma_wait3A_324 : memref<64x128xf32, #tpu.memory_space<hbm>>)
      tpu.yield
    }) : () -> ()
    %add3A_294 = arith.constant 576 : i32
    %add3A_295 = arith.addi %mul3A_2, %add3A_294 : i32
    %run_scoped3A_296 = arith.constant 0 : i32
    "tpu.region"() ({
      %run_scoped3A_300 = tpu.sem_alloc : memref<!tpu.dma_semaphore, #tpu.memory_space<semaphore_mem>>
      %dma_start3A_301 = arith.constant 0 : i32
      %dma_start3A_302 = arith.constant 0 : i32
      %dma_start3A_303 = tpu.memref_slice %arg8[%run_scoped3A_296, %dma_start3A_301, %dma_start3A_302] : memref<2x64x128xf32, #tpu.memory_space<vmem>> -> memref<1x64x128xf32, #tpu.memory_space<vmem>>
      %dma_start3A_304 = tpu.memref_squeeze %dma_start3A_303 : memref<1x64x128xf32, #tpu.memory_space<vmem>> -> memref<64x128xf32, #tpu.memory_space<vmem>>
      %dma_start3A_305 = arith.constant 0 : i32
      %dma_start3A_306 = tpu.memref_slice %arg9[%add3A_295, %dma_start3A_305] : memref<10240x128xf32, #tpu.memory_space<vmem_shared>> -> memref<64x128xf32, #tpu.memory_space<vmem_shared>>
      %dma_start3A_307 = arith.constant 0 : i32
      %dma_start3A_308 = arith.constant 0 : i32
      %dma_start3A_309 = tpu.memref_slice %arg8[%run_scoped3A_296, %dma_start3A_307, %dma_start3A_308] : memref<2x64x128xf32, #tpu.memory_space<vmem>> -> memref<1x64x128xf32, #tpu.memory_space<vmem>>
      %dma_start3A_310 = tpu.memref_squeeze %dma_start3A_309 : memref<1x64x128xf32, #tpu.memory_space<vmem>> -> memref<64x128xf32, #tpu.memory_space<vmem>>
      %dma_start3A_311 = arith.constant 0 : i32
      %dma_start3A_312 = tpu.memref_slice %arg9[%add3A_295, %dma_start3A_311] : memref<10240x128xf32, #tpu.memory_space<vmem_shared>> -> memref<64x128xf32, #tpu.memory_space<vmem_shared>>
      tpu.enqueue_dma source(%dma_start3A_312 : memref<64x128xf32, #tpu.memory_space<vmem_shared>>) target(%dma_start3A_310 : memref<64x128xf32, #tpu.memory_space<vmem>>) target_semaphore(%run_scoped3A_300 : memref<!tpu.dma_semaphore, #tpu.memory_space<semaphore_mem>>)
      %dma_wait3A_313 = arith.constant 0 : i32
      %dma_wait3A_314 = arith.constant 0 : i32
      %dma_wait3A_315 = tpu.memref_slice %arg8[%run_scoped3A_296, %dma_wait3A_313, %dma_wait3A_314] : memref<2x64x128xf32, #tpu.memory_space<vmem>> -> memref<1x64x128xf32, #tpu.memory_space<vmem>>
      %dma_wait3A_316 = tpu.memref_squeeze %dma_wait3A_315 : memref<1x64x128xf32, #tpu.memory_space<vmem>> -> memref<64x128xf32, #tpu.memory_space<vmem>>
      %dma_wait3A_317 = arith.constant 0 : i32
      %dma_wait3A_318 = tpu.memref_slice %arg9[%add3A_295, %dma_wait3A_317] : memref<10240x128xf32, #tpu.memory_space<vmem_shared>> -> memref<64x128xf32, #tpu.memory_space<vmem_shared>>
      %dma_wait3A_319 = arith.constant 0 : i32
      %dma_wait3A_320 = arith.constant 0 : i32
      %dma_wait3A_321 = tpu.memref_slice %arg8[%run_scoped3A_296, %dma_wait3A_319, %dma_wait3A_320] : memref<2x64x128xf32, #tpu.memory_space<vmem>> -> memref<1x64x128xf32, #tpu.memory_space<vmem>>
      %dma_wait3A_322 = tpu.memref_squeeze %dma_wait3A_321 : memref<1x64x128xf32, #tpu.memory_space<vmem>> -> memref<64x128xf32, #tpu.memory_space<vmem>>
      %dma_wait3A_323 = arith.constant 0 : i32
      %dma_wait3A_324 = tpu.memref_slice %arg9[%add3A_295, %dma_wait3A_323] : memref<10240x128xf32, #tpu.memory_space<vmem_shared>> -> memref<64x128xf32, #tpu.memory_space<vmem_shared>>
      tpu.wait_dma2 semaphore(%run_scoped3A_300 : memref<!tpu.dma_semaphore, #tpu.memory_space<semaphore_mem>>) src(%dma_wait3A_324 : memref<64x128xf32, #tpu.memory_space<vmem_shared>>) dst(%dma_wait3A_322 : memref<64x128xf32, #tpu.memory_space<vmem>>)
      tpu.yield
    }) : () -> ()
    %add3A_297 = arith.constant 576 : i32
    %add3A_298 = arith.addi %mul3A_2, %add3A_297 : i32
    %run_scoped3A_299 = arith.constant 0 : i32
    "tpu.region"() ({
      %run_scoped3A_300 = tpu.sem_alloc : memref<!tpu.dma_semaphore, #tpu.memory_space<semaphore_mem>>
      %dma_start3A_301 = arith.constant 0 : i32
      %dma_start3A_302 = arith.constant 0 : i32
      %dma_start3A_303 = tpu.memref_slice %arg8[%run_scoped3A_299, %dma_start3A_301, %dma_start3A_302] : memref<2x64x128xf32, #tpu.memory_space<vmem>> -> memref<1x64x128xf32, #tpu.memory_space<vmem>>
      %dma_start3A_304 = tpu.memref_squeeze %dma_start3A_303 : memref<1x64x128xf32, #tpu.memory_space<vmem>> -> memref<64x128xf32, #tpu.memory_space<vmem>>
      %dma_start3A_305 = arith.constant 0 : i32
      %dma_start3A_306 = tpu.memref_slice %arg5[%arg0, %add3A_298, %dma_start3A_305] : memref<2x10240x128xf32, #tpu.memory_space<hbm>> -> memref<1x64x128xf32, #tpu.memory_space<hbm>>
      %dma_start3A_307 = tpu.memref_squeeze %dma_start3A_306 : memref<1x64x128xf32, #tpu.memory_space<hbm>> -> memref<64x128xf32, #tpu.memory_space<hbm>>
      %dma_start3A_308 = arith.constant 0 : i32
      %dma_start3A_309 = tpu.memref_slice %arg5[%arg0, %add3A_298, %dma_start3A_308] : memref<2x10240x128xf32, #tpu.memory_space<hbm>> -> memref<1x64x128xf32, #tpu.memory_space<hbm>>
      %dma_start3A_310 = tpu.memref_squeeze %dma_start3A_309 : memref<1x64x128xf32, #tpu.memory_space<hbm>> -> memref<64x128xf32, #tpu.memory_space<hbm>>
      %dma_start3A_311 = arith.constant 0 : i32
      %dma_start3A_312 = arith.constant 0 : i32
      %dma_start3A_313 = tpu.memref_slice %arg8[%run_scoped3A_299, %dma_start3A_311, %dma_start3A_312] : memref<2x64x128xf32, #tpu.memory_space<vmem>> -> memref<1x64x128xf32, #tpu.memory_space<vmem>>
      %dma_start3A_314 = tpu.memref_squeeze %dma_start3A_313 : memref<1x64x128xf32, #tpu.memory_space<vmem>> -> memref<64x128xf32, #tpu.memory_space<vmem>>
      tpu.enqueue_dma source(%dma_start3A_314 : memref<64x128xf32, #tpu.memory_space<vmem>>) target(%dma_start3A_310 : memref<64x128xf32, #tpu.memory_space<hbm>>) target_semaphore(%run_scoped3A_300 : memref<!tpu.dma_semaphore, #tpu.memory_space<semaphore_mem>>)
      %dma_wait3A_315 = arith.constant 0 : i32
      %dma_wait3A_316 = arith.constant 0 : i32
      %dma_wait3A_317 = tpu.memref_slice %arg8[%run_scoped3A_299, %dma_wait3A_315, %dma_wait3A_316] : memref<2x64x128xf32, #tpu.memory_space<vmem>> -> memref<1x64x128xf32, #tpu.memory_space<vmem>>
      %dma_wait3A_318 = tpu.memref_squeeze %dma_wait3A_317 : memref<1x64x128xf32, #tpu.memory_space<vmem>> -> memref<64x128xf32, #tpu.memory_space<vmem>>
      %dma_wait3A_319 = arith.constant 0 : i32
      %dma_wait3A_320 = tpu.memref_slice %arg5[%arg0, %add3A_298, %dma_wait3A_319] : memref<2x10240x128xf32, #tpu.memory_space<hbm>> -> memref<1x64x128xf32, #tpu.memory_space<hbm>>
      %dma_wait3A_321 = tpu.memref_squeeze %dma_wait3A_320 : memref<1x64x128xf32, #tpu.memory_space<hbm>> -> memref<64x128xf32, #tpu.memory_space<hbm>>
      %dma_wait3A_322 = arith.constant 0 : i32
      %dma_wait3A_323 = tpu.memref_slice %arg5[%arg0, %add3A_298, %dma_wait3A_322] : memref<2x10240x128xf32, #tpu.memory_space<hbm>> -> memref<1x64x128xf32, #tpu.memory_space<hbm>>
      %dma_wait3A_324 = tpu.memref_squeeze %dma_wait3A_323 : memref<1x64x128xf32, #tpu.memory_space<hbm>> -> memref<64x128xf32, #tpu.memory_space<hbm>>
      %dma_wait3A_325 = arith.constant 0 : i32
      %dma_wait3A_326 = arith.constant 0 : i32
      %dma_wait3A_327 = tpu.memref_slice %arg8[%run_scoped3A_299, %dma_wait3A_325, %dma_wait3A_326] : memref<2x64x128xf32, #tpu.memory_space<vmem>> -> memref<1x64x128xf32, #tpu.memory_space<vmem>>
      %dma_wait3A_328 = tpu.memref_squeeze %dma_wait3A_327 : memref<1x64x128xf32, #tpu.memory_space<vmem>> -> memref<64x128xf32, #tpu.memory_space<vmem>>
      tpu.wait_dma2 semaphore(%run_scoped3A_300 : memref<!tpu.dma_semaphore, #tpu.memory_space<semaphore_mem>>) src(%dma_wait3A_328 : memref<64x128xf32, #tpu.memory_space<vmem>>) dst(%dma_wait3A_324 : memref<64x128xf32, #tpu.memory_space<hbm>>)
      tpu.yield
    }) : () -> ()
    return
  }
}

module attributes {stable_mosaic.version = 14 : i64} {
  func.func @_b0_body(%arg0: i32, %arg1: memref<1000x1xf32, #tpu.memory_space<vmem>>, %arg2: memref<1000x1xf32, #tpu.memory_space<vmem>>, %arg3: memref<1000x128xf32, #tpu.memory_space<vmem>>, %arg4: memref<1000x128xf32, #tpu.memory_space<vmem>>) attributes {dimension_semantics = [#tpu.dimension_semantics<arbitrary>], iteration_bounds = array<i64: 10>, scalar_prefetch = 0 : i64, scratch_operands = 0 : i64, tpu.core_type = #tpu.core_type<tc>, window_params = [{transform_indices = @transform_0, window_bounds = array<i64: 1000, 1>}, {transform_indices = @transform_1, window_bounds = array<i64: 1000, 1>}, {transform_indices = @transform_2, window_bounds = array<i64: 1000, 128>}, {transform_indices = @transform_3, window_bounds = array<i64: 1000, 128>}]} {
    %get3A = arith.constant 0 : index
    %get3A_0 = arith.constant 0 : index
    %get3A_1 = vector.load %arg1[%get3A, %get3A_0] : memref<1000x1xf32, #tpu.memory_space<vmem>>, vector<1000x1xf32>
    %get3A_2 = arith.constant 0 : index
    %get3A_3 = arith.constant 0 : index
    %get3A_4 = vector.load %arg2[%get3A_2, %get3A_3] : memref<1000x1xf32, #tpu.memory_space<vmem>>, vector<1000x1xf32>
    %add3A = arith.addf %get3A_1, %get3A_4 : vector<1000x1xf32>
    %add3A_5 = arith.constant 1.000000e+00 : f32
    %add3A_6 = vector.broadcast %add3A_5 : f32 to vector<1000x1xf32>
    %add3A_7 = arith.addf %add3A, %add3A_6 : vector<1000x1xf32>
    %rsqrt3A = math.rsqrt %add3A_7 : vector<1000x1xf32>
    %get3A_8 = arith.constant 0 : index
    %get3A_9 = arith.constant 0 : index
    %get3A_10 = vector.load %arg3[%get3A_8, %get3A_9] : memref<1000x128xf32, #tpu.memory_space<vmem>>, vector<1000x128xf32>
    %mul3A = vector.broadcast %rsqrt3A : vector<1000x1xf32> to vector<1000x128xf32>
    %mul3A_11 = arith.mulf %get3A_10, %mul3A : vector<1000x128xf32>
    %swap3A = arith.constant 0 : index
    %swap3A_12 = arith.constant 0 : index
    %swap3A_13 = vector.load %arg4[%swap3A, %swap3A_12] : memref<1000x128xf32, #tpu.memory_space<vmem>>, vector<1000x128xf32>
    tpu.vector_store %arg4[%swap3A, %swap3A_12], %mul3A_11 {strides = array<i32>} : memref<1000x128xf32, #tpu.memory_space<vmem>>, vector<1000x128xf32>,
    return
  }
  func.func @transform_0(%arg0: i32) -> (i32, i32) {
    %c0_i32 = arith.constant 0 : i32
    %c0_i32_0 = arith.constant 0 : i32
    return %arg0, %c0_i32 : i32, i32
  }
  func.func @transform_1(%arg0: i32) -> (i32, i32) {
    %c0_i32 = arith.constant 0 : i32
    %c0_i32_0 = arith.constant 0 : i32
    return %arg0, %c0_i32 : i32, i32
  }
  func.func @transform_2(%arg0: i32) -> (i32, i32) {
    %c0_i32 = arith.constant 0 : i32
    %c0_i32_0 = arith.constant 0 : i32
    return %arg0, %c0_i32 : i32, i32
  }
  func.func @transform_3(%arg0: i32) -> (i32, i32) {
    %c0_i32 = arith.constant 0 : i32
    %c0_i32_0 = arith.constant 0 : i32
    return %arg0, %c0_i32 : i32, i32
  }
}

module attributes {stable_mosaic.version = 14 : i64} {
  func.func @_t1_body(%arg0: i32, %arg1: memref<1000x128xf32, #tpu.memory_space<vmem>>, %arg2: memref<1000x128xf32, #tpu.memory_space<vmem>>, %arg3: memref<1000x128xf32, #tpu.memory_space<vmem>>, %arg4: memref<1000x128xf32, #tpu.memory_space<vmem>>, %arg5: memref<1000x1xf32, #tpu.memory_space<vmem>>, %arg6: memref<1000x1xf32, #tpu.memory_space<vmem>>, %arg7: memref<128x128xf32, #tpu.memory_space<vmem>>, %arg8: memref<1000x128xf32, #tpu.memory_space<vmem>>) attributes {dimension_semantics = [#tpu.dimension_semantics<arbitrary>], iteration_bounds = array<i64: 10>, scalar_prefetch = 0 : i64, scratch_operands = 0 : i64, tpu.core_type = #tpu.core_type<tc>, window_params = [{transform_indices = @transform_0, window_bounds = array<i64: 1000, 128>}, {transform_indices = @transform_1, window_bounds = array<i64: 1000, 128>}, {transform_indices = @transform_2, window_bounds = array<i64: 1000, 128>}, {transform_indices = @transform_3, window_bounds = array<i64: 1000, 128>}, {transform_indices = @transform_4, window_bounds = array<i64: 1000, 1>}, {transform_indices = @transform_5, window_bounds = array<i64: 1000, 1>}, {pipeline_mode = #tpu.pipeline_mode<synchronous>, transform_indices = @transform_6, window_bounds = array<i64: 128, 128>}, {transform_indices = @transform_7, window_bounds = array<i64: 1000, 128>}]} {
    %get3A = arith.constant 0 : index
    %get3A_0 = arith.constant 0 : index
    %get3A_1 = vector.load %arg5[%get3A, %get3A_0] : memref<1000x1xf32, #tpu.memory_space<vmem>>, vector<1000x1xf32>
    %get3A_2 = arith.constant 0 : index
    %get3A_3 = arith.constant 0 : index
    %get3A_4 = vector.load %arg6[%get3A_2, %get3A_3] : memref<1000x1xf32, #tpu.memory_space<vmem>>, vector<1000x1xf32>
    %add3A = arith.addf %get3A_1, %get3A_4 : vector<1000x1xf32>
    %add3A_5 = arith.constant 1.000000e+00 : f32
    %add3A_6 = vector.broadcast %add3A_5 : f32 to vector<1000x1xf32>
    %add3A_7 = arith.addf %add3A, %add3A_6 : vector<1000x1xf32>
    %rsqrt3A = math.rsqrt %add3A_7 : vector<1000x1xf32>
    %get3A_8 = arith.constant 0 : index
    %get3A_9 = arith.constant 0 : index
    %get3A_10 = vector.load %arg1[%get3A_8, %get3A_9] : memref<1000x128xf32, #tpu.memory_space<vmem>>, vector<1000x128xf32>
    %get3A_11 = arith.constant 0 : index
    %get3A_12 = arith.constant 0 : index
    %get3A_13 = vector.load %arg2[%get3A_11, %get3A_12] : memref<1000x128xf32, #tpu.memory_space<vmem>>, vector<1000x128xf32>
    %add3A_14 = arith.addf %get3A_10, %get3A_13 : vector<1000x128xf32>
    %get3A_15 = arith.constant 0 : index
    %get3A_16 = arith.constant 0 : index
    %get3A_17 = vector.load %arg3[%get3A_15, %get3A_16] : memref<1000x128xf32, #tpu.memory_space<vmem>>, vector<1000x128xf32>
    %add3A_18 = arith.addf %add3A_14, %get3A_17 : vector<1000x128xf32>
    %mul3A = vector.broadcast %rsqrt3A : vector<1000x1xf32> to vector<1000x128xf32>
    %mul3A_19 = arith.mulf %mul3A, %add3A_18 : vector<1000x128xf32>
    %mul3A_20 = arith.constant 0.899999976 : f32
    %mul3A_21 = vector.broadcast %mul3A_20 : f32 to vector<1000x128xf32>
    %mul3A_22 = arith.mulf %mul3A_21, %mul3A_19 : vector<1000x128xf32>
    %get3A_23 = arith.constant 0 : index
    %get3A_24 = arith.constant 0 : index
    %get3A_25 = vector.load %arg4[%get3A_23, %get3A_24] : memref<1000x128xf32, #tpu.memory_space<vmem>>, vector<1000x128xf32>
    %mul3A_26 = arith.constant 1.000000e-01 : f32
    %mul3A_27 = vector.broadcast %mul3A_26 : f32 to vector<1000x128xf32>
    %mul3A_28 = arith.mulf %mul3A_27, %get3A_25 : vector<1000x128xf32>
    %add3A_29 = arith.addf %mul3A_22, %mul3A_28 : vector<1000x128xf32>
    %get3A_30 = arith.constant 0 : index
    %get3A_31 = arith.constant 0 : index
    %get3A_32 = vector.load %arg7[%get3A_30, %get3A_31] : memref<128x128xf32, #tpu.memory_space<vmem>>, vector<128x128xf32>
    %dot_general3A = arith.constant dense<0.000000e+00> : vector<1000x128xf32>
    %dot_general3A_33 = tpu.matmul %add3A_29, %get3A_32, %dot_general3A {dimension_numbers = #tpu.dot_dimension_numbers<[1], [0], [0], [1], [0, 0, 1, 1], [], []>, precision = #tpu.contract_precision<fp32>, transpose_lhs_hint = false} : vector<1000x128xf32>, vector<128x128xf32>, vector<1000x128xf32> -> vector<1000x128xf32>
    %ge3A = arith.constant 0.000000e+00 : f32
    %ge3A_34 = vector.broadcast %ge3A : f32 to vector<1000x128xf32>
    %ge3A_35 = arith.cmpf oge, %dot_general3A_33, %ge3A_34 : vector<1000x128xf32>
    %mul3A_36 = arith.constant 0.00999999977 : f32
    %mul3A_37 = vector.broadcast %mul3A_36 : f32 to vector<1000x128xf32>
    %mul3A_38 = arith.mulf %mul3A_37, %dot_general3A_33 : vector<1000x128xf32>
    %select_n3A = arith.select %ge3A_35, %dot_general3A_33, %mul3A_38 : vector<1000x128xi1>, vector<1000x128xf32>
    %mul3A_39 = vector.broadcast %rsqrt3A : vector<1000x1xf32> to vector<1000x128xf32>
    %mul3A_40 = arith.mulf %select_n3A, %mul3A_39 : vector<1000x128xf32>
    %swap3A = arith.constant 0 : index
    %swap3A_41 = arith.constant 0 : index
    %swap3A_42 = vector.load %arg8[%swap3A, %swap3A_41] : memref<1000x128xf32, #tpu.memory_space<vmem>>, vector<1000x128xf32>
    tpu.vector_store %arg8[%swap3A, %swap3A_41], %mul3A_40 {strides = array<i32>} : memref<1000x128xf32, #tpu.memory_space<vmem>>, vector<1000x128xf32>,
    return
  }
  func.func @transform_0(%arg0: i32) -> (i32, i32) {
    %c0_i32 = arith.constant 0 : i32
    %c0_i32_0 = arith.constant 0 : i32
    return %arg0, %c0_i32 : i32, i32
  }
  func.func @transform_1(%arg0: i32) -> (i32, i32) {
    %c0_i32 = arith.constant 0 : i32
    %c0_i32_0 = arith.constant 0 : i32
    return %arg0, %c0_i32 : i32, i32
  }
  func.func @transform_2(%arg0: i32) -> (i32, i32) {
    %c0_i32 = arith.constant 0 : i32
    %c0_i32_0 = arith.constant 0 : i32
    return %arg0, %c0_i32 : i32, i32
  }
  func.func @transform_3(%arg0: i32) -> (i32, i32) {
    %c0_i32 = arith.constant 0 : i32
    %c0_i32_0 = arith.constant 0 : i32
    return %arg0, %c0_i32 : i32, i32
  }
  func.func @transform_4(%arg0: i32) -> (i32, i32) {
    %c0_i32 = arith.constant 0 : i32
    %c0_i32_0 = arith.constant 0 : i32
    return %arg0, %c0_i32 : i32, i32
  }
  func.func @transform_5(%arg0: i32) -> (i32, i32) {
    %c0_i32 = arith.constant 0 : i32
    %c0_i32_0 = arith.constant 0 : i32
    return %arg0, %c0_i32 : i32, i32
  }
  func.func @transform_6(%arg0: i32) -> (i32, i32) {
    %c0_i32 = arith.constant 0 : i32
    %c0_i32_0 = arith.constant 0 : i32
    %c0_i32_1 = arith.constant 0 : i32
    return %c0_i32, %c0_i32_0 : i32, i32
  }
  func.func @transform_7(%arg0: i32) -> (i32, i32) {
    %c0_i32 = arith.constant 0 : i32
    %c0_i32_0 = arith.constant 0 : i32
    return %arg0, %c0_i32 : i32, i32
  }
}

module attributes {stable_mosaic.version = 14 : i64} {
  func.func @_t2_body(%arg0: i32, %arg1: memref<1000x128xf32, #tpu.memory_space<vmem>>, %arg2: memref<1000x128xf32, #tpu.memory_space<vmem>>, %arg3: memref<1000x128xf32, #tpu.memory_space<vmem>>, %arg4: memref<1000x128xf32, #tpu.memory_space<vmem>>, %arg5: memref<1000x1xf32, #tpu.memory_space<vmem>>, %arg6: memref<1000x1xf32, #tpu.memory_space<vmem>>, %arg7: memref<128x128xf32, #tpu.memory_space<vmem>>, %arg8: memref<128x128xf32, #tpu.memory_space<vmem>>, %arg9: memref<1x128xf32, #tpu.memory_space<vmem>>, %arg10: memref<128x64xf32, #tpu.memory_space<vmem>>, %arg11: memref<1x64xf32, #tpu.memory_space<vmem>>, %arg12: memref<1000x64xf32, #tpu.memory_space<vmem>>) attributes {dimension_semantics = [#tpu.dimension_semantics<arbitrary>], iteration_bounds = array<i64: 10>, scalar_prefetch = 0 : i64, scratch_operands = 0 : i64, tpu.core_type = #tpu.core_type<tc>, window_params = [{transform_indices = @transform_0, window_bounds = array<i64: 1000, 128>}, {transform_indices = @transform_1, window_bounds = array<i64: 1000, 128>}, {transform_indices = @transform_2, window_bounds = array<i64: 1000, 128>}, {transform_indices = @transform_3, window_bounds = array<i64: 1000, 128>}, {transform_indices = @transform_4, window_bounds = array<i64: 1000, 1>}, {transform_indices = @transform_5, window_bounds = array<i64: 1000, 1>}, {pipeline_mode = #tpu.pipeline_mode<synchronous>, transform_indices = @transform_6, window_bounds = array<i64: 128, 128>}, {pipeline_mode = #tpu.pipeline_mode<synchronous>, transform_indices = @transform_7, window_bounds = array<i64: 128, 128>}, {pipeline_mode = #tpu.pipeline_mode<synchronous>, transform_indices = @transform_8, window_bounds = array<i64: 1, 128>}, {pipeline_mode = #tpu.pipeline_mode<synchronous>, transform_indices = @transform_9, window_bounds = array<i64: 128, 64>}, {pipeline_mode = #tpu.pipeline_mode<synchronous>, transform_indices = @transform_10, window_bounds = array<i64: 1, 64>}, {transform_indices = @transform_11, window_bounds = array<i64: 1000, 64>}]} {
    %get3A = arith.constant 0 : index
    %get3A_0 = arith.constant 0 : index
    %get3A_1 = vector.load %arg5[%get3A, %get3A_0] : memref<1000x1xf32, #tpu.memory_space<vmem>>, vector<1000x1xf32>
    %get3A_2 = arith.constant 0 : index
    %get3A_3 = arith.constant 0 : index
    %get3A_4 = vector.load %arg6[%get3A_2, %get3A_3] : memref<1000x1xf32, #tpu.memory_space<vmem>>, vector<1000x1xf32>
    %add3A = arith.addf %get3A_1, %get3A_4 : vector<1000x1xf32>
    %add3A_5 = arith.constant 1.000000e+00 : f32
    %add3A_6 = vector.broadcast %add3A_5 : f32 to vector<1000x1xf32>
    %add3A_7 = arith.addf %add3A, %add3A_6 : vector<1000x1xf32>
    %rsqrt3A = math.rsqrt %add3A_7 : vector<1000x1xf32>
    %get3A_8 = arith.constant 0 : index
    %get3A_9 = arith.constant 0 : index
    %get3A_10 = vector.load %arg1[%get3A_8, %get3A_9] : memref<1000x128xf32, #tpu.memory_space<vmem>>, vector<1000x128xf32>
    %get3A_11 = arith.constant 0 : index
    %get3A_12 = arith.constant 0 : index
    %get3A_13 = vector.load %arg2[%get3A_11, %get3A_12] : memref<1000x128xf32, #tpu.memory_space<vmem>>, vector<1000x128xf32>
    %add3A_14 = arith.addf %get3A_10, %get3A_13 : vector<1000x128xf32>
    %get3A_15 = arith.constant 0 : index
    %get3A_16 = arith.constant 0 : index
    %get3A_17 = vector.load %arg3[%get3A_15, %get3A_16] : memref<1000x128xf32, #tpu.memory_space<vmem>>, vector<1000x128xf32>
    %add3A_18 = arith.addf %add3A_14, %get3A_17 : vector<1000x128xf32>
    %mul3A = vector.broadcast %rsqrt3A : vector<1000x1xf32> to vector<1000x128xf32>
    %mul3A_19 = arith.mulf %mul3A, %add3A_18 : vector<1000x128xf32>
    %mul3A_20 = arith.constant 0.899999976 : f32
    %mul3A_21 = vector.broadcast %mul3A_20 : f32 to vector<1000x128xf32>
    %mul3A_22 = arith.mulf %mul3A_21, %mul3A_19 : vector<1000x128xf32>
    %get3A_23 = arith.constant 0 : index
    %get3A_24 = arith.constant 0 : index
    %get3A_25 = vector.load %arg4[%get3A_23, %get3A_24] : memref<1000x128xf32, #tpu.memory_space<vmem>>, vector<1000x128xf32>
    %mul3A_26 = arith.constant 1.000000e-01 : f32
    %mul3A_27 = vector.broadcast %mul3A_26 : f32 to vector<1000x128xf32>
    %mul3A_28 = arith.mulf %mul3A_27, %get3A_25 : vector<1000x128xf32>
    %add3A_29 = arith.addf %mul3A_22, %mul3A_28 : vector<1000x128xf32>
    %get3A_30 = arith.constant 0 : index
    %get3A_31 = arith.constant 0 : index
    %get3A_32 = vector.load %arg7[%get3A_30, %get3A_31] : memref<128x128xf32, #tpu.memory_space<vmem>>, vector<128x128xf32>
    %dot_general3A = arith.constant dense<0.000000e+00> : vector<1000x128xf32>
    %dot_general3A_33 = tpu.matmul %add3A_29, %get3A_32, %dot_general3A {dimension_numbers = #tpu.dot_dimension_numbers<[1], [0], [0], [1], [0, 0, 1, 1], [], []>, precision = #tpu.contract_precision<fp32>, transpose_lhs_hint = false} : vector<1000x128xf32>, vector<128x128xf32>, vector<1000x128xf32> -> vector<1000x128xf32>
    %ge3A = arith.constant 0.000000e+00 : f32
    %ge3A_34 = vector.broadcast %ge3A : f32 to vector<1000x128xf32>
    %ge3A_35 = arith.cmpf oge, %dot_general3A_33, %ge3A_34 : vector<1000x128xf32>
    %mul3A_36 = arith.constant 0.00999999977 : f32
    %mul3A_37 = vector.broadcast %mul3A_36 : f32 to vector<1000x128xf32>
    %mul3A_38 = arith.mulf %mul3A_37, %dot_general3A_33 : vector<1000x128xf32>
    %select_n3A = arith.select %ge3A_35, %dot_general3A_33, %mul3A_38 : vector<1000x128xi1>, vector<1000x128xf32>
    %get3A_39 = arith.constant 0 : index
    %get3A_40 = arith.constant 0 : index
    %get3A_41 = vector.load %arg8[%get3A_39, %get3A_40] : memref<128x128xf32, #tpu.memory_space<vmem>>, vector<128x128xf32>
    %dot_general3A_42 = arith.constant dense<0.000000e+00> : vector<1000x128xf32>
    %dot_general3A_43 = tpu.matmul %select_n3A, %get3A_41, %dot_general3A_42 {dimension_numbers = #tpu.dot_dimension_numbers<[1], [0], [0], [1], [0, 0, 1, 1], [], []>, precision = #tpu.contract_precision<fp32>, transpose_lhs_hint = false} : vector<1000x128xf32>, vector<128x128xf32>, vector<1000x128xf32> -> vector<1000x128xf32>
    %get3A_44 = arith.constant 0 : index
    %get3A_45 = arith.constant 0 : index
    %get3A_46 = vector.load %arg9[%get3A_44, %get3A_45] : memref<1x128xf32, #tpu.memory_space<vmem>>, vector<1x128xf32>
    %add3A_47 = vector.broadcast %get3A_46 : vector<1x128xf32> to vector<1000x128xf32>
    %add3A_48 = arith.addf %dot_general3A_43, %add3A_47 : vector<1000x128xf32>
    %get3A_49 = arith.constant 0 : index
    %get3A_50 = arith.constant 0 : index
    %get3A_51 = vector.load %arg10[%get3A_49, %get3A_50] : memref<128x64xf32, #tpu.memory_space<vmem>>, vector<128x64xf32>
    %dot_general3A_52 = arith.constant dense<0.000000e+00> : vector<1000x64xf32>
    %dot_general3A_53 = tpu.matmul %add3A_48, %get3A_51, %dot_general3A_52 {dimension_numbers = #tpu.dot_dimension_numbers<[1], [0], [0], [1], [0, 0, 1, 1], [], []>, precision = #tpu.contract_precision<fp32>, transpose_lhs_hint = false} : vector<1000x128xf32>, vector<128x64xf32>, vector<1000x64xf32> -> vector<1000x64xf32>
    %get3A_54 = arith.constant 0 : index
    %get3A_55 = arith.constant 0 : index
    %get3A_56 = vector.load %arg11[%get3A_54, %get3A_55] : memref<1x64xf32, #tpu.memory_space<vmem>>, vector<1x64xf32>
    %add3A_57 = vector.broadcast %get3A_56 : vector<1x64xf32> to vector<1000x64xf32>
    %add3A_58 = arith.addf %dot_general3A_53, %add3A_57 : vector<1000x64xf32>
    %swap3A = arith.constant 0 : index
    %swap3A_59 = arith.constant 0 : index
    %swap3A_60 = vector.load %arg12[%swap3A, %swap3A_59] : memref<1000x64xf32, #tpu.memory_space<vmem>>, vector<1000x64xf32>
    tpu.vector_store %arg12[%swap3A, %swap3A_59], %add3A_58 {strides = array<i32>} : memref<1000x64xf32, #tpu.memory_space<vmem>>, vector<1000x64xf32>,
    return
  }
  func.func @transform_0(%arg0: i32) -> (i32, i32) {
    %c0_i32 = arith.constant 0 : i32
    %c0_i32_0 = arith.constant 0 : i32
    return %arg0, %c0_i32 : i32, i32
  }
  func.func @transform_1(%arg0: i32) -> (i32, i32) {
    %c0_i32 = arith.constant 0 : i32
    %c0_i32_0 = arith.constant 0 : i32
    return %arg0, %c0_i32 : i32, i32
  }
  func.func @transform_2(%arg0: i32) -> (i32, i32) {
    %c0_i32 = arith.constant 0 : i32
    %c0_i32_0 = arith.constant 0 : i32
    return %arg0, %c0_i32 : i32, i32
  }
  func.func @transform_3(%arg0: i32) -> (i32, i32) {
    %c0_i32 = arith.constant 0 : i32
    %c0_i32_0 = arith.constant 0 : i32
    return %arg0, %c0_i32 : i32, i32
  }
  func.func @transform_4(%arg0: i32) -> (i32, i32) {
    %c0_i32 = arith.constant 0 : i32
    %c0_i32_0 = arith.constant 0 : i32
    return %arg0, %c0_i32 : i32, i32
  }
  func.func @transform_5(%arg0: i32) -> (i32, i32) {
    %c0_i32 = arith.constant 0 : i32
    %c0_i32_0 = arith.constant 0 : i32
    return %arg0, %c0_i32 : i32, i32
  }
  func.func @transform_6(%arg0: i32) -> (i32, i32) {
    %c0_i32 = arith.constant 0 : i32
    %c0_i32_0 = arith.constant 0 : i32
    %c0_i32_1 = arith.constant 0 : i32
    return %c0_i32, %c0_i32_0 : i32, i32
  }
  func.func @transform_7(%arg0: i32) -> (i32, i32) {
    %c0_i32 = arith.constant 0 : i32
    %c0_i32_0 = arith.constant 0 : i32
    %c0_i32_1 = arith.constant 0 : i32
    return %c0_i32, %c0_i32_0 : i32, i32
  }
  func.func @transform_8(%arg0: i32) -> (i32, i32) {
    %c0_i32 = arith.constant 0 : i32
    %c0_i32_0 = arith.constant 0 : i32
    %c0_i32_1 = arith.constant 0 : i32
    return %c0_i32, %c0_i32_0 : i32, i32
  }
  func.func @transform_9(%arg0: i32) -> (i32, i32) {
    %c0_i32 = arith.constant 0 : i32
    %c0_i32_0 = arith.constant 0 : i32
    %c0_i32_1 = arith.constant 0 : i32
    return %c0_i32, %c0_i32_0 : i32, i32
  }
  func.func @transform_10(%arg0: i32) -> (i32, i32) {
    %c0_i32 = arith.constant 0 : i32
    %c0_i32_0 = arith.constant 0 : i32
    %c0_i32_1 = arith.constant 0 : i32
    return %c0_i32, %c0_i32_0 : i32, i32
  }
  func.func @transform_11(%arg0: i32) -> (i32, i32) {
    %c0_i32 = arith.constant 0 : i32
    %c0_i32_0 = arith.constant 0 : i32
    return %arg0, %c0_i32 : i32, i32
  }
}

</mosaic_0001>

<sc_bundles>
// kernel: kernel.11.cloned.1.call-start
scs
__scs_entry_jumppad:
0x0: {  	(pc) =	sbr.rel $0x88, $3  }
0x1: {  	(tag) =	ssettag $0x0;
	lr =	simm.s32 $0x1  }
0x2: {  	[smem:$0x3F99] =	sst lr;
	_ =	strace $0xD0000000  }
0x3: {  	_ = 	snop  }
0x4: {  	_ = 	snop  }
0x5: {  	_ = 	snop  }
0x6: {  	_ = 	snop  }
0x7: {  	_ = 	snop  }
__scs_overlays_trampoline_lowered:
0x8: {  	[smem:$0x3FA8] =	sst s0  }
0x9: {  	[smem:$0x3FA9] =	sst s1  }
0xa: {  	[smem:$0x3FAA] =	sst s2  }
0xb: {  	[smem:$0x3FAB] =	sst s3  }
0xc: {  	[smem:$0x3FAC] =	sst s4  }
0xd: {  	[smem:$0x3FAD] =	sst s5  }
0xe: {  	[smem:$0x3FAE] =	sst s6  }
0xf: {  	[smem:$0x3FAF] =	sst s7  }
0x10: {  	[smem:$0x3FB0] =	sst s8  }
0x11: {  	[smem:$0x3FB1] =	sst s9;
	s0 =	simm.s32 @!p0 $0x0  }
0x12: {  	s1 =	sld [smem:$0x3F97];
	s0 =	simm.s32 @p0 $0x1  }
0x13: {  	[smem:$0x3FB2] =	sst s0;
	s0 =	simm.s32 @!p1 $0x0  }
0x14: {  	s2 =	sld [smem:$0x3F96];
	s0 =	simm.s32 @p1 $0x1  }
0x15: {  	[smem:$0x3FB3] =	sst s0;
	s0 =	simm.s32 @!p2 $0x0  }
0x16: {  	s3 =	sld [smem:$0x3FDB];
	s0 =	simm.s32 @p2 $0x1  }
0x17: {  	s4 =	simm.s32 $0x1BF5;
	[smem:$0x3FB5] =	sst s0  }
0x18: {  	s0 =	sld [smem:$0x3F98];
	_ =	swait.ge [sflag:s4], $0x0  }
0x19: {  	s7 =	sld [smem:$0x3F99]  }
0x1a: {  	s8 =	sadd.s32 $0xFFFFE003, lr  }
0x1b: {  	s9 =	sadd.s32 $0xFFFFFEF7, lr;
	s5 =	simm.s32 $0xFFFFFFFF;
	p2 =	slt.u32 s8, $0xFFFFF086  }
0x1c: {  	p1 =	slt.u32 s9, $0xF7A;
	s5 =	simm.s32 @!p2 $0x0  }
0x1d: {  	s5 =	simm.s32 @p1 $0x1;
	p0 =	seq.s32 s7, s2  }
0x1e: {  	s7 =	smul.u32 @!p0 $0xF7A, s2;
	p2 =	seq.s32 @!p0 s5, $0x0  }
0x1f: {  	s9 =	smul.u32 $0xF7A, s1;
	s8 =	simm.s32 @!p0 $0x1BF5;
	p2 =	por !p2, p0  }
0x20: {  	[sflag:s8] =	ssyncset.s32 @!p0 $0xFFFFF086;
	s6 =	sadd.s32 @!p0 s3, s7;
	s7 =	simm.s32 @!p0 $0x108  }
0x21: {  	s3 =	sadd.s32 s3, s9;
	s6 =	sadd.s32 @!p0 $0x88, s6;
	s7 =	simm.s32 @p2 $0x1082  }
0x22: {  	[simem:s7], [sflag:s8] =	dma.local @!p0 [hbm:s6], $0xF7A  }
0x23: {  	s9 =	sor.u32 $0xD0000000, s2;
	s6 =	simm.s32 $0x108;
	_ =	swait.ge @!p0 [sflag:s8], $0x0  }
0x24: {  	s3 =	sadd.s32 $0x88, s3;
	s6 =	simm.s32 @!p1 $0x1082;
	[sflag:s4] =	ssyncset.s32 $0xFFFFF086  }
0x25: {  	[simem:s6], [sflag:s4] =	dma.local [hbm:s3], $0xF7A  }
0x26: {  	[smem:$0x3F99] =	sst s1;
	(tag) =	ssettag s2;
	_ =	strace s9  }
0x27: {  	s1 =	sld [smem:$0x3FA9]  }
0x28: {  	s2 =	sld [smem:$0x3FAA]  }
0x29: {  	s4 =	sld [smem:$0x3FAC]  }
0x2a: {  	p0 =	seq.s32 s5, $0x0;
	s5 =	sld [smem:$0x3FAD]  }
0x2b: {  	s6 =	sld [smem:$0x3FAE]  }
0x2c: {  	s7 =	sld [smem:$0x3FAF]  }
0x2d: {  	s3 =	simm.s32 $0x108;
	s8 =	sld [smem:$0x3FB0]  }
0x2e: {  	s3 =	simm.s32 @!p0 $0x1082;
	s9 =	sld [smem:$0x3FB1]  }
0x2f: {  	lr =	sadd.s32 s0, s3;
	s0 =	sld [smem:$0x3FA8]  }
0x30: {  	s3 =	sld [smem:$0x3FAB]  }
0x31: {  	[smem:$0x3FB4] =	sst s10  }
0x32: {  	s10 =	sld [smem:$0x3FB2];
	_ =	sdelay $0x3  }
0x33: {  	p0 =	seq.s32 s10, $0x1;
	s10 =	sld [smem:$0x3FB4];
	_ =	sdelay $0x3  }
0x34: {  	[smem:$0x3FB4] =	sst s10  }
0x35: {  	s10 =	sld [smem:$0x3FB3];
	_ =	sdelay $0x3  }
0x36: {  	p1 =	seq.s32 s10, $0x1;
	s10 =	sld [smem:$0x3FB4];
	_ =	sdelay $0x3  }
0x37: {  	[smem:$0x3FB4] =	sst s10  }
0x38: {  	s10 =	sld [smem:$0x3FB5]  }
0x39: {  	_ = 	snop;
	(pc) =	sbr.ind lr, $3  }
0x3a: {  	_ = 	snop  }
0x3b: {  	_ = 	snop  }
0x3c: {  	p2 =	seq.s32 s10, $0x1;
	s10 =	sld [smem:$0x3FB4]  }
0x3d: {  	_ =	shalt  }
0x3e: {  	_ =	shalt  }
0x3f: {  	_ =	shalt  }
0x40: {  	_ =	shalt  }
0x41: {  	_ =	shalt  }
0x42: {  	_ =	shalt  }
0x43: {  	_ =	shalt  }
0x44: {  	_ =	shalt  }
0x45: {  	_ =	shalt  }
0x46: {  	_ =	shalt  }
0x47: {  	_ =	shalt  }
0x48: {  	_ =	shalt  }
0x49: {  	_ =	shalt  }
0x4a: {  	_ =	shalt  }
0x4b: {  	_ =	shalt  }
0x4c: {  	_ =	shalt  }
0x4d: {  	_ =	shalt  }
0x4e: {  	_ =	shalt  }
0x4f: {  	_ =	shalt  }
0x50: {  	_ =	shalt  }
0x51: {  	_ =	shalt  }
0x52: {  	_ =	shalt  }
0x53: {  	_ =	shalt  }
0x54: {  	_ =	shalt  }
0x55: {  	_ =	shalt  }
0x56: {  	_ =	shalt  }
0x57: {  	_ =	shalt  }
0x58: {  	_ =	shalt  }
0x59: {  	_ =	shalt  }
0x5a: {  	_ =	shalt  }
0x5b: {  	_ =	shalt  }
0x5c: {  	_ =	shalt  }
0x5d: {  	_ =	shalt  }
0x5e: {  	_ =	shalt  }
0x5f: {  	_ =	shalt  }
0x60: {  	_ =	shalt  }
0x61: {  	_ =	shalt  }
0x62: {  	_ =	shalt  }
0x63: {  	_ =	shalt  }
0x64: {  	_ =	shalt  }
0x65: {  	_ =	shalt  }
0x66: {  	_ =	shalt  }
0x67: {  	_ =	shalt  }
0x68: {  	_ =	shalt  }
0x69: {  	_ =	shalt  }
0x6a: {  	_ =	shalt  }
0x6b: {  	_ =	shalt  }
0x6c: {  	_ =	shalt  }
0x6d: {  	_ =	shalt  }
0x6e: {  	_ =	shalt  }
0x6f: {  	_ =	shalt  }
0x70: {  	_ =	shalt  }
0x71: {  	_ =	shalt  }
0x72: {  	_ =	shalt  }
0x73: {  	_ =	shalt  }
0x74: {  	_ =	shalt  }
0x75: {  	_ =	shalt  }
0x76: {  	_ =	shalt  }
0x77: {  	_ =	shalt  }
0x78: {  	_ =	shalt  }
0x79: {  	_ =	shalt  }
0x7a: {  	_ =	shalt  }
0x7b: {  	_ =	shalt  }
0x7c: {  	_ =	shalt  }
0x7d: {  	_ =	shalt  }
0x7e: {  	_ =	shalt  }
0x7f: {  	_ =	shalt  }
0x80: {  	_ =	shalt  }
0x81: {  	_ =	shalt  }
0x82: {  	_ =	shalt  }
0x83: {  	_ =	shalt  }
0x84: {  	_ =	shalt  }
0x85: {  	_ =	shalt  }
0x86: {  	_ =	shalt  }
0x87: {  	_ =	shalt  }
.Lfunc_end0:
.L_simem_size_0:
called_computation.1_lowered:
.L_overlay_start_0:
0x88: {  	s2 =	sld [smem:$0x3FD9]  }
0x89: {  	s3 =	sld [smem:$0x3FFE];
	_ =	sdelay $0x1  }
0x8a: {  	s1 =	srdreg.scid  }
0x8b: {  	s0 =	sand.u32 $0x1, s1  }
0x8c: {  	s16 =	sshll.u32 s0, $0xA;
	s2 =	sadd.s32 s3, s2  }
0x8d: {  	s2 =	sadd.s32 s2, s16  }
0x8e: {  	[smem:$0x3FC0] =	sst s2  }
0x8f: {  	_ = 	snop  }
0x90: {  	(tm) =	ssettm $0x1  }
0x91: {  	s17 =	sld [smem:$0x3FFB];
	_ =	sdelay $0x3  }
0x92: {  	_ =	strace s17  }
0x93: {  	s2 =	sld [smem:$0x3FFC];
	_ =	sdelay $0x3  }
0x94: {  	_ =	strace s2  }
0x95: {  	s2 =	sld [smem:$0x3FFD];
	_ =	sdelay $0x3  }
0x96: {  	_ =	strace s2  }
0x97: {  	_ =	strace $0x8FFFFFFF  }
0x98: {  	s18 =	sld [smem:$0x3FDB];
	_ =	sdelay $0x1  }
0x99: {  	s19 =	simm.s32 $_scs_section_size  }
0x9a: {  	s4 =	simm.s32 $_size__tile_overlayer_lowered;
	s5 =	simm.s32 $_tile_overlayer_lowered  }
0x9b: {  	s22 =	simm.s32 $0x1BFF;
	s21 =	sshll.u32 s5, $0x1;
	s2 =	sadd.s32 s19, s18  }
0x9c: {  	s6 =	simm.s32 $0x0;
	s20 =	sshll.u32 s4, $0x1;
	s4 =	sadd.s32 s21, s2  }
0x9d: {  	[timem:s6], [sflag:s22] =	dma.local [hbm:s4], s20  }
0x9e: {  	_ =	swait.ge [sflag:s22], s20  }
0x9f: {  	s3 =	ssub.s32 $0x0, s20;
	[sflag:s22] =	ssyncset.done $0x0  }
0xa0: {  	[sflag:s22] =	ssyncadd.s32 s3;
	_ =	sdelay $0x1  }
0xa1: {  	s23 =	simm.s32 $0x1B8B  }
0xa2: {  	_ =	swait.ge [sflag:s23], $0x1  }
0xa3: {  	[sflag:s23] =	ssyncset.done $0x0  }
0xa4: {  	s25 =	simm.s32 $0x1B8E;
	s24 =	sld [smem:$0x3FFE];
	[sflag:s23] =	ssyncadd.s32 $0xFFFFFFFF  }
0xa5: {  	s26 =	simm.s32 $execute0_lowered;
	[smem:$0x3FD2] =	sst s25  }
0xa6: {  	s4 =	sshll.u32 s26, $0x1;
	_ =	strace $0x80000049;
	[dreg:$0x1] =	wrdreg $0xFFFFFFFF  }
0xa7: {  	s28 =	simm.s32 $_size_execute0_lowered;
	s2 =	sadd.s32 s2, s4;
	[dreg:$0x0] =	wrdreg $0x0  }
0xa8: {  	s4 =	sshll.u32 s28, $0x1;
	[dreg:$0x2] =	wrdreg s2  }
0xa9: {  	[dreg:$0x3] =	wrdreg s4  }
0xaa: {  	[dreg:$0x4] =	wrdreg $0xC0  }
0xab: {  	_ =	task [dreg:s6], $0x5FFFF  }
0xac: {  	[dreg:$0x1] =	wrdreg $0xFFFFFFFF  }
0xad: {  	[dreg:$0x0] =	wrdreg $0x60  }
0xae: {  	[dreg:$0x2] =	wrdreg s24  }
0xaf: {  	[dreg:$0x3] =	wrdreg $0x90000  }
0xb0: {  	[dreg:$0x4] =	wrdreg $0x9  }
0xb1: {  	_ =	task.clear_ibuf [dreg:s6], $0x5FFFF;
	_ =	strace $0x90000049  }
0xb2: {  	s29 =	simm.s32 $0x9;
	_ =	strace $0x8000004B  }
0xb3: {  	_ =	swait.ge [sflag:s29], $0x1  }
0xb4: {  	[sflag:s29] =	ssyncadd.s32 $0xFFFFFFFF  }
0xb5: {  	_ =	strace $0x9000004B  }
0xb6: {  	_ =	sfence  }
0xb7: {  	s30 =	sld [smem:$0x0];
	_ =	sdelay $0x2  }
0xb8: {  	s31 =	sshll.u32 s1, $0xD;
	s1 =	sshrl.u32 s1, $0x2  }
0xb9: {  	s3 =	sand.u32 $0x4000, s31;
	s1 =	sadd.s32 s1, s30  }
0xba: {  	s0 =	sor.u32 s3, s0;
	s1 =	sshll.u32 s1, $0x11  }
0xbb: {  	s0 =	sor.u32 s1, s0  }
0xbc: {  	s0 =	sadd.s32 $0x8F2B, s0  }
0xbd: {  	[sflag:s0] =	ssyncadd.remote.s32 $0x1  }
0xbe: {  	_ =	sfence.sel $0xFFFF  }
0xbf: {  	[dreg:$0x0] =	wrdreg $0xFFFFFFFF;
	(pc) =	sbr.abs _section_cstart, $3  }
0xc0: {  	[dreg:$0x1] =	wrdreg $0xFFFFFFFF  }
0xc1: {  	_ =	task.clear_ibuf [dreg:s6], $0x2FFFF;
	_ =	strace $0x9FFFFFFF  }
0xc2: {  	(tm) =	ssettm $0x7FFFFFFF  }
0xc3: {  	_ =	shalt  }
tec
execute0_lowered:
.L_overlay_start_1:
0x0: {  	(tag) =	ssettag $0x1  }
0x1: {  	s0 =	rddreg [dreg:$0x0]  }
0x2: {  	s1 =	simm.s32 $0x0;
	s2 =	srdreg.scid;
	s16 =	stileid.u32  }
0x3: {  	s31 =	simm.s32 $0x5000;
	[smem:$0x7FF] =	sst s1;
	s3 =	sadd.s32 $0x17200, s0  }
0x4: {  	s4 =	sand.u32 $0x1, s2;
	s5 =	sadd.s32 $0x3200, s0;
	s6 =	smul.u32 $0x14000, s16  }
0x5: {  	s7 =	sadd.s32 $0xA0800, s0;
	s2 =	ssub.s32 $0x2, s4;
	s9 =	sshll.u32 s4, $0x4  }
0x6: {  	s4 =	smul.u32 $0x140000, s4;
	s8 =	sshrl.u32 s2, $0x1;
	s19 =	sor.u32 s16, s9  }
0x7: {  	s9 =	sor.u32 $0x2000, s6;
	s10 =	sadd.s32 $0x4000, s6;
	s11 =	sadd.s32 $0x6000, s6  }
0x8: {  	s12 =	sadd.s32 $0x8000, s6;
	s13 =	sadd.s32 $0xA000, s6;
	s14 =	sadd.s32 $0xC000, s6  }
0x9: {  	s26 =	sadd.s32 $0xE000, s6;
	s28 =	sadd.s32 $0x10000, s6;
	s29 =	sadd.s32 $0x12000, s6  }
0xa: {  	s2 =	ssub.s32 s2, s8;
	s8 =	smul.u32 $0x5000, s19;
	s21 =	sadd.s32 s6, s4  }
0xb: {  	s22 =	sadd.s32 s4, s9;
	s23 =	sadd.s32 s4, s10;
	s6 =	sadd.s32 s4, s12  }
0xc: {  	s18 =	sadd.s32 s4, s14;
	s19 =	sadd.s32 s4, s26;
	s8 =	sshrl.u32 s8, $0x3  }
0xd: {  	s25 =	sshrl.u32 s23, $0x3;
	s23 =	smul.u32 $0x50000, s16;
	s17 =	sadd.s32 s3, s8  }
0xe: {  	s15 =	sadd.s32 $0x500, s8;
	s8 =	sadd.s32 s5, s8;
	[dreg:$0x3] =	wrdreg s17  }
0xf: {  	s30 =	smax.u32 s2, $0x1;
	[dreg:$0x4] =	wrdreg s8;
	s3 =	sadd.s32 s3, s15  }
0x10: {  	s2 =	simm.s32 $0x40;
	s20 =	sadd.s32 s5, s15;
	[dreg:$0x5] =	wrdreg s3  }
0x11: {  	s5 =	sshrl.u32 s22, $0x3;
	s8 =	sadd.s32 s4, s13;
	[dreg:$0x6] =	wrdreg s20  }
0x12: {  	s3 =	sshrl.u32 s21, $0x3;
	s24 =	sadd.s32 s7, s5;
	s5 =	sadd.s32 s4, s11  }
0x13: {  	s17 =	sshrl.u32 s8, $0x3;
	s20 =	sadd.s32 s4, s28;
	s4 =	sadd.s32 s4, s29  }
0x14: {  	s8 =	simm.s32 $0x4;
	s3 =	sadd.s32 s7, s3;
	[dreg:$0x8] =	wrdreg s24  }
0x15: {  	s22 =	sshrl.u32 s20, $0x3;
	[dreg:$0x7] =	wrdreg s3;
	s3 =	sadd.s32 s7, s25  }
0x16: {  	s24 =	sshrl.u32 s4, $0x3;
	[dreg:$0x9] =	wrdreg s3;
	s3 =	sshrl.u32 s5, $0x3  }
0x17: {  	s4 =	simm.s32 $0x80;
	s5 =	sshrl.u32 s6, $0x3;
	s3 =	sadd.s32 s7, s3  }
0x18: {  	s25 =	sshrl.u32 s23, $0x2;
	s15 =	sadd.s32 s7, s5;
	[dreg:$0xa] =	wrdreg s3  }
0x19: {  	s6 =	simm.s32 $0x2;
	s5 =	sshrl.u32 s19, $0x3;
	[dreg:$0xb] =	wrdreg s15  }
0x1a: {  	s3 =	sadd.s32 s7, s17;
	s21 =	sadd.s32 s7, s5;
	s15 =	rddreg [dreg:$0x1]  }
0x1b: {  	s17 =	sadd.s32 s7, s24;
	s5 =	simm.s32 $0x7000;
	[dreg:$0xc] =	wrdreg s3  }
0x1c: {  	s3 =	sshrl.u32 s18, $0x3;
	[dreg:$0xe] =	wrdreg s21;
	s18 =	sadd.s32 $0x79600, s0  }
0x1d: {  	s19 =	sadd.s32 s25, s15;
	s20 =	sadd.s32 s9, s15;
	s21 =	sadd.s32 s10, s15  }
0x1e: {  	s23 =	sadd.s32 s12, s15;
	s24 =	sadd.s32 s13, s15;
	s25 =	sadd.s32 s14, s15  }
0x1f: {  	s26 =	sadd.s32 s26, s15;
	s28 =	sadd.s32 s28, s15;
	s29 =	sadd.s32 s29, s15  }
0x20: {  	s14 =	simm.s32 $0x5;
	s0 =	simm.s32 $0x2800;
	s3 =	sadd.s32 s7, s3  }
0x21: {  	s9 =	simm.s32 $0x4F80;
	[dreg:$0xd] =	wrdreg s3;
	s3 =	sadd.s32 s7, s22  }
0x22: {  	s10 =	simm.s32 $0x0;
	s22 =	sadd.s32 s11, s15;
	[dreg:$0xf] =	wrdreg s3  }
0x23: {  	v0 =	vimm.f32 $0.0e+00;
	s7 =	simm.s32 $0x3;
	s3 =	simm.s32 $0x1;
	_ =	strace $0x8000004A  }
.LBB2_1:
0x24: {  	s11 =	sand.u32 $0x7E00, s1  }
0x25: {  	s12 =	sand.u32 $0x70, s1;
	s13 =	sshrl.u32 s11, $0x2  }
0x26: {  	s11 =	simm.s32 $0x40;
	s13 =	sor.u32 s12, s13;
	s12 =	simm.s32 $0x0  }
.LBB2_2:
0x27: {  	p0 =	sne.s32 s11, $0x7FC0  }
0x28: {  	[tilespmem:s13+$0x5000] =	vst v0;
	s12 =	sadd.s32 $0x10, s12;
	s13 =	smov.u32 s11;
	s11 =	sadd.s32 $0x40, s11  }
.Ltmp0:
0x29: {  	(pc) =	sbr.rel @p0 .LBB2_2-.Ltmp0, $4  }
0x2a: {  	_ = 	snop  }
0x2b: {  	s13 =	sand.u32 $0x7E00, s13  }
0x2c: {  	s16 =	sand.u32 $0x70, s12;
	s13 =	sshrl.u32 s13, $0x2  }
0x2d: {  	s13 =	sor.u32 s16, s13  }
0x2e: {  	[tilespmem:s13+$0x5000] =	vst v0  }
0x2f: {  	[spmem:s19] =	stream.linear.scatter [tilespmem:s31], [sflag:$0x5], $0x2000, $0x38;
	[tilespmem:$0x1D000] =	vst v63  }
0x30: {  	_ =	swait.ge [sflag:s14], $0x2000  }
0x31: {  	[sflag:s14] =	ssyncset.done $0x0  }
0x32: {  	[sflag:s14] =	ssyncadd.s32 $0xFFFFE000  }
0x33: {  	[spmem:s20] =	stream.linear.scatter [tilespmem:s31], [sflag:$0x5], $0x2000, $0x38;
	[tilespmem:$0x1D000] =	vst v63  }
0x34: {  	_ =	swait.ge [sflag:s14], $0x2000  }
0x35: {  	[sflag:s14] =	ssyncset.done $0x0  }
0x36: {  	[sflag:s14] =	ssyncadd.s32 $0xFFFFE000  }
0x37: {  	[spmem:s21] =	stream.linear.scatter [tilespmem:s31], [sflag:$0x5], $0x2000, $0x38;
	[tilespmem:$0x1D000] =	vst v63  }
0x38: {  	_ =	swait.ge [sflag:s14], $0x2000  }
0x39: {  	[sflag:s14] =	ssyncset.done $0x0  }
0x3a: {  	[sflag:s14] =	ssyncadd.s32 $0xFFFFE000  }
0x3b: {  	[spmem:s22] =	stream.linear.scatter [tilespmem:s31], [sflag:$0x5], $0x2000, $0x38;
	[tilespmem:$0x1D000] =	vst v63  }
0x3c: {  	_ =	swait.ge [sflag:s14], $0x2000  }
0x3d: {  	[sflag:s14] =	ssyncset.done $0x0  }
0x3e: {  	[sflag:s14] =	ssyncadd.s32 $0xFFFFE000  }
0x3f: {  	[spmem:s23] =	stream.linear.scatter [tilespmem:s31], [sflag:$0x5], $0x2000, $0x38;
	[tilespmem:$0x1D000] =	vst v63  }
0x40: {  	_ =	swait.ge [sflag:s14], $0x2000  }
0x41: {  	[sflag:s14] =	ssyncset.done $0x0  }
0x42: {  	[sflag:s14] =	ssyncadd.s32 $0xFFFFE000  }
0x43: {  	[spmem:s24] =	stream.linear.scatter [tilespmem:s31], [sflag:$0x5], $0x2000, $0x38;
	[tilespmem:$0x1D000] =	vst v63  }
0x44: {  	_ =	swait.ge [sflag:s14], $0x2000  }
0x45: {  	[sflag:s14] =	ssyncset.done $0x0  }
0x46: {  	[sflag:s14] =	ssyncadd.s32 $0xFFFFE000  }
0x47: {  	[spmem:s25] =	stream.linear.scatter [tilespmem:s31], [sflag:$0x5], $0x2000, $0x38;
	[tilespmem:$0x1D000] =	vst v63  }
0x48: {  	_ =	swait.ge [sflag:s14], $0x2000  }
0x49: {  	[sflag:s14] =	ssyncset.done $0x0  }
0x4a: {  	[sflag:s14] =	ssyncadd.s32 $0xFFFFE000  }
0x4b: {  	[spmem:s26] =	stream.linear.scatter [tilespmem:s31], [sflag:$0x5], $0x2000, $0x38;
	[tilespmem:$0x1D000] =	vst v63  }
0x4c: {  	_ =	swait.ge [sflag:s14], $0x2000  }
0x4d: {  	[sflag:s14] =	ssyncset.done $0x0  }
0x4e: {  	[sflag:s14] =	ssyncadd.s32 $0xFFFFE000  }
0x4f: {  	[spmem:s28] =	stream.linear.scatter [tilespmem:s31], [sflag:$0x5], $0x2000, $0x38;
	[tilespmem:$0x1D000] =	vst v63  }
0x50: {  	_ =	swait.ge [sflag:s14], $0x2000  }
0x51: {  	[sflag:s14] =	ssyncset.done $0x0  }
0x52: {  	[sflag:s14] =	ssyncadd.s32 $0xFFFFE000  }
0x53: {  	[spmem:s29] =	stream.linear.scatter [tilespmem:s31], [sflag:$0x5], $0x2000, $0x38;
	[tilespmem:$0x1D000] =	vst v63  }
0x54: {  	_ =	swait.ge [sflag:s14], $0x2000  }
0x55: {  	[sflag:s14] =	ssyncset.done $0x0  }
0x56: {  	[sflag:s14] =	ssyncadd.s32 $0xFFFFE000  }
0x57: {  	[bflag:$0x0] =	sbarrier.arrive $0xFFFF  }
0x58: {  	s11 =	rddreg [dreg:$0x3]  }
0x59: {  	[tilespmem:s1], [sflag:$0x5] =	stream.linear.gather [hbm4b:s11+s1], $0x2800, $0x38;
	[tilespmem:$0x1D000] =	vst v63  }
0x5a: {  	_ =	swait.ge [sflag:s14], $0x2800  }
0x5b: {  	[sflag:s14] =	ssyncset.done $0x0  }
0x5c: {  	s16 =	rddreg [dreg:$0x4];
	[sflag:s14] =	ssyncadd.s32 $0xFFFFD800  }
0x5d: {  	[tilespmem:s0], [sflag:$0x5] =	stream.linear.gather [hbm4b:s16+s1], $0x2800, $0x38;
	[tilespmem:$0x1D000] =	vst v63  }
0x5e: {  	_ =	swait.ge [sflag:s14], $0x2800  }
0x5f: {  	[sflag:s14] =	ssyncset.done $0x0  }
0x60: {  	[sflag:s14] =	ssyncadd.s32 $0xFFFFD800  }
0x61: {  	[tilespmem:s31], [sflag:$0x1] =	stream.indirect.gather [hbm4b:s18+s2], $0x80, s1, s2, $0xb8;
	[tilespmem:$0x1D000] =	vst v63  }
0x62: {  	_ =	swait.ge [sflag:s3], $0x2000  }
0x63: {  	[sflag:s3] =	ssyncset.done $0x0  }
0x64: {  	[sflag:s3] =	ssyncadd.s32 $0xFFFFE000  }
0x65: {  	[spmem:s15] =	stream.indirect.scatter.add.f32 [tilespmem:s31], [sflag:$0x3], $0x80, s0, s2, $0xb8;
	[tilespmem:$0x1D000] =	vst v63  }
0x66: {  	_ = 	snop  }
0x67: {  	[tilespmem:s5], [sflag:$0x2] =	stream.indirect.gather [hbm4b:s18+s2], $0x80, s4, s2, $0xb8;
	[tilespmem:$0x1D000] =	vst v63  }
0x68: {  	_ =	swait.ge [sflag:s6], $0x2000  }
0x69: {  	[sflag:s6] =	ssyncset.done $0x0  }
0x6a: {  	[sflag:s6] =	ssyncadd.s32 $0xFFFFE000  }
0x6b: {  	_ =	swait.ge [sflag:s7], $0x2000  }
0x6c: {  	[sflag:s7] =	ssyncset.done $0x0  }
0x6d: {  	s12 =	simm.s32 $0x100;
	[sflag:s7] =	ssyncadd.s32 $0xFFFFE000  }
0x6e: {  	[tilespmem:s31], [sflag:$0x1] =	stream.indirect.gather [hbm4b:s18+s2], $0x80, s12, s2, $0xb8;
	[tilespmem:$0x1D000] =	vst v63  }
0x6f: {  	s13 =	simm.s32 $0x2880  }
0x70: {  	[spmem:s15] =	stream.indirect.scatter.add.f32 [tilespmem:s5], [sflag:$0x4], $0x80, s13, s2, $0xb8;
	[tilespmem:$0x1D000] =	vst v63  }
0x71: {  	_ =	swait.ge [sflag:s3], $0x2000  }
0x72: {  	[sflag:s3] =	ssyncset.done $0x0  }
0x73: {  	[sflag:s3] =	ssyncadd.s32 $0xFFFFE000  }
0x74: {  	_ =	swait.ge [sflag:s8], $0x2000  }
0x75: {  	s11 =	simm.s32 $0xFFFF6800;
	[sflag:s8] =	ssyncset.done $0x0  }
0x76: {  	s16 =	simm.s32 $0x180;
	s12 =	simm.s32 $0x2900;
	[sflag:s8] =	ssyncadd.s32 $0xFFFFE000  }
0x77: {  	[tilespmem:s5], [sflag:$0x2] =	stream.indirect.gather [hbm4b:s18+s2], $0x80, s16, s2, $0xb8;
	[tilespmem:$0x1D000] =	vst v63  }
.LBB2_4:
0x78: {  	[spmem:s15] =	stream.indirect.scatter.add.f32 [tilespmem:s31], [sflag:$0x3], $0x80, s12, s2, $0xb8;
	[tilespmem:$0x1D000] =	vst v63  }
0x79: {  	s12 =	smov.u32 s11  }
0x7a: {  	p0 =	sne.s32 s11, $0xFFFFFC00;
	s11 =	sadd.s32 $0x400, s11;
	_ =	swait.ge [sflag:s6], $0x2000  }
0x7b: {  	[sflag:s6] =	ssyncset.done $0x0  }
0x7c: {  	[sflag:s6] =	ssyncadd.s32 $0xFFFFE000  }
0x7d: {  	_ =	swait.ge [sflag:s7], $0x2000  }
0x7e: {  	s12 =	sshra.s32 s12, $0x2;
	[sflag:s7] =	ssyncset.done $0x0  }
0x7f: {  	s13 =	sadd.s32 $0x2800, s12;
	[sflag:s7] =	ssyncadd.s32 $0xFFFFE000  }
0x80: {  	[tilespmem:s31], [sflag:$0x1] =	stream.indirect.gather [hbm4b:s18+s2], $0x80, s13, s2, $0xb8;
	[tilespmem:$0x1D000] =	vst v63  }
0x81: {  	s13 =	sadd.s32 $0x4F80, s12  }
0x82: {  	[spmem:s15] =	stream.indirect.scatter.add.f32 [tilespmem:s5], [sflag:$0x4], $0x80, s13, s2, $0xb8;
	[tilespmem:$0x1D000] =	vst v63  }
0x83: {  	_ =	swait.ge [sflag:s3], $0x2000  }
0x84: {  	[sflag:s3] =	ssyncset.done $0x0  }
0x85: {  	[sflag:s3] =	ssyncadd.s32 $0xFFFFE000  }
.Ltmp1:
0x86: {  	_ =	swait.ge [sflag:s8], $0x2000;
	(pc) =	sbr.rel @p0 .LBB2_4-.Ltmp1, $4  }
0x87: {  	[sflag:s8] =	ssyncset.done $0x0  }
0x88: {  	s13 =	sadd.s32 $0x2880, s12;
	[sflag:s8] =	ssyncadd.s32 $0xFFFFE000  }
0x89: {  	[tilespmem:s5], [sflag:$0x2] =	stream.indirect.gather [hbm4b:s18+s2], $0x80, s13, s2, $0xb8;
	[tilespmem:$0x1D000] =	vst v63  }
0x8a: {  	s12 =	sadd.s32 $0x5000, s12  }
0x8b: {  	[spmem:s15] =	stream.indirect.scatter.add.f32 [tilespmem:s31], [sflag:$0x3], $0x80, s12, s2, $0xb8;
	[tilespmem:$0x1D000] =	vst v63  }
0x8c: {  	_ =	swait.ge [sflag:s6], $0x2000  }
0x8d: {  	[sflag:s6] =	ssyncset.done $0x0  }
0x8e: {  	[sflag:s6] =	ssyncadd.s32 $0xFFFFE000  }
0x8f: {  	_ =	swait.ge [sflag:s7], $0x2000  }
0x90: {  	[sflag:s7] =	ssyncset.done $0x0  }
0x91: {  	[sflag:s7] =	ssyncadd.s32 $0xFFFFE000  }
0x92: {  	[spmem:s15] =	stream.indirect.scatter.add.f32 [tilespmem:s5], [sflag:$0x4], $0x80, s9, s2, $0xb8;
	[tilespmem:$0x1D000] =	vst v63  }
0x93: {  	_ =	swait.ge [sflag:s8], $0x2000  }
0x94: {  	[sflag:s8] =	ssyncset.done $0x0  }
0x95: {  	s11 =	rddreg [dreg:$0x5];
	[sflag:s8] =	ssyncadd.s32 $0xFFFFE000  }
0x96: {  	[tilespmem:s1], [sflag:$0x5] =	stream.linear.gather [hbm4b:s11+s1], $0x2800, $0x38;
	[tilespmem:$0x1D000] =	vst v63  }
0x97: {  	_ =	swait.ge [sflag:s14], $0x2800  }
0x98: {  	[sflag:s14] =	ssyncset.done $0x0  }
0x99: {  	s16 =	rddreg [dreg:$0x6];
	[sflag:s14] =	ssyncadd.s32 $0xFFFFD800  }
0x9a: {  	[tilespmem:s0], [sflag:$0x5] =	stream.linear.gather [hbm4b:s16+s1], $0x2800, $0x38;
	[tilespmem:$0x1D000] =	vst v63  }
0x9b: {  	_ =	swait.ge [sflag:s14], $0x2800  }
0x9c: {  	[sflag:s14] =	ssyncset.done $0x0  }
0x9d: {  	[sflag:s14] =	ssyncadd.s32 $0xFFFFD800  }
0x9e: {  	[tilespmem:s31], [sflag:$0x1] =	stream.indirect.gather [hbm4b:s18+s2], $0x80, s1, s2, $0xb8;
	[tilespmem:$0x1D000] =	vst v63  }
0x9f: {  	_ =	swait.ge [sflag:s3], $0x2000  }
0xa0: {  	[sflag:s3] =	ssyncset.done $0x0  }
0xa1: {  	[sflag:s3] =	ssyncadd.s32 $0xFFFFE000  }
0xa2: {  	[spmem:s15] =	stream.indirect.scatter.add.f32 [tilespmem:s31], [sflag:$0x3], $0x80, s0, s2, $0xb8;
	[tilespmem:$0x1D000] =	vst v63  }
0xa3: {  	_ = 	snop  }
0xa4: {  	[tilespmem:s5], [sflag:$0x2] =	stream.indirect.gather [hbm4b:s18+s2], $0x80, s4, s2, $0xb8;
	[tilespmem:$0x1D000] =	vst v63  }
0xa5: {  	_ =	swait.ge [sflag:s6], $0x2000  }
0xa6: {  	[sflag:s6] =	ssyncset.done $0x0  }
0xa7: {  	[sflag:s6] =	ssyncadd.s32 $0xFFFFE000  }
0xa8: {  	_ =	swait.ge [sflag:s7], $0x2000  }
0xa9: {  	[sflag:s7] =	ssyncset.done $0x0  }
0xaa: {  	s12 =	simm.s32 $0x100;
	[sflag:s7] =	ssyncadd.s32 $0xFFFFE000  }
0xab: {  	[tilespmem:s31], [sflag:$0x1] =	stream.indirect.gather [hbm4b:s18+s2], $0x80, s12, s2, $0xb8;
	[tilespmem:$0x1D000] =	vst v63  }
0xac: {  	s13 =	simm.s32 $0x2880  }
0xad: {  	[spmem:s15] =	stream.indirect.scatter.add.f32 [tilespmem:s5], [sflag:$0x4], $0x80, s13, s2, $0xb8;
	[tilespmem:$0x1D000] =	vst v63  }
0xae: {  	_ =	swait.ge [sflag:s3], $0x2000  }
0xaf: {  	[sflag:s3] =	ssyncset.done $0x0  }
0xb0: {  	[sflag:s3] =	ssyncadd.s32 $0xFFFFE000  }
0xb1: {  	_ =	swait.ge [sflag:s8], $0x2000  }
0xb2: {  	s11 =	simm.s32 $0xFFFF6800;
	[sflag:s8] =	ssyncset.done $0x0  }
0xb3: {  	s16 =	simm.s32 $0x180;
	s12 =	simm.s32 $0x2900;
	[sflag:s8] =	ssyncadd.s32 $0xFFFFE000  }
0xb4: {  	[tilespmem:s5], [sflag:$0x2] =	stream.indirect.gather [hbm4b:s18+s2], $0x80, s16, s2, $0xb8;
	[tilespmem:$0x1D000] =	vst v63  }
.LBB2_6:
0xb5: {  	[spmem:s15] =	stream.indirect.scatter.add.f32 [tilespmem:s31], [sflag:$0x3], $0x80, s12, s2, $0xb8;
	[tilespmem:$0x1D000] =	vst v63  }
0xb6: {  	s12 =	smov.u32 s11  }
0xb7: {  	p0 =	sne.s32 s11, $0xFFFFFC00;
	s11 =	sadd.s32 $0x400, s11;
	_ =	swait.ge [sflag:s6], $0x2000  }
0xb8: {  	[sflag:s6] =	ssyncset.done $0x0  }
0xb9: {  	[sflag:s6] =	ssyncadd.s32 $0xFFFFE000  }
0xba: {  	_ =	swait.ge [sflag:s7], $0x2000  }
0xbb: {  	s12 =	sshra.s32 s12, $0x2;
	[sflag:s7] =	ssyncset.done $0x0  }
0xbc: {  	s13 =	sadd.s32 $0x2800, s12;
	[sflag:s7] =	ssyncadd.s32 $0xFFFFE000  }
0xbd: {  	[tilespmem:s31], [sflag:$0x1] =	stream.indirect.gather [hbm4b:s18+s2], $0x80, s13, s2, $0xb8;
	[tilespmem:$0x1D000] =	vst v63  }
0xbe: {  	s13 =	sadd.s32 $0x4F80, s12  }
0xbf: {  	[spmem:s15] =	stream.indirect.scatter.add.f32 [tilespmem:s5], [sflag:$0x4], $0x80, s13, s2, $0xb8;
	[tilespmem:$0x1D000] =	vst v63  }
0xc0: {  	_ =	swait.ge [sflag:s3], $0x2000  }
0xc1: {  	[sflag:s3] =	ssyncset.done $0x0  }
0xc2: {  	[sflag:s3] =	ssyncadd.s32 $0xFFFFE000  }
.Ltmp2:
0xc3: {  	_ =	swait.ge [sflag:s8], $0x2000;
	(pc) =	sbr.rel @p0 .LBB2_6-.Ltmp2, $4  }
0xc4: {  	[sflag:s8] =	ssyncset.done $0x0  }
0xc5: {  	s13 =	sadd.s32 $0x2880, s12;
	[sflag:s8] =	ssyncadd.s32 $0xFFFFE000  }
0xc6: {  	[tilespmem:s5], [sflag:$0x2] =	stream.indirect.gather [hbm4b:s18+s2], $0x80, s13, s2, $0xb8;
	[tilespmem:$0x1D000] =	vst v63  }
0xc7: {  	s12 =	sadd.s32 $0x5000, s12  }
0xc8: {  	[spmem:s15] =	stream.indirect.scatter.add.f32 [tilespmem:s31], [sflag:$0x3], $0x80, s12, s2, $0xb8;
	[tilespmem:$0x1D000] =	vst v63  }
0xc9: {  	_ =	swait.ge [sflag:s6], $0x2000  }
0xca: {  	[sflag:s6] =	ssyncset.done $0x0  }
0xcb: {  	[sflag:s6] =	ssyncadd.s32 $0xFFFFE000  }
0xcc: {  	_ =	swait.ge [sflag:s7], $0x2000  }
0xcd: {  	[sflag:s7] =	ssyncset.done $0x0  }
0xce: {  	[sflag:s7] =	ssyncadd.s32 $0xFFFFE000  }
0xcf: {  	[spmem:s15] =	stream.indirect.scatter.add.f32 [tilespmem:s5], [sflag:$0x4], $0x80, s9, s2, $0xb8;
	[tilespmem:$0x1D000] =	vst v63  }
0xd0: {  	_ =	swait.ge [sflag:s8], $0x2000  }
0xd1: {  	[sflag:s8] =	ssyncset.done $0x0  }
0xd2: {  	[sflag:s8] =	ssyncadd.s32 $0xFFFFE000  }
0xd3: {  	[bflag:$0x0] =	sbarrier.arrive $0xFFFF  }
0xd4: {  	[tilespmem:s31], [sflag:$0x5] =	stream.linear.gather [spmem:s19], $0x2000, $0x38;
	[tilespmem:$0x1D000] =	vst v63  }
0xd5: {  	_ =	swait.ge [sflag:s14], $0x2000  }
0xd6: {  	[sflag:s14] =	ssyncset.done $0x0  }
0xd7: {  	s11 =	rddreg [dreg:$0x7];
	[sflag:s14] =	ssyncadd.s32 $0xFFFFE000  }
0xd8: {  	[hbm4b:s11+s1] =	stream.linear.scatter [tilespmem:s31], [sflag:$0x5], $0x2000, $0x38;
	[tilespmem:$0x1D000] =	vst v63  }
0xd9: {  	_ =	swait.ge [sflag:s14], $0x2000  }
0xda: {  	[sflag:s14] =	ssyncset.done $0x0  }
0xdb: {  	[sflag:s14] =	ssyncadd.s32 $0xFFFFE000  }
0xdc: {  	[tilespmem:s31], [sflag:$0x5] =	stream.linear.gather [spmem:s20], $0x2000, $0x38;
	[tilespmem:$0x1D000] =	vst v63  }
0xdd: {  	_ =	swait.ge [sflag:s14], $0x2000  }
0xde: {  	[sflag:s14] =	ssyncset.done $0x0  }
0xdf: {  	s13 =	rddreg [dreg:$0x8];
	[sflag:s14] =	ssyncadd.s32 $0xFFFFE000  }
0xe0: {  	[hbm4b:s13+s1] =	stream.linear.scatter [tilespmem:s31], [sflag:$0x5], $0x2000, $0x38;
	[tilespmem:$0x1D000] =	vst v63  }
0xe1: {  	_ =	swait.ge [sflag:s14], $0x2000  }
0xe2: {  	[sflag:s14] =	ssyncset.done $0x0  }
0xe3: {  	[sflag:s14] =	ssyncadd.s32 $0xFFFFE000  }
0xe4: {  	[tilespmem:s31], [sflag:$0x5] =	stream.linear.gather [spmem:s21], $0x2000, $0x38;
	[tilespmem:$0x1D000] =	vst v63  }
0xe5: {  	_ =	swait.ge [sflag:s14], $0x2000  }
0xe6: {  	[sflag:s14] =	ssyncset.done $0x0  }
0xe7: {  	s16 =	rddreg [dreg:$0x9];
	[sflag:s14] =	ssyncadd.s32 $0xFFFFE000  }
0xe8: {  	[hbm4b:s16+s1] =	stream.linear.scatter [tilespmem:s31], [sflag:$0x5], $0x2000, $0x38;
	[tilespmem:$0x1D000] =	vst v63  }
0xe9: {  	_ =	swait.ge [sflag:s14], $0x2000  }
0xea: {  	[sflag:s14] =	ssyncset.done $0x0  }
0xeb: {  	[sflag:s14] =	ssyncadd.s32 $0xFFFFE000  }
0xec: {  	[tilespmem:s31], [sflag:$0x5] =	stream.linear.gather [spmem:s22], $0x2000, $0x38;
	[tilespmem:$0x1D000] =	vst v63  }
0xed: {  	_ =	swait.ge [sflag:s14], $0x2000  }
0xee: {  	[sflag:s14] =	ssyncset.done $0x0  }
0xef: {  	s12 =	rddreg [dreg:$0xa];
	[sflag:s14] =	ssyncadd.s32 $0xFFFFE000  }
0xf0: {  	[hbm4b:s12+s1] =	stream.linear.scatter [tilespmem:s31], [sflag:$0x5], $0x2000, $0x38;
	[tilespmem:$0x1D000] =	vst v63  }
0xf1: {  	_ =	swait.ge [sflag:s14], $0x2000  }
0xf2: {  	[sflag:s14] =	ssyncset.done $0x0  }
0xf3: {  	[sflag:s14] =	ssyncadd.s32 $0xFFFFE000  }
0xf4: {  	[tilespmem:s31], [sflag:$0x5] =	stream.linear.gather [spmem:s23], $0x2000, $0x38;
	[tilespmem:$0x1D000] =	vst v63  }
0xf5: {  	_ =	swait.ge [sflag:s14], $0x2000  }
0xf6: {  	[sflag:s14] =	ssyncset.done $0x0  }
0xf7: {  	s13 =	rddreg [dreg:$0xb];
	[sflag:s14] =	ssyncadd.s32 $0xFFFFE000  }
0xf8: {  	[hbm4b:s13+s1] =	stream.linear.scatter [tilespmem:s31], [sflag:$0x5], $0x2000, $0x38;
	[tilespmem:$0x1D000] =	vst v63  }
0xf9: {  	_ =	swait.ge [sflag:s14], $0x2000  }
0xfa: {  	[sflag:s14] =	ssyncset.done $0x0  }
0xfb: {  	[sflag:s14] =	ssyncadd.s32 $0xFFFFE000  }
0xfc: {  	[tilespmem:s31], [sflag:$0x5] =	stream.linear.gather [spmem:s24], $0x2000, $0x38;
	[tilespmem:$0x1D000] =	vst v63  }
0xfd: {  	_ =	swait.ge [sflag:s14], $0x2000  }
0xfe: {  	[sflag:s14] =	ssyncset.done $0x0  }
0xff: {  	s16 =	rddreg [dreg:$0xc];
	[sflag:s14] =	ssyncadd.s32 $0xFFFFE000  }
0x100: {  	[hbm4b:s16+s1] =	stream.linear.scatter [tilespmem:s31], [sflag:$0x5], $0x2000, $0x38;
	[tilespmem:$0x1D000] =	vst v63  }
0x101: {  	_ =	swait.ge [sflag:s14], $0x2000  }
0x102: {  	[sflag:s14] =	ssyncset.done $0x0  }
0x103: {  	[sflag:s14] =	ssyncadd.s32 $0xFFFFE000  }
0x104: {  	[tilespmem:s31], [sflag:$0x5] =	stream.linear.gather [spmem:s25], $0x2000, $0x38;
	[tilespmem:$0x1D000] =	vst v63  }
0x105: {  	_ =	swait.ge [sflag:s14], $0x2000  }
0x106: {  	[sflag:s14] =	ssyncset.done $0x0  }
0x107: {  	s12 =	rddreg [dreg:$0xd];
	[sflag:s14] =	ssyncadd.s32 $0xFFFFE000  }
0x108: {  	[hbm4b:s12+s1] =	stream.linear.scatter [tilespmem:s31], [sflag:$0x5], $0x2000, $0x38;
	[tilespmem:$0x1D000] =	vst v63  }
0x109: {  	_ =	swait.ge [sflag:s14], $0x2000  }
0x10a: {  	[sflag:s14] =	ssyncset.done $0x0  }
0x10b: {  	[sflag:s14] =	ssyncadd.s32 $0xFFFFE000  }
0x10c: {  	[tilespmem:s31], [sflag:$0x5] =	stream.linear.gather [spmem:s26], $0x2000, $0x38;
	[tilespmem:$0x1D000] =	vst v63  }
0x10d: {  	_ =	swait.ge [sflag:s14], $0x2000  }
0x10e: {  	[sflag:s14] =	ssyncset.done $0x0  }
0x10f: {  	s13 =	rddreg [dreg:$0xe];
	[sflag:s14] =	ssyncadd.s32 $0xFFFFE000  }
0x110: {  	[hbm4b:s13+s1] =	stream.linear.scatter [tilespmem:s31], [sflag:$0x5], $0x2000, $0x38;
	[tilespmem:$0x1D000] =	vst v63  }
0x111: {  	_ =	swait.ge [sflag:s14], $0x2000  }
0x112: {  	[sflag:s14] =	ssyncset.done $0x0  }
0x113: {  	[sflag:s14] =	ssyncadd.s32 $0xFFFFE000  }
0x114: {  	[tilespmem:s31], [sflag:$0x5] =	stream.linear.gather [spmem:s28], $0x2000, $0x38;
	[tilespmem:$0x1D000] =	vst v63  }
0x115: {  	_ =	swait.ge [sflag:s14], $0x2000  }
0x116: {  	[sflag:s14] =	ssyncset.done $0x0  }
0x117: {  	s16 =	rddreg [dreg:$0xf];
	[sflag:s14] =	ssyncadd.s32 $0xFFFFE000  }
0x118: {  	[hbm4b:s16+s1] =	stream.linear.scatter [tilespmem:s31], [sflag:$0x5], $0x2000, $0x38;
	[tilespmem:$0x1D000] =	vst v63  }
0x119: {  	_ =	swait.ge [sflag:s14], $0x2000  }
0x11a: {  	[sflag:s14] =	ssyncset.done $0x0  }
0x11b: {  	[sflag:s14] =	ssyncadd.s32 $0xFFFFE000  }
0x11c: {  	[tilespmem:s31], [sflag:$0x5] =	stream.linear.gather [spmem:s29], $0x2000, $0x38;
	[tilespmem:$0x1D000] =	vst v63  }
0x11d: {  	s10 =	sadd.s32 $0x1, s10;
	_ =	swait.ge [sflag:s14], $0x2000  }
0x11e: {  	p0 =	sne.s32 s10, s30;
	[sflag:s14] =	ssyncset.done $0x0  }
.Ltmp3:
0x11f: {  	[sflag:s14] =	ssyncadd.s32 $0xFFFFE000;
	(pc) =	sbr.rel @p0 .LBB2_1-.Ltmp3, $4  }
0x120: {  	[hbm4b:s17+s1] =	stream.linear.scatter [tilespmem:s31], [sflag:$0x5], $0x2000, $0x38;
	[tilespmem:$0x1D000] =	vst v63  }
0x121: {  	_ =	swait.ge [sflag:s14], $0x2000  }
0x122: {  	[sflag:s14] =	ssyncset.done $0x0  }
0x123: {  	[sflag:s14] =	ssyncadd.s32 $0xFFFFE000  }
0x124: {  	_ =	sfence.sel $0x180000  }
0x125: {  	[bflag:$0x0] =	sbarrier.arrive $0xFFFF  }
0x126: {  	_ =	strace $0x9000004A  }
0x127: {  	s0 =	stileid.u32;
	[bflag:$0x2] =	sbarrier.arrive $0xFFFF  }
0x128: {  	p0 =	sne.s32 s0, $0x0;
	s0 =	rddreg [dreg:$0x2]  }
0x129: {  	s0 =	sadd.s32 @!p0 $0x100000, s0  }
0x12a: {  	[sflag:s0] =	ssyncadd.tile.s32 @!p0 $0x1;
	_ =	shalt  }
.Lfunc_end2:
_tile_overlayer_lowered:
.L_overlay_start_2:
0x12b: {  	(tag) =	ssettag $0x2  }
0x12c: {  	s0 =	rddreg [dreg:$0x0];
	s2 =	stileid.u32  }
0x12d: {  	s1 =	rddreg [dreg:$0x1];
	p0 =	sne.s32 s2, $0x0  }
0x12e: {  	s3 =	rddreg [dreg:$0x2];
	[bflag:$0x3] =	sbarrier.arrive $0xFFFF;
	s2 =	simm.s32 @!p0 $0x1C05  }
0x12f: {  	[timem:s3], [sflag:s2] =	dma.local @!p0 [hbm:s0], s1  }
0x130: {  	s0 =	simm.s32 @!p0 $0x5  }
0x131: {  	_ =	swait.ge @!p0 [sflag:s0], s1  }
0x132: {  	s1 =	ssub.s32 @!p0 $0x0, s1;
	[sflag:s0] =	ssyncset.done @!p0 $0x0  }
0x133: {  	[sflag:s0] =	ssyncadd.s32 @!p0 s1  }
0x134: {  	[bflag:$0x3] =	sbarrier.arrive $0xFFFF  }
0x135: {  	_ =	shalt  }

// kernel: kernel.14.cloned.1.call-start
scs
__scs_entry_jumppad:
0x0: {  	(pc) =	sbr.rel $0x88, $3  }
0x1: {  	(tag) =	ssettag $0x0;
	lr =	simm.s32 $0x1  }
0x2: {  	[smem:$0x3F99] =	sst lr;
	_ =	strace $0xD0000000  }
0x3: {  	_ = 	snop  }
0x4: {  	_ = 	snop  }
0x5: {  	_ = 	snop  }
0x6: {  	_ = 	snop  }
0x7: {  	_ = 	snop  }
__scs_overlays_trampoline_lowered:
0x8: {  	[smem:$0x3FA8] =	sst s0  }
0x9: {  	[smem:$0x3FA9] =	sst s1  }
0xa: {  	[smem:$0x3FAA] =	sst s2  }
0xb: {  	[smem:$0x3FAB] =	sst s3  }
0xc: {  	[smem:$0x3FAC] =	sst s4  }
0xd: {  	[smem:$0x3FAD] =	sst s5  }
0xe: {  	[smem:$0x3FAE] =	sst s6  }
0xf: {  	[smem:$0x3FAF] =	sst s7  }
0x10: {  	[smem:$0x3FB0] =	sst s8  }
0x11: {  	[smem:$0x3FB1] =	sst s9;
	s0 =	simm.s32 @!p0 $0x0  }
0x12: {  	s1 =	sld [smem:$0x3F97];
	s0 =	simm.s32 @p0 $0x1  }
0x13: {  	[smem:$0x3FB2] =	sst s0;
	s0 =	simm.s32 @!p1 $0x0  }
0x14: {  	s2 =	sld [smem:$0x3F96];
	s0 =	simm.s32 @p1 $0x1  }
0x15: {  	[smem:$0x3FB3] =	sst s0;
	s0 =	simm.s32 @!p2 $0x0  }
0x16: {  	s3 =	sld [smem:$0x3FDB];
	s0 =	simm.s32 @p2 $0x1  }
0x17: {  	s4 =	simm.s32 $0x1BF5;
	[smem:$0x3FB5] =	sst s0  }
0x18: {  	s0 =	sld [smem:$0x3F98];
	_ =	swait.ge [sflag:s4], $0x0  }
0x19: {  	s7 =	sld [smem:$0x3F99]  }
0x1a: {  	s8 =	sadd.s32 $0xFFFFE003, lr  }
0x1b: {  	s9 =	sadd.s32 $0xFFFFFEF7, lr;
	s5 =	simm.s32 $0xFFFFFFFF;
	p2 =	slt.u32 s8, $0xFFFFF086  }
0x1c: {  	p1 =	slt.u32 s9, $0xF7A;
	s5 =	simm.s32 @!p2 $0x0  }
0x1d: {  	s5 =	simm.s32 @p1 $0x1;
	p0 =	seq.s32 s7, s2  }
0x1e: {  	s7 =	smul.u32 @!p0 $0xF7A, s2;
	p2 =	seq.s32 @!p0 s5, $0x0  }
0x1f: {  	s9 =	smul.u32 $0xF7A, s1;
	s8 =	simm.s32 @!p0 $0x1BF5;
	p2 =	por !p2, p0  }
0x20: {  	[sflag:s8] =	ssyncset.s32 @!p0 $0xFFFFF086;
	s6 =	sadd.s32 @!p0 s3, s7;
	s7 =	simm.s32 @!p0 $0x108  }
0x21: {  	s3 =	sadd.s32 s3, s9;
	s6 =	sadd.s32 @!p0 $0x88, s6;
	s7 =	simm.s32 @p2 $0x1082  }
0x22: {  	[simem:s7], [sflag:s8] =	dma.local @!p0 [hbm:s6], $0xF7A  }
0x23: {  	s9 =	sor.u32 $0xD0000000, s2;
	s6 =	simm.s32 $0x108;
	_ =	swait.ge @!p0 [sflag:s8], $0x0  }
0x24: {  	s3 =	sadd.s32 $0x88, s3;
	s6 =	simm.s32 @!p1 $0x1082;
	[sflag:s4] =	ssyncset.s32 $0xFFFFF086  }
0x25: {  	[simem:s6], [sflag:s4] =	dma.local [hbm:s3], $0xF7A  }
0x26: {  	[smem:$0x3F99] =	sst s1;
	(tag) =	ssettag s2;
	_ =	strace s9  }
0x27: {  	s1 =	sld [smem:$0x3FA9]  }
0x28: {  	s2 =	sld [smem:$0x3FAA]  }
0x29: {  	s4 =	sld [smem:$0x3FAC]  }
0x2a: {  	p0 =	seq.s32 s5, $0x0;
	s5 =	sld [smem:$0x3FAD]  }
0x2b: {  	s6 =	sld [smem:$0x3FAE]  }
0x2c: {  	s7 =	sld [smem:$0x3FAF]  }
0x2d: {  	s3 =	simm.s32 $0x108;
	s8 =	sld [smem:$0x3FB0]  }
0x2e: {  	s3 =	simm.s32 @!p0 $0x1082;
	s9 =	sld [smem:$0x3FB1]  }
0x2f: {  	lr =	sadd.s32 s0, s3;
	s0 =	sld [smem:$0x3FA8]  }
0x30: {  	s3 =	sld [smem:$0x3FAB]  }
0x31: {  	[smem:$0x3FB4] =	sst s10  }
0x32: {  	s10 =	sld [smem:$0x3FB2];
	_ =	sdelay $0x3  }
0x33: {  	p0 =	seq.s32 s10, $0x1;
	s10 =	sld [smem:$0x3FB4];
	_ =	sdelay $0x3  }
0x34: {  	[smem:$0x3FB4] =	sst s10  }
0x35: {  	s10 =	sld [smem:$0x3FB3];
	_ =	sdelay $0x3  }
0x36: {  	p1 =	seq.s32 s10, $0x1;
	s10 =	sld [smem:$0x3FB4];
	_ =	sdelay $0x3  }
0x37: {  	[smem:$0x3FB4] =	sst s10  }
0x38: {  	s10 =	sld [smem:$0x3FB5]  }
0x39: {  	_ = 	snop;
	(pc) =	sbr.ind lr, $3  }
0x3a: {  	_ = 	snop  }
0x3b: {  	_ = 	snop  }
0x3c: {  	p2 =	seq.s32 s10, $0x1;
	s10 =	sld [smem:$0x3FB4]  }
0x3d: {  	_ =	shalt  }
0x3e: {  	_ =	shalt  }
0x3f: {  	_ =	shalt  }
0x40: {  	_ =	shalt  }
0x41: {  	_ =	shalt  }
0x42: {  	_ =	shalt  }
0x43: {  	_ =	shalt  }
0x44: {  	_ =	shalt  }
0x45: {  	_ =	shalt  }
0x46: {  	_ =	shalt  }
0x47: {  	_ =	shalt  }
0x48: {  	_ =	shalt  }
0x49: {  	_ =	shalt  }
0x4a: {  	_ =	shalt  }
0x4b: {  	_ =	shalt  }
0x4c: {  	_ =	shalt  }
0x4d: {  	_ =	shalt  }
0x4e: {  	_ =	shalt  }
0x4f: {  	_ =	shalt  }
0x50: {  	_ =	shalt  }
0x51: {  	_ =	shalt  }
0x52: {  	_ =	shalt  }
0x53: {  	_ =	shalt  }
0x54: {  	_ =	shalt  }
0x55: {  	_ =	shalt  }
0x56: {  	_ =	shalt  }
0x57: {  	_ =	shalt  }
0x58: {  	_ =	shalt  }
0x59: {  	_ =	shalt  }
0x5a: {  	_ =	shalt  }
0x5b: {  	_ =	shalt  }
0x5c: {  	_ =	shalt  }
0x5d: {  	_ =	shalt  }
0x5e: {  	_ =	shalt  }
0x5f: {  	_ =	shalt  }
0x60: {  	_ =	shalt  }
0x61: {  	_ =	shalt  }
0x62: {  	_ =	shalt  }
0x63: {  	_ =	shalt  }
0x64: {  	_ =	shalt  }
0x65: {  	_ =	shalt  }
0x66: {  	_ =	shalt  }
0x67: {  	_ =	shalt  }
0x68: {  	_ =	shalt  }
0x69: {  	_ =	shalt  }
0x6a: {  	_ =	shalt  }
0x6b: {  	_ =	shalt  }
0x6c: {  	_ =	shalt  }
0x6d: {  	_ =	shalt  }
0x6e: {  	_ =	shalt  }
0x6f: {  	_ =	shalt  }
0x70: {  	_ =	shalt  }
0x71: {  	_ =	shalt  }
0x72: {  	_ =	shalt  }
0x73: {  	_ =	shalt  }
0x74: {  	_ =	shalt  }
0x75: {  	_ =	shalt  }
0x76: {  	_ =	shalt  }
0x77: {  	_ =	shalt  }
0x78: {  	_ =	shalt  }
0x79: {  	_ =	shalt  }
0x7a: {  	_ =	shalt  }
0x7b: {  	_ =	shalt  }
0x7c: {  	_ =	shalt  }
0x7d: {  	_ =	shalt  }
0x7e: {  	_ =	shalt  }
0x7f: {  	_ =	shalt  }
0x80: {  	_ =	shalt  }
0x81: {  	_ =	shalt  }
0x82: {  	_ =	shalt  }
0x83: {  	_ =	shalt  }
0x84: {  	_ =	shalt  }
0x85: {  	_ =	shalt  }
0x86: {  	_ =	shalt  }
0x87: {  	_ =	shalt  }
.Lfunc_end0:
.L_simem_size_0:
called_computation.2_lowered:
.L_overlay_start_0:
0x88: {  	s2 =	sld [smem:$0x3FD9]  }
0x89: {  	s3 =	sld [smem:$0x3FFE];
	_ =	sdelay $0x1  }
0x8a: {  	s1 =	srdreg.scid  }
0x8b: {  	s0 =	sand.u32 $0x1, s1  }
0x8c: {  	s16 =	sshll.u32 s0, $0xA;
	s2 =	sadd.s32 s3, s2  }
0x8d: {  	s2 =	sadd.s32 s2, s16  }
0x8e: {  	[smem:$0x3FC0] =	sst s2  }
0x8f: {  	_ = 	snop  }
0x90: {  	(tm) =	ssettm $0x1  }
0x91: {  	s17 =	sld [smem:$0x3FFB];
	_ =	sdelay $0x3  }
0x92: {  	_ =	strace s17  }
0x93: {  	s2 =	sld [smem:$0x3FFC];
	_ =	sdelay $0x3  }
0x94: {  	_ =	strace s2  }
0x95: {  	s2 =	sld [smem:$0x3FFD];
	_ =	sdelay $0x3  }
0x96: {  	_ =	strace s2  }
0x97: {  	_ =	strace $0x8FFFFFFF  }
0x98: {  	s18 =	sld [smem:$0x3FDB];
	_ =	sdelay $0x1  }
0x99: {  	s19 =	simm.s32 $_scs_section_size  }
0x9a: {  	s4 =	simm.s32 $_size__tile_overlayer_lowered;
	s5 =	simm.s32 $_tile_overlayer_lowered  }
0x9b: {  	s22 =	simm.s32 $0x1BFF;
	s21 =	sshll.u32 s5, $0x1;
	s2 =	sadd.s32 s19, s18  }
0x9c: {  	s6 =	simm.s32 $0x0;
	s20 =	sshll.u32 s4, $0x1;
	s4 =	sadd.s32 s21, s2  }
0x9d: {  	[timem:s6], [sflag:s22] =	dma.local [hbm:s4], s20  }
0x9e: {  	_ =	swait.ge [sflag:s22], s20  }
0x9f: {  	s3 =	ssub.s32 $0x0, s20;
	[sflag:s22] =	ssyncset.done $0x0  }
0xa0: {  	[sflag:s22] =	ssyncadd.s32 s3;
	_ =	sdelay $0x1  }
0xa1: {  	s23 =	simm.s32 $0x1B8B  }
0xa2: {  	_ =	swait.ge [sflag:s23], $0x1  }
0xa3: {  	[sflag:s23] =	ssyncset.done $0x0  }
0xa4: {  	s25 =	simm.s32 $0x1B8E;
	s24 =	sld [smem:$0x3FFE];
	[sflag:s23] =	ssyncadd.s32 $0xFFFFFFFF  }
0xa5: {  	s26 =	simm.s32 $execute0_lowered;
	[smem:$0x3FD2] =	sst s25  }
0xa6: {  	s4 =	sshll.u32 s26, $0x1;
	_ =	strace $0x8000004C;
	[dreg:$0x1] =	wrdreg $0xFFFFFFFF  }
0xa7: {  	s28 =	simm.s32 $_size_execute0_lowered;
	s2 =	sadd.s32 s2, s4;
	[dreg:$0x0] =	wrdreg $0x0  }
0xa8: {  	s4 =	sshll.u32 s28, $0x1;
	[dreg:$0x2] =	wrdreg s2  }
0xa9: {  	[dreg:$0x3] =	wrdreg s4  }
0xaa: {  	[dreg:$0x4] =	wrdreg $0xC0  }
0xab: {  	_ =	task [dreg:s6], $0x5FFFF  }
0xac: {  	[dreg:$0x1] =	wrdreg $0xFFFFFFFF  }
0xad: {  	[dreg:$0x0] =	wrdreg $0x60  }
0xae: {  	[dreg:$0x2] =	wrdreg s24  }
0xaf: {  	[dreg:$0x3] =	wrdreg $0x90000  }
0xb0: {  	[dreg:$0x4] =	wrdreg $0x9  }
0xb1: {  	_ =	task.clear_ibuf [dreg:s6], $0x5FFFF;
	_ =	strace $0x9000004C  }
0xb2: {  	s29 =	simm.s32 $0x9;
	_ =	strace $0x8000004E  }
0xb3: {  	_ =	swait.ge [sflag:s29], $0x1  }
0xb4: {  	[sflag:s29] =	ssyncadd.s32 $0xFFFFFFFF  }
0xb5: {  	_ =	strace $0x9000004E  }
0xb6: {  	_ =	sfence  }
0xb7: {  	s30 =	sld [smem:$0x0];
	_ =	sdelay $0x2  }
0xb8: {  	s31 =	sshll.u32 s1, $0xD;
	s1 =	sshrl.u32 s1, $0x2  }
0xb9: {  	s3 =	sand.u32 $0x4000, s31;
	s1 =	sadd.s32 s1, s30  }
0xba: {  	s0 =	sor.u32 s3, s0;
	s1 =	sshll.u32 s1, $0x11  }
0xbb: {  	s0 =	sor.u32 s1, s0  }
0xbc: {  	s0 =	sadd.s32 $0x8F2B, s0  }
0xbd: {  	[sflag:s0] =	ssyncadd.remote.s32 $0x1  }
0xbe: {  	_ =	sfence.sel $0xFFFF  }
0xbf: {  	[dreg:$0x0] =	wrdreg $0xFFFFFFFF;
	(pc) =	sbr.abs _section_cstart, $3  }
0xc0: {  	[dreg:$0x1] =	wrdreg $0xFFFFFFFF  }
0xc1: {  	_ =	task.clear_ibuf [dreg:s6], $0x2FFFF;
	_ =	strace $0x9FFFFFFF  }
0xc2: {  	(tm) =	ssettm $0x7FFFFFFF  }
0xc3: {  	_ =	shalt  }
tec
execute0_lowered:
.L_overlay_start_1:
0x0: {  	(tag) =	ssettag $0x1  }
0x1: {  	s0 =	rddreg [dreg:$0x0]  }
0x2: {  	s1 =	simm.s32 $0x0;
	s2 =	srdreg.scid;
	s16 =	stileid.u32  }
0x3: {  	s31 =	simm.s32 $0x5000;
	[smem:$0x7FF] =	sst s1;
	s3 =	sadd.s32 $0x17200, s0  }
0x4: {  	s4 =	sand.u32 $0x1, s2;
	s5 =	sadd.s32 $0x3200, s0;
	s6 =	smul.u32 $0x14000, s16  }
0x5: {  	s7 =	sadd.s32 $0xA0800, s0;
	s2 =	ssub.s32 $0x2, s4;
	s9 =	sshll.u32 s4, $0x4  }
0x6: {  	s4 =	smul.u32 $0x140000, s4;
	s8 =	sshrl.u32 s2, $0x1;
	s19 =	sor.u32 s16, s9  }
0x7: {  	s9 =	sor.u32 $0x2000, s6;
	s10 =	sadd.s32 $0x4000, s6;
	s11 =	sadd.s32 $0x6000, s6  }
0x8: {  	s12 =	sadd.s32 $0x8000, s6;
	s13 =	sadd.s32 $0xA000, s6;
	s14 =	sadd.s32 $0xC000, s6  }
0x9: {  	s26 =	sadd.s32 $0xE000, s6;
	s28 =	sadd.s32 $0x10000, s6;
	s29 =	sadd.s32 $0x12000, s6  }
0xa: {  	s2 =	ssub.s32 s2, s8;
	s8 =	smul.u32 $0x5000, s19;
	s21 =	sadd.s32 s6, s4  }
0xb: {  	s22 =	sadd.s32 s4, s9;
	s23 =	sadd.s32 s4, s10;
	s6 =	sadd.s32 s4, s12  }
0xc: {  	s18 =	sadd.s32 s4, s14;
	s19 =	sadd.s32 s4, s26;
	s8 =	sshrl.u32 s8, $0x3  }
0xd: {  	s25 =	sshrl.u32 s23, $0x3;
	s23 =	smul.u32 $0x50000, s16;
	s17 =	sadd.s32 s3, s8  }
0xe: {  	s15 =	sadd.s32 $0x500, s8;
	s8 =	sadd.s32 s5, s8;
	[dreg:$0x3] =	wrdreg s17  }
0xf: {  	s30 =	smax.u32 s2, $0x1;
	[dreg:$0x4] =	wrdreg s8;
	s3 =	sadd.s32 s3, s15  }
0x10: {  	s2 =	simm.s32 $0x40;
	s20 =	sadd.s32 s5, s15;
	[dreg:$0x5] =	wrdreg s3  }
0x11: {  	s5 =	sshrl.u32 s22, $0x3;
	s8 =	sadd.s32 s4, s13;
	[dreg:$0x6] =	wrdreg s20  }
0x12: {  	s3 =	sshrl.u32 s21, $0x3;
	s24 =	sadd.s32 s7, s5;
	s5 =	sadd.s32 s4, s11  }
0x13: {  	s17 =	sshrl.u32 s8, $0x3;
	s20 =	sadd.s32 s4, s28;
	s4 =	sadd.s32 s4, s29  }
0x14: {  	s8 =	simm.s32 $0x4;
	s3 =	sadd.s32 s7, s3;
	[dreg:$0x8] =	wrdreg s24  }
0x15: {  	s22 =	sshrl.u32 s20, $0x3;
	[dreg:$0x7] =	wrdreg s3;
	s3 =	sadd.s32 s7, s25  }
0x16: {  	s24 =	sshrl.u32 s4, $0x3;
	[dreg:$0x9] =	wrdreg s3;
	s3 =	sshrl.u32 s5, $0x3  }
0x17: {  	s4 =	simm.s32 $0x80;
	s5 =	sshrl.u32 s6, $0x3;
	s3 =	sadd.s32 s7, s3  }
0x18: {  	s25 =	sshrl.u32 s23, $0x2;
	s15 =	sadd.s32 s7, s5;
	[dreg:$0xa] =	wrdreg s3  }
0x19: {  	s6 =	simm.s32 $0x2;
	s5 =	sshrl.u32 s19, $0x3;
	[dreg:$0xb] =	wrdreg s15  }
0x1a: {  	s3 =	sadd.s32 s7, s17;
	s21 =	sadd.s32 s7, s5;
	s15 =	rddreg [dreg:$0x1]  }
0x1b: {  	s17 =	sadd.s32 s7, s24;
	s5 =	simm.s32 $0x7000;
	[dreg:$0xc] =	wrdreg s3  }
0x1c: {  	s3 =	sshrl.u32 s18, $0x3;
	[dreg:$0xe] =	wrdreg s21;
	s18 =	sadd.s32 $0x79600, s0  }
0x1d: {  	s19 =	sadd.s32 s25, s15;
	s20 =	sadd.s32 s9, s15;
	s21 =	sadd.s32 s10, s15  }
0x1e: {  	s23 =	sadd.s32 s12, s15;
	s24 =	sadd.s32 s13, s15;
	s25 =	sadd.s32 s14, s15  }
0x1f: {  	s26 =	sadd.s32 s26, s15;
	s28 =	sadd.s32 s28, s15;
	s29 =	sadd.s32 s29, s15  }
0x20: {  	s14 =	simm.s32 $0x5;
	s0 =	simm.s32 $0x2800;
	s3 =	sadd.s32 s7, s3  }
0x21: {  	s9 =	simm.s32 $0x4F80;
	[dreg:$0xd] =	wrdreg s3;
	s3 =	sadd.s32 s7, s22  }
0x22: {  	s10 =	simm.s32 $0x0;
	s22 =	sadd.s32 s11, s15;
	[dreg:$0xf] =	wrdreg s3  }
0x23: {  	v0 =	vimm.f32 $0.0e+00;
	s7 =	simm.s32 $0x3;
	s3 =	simm.s32 $0x1;
	_ =	strace $0x8000004D  }
.LBB2_1:
0x24: {  	s11 =	sand.u32 $0x7E00, s1  }
0x25: {  	s12 =	sand.u32 $0x70, s1;
	s13 =	sshrl.u32 s11, $0x2  }
0x26: {  	s11 =	simm.s32 $0x40;
	s13 =	sor.u32 s12, s13;
	s12 =	simm.s32 $0x0  }
.LBB2_2:
0x27: {  	p0 =	sne.s32 s11, $0x7FC0  }
0x28: {  	[tilespmem:s13+$0x5000] =	vst v0;
	s12 =	sadd.s32 $0x10, s12;
	s13 =	smov.u32 s11;
	s11 =	sadd.s32 $0x40, s11  }
.Ltmp0:
0x29: {  	(pc) =	sbr.rel @p0 .LBB2_2-.Ltmp0, $4  }
0x2a: {  	_ = 	snop  }
0x2b: {  	s13 =	sand.u32 $0x7E00, s13  }
0x2c: {  	s16 =	sand.u32 $0x70, s12;
	s13 =	sshrl.u32 s13, $0x2  }
0x2d: {  	s13 =	sor.u32 s16, s13  }
0x2e: {  	[tilespmem:s13+$0x5000] =	vst v0  }
0x2f: {  	[spmem:s19] =	stream.linear.scatter [tilespmem:s31], [sflag:$0x5], $0x2000, $0x38;
	[tilespmem:$0x1D000] =	vst v63  }
0x30: {  	_ =	swait.ge [sflag:s14], $0x2000  }
0x31: {  	[sflag:s14] =	ssyncset.done $0x0  }
0x32: {  	[sflag:s14] =	ssyncadd.s32 $0xFFFFE000  }
0x33: {  	[spmem:s20] =	stream.linear.scatter [tilespmem:s31], [sflag:$0x5], $0x2000, $0x38;
	[tilespmem:$0x1D000] =	vst v63  }
0x34: {  	_ =	swait.ge [sflag:s14], $0x2000  }
0x35: {  	[sflag:s14] =	ssyncset.done $0x0  }
0x36: {  	[sflag:s14] =	ssyncadd.s32 $0xFFFFE000  }
0x37: {  	[spmem:s21] =	stream.linear.scatter [tilespmem:s31], [sflag:$0x5], $0x2000, $0x38;
	[tilespmem:$0x1D000] =	vst v63  }
0x38: {  	_ =	swait.ge [sflag:s14], $0x2000  }
0x39: {  	[sflag:s14] =	ssyncset.done $0x0  }
0x3a: {  	[sflag:s14] =	ssyncadd.s32 $0xFFFFE000  }
0x3b: {  	[spmem:s22] =	stream.linear.scatter [tilespmem:s31], [sflag:$0x5], $0x2000, $0x38;
	[tilespmem:$0x1D000] =	vst v63  }
0x3c: {  	_ =	swait.ge [sflag:s14], $0x2000  }
0x3d: {  	[sflag:s14] =	ssyncset.done $0x0  }
0x3e: {  	[sflag:s14] =	ssyncadd.s32 $0xFFFFE000  }
0x3f: {  	[spmem:s23] =	stream.linear.scatter [tilespmem:s31], [sflag:$0x5], $0x2000, $0x38;
	[tilespmem:$0x1D000] =	vst v63  }
0x40: {  	_ =	swait.ge [sflag:s14], $0x2000  }
0x41: {  	[sflag:s14] =	ssyncset.done $0x0  }
0x42: {  	[sflag:s14] =	ssyncadd.s32 $0xFFFFE000  }
0x43: {  	[spmem:s24] =	stream.linear.scatter [tilespmem:s31], [sflag:$0x5], $0x2000, $0x38;
	[tilespmem:$0x1D000] =	vst v63  }
0x44: {  	_ =	swait.ge [sflag:s14], $0x2000  }
0x45: {  	[sflag:s14] =	ssyncset.done $0x0  }
0x46: {  	[sflag:s14] =	ssyncadd.s32 $0xFFFFE000  }
0x47: {  	[spmem:s25] =	stream.linear.scatter [tilespmem:s31], [sflag:$0x5], $0x2000, $0x38;
	[tilespmem:$0x1D000] =	vst v63  }
0x48: {  	_ =	swait.ge [sflag:s14], $0x2000  }
0x49: {  	[sflag:s14] =	ssyncset.done $0x0  }
0x4a: {  	[sflag:s14] =	ssyncadd.s32 $0xFFFFE000  }
0x4b: {  	[spmem:s26] =	stream.linear.scatter [tilespmem:s31], [sflag:$0x5], $0x2000, $0x38;
	[tilespmem:$0x1D000] =	vst v63  }
0x4c: {  	_ =	swait.ge [sflag:s14], $0x2000  }
0x4d: {  	[sflag:s14] =	ssyncset.done $0x0  }
0x4e: {  	[sflag:s14] =	ssyncadd.s32 $0xFFFFE000  }
0x4f: {  	[spmem:s28] =	stream.linear.scatter [tilespmem:s31], [sflag:$0x5], $0x2000, $0x38;
	[tilespmem:$0x1D000] =	vst v63  }
0x50: {  	_ =	swait.ge [sflag:s14], $0x2000  }
0x51: {  	[sflag:s14] =	ssyncset.done $0x0  }
0x52: {  	[sflag:s14] =	ssyncadd.s32 $0xFFFFE000  }
0x53: {  	[spmem:s29] =	stream.linear.scatter [tilespmem:s31], [sflag:$0x5], $0x2000, $0x38;
	[tilespmem:$0x1D000] =	vst v63  }
0x54: {  	_ =	swait.ge [sflag:s14], $0x2000  }
0x55: {  	[sflag:s14] =	ssyncset.done $0x0  }
0x56: {  	[sflag:s14] =	ssyncadd.s32 $0xFFFFE000  }
0x57: {  	[bflag:$0x0] =	sbarrier.arrive $0xFFFF  }
0x58: {  	s11 =	rddreg [dreg:$0x3]  }
0x59: {  	[tilespmem:s1], [sflag:$0x5] =	stream.linear.gather [hbm4b:s11+s1], $0x2800, $0x38;
	[tilespmem:$0x1D000] =	vst v63  }
0x5a: {  	_ =	swait.ge [sflag:s14], $0x2800  }
0x5b: {  	[sflag:s14] =	ssyncset.done $0x0  }
0x5c: {  	s16 =	rddreg [dreg:$0x4];
	[sflag:s14] =	ssyncadd.s32 $0xFFFFD800  }
0x5d: {  	[tilespmem:s0], [sflag:$0x5] =	stream.linear.gather [hbm4b:s16+s1], $0x2800, $0x38;
	[tilespmem:$0x1D000] =	vst v63  }
0x5e: {  	_ =	swait.ge [sflag:s14], $0x2800  }
0x5f: {  	[sflag:s14] =	ssyncset.done $0x0  }
0x60: {  	[sflag:s14] =	ssyncadd.s32 $0xFFFFD800  }
0x61: {  	[tilespmem:s31], [sflag:$0x1] =	stream.indirect.gather [hbm4b:s18+s2], $0x80, s1, s2, $0xb8;
	[tilespmem:$0x1D000] =	vst v63  }
0x62: {  	_ =	swait.ge [sflag:s3], $0x2000  }
0x63: {  	[sflag:s3] =	ssyncset.done $0x0  }
0x64: {  	[sflag:s3] =	ssyncadd.s32 $0xFFFFE000  }
0x65: {  	[spmem:s15] =	stream.indirect.scatter.add.f32 [tilespmem:s31], [sflag:$0x3], $0x80, s0, s2, $0xb8;
	[tilespmem:$0x1D000] =	vst v63  }
0x66: {  	_ = 	snop  }
0x67: {  	[tilespmem:s5], [sflag:$0x2] =	stream.indirect.gather [hbm4b:s18+s2], $0x80, s4, s2, $0xb8;
	[tilespmem:$0x1D000] =	vst v63  }
0x68: {  	_ =	swait.ge [sflag:s6], $0x2000  }
0x69: {  	[sflag:s6] =	ssyncset.done $0x0  }
0x6a: {  	[sflag:s6] =	ssyncadd.s32 $0xFFFFE000  }
0x6b: {  	_ =	swait.ge [sflag:s7], $0x2000  }
0x6c: {  	[sflag:s7] =	ssyncset.done $0x0  }
0x6d: {  	s12 =	simm.s32 $0x100;
	[sflag:s7] =	ssyncadd.s32 $0xFFFFE000  }
0x6e: {  	[tilespmem:s31], [sflag:$0x1] =	stream.indirect.gather [hbm4b:s18+s2], $0x80, s12, s2, $0xb8;
	[tilespmem:$0x1D000] =	vst v63  }
0x6f: {  	s13 =	simm.s32 $0x2880  }
0x70: {  	[spmem:s15] =	stream.indirect.scatter.add.f32 [tilespmem:s5], [sflag:$0x4], $0x80, s13, s2, $0xb8;
	[tilespmem:$0x1D000] =	vst v63  }
0x71: {  	_ =	swait.ge [sflag:s3], $0x2000  }
0x72: {  	[sflag:s3] =	ssyncset.done $0x0  }
0x73: {  	[sflag:s3] =	ssyncadd.s32 $0xFFFFE000  }
0x74: {  	_ =	swait.ge [sflag:s8], $0x2000  }
0x75: {  	s11 =	simm.s32 $0xFFFF6800;
	[sflag:s8] =	ssyncset.done $0x0  }
0x76: {  	s16 =	simm.s32 $0x180;
	s12 =	simm.s32 $0x2900;
	[sflag:s8] =	ssyncadd.s32 $0xFFFFE000  }
0x77: {  	[tilespmem:s5], [sflag:$0x2] =	stream.indirect.gather [hbm4b:s18+s2], $0x80, s16, s2, $0xb8;
	[tilespmem:$0x1D000] =	vst v63  }
.LBB2_4:
0x78: {  	[spmem:s15] =	stream.indirect.scatter.add.f32 [tilespmem:s31], [sflag:$0x3], $0x80, s12, s2, $0xb8;
	[tilespmem:$0x1D000] =	vst v63  }
0x79: {  	s12 =	smov.u32 s11  }
0x7a: {  	p0 =	sne.s32 s11, $0xFFFFFC00;
	s11 =	sadd.s32 $0x400, s11;
	_ =	swait.ge [sflag:s6], $0x2000  }
0x7b: {  	[sflag:s6] =	ssyncset.done $0x0  }
0x7c: {  	[sflag:s6] =	ssyncadd.s32 $0xFFFFE000  }
0x7d: {  	_ =	swait.ge [sflag:s7], $0x2000  }
0x7e: {  	s12 =	sshra.s32 s12, $0x2;
	[sflag:s7] =	ssyncset.done $0x0  }
0x7f: {  	s13 =	sadd.s32 $0x2800, s12;
	[sflag:s7] =	ssyncadd.s32 $0xFFFFE000  }
0x80: {  	[tilespmem:s31], [sflag:$0x1] =	stream.indirect.gather [hbm4b:s18+s2], $0x80, s13, s2, $0xb8;
	[tilespmem:$0x1D000] =	vst v63  }
0x81: {  	s13 =	sadd.s32 $0x4F80, s12  }
0x82: {  	[spmem:s15] =	stream.indirect.scatter.add.f32 [tilespmem:s5], [sflag:$0x4], $0x80, s13, s2, $0xb8;
	[tilespmem:$0x1D000] =	vst v63  }
0x83: {  	_ =	swait.ge [sflag:s3], $0x2000  }
0x84: {  	[sflag:s3] =	ssyncset.done $0x0  }
0x85: {  	[sflag:s3] =	ssyncadd.s32 $0xFFFFE000  }
.Ltmp1:
0x86: {  	_ =	swait.ge [sflag:s8], $0x2000;
	(pc) =	sbr.rel @p0 .LBB2_4-.Ltmp1, $4  }
0x87: {  	[sflag:s8] =	ssyncset.done $0x0  }
0x88: {  	s13 =	sadd.s32 $0x2880, s12;
	[sflag:s8] =	ssyncadd.s32 $0xFFFFE000  }
0x89: {  	[tilespmem:s5], [sflag:$0x2] =	stream.indirect.gather [hbm4b:s18+s2], $0x80, s13, s2, $0xb8;
	[tilespmem:$0x1D000] =	vst v63  }
0x8a: {  	s12 =	sadd.s32 $0x5000, s12  }
0x8b: {  	[spmem:s15] =	stream.indirect.scatter.add.f32 [tilespmem:s31], [sflag:$0x3], $0x80, s12, s2, $0xb8;
	[tilespmem:$0x1D000] =	vst v63  }
0x8c: {  	_ =	swait.ge [sflag:s6], $0x2000  }
0x8d: {  	[sflag:s6] =	ssyncset.done $0x0  }
0x8e: {  	[sflag:s6] =	ssyncadd.s32 $0xFFFFE000  }
0x8f: {  	_ =	swait.ge [sflag:s7], $0x2000  }
0x90: {  	[sflag:s7] =	ssyncset.done $0x0  }
0x91: {  	[sflag:s7] =	ssyncadd.s32 $0xFFFFE000  }
0x92: {  	[spmem:s15] =	stream.indirect.scatter.add.f32 [tilespmem:s5], [sflag:$0x4], $0x80, s9, s2, $0xb8;
	[tilespmem:$0x1D000] =	vst v63  }
0x93: {  	_ =	swait.ge [sflag:s8], $0x2000  }
0x94: {  	[sflag:s8] =	ssyncset.done $0x0  }
0x95: {  	s11 =	rddreg [dreg:$0x5];
	[sflag:s8] =	ssyncadd.s32 $0xFFFFE000  }
0x96: {  	[tilespmem:s1], [sflag:$0x5] =	stream.linear.gather [hbm4b:s11+s1], $0x2800, $0x38;
	[tilespmem:$0x1D000] =	vst v63  }
0x97: {  	_ =	swait.ge [sflag:s14], $0x2800  }
0x98: {  	[sflag:s14] =	ssyncset.done $0x0  }
0x99: {  	s16 =	rddreg [dreg:$0x6];
	[sflag:s14] =	ssyncadd.s32 $0xFFFFD800  }
0x9a: {  	[tilespmem:s0], [sflag:$0x5] =	stream.linear.gather [hbm4b:s16+s1], $0x2800, $0x38;
	[tilespmem:$0x1D000] =	vst v63  }
0x9b: {  	_ =	swait.ge [sflag:s14], $0x2800  }
0x9c: {  	[sflag:s14] =	ssyncset.done $0x0  }
0x9d: {  	[sflag:s14] =	ssyncadd.s32 $0xFFFFD800  }
0x9e: {  	[tilespmem:s31], [sflag:$0x1] =	stream.indirect.gather [hbm4b:s18+s2], $0x80, s1, s2, $0xb8;
	[tilespmem:$0x1D000] =	vst v63  }
0x9f: {  	_ =	swait.ge [sflag:s3], $0x2000  }
0xa0: {  	[sflag:s3] =	ssyncset.done $0x0  }
0xa1: {  	[sflag:s3] =	ssyncadd.s32 $0xFFFFE000  }
0xa2: {  	[spmem:s15] =	stream.indirect.scatter.add.f32 [tilespmem:s31], [sflag:$0x3], $0x80, s0, s2, $0xb8;
	[tilespmem:$0x1D000] =	vst v63  }
0xa3: {  	_ = 	snop  }
0xa4: {  	[tilespmem:s5], [sflag:$0x2] =	stream.indirect.gather [hbm4b:s18+s2], $0x80, s4, s2, $0xb8;
	[tilespmem:$0x1D000] =	vst v63  }
0xa5: {  	_ =	swait.ge [sflag:s6], $0x2000  }
0xa6: {  	[sflag:s6] =	ssyncset.done $0x0  }
0xa7: {  	[sflag:s6] =	ssyncadd.s32 $0xFFFFE000  }
0xa8: {  	_ =	swait.ge [sflag:s7], $0x2000  }
0xa9: {  	[sflag:s7] =	ssyncset.done $0x0  }
0xaa: {  	s12 =	simm.s32 $0x100;
	[sflag:s7] =	ssyncadd.s32 $0xFFFFE000  }
0xab: {  	[tilespmem:s31], [sflag:$0x1] =	stream.indirect.gather [hbm4b:s18+s2], $0x80, s12, s2, $0xb8;
	[tilespmem:$0x1D000] =	vst v63  }
0xac: {  	s13 =	simm.s32 $0x2880  }
0xad: {  	[spmem:s15] =	stream.indirect.scatter.add.f32 [tilespmem:s5], [sflag:$0x4], $0x80, s13, s2, $0xb8;
	[tilespmem:$0x1D000] =	vst v63  }
0xae: {  	_ =	swait.ge [sflag:s3], $0x2000  }
0xaf: {  	[sflag:s3] =	ssyncset.done $0x0  }
0xb0: {  	[sflag:s3] =	ssyncadd.s32 $0xFFFFE000  }
0xb1: {  	_ =	swait.ge [sflag:s8], $0x2000  }
0xb2: {  	s11 =	simm.s32 $0xFFFF6800;
	[sflag:s8] =	ssyncset.done $0x0  }
0xb3: {  	s16 =	simm.s32 $0x180;
	s12 =	simm.s32 $0x2900;
	[sflag:s8] =	ssyncadd.s32 $0xFFFFE000  }
0xb4: {  	[tilespmem:s5], [sflag:$0x2] =	stream.indirect.gather [hbm4b:s18+s2], $0x80, s16, s2, $0xb8;
	[tilespmem:$0x1D000] =	vst v63  }
.LBB2_6:
0xb5: {  	[spmem:s15] =	stream.indirect.scatter.add.f32 [tilespmem:s31], [sflag:$0x3], $0x80, s12, s2, $0xb8;
	[tilespmem:$0x1D000] =	vst v63  }
0xb6: {  	s12 =	smov.u32 s11  }
0xb7: {  	p0 =	sne.s32 s11, $0xFFFFFC00;
	s11 =	sadd.s32 $0x400, s11;
	_ =	swait.ge [sflag:s6], $0x2000  }
0xb8: {  	[sflag:s6] =	ssyncset.done $0x0  }
0xb9: {  	[sflag:s6] =	ssyncadd.s32 $0xFFFFE000  }
0xba: {  	_ =	swait.ge [sflag:s7], $0x2000  }
0xbb: {  	s12 =	sshra.s32 s12, $0x2;
	[sflag:s7] =	ssyncset.done $0x0  }
0xbc: {  	s13 =	sadd.s32 $0x2800, s12;
	[sflag:s7] =	ssyncadd.s32 $0xFFFFE000  }
0xbd: {  	[tilespmem:s31], [sflag:$0x1] =	stream.indirect.gather [hbm4b:s18+s2], $0x80, s13, s2, $0xb8;
	[tilespmem:$0x1D000] =	vst v63  }
0xbe: {  	s13 =	sadd.s32 $0x4F80, s12  }
0xbf: {  	[spmem:s15] =	stream.indirect.scatter.add.f32 [tilespmem:s5], [sflag:$0x4], $0x80, s13, s2, $0xb8;
	[tilespmem:$0x1D000] =	vst v63  }
0xc0: {  	_ =	swait.ge [sflag:s3], $0x2000  }
0xc1: {  	[sflag:s3] =	ssyncset.done $0x0  }
0xc2: {  	[sflag:s3] =	ssyncadd.s32 $0xFFFFE000  }
.Ltmp2:
0xc3: {  	_ =	swait.ge [sflag:s8], $0x2000;
	(pc) =	sbr.rel @p0 .LBB2_6-.Ltmp2, $4  }
0xc4: {  	[sflag:s8] =	ssyncset.done $0x0  }
0xc5: {  	s13 =	sadd.s32 $0x2880, s12;
	[sflag:s8] =	ssyncadd.s32 $0xFFFFE000  }
0xc6: {  	[tilespmem:s5], [sflag:$0x2] =	stream.indirect.gather [hbm4b:s18+s2], $0x80, s13, s2, $0xb8;
	[tilespmem:$0x1D000] =	vst v63  }
0xc7: {  	s12 =	sadd.s32 $0x5000, s12  }
0xc8: {  	[spmem:s15] =	stream.indirect.scatter.add.f32 [tilespmem:s31], [sflag:$0x3], $0x80, s12, s2, $0xb8;
	[tilespmem:$0x1D000] =	vst v63  }
0xc9: {  	_ =	swait.ge [sflag:s6], $0x2000  }
0xca: {  	[sflag:s6] =	ssyncset.done $0x0  }
0xcb: {  	[sflag:s6] =	ssyncadd.s32 $0xFFFFE000  }
0xcc: {  	_ =	swait.ge [sflag:s7], $0x2000  }
0xcd: {  	[sflag:s7] =	ssyncset.done $0x0  }
0xce: {  	[sflag:s7] =	ssyncadd.s32 $0xFFFFE000  }
0xcf: {  	[spmem:s15] =	stream.indirect.scatter.add.f32 [tilespmem:s5], [sflag:$0x4], $0x80, s9, s2, $0xb8;
	[tilespmem:$0x1D000] =	vst v63  }
0xd0: {  	_ =	swait.ge [sflag:s8], $0x2000  }
0xd1: {  	[sflag:s8] =	ssyncset.done $0x0  }
0xd2: {  	[sflag:s8] =	ssyncadd.s32 $0xFFFFE000  }
0xd3: {  	[bflag:$0x0] =	sbarrier.arrive $0xFFFF  }
0xd4: {  	[tilespmem:s31], [sflag:$0x5] =	stream.linear.gather [spmem:s19], $0x2000, $0x38;
	[tilespmem:$0x1D000] =	vst v63  }
0xd5: {  	_ =	swait.ge [sflag:s14], $0x2000  }
0xd6: {  	[sflag:s14] =	ssyncset.done $0x0  }
0xd7: {  	s11 =	rddreg [dreg:$0x7];
	[sflag:s14] =	ssyncadd.s32 $0xFFFFE000  }
0xd8: {  	[hbm4b:s11+s1] =	stream.linear.scatter [tilespmem:s31], [sflag:$0x5], $0x2000, $0x38;
	[tilespmem:$0x1D000] =	vst v63  }
0xd9: {  	_ =	swait.ge [sflag:s14], $0x2000  }
0xda: {  	[sflag:s14] =	ssyncset.done $0x0  }
0xdb: {  	[sflag:s14] =	ssyncadd.s32 $0xFFFFE000  }
0xdc: {  	[tilespmem:s31], [sflag:$0x5] =	stream.linear.gather [spmem:s20], $0x2000, $0x38;
	[tilespmem:$0x1D000] =	vst v63  }
0xdd: {  	_ =	swait.ge [sflag:s14], $0x2000  }
0xde: {  	[sflag:s14] =	ssyncset.done $0x0  }
0xdf: {  	s13 =	rddreg [dreg:$0x8];
	[sflag:s14] =	ssyncadd.s32 $0xFFFFE000  }
0xe0: {  	[hbm4b:s13+s1] =	stream.linear.scatter [tilespmem:s31], [sflag:$0x5], $0x2000, $0x38;
	[tilespmem:$0x1D000] =	vst v63  }
0xe1: {  	_ =	swait.ge [sflag:s14], $0x2000  }
0xe2: {  	[sflag:s14] =	ssyncset.done $0x0  }
0xe3: {  	[sflag:s14] =	ssyncadd.s32 $0xFFFFE000  }
0xe4: {  	[tilespmem:s31], [sflag:$0x5] =	stream.linear.gather [spmem:s21], $0x2000, $0x38;
	[tilespmem:$0x1D000] =	vst v63  }
0xe5: {  	_ =	swait.ge [sflag:s14], $0x2000  }
0xe6: {  	[sflag:s14] =	ssyncset.done $0x0  }
0xe7: {  	s16 =	rddreg [dreg:$0x9];
	[sflag:s14] =	ssyncadd.s32 $0xFFFFE000  }
0xe8: {  	[hbm4b:s16+s1] =	stream.linear.scatter [tilespmem:s31], [sflag:$0x5], $0x2000, $0x38;
	[tilespmem:$0x1D000] =	vst v63  }
0xe9: {  	_ =	swait.ge [sflag:s14], $0x2000  }
0xea: {  	[sflag:s14] =	ssyncset.done $0x0  }
0xeb: {  	[sflag:s14] =	ssyncadd.s32 $0xFFFFE000  }
0xec: {  	[tilespmem:s31], [sflag:$0x5] =	stream.linear.gather [spmem:s22], $0x2000, $0x38;
	[tilespmem:$0x1D000] =	vst v63  }
0xed: {  	_ =	swait.ge [sflag:s14], $0x2000  }
0xee: {  	[sflag:s14] =	ssyncset.done $0x0  }
0xef: {  	s12 =	rddreg [dreg:$0xa];
	[sflag:s14] =	ssyncadd.s32 $0xFFFFE000  }
0xf0: {  	[hbm4b:s12+s1] =	stream.linear.scatter [tilespmem:s31], [sflag:$0x5], $0x2000, $0x38;
	[tilespmem:$0x1D000] =	vst v63  }
0xf1: {  	_ =	swait.ge [sflag:s14], $0x2000  }
0xf2: {  	[sflag:s14] =	ssyncset.done $0x0  }
0xf3: {  	[sflag:s14] =	ssyncadd.s32 $0xFFFFE000  }
0xf4: {  	[tilespmem:s31], [sflag:$0x5] =	stream.linear.gather [spmem:s23], $0x2000, $0x38;
	[tilespmem:$0x1D000] =	vst v63  }
0xf5: {  	_ =	swait.ge [sflag:s14], $0x2000  }
0xf6: {  	[sflag:s14] =	ssyncset.done $0x0  }
0xf7: {  	s13 =	rddreg [dreg:$0xb];
	[sflag:s14] =	ssyncadd.s32 $0xFFFFE000  }
0xf8: {  	[hbm4b:s13+s1] =	stream.linear.scatter [tilespmem:s31], [sflag:$0x5], $0x2000, $0x38;
	[tilespmem:$0x1D000] =	vst v63  }
0xf9: {  	_ =	swait.ge [sflag:s14], $0x2000  }
0xfa: {  	[sflag:s14] =	ssyncset.done $0x0  }
0xfb: {  	[sflag:s14] =	ssyncadd.s32 $0xFFFFE000  }
0xfc: {  	[tilespmem:s31], [sflag:$0x5] =	stream.linear.gather [spmem:s24], $0x2000, $0x38;
	[tilespmem:$0x1D000] =	vst v63  }
0xfd: {  	_ =	swait.ge [sflag:s14], $0x2000  }
0xfe: {  	[sflag:s14] =	ssyncset.done $0x0  }
0xff: {  	s16 =	rddreg [dreg:$0xc];
	[sflag:s14] =	ssyncadd.s32 $0xFFFFE000  }
0x100: {  	[hbm4b:s16+s1] =	stream.linear.scatter [tilespmem:s31], [sflag:$0x5], $0x2000, $0x38;
	[tilespmem:$0x1D000] =	vst v63  }
0x101: {  	_ =	swait.ge [sflag:s14], $0x2000  }
0x102: {  	[sflag:s14] =	ssyncset.done $0x0  }
0x103: {  	[sflag:s14] =	ssyncadd.s32 $0xFFFFE000  }
0x104: {  	[tilespmem:s31], [sflag:$0x5] =	stream.linear.gather [spmem:s25], $0x2000, $0x38;
	[tilespmem:$0x1D000] =	vst v63  }
0x105: {  	_ =	swait.ge [sflag:s14], $0x2000  }
0x106: {  	[sflag:s14] =	ssyncset.done $0x0  }
0x107: {  	s12 =	rddreg [dreg:$0xd];
	[sflag:s14] =	ssyncadd.s32 $0xFFFFE000  }
0x108: {  	[hbm4b:s12+s1] =	stream.linear.scatter [tilespmem:s31], [sflag:$0x5], $0x2000, $0x38;
	[tilespmem:$0x1D000] =	vst v63  }
0x109: {  	_ =	swait.ge [sflag:s14], $0x2000  }
0x10a: {  	[sflag:s14] =	ssyncset.done $0x0  }
0x10b: {  	[sflag:s14] =	ssyncadd.s32 $0xFFFFE000  }
0x10c: {  	[tilespmem:s31], [sflag:$0x5] =	stream.linear.gather [spmem:s26], $0x2000, $0x38;
	[tilespmem:$0x1D000] =	vst v63  }
0x10d: {  	_ =	swait.ge [sflag:s14], $0x2000  }
0x10e: {  	[sflag:s14] =	ssyncset.done $0x0  }
0x10f: {  	s13 =	rddreg [dreg:$0xe];
	[sflag:s14] =	ssyncadd.s32 $0xFFFFE000  }
0x110: {  	[hbm4b:s13+s1] =	stream.linear.scatter [tilespmem:s31], [sflag:$0x5], $0x2000, $0x38;
	[tilespmem:$0x1D000] =	vst v63  }
0x111: {  	_ =	swait.ge [sflag:s14], $0x2000  }
0x112: {  	[sflag:s14] =	ssyncset.done $0x0  }
0x113: {  	[sflag:s14] =	ssyncadd.s32 $0xFFFFE000  }
0x114: {  	[tilespmem:s31], [sflag:$0x5] =	stream.linear.gather [spmem:s28], $0x2000, $0x38;
	[tilespmem:$0x1D000] =	vst v63  }
0x115: {  	_ =	swait.ge [sflag:s14], $0x2000  }
0x116: {  	[sflag:s14] =	ssyncset.done $0x0  }
0x117: {  	s16 =	rddreg [dreg:$0xf];
	[sflag:s14] =	ssyncadd.s32 $0xFFFFE000  }
0x118: {  	[hbm4b:s16+s1] =	stream.linear.scatter [tilespmem:s31], [sflag:$0x5], $0x2000, $0x38;
	[tilespmem:$0x1D000] =	vst v63  }
0x119: {  	_ =	swait.ge [sflag:s14], $0x2000  }
0x11a: {  	[sflag:s14] =	ssyncset.done $0x0  }
0x11b: {  	[sflag:s14] =	ssyncadd.s32 $0xFFFFE000  }
0x11c: {  	[tilespmem:s31], [sflag:$0x5] =	stream.linear.gather [spmem:s29], $0x2000, $0x38;
	[tilespmem:$0x1D000] =	vst v63  }
0x11d: {  	s10 =	sadd.s32 $0x1, s10;
	_ =	swait.ge [sflag:s14], $0x2000  }
0x11e: {  	p0 =	sne.s32 s10, s30;
	[sflag:s14] =	ssyncset.done $0x0  }
.Ltmp3:
0x11f: {  	[sflag:s14] =	ssyncadd.s32 $0xFFFFE000;
	(pc) =	sbr.rel @p0 .LBB2_1-.Ltmp3, $4  }
0x120: {  	[hbm4b:s17+s1] =	stream.linear.scatter [tilespmem:s31], [sflag:$0x5], $0x2000, $0x38;
	[tilespmem:$0x1D000] =	vst v63  }
0x121: {  	_ =	swait.ge [sflag:s14], $0x2000  }
0x122: {  	[sflag:s14] =	ssyncset.done $0x0  }
0x123: {  	[sflag:s14] =	ssyncadd.s32 $0xFFFFE000  }
0x124: {  	_ =	sfence.sel $0x180000  }
0x125: {  	[bflag:$0x0] =	sbarrier.arrive $0xFFFF  }
0x126: {  	_ =	strace $0x9000004D  }
0x127: {  	s0 =	stileid.u32;
	[bflag:$0x2] =	sbarrier.arrive $0xFFFF  }
0x128: {  	p0 =	sne.s32 s0, $0x0;
	s0 =	rddreg [dreg:$0x2]  }
0x129: {  	s0 =	sadd.s32 @!p0 $0x100000, s0  }
0x12a: {  	[sflag:s0] =	ssyncadd.tile.s32 @!p0 $0x1;
	_ =	shalt  }
.Lfunc_end2:
_tile_overlayer_lowered:
.L_overlay_start_2:
0x12b: {  	(tag) =	ssettag $0x2  }
0x12c: {  	s0 =	rddreg [dreg:$0x0];
	s2 =	stileid.u32  }
0x12d: {  	s1 =	rddreg [dreg:$0x1];
	p0 =	sne.s32 s2, $0x0  }
0x12e: {  	s3 =	rddreg [dreg:$0x2];
	[bflag:$0x3] =	sbarrier.arrive $0xFFFF;
	s2 =	simm.s32 @!p0 $0x1C05  }
0x12f: {  	[timem:s3], [sflag:s2] =	dma.local @!p0 [hbm:s0], s1  }
0x130: {  	s0 =	simm.s32 @!p0 $0x5  }
0x131: {  	_ =	swait.ge @!p0 [sflag:s0], s1  }
0x132: {  	s1 =	ssub.s32 @!p0 $0x0, s1;
	[sflag:s0] =	ssyncset.done @!p0 $0x0  }
0x133: {  	[sflag:s0] =	ssyncadd.s32 @!p0 s1  }
0x134: {  	[bflag:$0x3] =	sbarrier.arrive $0xFFFF  }
0x135: {  	_ =	shalt  }

// kernel: kernel.8.cloned.1.call-start
scs
__scs_entry_jumppad:
0x0: {  	(pc) =	sbr.rel $0x88, $3  }
0x1: {  	(tag) =	ssettag $0x0;
	lr =	simm.s32 $0x1  }
0x2: {  	[smem:$0x3F99] =	sst lr;
	_ =	strace $0xD0000000  }
0x3: {  	_ = 	snop  }
0x4: {  	_ = 	snop  }
0x5: {  	_ = 	snop  }
0x6: {  	_ = 	snop  }
0x7: {  	_ = 	snop  }
__scs_overlays_trampoline_lowered:
0x8: {  	[smem:$0x3FA8] =	sst s0  }
0x9: {  	[smem:$0x3FA9] =	sst s1  }
0xa: {  	[smem:$0x3FAA] =	sst s2  }
0xb: {  	[smem:$0x3FAB] =	sst s3  }
0xc: {  	[smem:$0x3FAC] =	sst s4  }
0xd: {  	[smem:$0x3FAD] =	sst s5  }
0xe: {  	[smem:$0x3FAE] =	sst s6  }
0xf: {  	[smem:$0x3FAF] =	sst s7  }
0x10: {  	[smem:$0x3FB0] =	sst s8  }
0x11: {  	[smem:$0x3FB1] =	sst s9;
	s0 =	simm.s32 @!p0 $0x0  }
0x12: {  	s1 =	sld [smem:$0x3F97];
	s0 =	simm.s32 @p0 $0x1  }
0x13: {  	[smem:$0x3FB2] =	sst s0;
	s0 =	simm.s32 @!p1 $0x0  }
0x14: {  	s2 =	sld [smem:$0x3F96];
	s0 =	simm.s32 @p1 $0x1  }
0x15: {  	[smem:$0x3FB3] =	sst s0;
	s0 =	simm.s32 @!p2 $0x0  }
0x16: {  	s3 =	sld [smem:$0x3FDB];
	s0 =	simm.s32 @p2 $0x1  }
0x17: {  	s4 =	simm.s32 $0x1BF5;
	[smem:$0x3FB5] =	sst s0  }
0x18: {  	s0 =	sld [smem:$0x3F98];
	_ =	swait.ge [sflag:s4], $0x0  }
0x19: {  	s7 =	sld [smem:$0x3F99]  }
0x1a: {  	s8 =	sadd.s32 $0xFFFFE003, lr  }
0x1b: {  	s9 =	sadd.s32 $0xFFFFFEF7, lr;
	s5 =	simm.s32 $0xFFFFFFFF;
	p2 =	slt.u32 s8, $0xFFFFF086  }
0x1c: {  	p1 =	slt.u32 s9, $0xF7A;
	s5 =	simm.s32 @!p2 $0x0  }
0x1d: {  	s5 =	simm.s32 @p1 $0x1;
	p0 =	seq.s32 s7, s2  }
0x1e: {  	s7 =	smul.u32 @!p0 $0xF7A, s2;
	p2 =	seq.s32 @!p0 s5, $0x0  }
0x1f: {  	s9 =	smul.u32 $0xF7A, s1;
	s8 =	simm.s32 @!p0 $0x1BF5;
	p2 =	por !p2, p0  }
0x20: {  	[sflag:s8] =	ssyncset.s32 @!p0 $0xFFFFF086;
	s6 =	sadd.s32 @!p0 s3, s7;
	s7 =	simm.s32 @!p0 $0x108  }
0x21: {  	s3 =	sadd.s32 s3, s9;
	s6 =	sadd.s32 @!p0 $0x88, s6;
	s7 =	simm.s32 @p2 $0x1082  }
0x22: {  	[simem:s7], [sflag:s8] =	dma.local @!p0 [hbm:s6], $0xF7A  }
0x23: {  	s9 =	sor.u32 $0xD0000000, s2;
	s6 =	simm.s32 $0x108;
	_ =	swait.ge @!p0 [sflag:s8], $0x0  }
0x24: {  	s3 =	sadd.s32 $0x88, s3;
	s6 =	simm.s32 @!p1 $0x1082;
	[sflag:s4] =	ssyncset.s32 $0xFFFFF086  }
0x25: {  	[simem:s6], [sflag:s4] =	dma.local [hbm:s3], $0xF7A  }
0x26: {  	[smem:$0x3F99] =	sst s1;
	(tag) =	ssettag s2;
	_ =	strace s9  }
0x27: {  	s1 =	sld [smem:$0x3FA9]  }
0x28: {  	s2 =	sld [smem:$0x3FAA]  }
0x29: {  	s4 =	sld [smem:$0x3FAC]  }
0x2a: {  	p0 =	seq.s32 s5, $0x0;
	s5 =	sld [smem:$0x3FAD]  }
0x2b: {  	s6 =	sld [smem:$0x3FAE]  }
0x2c: {  	s7 =	sld [smem:$0x3FAF]  }
0x2d: {  	s3 =	simm.s32 $0x108;
	s8 =	sld [smem:$0x3FB0]  }
0x2e: {  	s3 =	simm.s32 @!p0 $0x1082;
	s9 =	sld [smem:$0x3FB1]  }
0x2f: {  	lr =	sadd.s32 s0, s3;
	s0 =	sld [smem:$0x3FA8]  }
0x30: {  	s3 =	sld [smem:$0x3FAB]  }
0x31: {  	[smem:$0x3FB4] =	sst s10  }
0x32: {  	s10 =	sld [smem:$0x3FB2];
	_ =	sdelay $0x3  }
0x33: {  	p0 =	seq.s32 s10, $0x1;
	s10 =	sld [smem:$0x3FB4];
	_ =	sdelay $0x3  }
0x34: {  	[smem:$0x3FB4] =	sst s10  }
0x35: {  	s10 =	sld [smem:$0x3FB3];
	_ =	sdelay $0x3  }
0x36: {  	p1 =	seq.s32 s10, $0x1;
	s10 =	sld [smem:$0x3FB4];
	_ =	sdelay $0x3  }
0x37: {  	[smem:$0x3FB4] =	sst s10  }
0x38: {  	s10 =	sld [smem:$0x3FB5]  }
0x39: {  	_ = 	snop;
	(pc) =	sbr.ind lr, $3  }
0x3a: {  	_ = 	snop  }
0x3b: {  	_ = 	snop  }
0x3c: {  	p2 =	seq.s32 s10, $0x1;
	s10 =	sld [smem:$0x3FB4]  }
0x3d: {  	_ =	shalt  }
0x3e: {  	_ =	shalt  }
0x3f: {  	_ =	shalt  }
0x40: {  	_ =	shalt  }
0x41: {  	_ =	shalt  }
0x42: {  	_ =	shalt  }
0x43: {  	_ =	shalt  }
0x44: {  	_ =	shalt  }
0x45: {  	_ =	shalt  }
0x46: {  	_ =	shalt  }
0x47: {  	_ =	shalt  }
0x48: {  	_ =	shalt  }
0x49: {  	_ =	shalt  }
0x4a: {  	_ =	shalt  }
0x4b: {  	_ =	shalt  }
0x4c: {  	_ =	shalt  }
0x4d: {  	_ =	shalt  }
0x4e: {  	_ =	shalt  }
0x4f: {  	_ =	shalt  }
0x50: {  	_ =	shalt  }
0x51: {  	_ =	shalt  }
0x52: {  	_ =	shalt  }
0x53: {  	_ =	shalt  }
0x54: {  	_ =	shalt  }
0x55: {  	_ =	shalt  }
0x56: {  	_ =	shalt  }
0x57: {  	_ =	shalt  }
0x58: {  	_ =	shalt  }
0x59: {  	_ =	shalt  }
0x5a: {  	_ =	shalt  }
0x5b: {  	_ =	shalt  }
0x5c: {  	_ =	shalt  }
0x5d: {  	_ =	shalt  }
0x5e: {  	_ =	shalt  }
0x5f: {  	_ =	shalt  }
0x60: {  	_ =	shalt  }
0x61: {  	_ =	shalt  }
0x62: {  	_ =	shalt  }
0x63: {  	_ =	shalt  }
0x64: {  	_ =	shalt  }
0x65: {  	_ =	shalt  }
0x66: {  	_ =	shalt  }
0x67: {  	_ =	shalt  }
0x68: {  	_ =	shalt  }
0x69: {  	_ =	shalt  }
0x6a: {  	_ =	shalt  }
0x6b: {  	_ =	shalt  }
0x6c: {  	_ =	shalt  }
0x6d: {  	_ =	shalt  }
0x6e: {  	_ =	shalt  }
0x6f: {  	_ =	shalt  }
0x70: {  	_ =	shalt  }
0x71: {  	_ =	shalt  }
0x72: {  	_ =	shalt  }
0x73: {  	_ =	shalt  }
0x74: {  	_ =	shalt  }
0x75: {  	_ =	shalt  }
0x76: {  	_ =	shalt  }
0x77: {  	_ =	shalt  }
0x78: {  	_ =	shalt  }
0x79: {  	_ =	shalt  }
0x7a: {  	_ =	shalt  }
0x7b: {  	_ =	shalt  }
0x7c: {  	_ =	shalt  }
0x7d: {  	_ =	shalt  }
0x7e: {  	_ =	shalt  }
0x7f: {  	_ =	shalt  }
0x80: {  	_ =	shalt  }
0x81: {  	_ =	shalt  }
0x82: {  	_ =	shalt  }
0x83: {  	_ =	shalt  }
0x84: {  	_ =	shalt  }
0x85: {  	_ =	shalt  }
0x86: {  	_ =	shalt  }
0x87: {  	_ =	shalt  }
.Lfunc_end0:
.L_simem_size_0:
called_computation_lowered:
.L_overlay_start_0:
0x88: {  	s2 =	sld [smem:$0x3FD9]  }
0x89: {  	s3 =	sld [smem:$0x3FFE];
	_ =	sdelay $0x1  }
0x8a: {  	s1 =	srdreg.scid  }
0x8b: {  	s0 =	sand.u32 $0x1, s1  }
0x8c: {  	s17 =	sshll.u32 s0, $0xA;
	s2 =	sadd.s32 s3, s2  }
0x8d: {  	s2 =	sadd.s32 s2, s17  }
0x8e: {  	[smem:$0x3FC0] =	sst s2  }
0x8f: {  	_ = 	snop  }
0x90: {  	s2 =	sld [smem:$0x3FD0];
	(tm) =	ssettm $0x1  }
0x91: {  	s18 =	sld [smem:$0x3FFB];
	_ =	sdelay $0x3  }
0x92: {  	_ =	strace s18  }
0x93: {  	s3 =	sld [smem:$0x3FFC];
	_ =	sdelay $0x3  }
0x94: {  	_ =	strace s3  }
0x95: {  	s3 =	sld [smem:$0x3FFD];
	_ =	sdelay $0x3  }
0x96: {  	_ =	strace s3  }
0x97: {  	_ =	strace $0x8FFFFFFF  }
0x98: {  	s19 =	sld [smem:$0x3FDB];
	_ =	sdelay $0x1  }
0x99: {  	s4 =	simm.s32 $_scs_section_size  }
0x9a: {  	s5 =	simm.s32 $_size__tile_overlayer_lowered;
	s6 =	simm.s32 $_tile_overlayer_lowered  }
0x9b: {  	s22 =	simm.s32 $0x1BFF;
	s21 =	sshll.u32 s6, $0x1;
	s3 =	sadd.s32 s4, s19  }
0x9c: {  	s7 =	simm.s32 $0x0;
	s20 =	sshll.u32 s5, $0x1;
	s5 =	sadd.s32 s21, s3  }
0x9d: {  	[timem:s7], [sflag:s22] =	dma.local [hbm:s5], s20  }
0x9e: {  	_ =	swait.ge [sflag:s22], s20  }
0x9f: {  	s4 =	ssub.s32 $0x0, s20;
	[sflag:s22] =	ssyncset.done $0x0  }
0xa0: {  	[sflag:s22] =	ssyncadd.s32 s4;
	_ =	sdelay $0x1  }
0xa1: {  	s23 =	simm.s32 $0x1B8B  }
0xa2: {  	_ =	swait.ge [sflag:s23], $0x1  }
0xa3: {  	[sflag:s23] =	ssyncset.done $0x0  }
0xa4: {  	s25 =	simm.s32 $0x1B8E;
	s24 =	sld [smem:$0x3FFE];
	[sflag:s23] =	ssyncadd.s32 $0xFFFFFFFF  }
0xa5: {  	s26 =	simm.s32 $execute0_lowered;
	[smem:$0x3FD2] =	sst s25  }
0xa6: {  	s5 =	sshll.u32 s26, $0x1;
	_ =	strace $0x80000046;
	[dreg:$0x1] =	wrdreg $0xFFFFFFFF  }
0xa7: {  	s28 =	simm.s32 $_size_execute0_lowered;
	s3 =	sadd.s32 s3, s5;
	[dreg:$0x0] =	wrdreg $0x0  }
0xa8: {  	s5 =	sshll.u32 s28, $0x1;
	[dreg:$0x2] =	wrdreg s3  }
0xa9: {  	[dreg:$0x3] =	wrdreg s5  }
0xaa: {  	[dreg:$0x4] =	wrdreg $0xC0  }
0xab: {  	_ =	task [dreg:s7], $0x5FFFF  }
0xac: {  	[dreg:$0x1] =	wrdreg $0xFFFFFFFF  }
0xad: {  	[dreg:$0x0] =	wrdreg $0x60  }
0xae: {  	[dreg:$0x2] =	wrdreg s24  }
0xaf: {  	[dreg:$0x3] =	wrdreg s2  }
0xb0: {  	[dreg:$0x4] =	wrdreg $0x53000  }
0xb1: {  	[dreg:$0x5] =	wrdreg $0x9  }
0xb2: {  	_ =	task.clear_ibuf [dreg:s7], $0x6FFFF;
	_ =	strace $0x90000046  }
0xb3: {  	s29 =	simm.s32 $0x9;
	_ =	strace $0x80000048  }
0xb4: {  	_ =	swait.ge [sflag:s29], $0x1  }
0xb5: {  	[sflag:s29] =	ssyncadd.s32 $0xFFFFFFFF  }
0xb6: {  	_ =	strace $0x90000048  }
0xb7: {  	_ =	sfence  }
0xb8: {  	s30 =	sld [smem:$0x0];
	_ =	sdelay $0x2  }
0xb9: {  	s31 =	sshll.u32 s1, $0xD;
	s1 =	sshrl.u32 s1, $0x2  }
0xba: {  	s3 =	sand.u32 $0x4000, s31;
	s1 =	sadd.s32 s1, s30  }
0xbb: {  	s0 =	sor.u32 s3, s0;
	s1 =	sshll.u32 s1, $0x11  }
0xbc: {  	s0 =	sor.u32 s1, s0  }
0xbd: {  	s0 =	sadd.s32 $0x8F2B, s0  }
0xbe: {  	[sflag:s0] =	ssyncadd.remote.s32 $0x1  }
0xbf: {  	_ =	sfence.sel $0xFFFF  }
0xc0: {  	[dreg:$0x0] =	wrdreg $0xFFFFFFFF;
	(pc) =	sbr.abs _section_cstart, $3  }
0xc1: {  	[dreg:$0x1] =	wrdreg $0xFFFFFFFF  }
0xc2: {  	_ =	task.clear_ibuf [dreg:s7], $0x2FFFF;
	_ =	strace $0x9FFFFFFF  }
0xc3: {  	(tm) =	ssettm $0x7FFFFFFF  }
tec
execute0_lowered:
.L_overlay_start_1:
0x0: {  	(tag) =	ssettag $0x1  }
0x1: {  	s4 =	rddreg [dreg:$0x0]  }
0x2: {  	s0 =	srdreg.scid;
	s6 =	rddreg [dreg:$0x1]  }
0x3: {  	s2 =	rddreg [dreg:$0x2];
	s1 =	stileid.u32  }
0x4: {  	s3 =	simm.s32 $0x0;
	s11 =	simm.s32 $0x5000;
	s12 =	simm.s32 $0x1  }
0x5: {  	s13 =	simm.s32 $0x80;
	s14 =	simm.s32 $0x100;
	s15 =	simm.s32 $0x0  }
0x6: {  	s5 =	sand.u32 $0x1, s0;
	s0 =	rddreg [dreg:$0x3];
	s8 =	smul.u32 $0x500, s1  }
0x7: {  	[smem:$0x7FF] =	sst s3;
	s10 =	smul.u32 $0xA00, s1;
	s7 =	sshll.u32 s5, $0x4  }
0x8: {  	_ =	strace $0x80000047;
	s9 =	ssub.s32 $0x2, s5;
	s5 =	sshll.u32 s5, $0x7  }
0x9: {  	s7 =	sor.u32 s1, s7;
	s28 =	sshrl.u32 s9, $0x1;
	s5 =	sor.u32 s5, s8  }
0xa: {  	s30 =	sshrl.u32 s10, $0x2;
	s8 =	simm.s32 $0x5080;
	s7 =	smul.u32 $0xA00, s7  }
0xb: {  	s10 =	simm.s32 $0x40;
	s29 =	ssub.s32 s9, s28;
	s31 =	sshrl.u32 s5, $0x3  }
0xc: {  	s9 =	simm.s32 $0x2;
	s6 =	sadd.s32 s6, s31;
	s7 =	sadd.s32 s7, s4  }
0xd: {  	v0 =	vimm.f32 $1.000000000e+00;
	v1 =	vimm.f32 $0.0e+00;
	s4 =	sadd.s32 s30, s2;
	s5 =	sadd.s32 $0x3200, s7;
	s7 =	smax.u32 s29, $0x1  }
.LBB2_1:
0xe: {  	[tilespmem:$0x5000] =	vst v0  }
0xf: {  	[tilespmem:$0x5010] =	vst v0  }
0x10: {  	[tilespmem:$0x5020] =	vst v0  }
0x11: {  	[tilespmem:$0x5030] =	vst v0  }
0x12: {  	[tilespmem:$0x5080] =	vst v1  }
0x13: {  	[tilespmem:$0x5090] =	vst v1  }
0x14: {  	[tilespmem:$0x50A0] =	vst v1  }
0x15: {  	[tilespmem:$0x50B0] =	vst v1  }
0x16: {  	[tilespmem:$0x50C0] =	vst v1  }
0x17: {  	[tilespmem:$0x50D0] =	vst v1  }
0x18: {  	[tilespmem:$0x50E0] =	vst v1  }
0x19: {  	[tilespmem:$0x50F0] =	vst v1  }
0x1a: {  	[tilespmem:$0x5100] =	vst v1  }
0x1b: {  	[tilespmem:$0x5110] =	vst v1  }
0x1c: {  	[tilespmem:$0x5120] =	vst v1  }
0x1d: {  	[tilespmem:$0x5130] =	vst v1  }
0x1e: {  	[tilespmem:$0x5140] =	vst v1  }
0x1f: {  	[tilespmem:$0x5150] =	vst v1  }
0x20: {  	[tilespmem:$0x5160] =	vst v1  }
0x21: {  	[tilespmem:$0x5170] =	vst v1  }
0x22: {  	[tilespmem:$0x5180] =	vst v1  }
0x23: {  	[tilespmem:$0x5190] =	vst v1  }
0x24: {  	[tilespmem:$0x51A0] =	vst v1  }
0x25: {  	[tilespmem:$0x51B0] =	vst v1  }
0x26: {  	[tilespmem:$0x51C0] =	vst v1  }
0x27: {  	[tilespmem:$0x51D0] =	vst v1  }
0x28: {  	[tilespmem:$0x51E0] =	vst v1  }
0x29: {  	[tilespmem:$0x51F0] =	vst v1  }
0x2a: {  	[tilespmem:$0x5200] =	vst v1  }
0x2b: {  	[tilespmem:$0x5210] =	vst v1  }
0x2c: {  	[tilespmem:$0x5220] =	vst v1  }
0x2d: {  	[tilespmem:$0x5230] =	vst v1  }
0x2e: {  	[tilespmem:$0x5240] =	vst v1  }
0x2f: {  	[tilespmem:$0x5250] =	vst v1  }
0x30: {  	[tilespmem:$0x5260] =	vst v1  }
0x31: {  	[tilespmem:$0x5270] =	vst v1  }
0x32: {  	[tilespmem:$0x5280] =	vst v1  }
0x33: {  	[tilespmem:$0x5290] =	vst v1  }
0x34: {  	[tilespmem:$0x52A0] =	vst v1  }
0x35: {  	[tilespmem:$0x52B0] =	vst v1  }
0x36: {  	[tilespmem:$0x52C0] =	vst v1  }
0x37: {  	[tilespmem:$0x52D0] =	vst v1  }
0x38: {  	[tilespmem:$0x52E0] =	vst v1  }
0x39: {  	[tilespmem:$0x52F0] =	vst v1  }
0x3a: {  	[spmem:s4] =	stream.linear.scatter [tilespmem:s8], [sflag:$0x2], $0x280, $0x38;
	[tilespmem:$0x5580] =	vst v63  }
0x3b: {  	_ =	swait.ge [sflag:s9], $0x280  }
0x3c: {  	[sflag:s9] =	ssyncset.done $0x0  }
0x3d: {  	[sflag:s9] =	ssyncadd.s32 $0xFFFFFD80  }
0x3e: {  	[tilespmem:s3], [sflag:$0x2] =	stream.linear.gather [hbm4b:s5+s3], $0x5000, $0x38;
	[tilespmem:$0x5580] =	vst v63  }
0x3f: {  	_ =	swait.ge [sflag:s9], $0x5000  }
0x40: {  	[sflag:s9] =	ssyncset.done $0x0  }
0x41: {  	[sflag:s9] =	ssyncadd.s32 $0xFFFFB000  }
0x42: {  	s16 =	simm.s32 $0x0;
	[bflag:$0x0] =	sbarrier.arrive $0xFFFF  }
0x43: {  	[spmem:s2] =	stream.indirect.scatter.add.f32 [tilespmem:s11], [sflag:$0x1], $0x1, s16, s10, $0xb8;
	[tilespmem:$0x5580] =	vst v63  }
0x44: {  	s24 =	simm.s32 $0x80  }
0x45: {  	[spmem:s2] =	stream.indirect.scatter.add.f32 [tilespmem:s11], [sflag:$0x1], $0x1, s24, s10, $0xb8;
	[tilespmem:$0x5580] =	vst v63  }
0x46: {  	s25 =	simm.s32 $0x100  }
0x47: {  	[spmem:s2] =	stream.indirect.scatter.add.f32 [tilespmem:s11], [sflag:$0x1], $0x1, s25, s10, $0xb8;
	[tilespmem:$0x5580] =	vst v63  }
0x48: {  	s26 =	simm.s32 $0x180  }
0x49: {  	[spmem:s2] =	stream.indirect.scatter.add.f32 [tilespmem:s11], [sflag:$0x1], $0x1, s26, s10, $0xb8;
	[tilespmem:$0x5580] =	vst v63  }
0x4a: {  	s28 =	simm.s32 $0x200  }
0x4b: {  	[spmem:s2] =	stream.indirect.scatter.add.f32 [tilespmem:s11], [sflag:$0x1], $0x1, s28, s10, $0xb8;
	[tilespmem:$0x5580] =	vst v63  }
0x4c: {  	s29 =	simm.s32 $0x280  }
0x4d: {  	[spmem:s2] =	stream.indirect.scatter.add.f32 [tilespmem:s11], [sflag:$0x1], $0x1, s29, s10, $0xb8;
	[tilespmem:$0x5580] =	vst v63  }
0x4e: {  	s30 =	simm.s32 $0x300  }
0x4f: {  	[spmem:s2] =	stream.indirect.scatter.add.f32 [tilespmem:s11], [sflag:$0x1], $0x1, s30, s10, $0xb8;
	[tilespmem:$0x5580] =	vst v63  }
0x50: {  	s31 =	simm.s32 $0x380  }
0x51: {  	[spmem:s2] =	stream.indirect.scatter.add.f32 [tilespmem:s11], [sflag:$0x1], $0x1, s31, s10, $0xb8;
	[tilespmem:$0x5580] =	vst v63  }
0x52: {  	_ =	swait.ge [sflag:s12], $0x40  }
0x53: {  	[sflag:s12] =	ssyncset.done $0x0  }
0x54: {  	[sflag:s12] =	ssyncadd.s32 $0xFFFFFFC0  }
0x55: {  	_ =	swait.ge [sflag:s12], $0x40  }
0x56: {  	[sflag:s12] =	ssyncset.done $0x0  }
0x57: {  	[sflag:s12] =	ssyncadd.s32 $0xFFFFFFC0  }
0x58: {  	_ =	swait.ge [sflag:s12], $0x40  }
0x59: {  	[sflag:s12] =	ssyncset.done $0x0  }
0x5a: {  	[sflag:s12] =	ssyncadd.s32 $0xFFFFFFC0  }
0x5b: {  	_ =	swait.ge [sflag:s12], $0x40  }
0x5c: {  	[sflag:s12] =	ssyncset.done $0x0  }
0x5d: {  	[sflag:s12] =	ssyncadd.s32 $0xFFFFFFC0  }
0x5e: {  	_ =	swait.ge [sflag:s12], $0x40  }
0x5f: {  	[sflag:s12] =	ssyncset.done $0x0  }
0x60: {  	[sflag:s12] =	ssyncadd.s32 $0xFFFFFFC0  }
0x61: {  	_ =	swait.ge [sflag:s12], $0x40  }
0x62: {  	[sflag:s12] =	ssyncset.done $0x0  }
0x63: {  	[sflag:s12] =	ssyncadd.s32 $0xFFFFFFC0  }
0x64: {  	_ =	swait.ge [sflag:s12], $0x40  }
0x65: {  	[sflag:s12] =	ssyncset.done $0x0  }
0x66: {  	[sflag:s12] =	ssyncadd.s32 $0xFFFFFFC0  }
0x67: {  	_ =	swait.ge [sflag:s12], $0x40  }
0x68: {  	s18 =	simm.s32 $0x2000;
	s16 =	simm.s32 $0x1000;
	[sflag:s12] =	ssyncset.done $0x0  }
.LBB2_2:
0x69: {  	s19 =	sshra.s32 s16, $0x2  }
0x6a: {  	[sflag:s12] =	ssyncadd.s32 $0xFFFFFFC0;
	s16 =	smov.u32 s18;
	s17 =	sadd.s32 $0x1000, s18  }
0x6b: {  	[spmem:s2] =	stream.indirect.scatter.add.f32 [tilespmem:s11], [sflag:$0x1], $0x1, s19, s10, $0xb8;
	[tilespmem:$0x5580] =	vst v63  }
0x6c: {  	p0 =	sne.s32 s18, $0x13000;
	s18 =	sadd.s32 $0x80, s19  }
0x6d: {  	[spmem:s2] =	stream.indirect.scatter.add.f32 [tilespmem:s11], [sflag:$0x1], $0x1, s18, s10, $0xb8;
	[tilespmem:$0x5580] =	vst v63  }
0x6e: {  	s18 =	sadd.s32 $0x100, s19  }
0x6f: {  	[spmem:s2] =	stream.indirect.scatter.add.f32 [tilespmem:s11], [sflag:$0x1], $0x1, s18, s10, $0xb8;
	[tilespmem:$0x5580] =	vst v63  }
0x70: {  	s18 =	sadd.s32 $0x180, s19  }
0x71: {  	[spmem:s2] =	stream.indirect.scatter.add.f32 [tilespmem:s11], [sflag:$0x1], $0x1, s18, s10, $0xb8;
	[tilespmem:$0x5580] =	vst v63  }
0x72: {  	s18 =	sadd.s32 $0x200, s19  }
0x73: {  	[spmem:s2] =	stream.indirect.scatter.add.f32 [tilespmem:s11], [sflag:$0x1], $0x1, s18, s10, $0xb8;
	[tilespmem:$0x5580] =	vst v63  }
0x74: {  	s18 =	sadd.s32 $0x280, s19  }
0x75: {  	[spmem:s2] =	stream.indirect.scatter.add.f32 [tilespmem:s11], [sflag:$0x1], $0x1, s18, s10, $0xb8;
	[tilespmem:$0x5580] =	vst v63  }
0x76: {  	s18 =	sadd.s32 $0x300, s19  }
0x77: {  	[spmem:s2] =	stream.indirect.scatter.add.f32 [tilespmem:s11], [sflag:$0x1], $0x1, s18, s10, $0xb8;
	[tilespmem:$0x5580] =	vst v63  }
0x78: {  	s18 =	sadd.s32 $0x380, s19  }
0x79: {  	[spmem:s2] =	stream.indirect.scatter.add.f32 [tilespmem:s11], [sflag:$0x1], $0x1, s18, s10, $0xb8;
	[tilespmem:$0x5580] =	vst v63  }
0x7a: {  	_ =	swait.ge [sflag:s12], $0x40  }
0x7b: {  	[sflag:s12] =	ssyncset.done $0x0  }
0x7c: {  	[sflag:s12] =	ssyncadd.s32 $0xFFFFFFC0  }
0x7d: {  	_ =	swait.ge [sflag:s12], $0x40  }
0x7e: {  	[sflag:s12] =	ssyncset.done $0x0  }
0x7f: {  	[sflag:s12] =	ssyncadd.s32 $0xFFFFFFC0  }
0x80: {  	_ =	swait.ge [sflag:s12], $0x40  }
0x81: {  	[sflag:s12] =	ssyncset.done $0x0  }
0x82: {  	[sflag:s12] =	ssyncadd.s32 $0xFFFFFFC0  }
0x83: {  	_ =	swait.ge [sflag:s12], $0x40  }
0x84: {  	[sflag:s12] =	ssyncset.done $0x0  }
0x85: {  	[sflag:s12] =	ssyncadd.s32 $0xFFFFFFC0  }
0x86: {  	_ =	swait.ge [sflag:s12], $0x40  }
0x87: {  	[sflag:s12] =	ssyncset.done $0x0  }
0x88: {  	[sflag:s12] =	ssyncadd.s32 $0xFFFFFFC0  }
0x89: {  	_ =	swait.ge [sflag:s12], $0x40  }
0x8a: {  	[sflag:s12] =	ssyncset.done $0x0  }
0x8b: {  	[sflag:s12] =	ssyncadd.s32 $0xFFFFFFC0  }
.Ltmp0:
0x8c: {  	_ =	swait.ge [sflag:s12], $0x40;
	(pc) =	sbr.rel @p0 .LBB2_2-.Ltmp0, $4  }
0x8d: {  	[sflag:s12] =	ssyncset.done $0x0  }
0x8e: {  	[sflag:s12] =	ssyncadd.s32 $0xFFFFFFC0  }
0x8f: {  	_ =	swait.ge [sflag:s12], $0x40  }
0x90: {  	s18 =	smov.u32 s17;
	[sflag:s12] =	ssyncset.done $0x0  }
0x91: {  	s16 =	sshra.s32 s16, $0x2;
	[sflag:s12] =	ssyncadd.s32 $0xFFFFFFC0  }
0x92: {  	[spmem:s2] =	stream.indirect.scatter.add.f32 [tilespmem:s11], [sflag:$0x1], $0x1, s16, s10, $0xb8;
	[tilespmem:$0x5580] =	vst v63  }
0x93: {  	s17 =	sadd.s32 $0x80, s16  }
0x94: {  	[spmem:s2] =	stream.indirect.scatter.add.f32 [tilespmem:s11], [sflag:$0x1], $0x1, s17, s10, $0xb8;
	[tilespmem:$0x5580] =	vst v63  }
0x95: {  	s26 =	sadd.s32 $0x100, s16  }
0x96: {  	[spmem:s2] =	stream.indirect.scatter.add.f32 [tilespmem:s11], [sflag:$0x1], $0x1, s26, s10, $0xb8;
	[tilespmem:$0x5580] =	vst v63  }
0x97: {  	s28 =	sadd.s32 $0x180, s16  }
0x98: {  	[spmem:s2] =	stream.indirect.scatter.add.f32 [tilespmem:s11], [sflag:$0x1], $0x1, s28, s10, $0xb8;
	[tilespmem:$0x5580] =	vst v63  }
0x99: {  	s29 =	sadd.s32 $0x200, s16  }
0x9a: {  	[spmem:s2] =	stream.indirect.scatter.add.f32 [tilespmem:s11], [sflag:$0x1], $0x1, s29, s10, $0xb8;
	[tilespmem:$0x5580] =	vst v63  }
0x9b: {  	s30 =	sadd.s32 $0x280, s16  }
0x9c: {  	[spmem:s2] =	stream.indirect.scatter.add.f32 [tilespmem:s11], [sflag:$0x1], $0x1, s30, s10, $0xb8;
	[tilespmem:$0x5580] =	vst v63  }
0x9d: {  	s31 =	sadd.s32 $0x300, s16  }
0x9e: {  	[spmem:s2] =	stream.indirect.scatter.add.f32 [tilespmem:s11], [sflag:$0x1], $0x1, s31, s10, $0xb8;
	[tilespmem:$0x5580] =	vst v63  }
0x9f: {  	s16 =	sadd.s32 $0x380, s16  }
0xa0: {  	[spmem:s2] =	stream.indirect.scatter.add.f32 [tilespmem:s11], [sflag:$0x1], $0x1, s16, s10, $0xb8;
	[tilespmem:$0x5580] =	vst v63  }
0xa1: {  	_ =	swait.ge [sflag:s12], $0x40  }
0xa2: {  	[sflag:s12] =	ssyncset.done $0x0  }
0xa3: {  	[sflag:s12] =	ssyncadd.s32 $0xFFFFFFC0  }
0xa4: {  	_ =	swait.ge [sflag:s12], $0x40  }
0xa5: {  	[sflag:s12] =	ssyncset.done $0x0  }
0xa6: {  	[sflag:s12] =	ssyncadd.s32 $0xFFFFFFC0  }
0xa7: {  	_ =	swait.ge [sflag:s12], $0x40  }
0xa8: {  	[sflag:s12] =	ssyncset.done $0x0  }
0xa9: {  	[sflag:s12] =	ssyncadd.s32 $0xFFFFFFC0  }
0xaa: {  	_ =	swait.ge [sflag:s12], $0x40  }
0xab: {  	[sflag:s12] =	ssyncset.done $0x0  }
0xac: {  	[sflag:s12] =	ssyncadd.s32 $0xFFFFFFC0  }
0xad: {  	_ =	swait.ge [sflag:s12], $0x40  }
0xae: {  	[sflag:s12] =	ssyncset.done $0x0  }
0xaf: {  	[sflag:s12] =	ssyncadd.s32 $0xFFFFFFC0  }
0xb0: {  	_ =	swait.ge [sflag:s12], $0x40  }
0xb1: {  	[sflag:s12] =	ssyncset.done $0x0  }
0xb2: {  	[sflag:s12] =	ssyncadd.s32 $0xFFFFFFC0  }
0xb3: {  	_ =	swait.ge [sflag:s12], $0x40  }
0xb4: {  	[sflag:s12] =	ssyncset.done $0x0  }
0xb5: {  	[sflag:s12] =	ssyncadd.s32 $0xFFFFFFC0  }
0xb6: {  	_ =	swait.ge [sflag:s12], $0x40  }
0xb7: {  	[sflag:s12] =	ssyncset.done $0x0  }
0xb8: {  	[sflag:s12] =	ssyncadd.s32 $0xFFFFFFC0  }
0xb9: {  	[bflag:$0x0] =	sbarrier.arrive $0xFFFF  }
0xba: {  	[tilespmem:s8], [sflag:$0x2] =	stream.linear.gather [spmem:s4], $0x280, $0x38;
	[tilespmem:$0x5580] =	vst v63  }
0xbb: {  	s15 =	sadd.s32 $0x1, s15;
	_ =	swait.ge [sflag:s9], $0x280  }
0xbc: {  	p0 =	sne.s32 s15, s7;
	[sflag:s9] =	ssyncset.done $0x0  }
.Ltmp1:
0xbd: {  	[sflag:s9] =	ssyncadd.s32 $0xFFFFFD80;
	(pc) =	sbr.rel @p0 .LBB2_1-.Ltmp1, $4  }
0xbe: {  	[hbm4b:s6+s13] =	stream.strided.scatter [tilespmem:s8], [sflag:$0x2], $0x280, s14, s13, $0x38;
	[tilespmem:$0x5580] =	vst v63  }
0xbf: {  	_ =	swait.ge [sflag:s9], $0x280  }
0xc0: {  	[sflag:s9] =	ssyncset.done $0x0  }
0xc1: {  	[sflag:s9] =	ssyncadd.s32 $0xFFFFFD80  }
0xc2: {  	_ =	sfence.sel $0x180000  }
0xc3: {  	[bflag:$0x0] =	sbarrier.arrive $0xFFFF  }
0xc4: {  	p0 =	sne.s32 s1, $0x0;
	_ =	strace $0x90000047  }
0xc5: {  	s0 =	sadd.s32 @!p0 $0x100000, s0;
	[bflag:$0x2] =	sbarrier.arrive $0xFFFF  }
0xc6: {  	[sflag:s0] =	ssyncadd.tile.s32 @!p0 $0x1;
	_ =	shalt  }
.Lfunc_end2:
_tile_overlayer_lowered:
.L_overlay_start_2:
0xc7: {  	(tag) =	ssettag $0x2  }
0xc8: {  	s0 =	rddreg [dreg:$0x0];
	s2 =	stileid.u32  }
0xc9: {  	s1 =	rddreg [dreg:$0x1];
	p0 =	sne.s32 s2, $0x0  }
0xca: {  	s3 =	rddreg [dreg:$0x2];
	[bflag:$0x3] =	sbarrier.arrive $0xFFFF;
	s2 =	simm.s32 @!p0 $0x1C02  }
0xcb: {  	[timem:s3], [sflag:s2] =	dma.local @!p0 [hbm:s0], s1  }
0xcc: {  	s0 =	simm.s32 @!p0 $0x2  }
0xcd: {  	_ =	swait.ge @!p0 [sflag:s0], s1  }
0xce: {  	s1 =	ssub.s32 @!p0 $0x0, s1;
	[sflag:s0] =	ssyncset.done @!p0 $0x0  }
0xcf: {  	[sflag:s0] =	ssyncadd.s32 @!p0 s1  }
0xd0: {  	[bflag:$0x3] =	sbarrier.arrive $0xFFFF  }
0xd1: {  	_ =	shalt  }

</sc_bundles>
